<compile_context>
chip_gen: v7x
topology: tpu7x:2x2x1
jax: 0.10.2.dev20260603
libtpu: 0.0.44.dev20260713+nightly
codegen_flags: <defaults>
</compile_context>

<pallas_src>
import functools

import jax
import jax.numpy as jnp
from jax import lax
from jax.experimental import pallas as pl
from jax.experimental.pallas import tpu as pltpu
from jax.experimental.pallas import tpu_sc as plsc

NC = 2
NS = 16
NW = NC * NS
CH = 128
G = 8


def _make_scatter_bf16(acc_rows, d, nch_a, nch_b):
    mesh = plsc.VectorSubcoreMesh(core_axis_name="c", subcore_axis_name="s")
    rpt = acc_rows // NS
    dw = d // 2
    nb = d // 32

    @functools.partial(
        pl.kernel,
        out_type=jax.ShapeDtypeStruct((NC, acc_rows, d), jnp.float32),
        mesh=mesh,
        scratch_types=[
            pltpu.VMEM((G, CH), jnp.int32),
            pltpu.VMEM((G, CH), jnp.int32),
            pltpu.VMEM((CH, dw), jnp.int32),
            pltpu.VMEM((CH, dw), jnp.int32),
            pltpu.VMEM((CH, d), jnp.float32),
            pltpu.VMEM_SHARED((acc_rows, d), jnp.float32),
            pltpu.SemaphoreType.DMA,
            pltpu.SemaphoreType.DMA,
        ],
        compiler_params=pltpu.CompilerParams(
            use_tc_tiling_on_sc=False, needs_layout_passes=False),
    )
    def scat(src_hbm, row_a, col_a, row_b, col_b, zero_hbm, out_hbm,
             row_v, col_v, pb0, pb1, fb, acc, gsem, ssem):
        cid = lax.axis_index("c")
        sid = lax.axis_index("s")
        pltpu.sync_copy(zero_hbm.at[pl.ds(sid * rpt, rpt)],
                        acc.at[pl.ds(sid * rpt, rpt)])
        plsc.subcore_barrier()
        pbufs = (pb0, pb1)

        def convert(pb):
            def crow(i, carry):
                for k in range(nb):
                    w16 = pb[i, pl.ds(k * 16, 16)]
                    ab = plsc.bitcast(w16, jnp.bfloat16)
                    a, b = plsc.unpack(ab, format=plsc.PackFormat.INTERLEAVED)
                    fb[i, pl.ds(k * 16, 16)] = a
                    fb[i, pl.ds(dw + k * 16, 16)] = b
                return carry

            lax.fori_loop(0, CH, crow, 0)

        def make_group(row_hbm, col_hbm):
            def group(g, carry):
                base = pl.multiple_of(g * G, G)
                pltpu.sync_copy(row_hbm.at[sid].at[pl.ds(base, G)], row_v)
                pltpu.sync_copy(col_hbm.at[sid].at[pl.ds(base, G)], col_v)
                gd = pltpu.async_copy(src_hbm.at[row_v.at[0]], pbufs[0], gsem)
                sd_prev = None
                for jj in range(G):
                    gd.wait()
                    if jj + 1 < G:
                        gd = pltpu.async_copy(src_hbm.at[row_v.at[jj + 1]],
                                              pbufs[(jj + 1) % 2], gsem)
                    if sd_prev is not None:
                        sd_prev.wait()
                    convert(pbufs[jj % 2])
                    sd_prev = pltpu.async_copy(fb, acc.at[col_v.at[jj]],
                                               ssem, add=True)
                sd_prev.wait()
                return carry

            return group

        @pl.when(cid == 0)
        def _():
            lax.fori_loop(0, nch_a // G, make_group(row_a, col_a), 0)

        @pl.when(cid == 1)
        def _():
            lax.fori_loop(0, nch_b // G, make_group(row_b, col_b), 0)

        plsc.subcore_barrier()
        pltpu.sync_copy(acc.at[pl.ds(sid * rpt, rpt)],
                        out_hbm.at[cid].at[pl.ds(sid * rpt, rpt)])

    return scat


def _make_deghist(n_hist, nch):
    mesh = plsc.VectorSubcoreMesh(core_axis_name="c", subcore_axis_name="s")

    @functools.partial(
        pl.kernel,
        out_type=jax.ShapeDtypeStruct((NW, n_hist), jnp.float32),
        mesh=mesh,
        scratch_types=[
            pltpu.VMEM((nch, CH), jnp.int32),
            pltpu.VMEM((n_hist,), jnp.float32),
        ],
        compiler_params=pltpu.CompilerParams(needs_layout_passes=False),
    )
    def deg(col_hbm, out_hbm, col_v, hist):
        cid = lax.axis_index("c")
        sid = lax.axis_index("s")
        wid = sid * NC + cid
        pltpu.sync_copy(col_hbm.at[pl.ds(wid * nch, nch)], col_v)

        def zbody(i, carry):
            hist[pl.ds(i * 16, 16)] = jnp.zeros((16,), jnp.float32)
            return carry

        lax.fori_loop(0, n_hist // 16, zbody, 0)

        ones = jnp.ones((16,), jnp.float32)

        def ebody(j, carry):
            for k in range(CH // 16):
                idx = col_v[j, pl.ds(k * 16, 16)]
                plsc.addupdate_scatter(hist, [idx], ones)
            return carry

        lax.fori_loop(0, nch, ebody, 0)

        pltpu.sync_copy(hist, out_hbm.at[wid])

    return deg


def _deg_of(d_ref):
    return jnp.sum(d_ref[...], axis=1, keepdims=True) + 1.0


def _prep_body(x_ref, w0_ref, wlo_ref, whi_ref, d_ref,
               h0_ref, ulo_ref, uhi_ref):
    dis = lax.rsqrt(_deg_of(d_ref))
    x = x_ref[...]
    h0_ref[...] = jnp.dot(x, w0_ref[...], preferred_element_type=jnp.float32)
    ulo_ref[...] = jnp.dot(x, wlo_ref[...],
                           preferred_element_type=jnp.float32) * dis
    uhi_ref[...] = jnp.dot(x, whi_ref[...],
                           preferred_element_type=jnp.float32) * dis


def _mid_body(z0_ref, z1_ref, ulo_ref, uhi_ref, d_ref,
              h1_ref, tlo_ref, thi_ref, hop):
    deg = _deg_of(d_ref)
    dis = lax.rsqrt(deg)
    hh = hop // 2
    zf_lo = z0_ref[:, :hop] + z1_ref[:, :hop] + ulo_ref[...]
    zf_hi = z0_ref[:, hop:] + z1_ref[:, hop:] + uhi_ref[...]
    h1_ref[...] = jnp.concatenate(
        [zf_lo[:, 0:16], zf_hi[:, 0:16], zf_lo[:, 16:32], zf_hi[:, 16:32]],
        axis=1) * dis
    tlo_ref[...] = zf_lo[:, hh:hop] / deg
    thi_ref[...] = zf_hi[:, hh:hop] / deg


def _final_body(w0_ref, w1_ref, tlo_ref, thi_ref, h0_ref, h1_ref, d_ref,
                b0_ref, b1_ref, b2_ref, wout_ref, bout_ref, o_ref, hop):
    dis = lax.rsqrt(_deg_of(d_ref))
    hh = hop // 2
    wf_lo = w0_ref[:, :hh] + w1_ref[:, :hh] + tlo_ref[...]
    wf_hi = w0_ref[:, hh:] + w1_ref[:, hh:] + thi_ref[...]
    h2 = jnp.concatenate(
        [wf_lo[:, 0:16], wf_hi[:, 0:16], wf_lo[:, 16:32], wf_hi[:, 16:32]],
        axis=1) * dis
    h = jnp.concatenate([h0_ref[...] + b0_ref[...],
                         h1_ref[...] + b1_ref[...],
                         h2 + b2_ref[...]], axis=1)
    h = jnp.maximum(h, 0.0)
    o_ref[...] = jnp.dot(h, wout_ref[...], preferred_element_type=jnp.float32) \
        + bout_ref[...]


def _pack_bf16(lo, hi):
    st = jnp.stack([lo.astype(jnp.bfloat16), hi.astype(jnp.bfloat16)],
                   axis=-1)
    return lax.bitcast_convert_type(st, jnp.int32)


def kernel(x, edge_index, W0, b0, W1, b1, W2, b2, Wout, bout):
    n, in_ch = x.shape
    hop = W0.shape[1]
    out_ch = Wout.shape[1]
    e = edge_index.shape[1]

    per_w = -(-e // (NW * CH * G)) * CH * G
    nch = per_w // CH
    pad = per_w * NW - e
    nch_a = (2 * nch * 55 // 100) // G * G
    nch_b = 2 * nch - nch_a
    ea = NS * nch_a * CH
    acc_rows = -(-(n + 1) // (NS * 8)) * (NS * 8)

    row = jnp.concatenate([edge_index[0], jnp.zeros((pad,), edge_index.dtype)])
    col = jnp.concatenate([edge_index[1], jnp.full((pad,), n, edge_index.dtype)])
    row_a = row[:ea].reshape(NS, nch_a, CH)
    col_a = col[:ea].reshape(NS, nch_a, CH)
    row_b = row[ea:].reshape(NS, nch_b, CH)
    col_b = col[ea:].reshape(NS, nch_b, CH)
    col_p = col.reshape(NW * nch, CH)

    zeros2h = jnp.zeros((acc_rows, 2 * hop), jnp.float32)
    zerosh = jnp.zeros((acc_rows, hop), jnp.float32)

    hists = _make_deghist(acc_rows, nch)(col_p)
    dT = hists[:, :n].T

    wcat = jnp.concatenate([W1, W2], axis=1)
    qs = [q * 32 for q in range(2 * hop // 32)]
    lo_idx = jnp.array([q + r for q in qs for r in range(16)], jnp.int32)
    wlo = wcat[:, lo_idx]
    whi = wcat[:, lo_idx + 16]

    R = 2000
    grid = (n // R,)
    blk = lambda r, c: pl.BlockSpec((r, c), lambda i: (i, 0))
    full = lambda r, c: pl.BlockSpec((r, c), lambda i: (0, 0))
    h0, ulo, uhi = pl.pallas_call(
        _prep_body,
        grid=grid,
        in_specs=[blk(R, in_ch), full(in_ch, hop), full(in_ch, hop),
                  full(in_ch, hop), blk(R, NW)],
        out_specs=[blk(R, hop), blk(R, hop), blk(R, hop)],
        out_shape=[jax.ShapeDtypeStruct((n, hop), jnp.float32)] * 3,
    )(x, W0, wlo, whi, dT)

    upk = _pack_bf16(ulo, uhi)
    zp = _make_scatter_bf16(acc_rows, 2 * hop, nch_a, nch_b)(
        upk, row_a, col_a, row_b, col_b, zeros2h)

    h1, tlo, thi = pl.pallas_call(
        functools.partial(_mid_body, hop=hop),
        grid=grid,
        in_specs=[blk(R, 2 * hop), blk(R, 2 * hop), blk(R, hop),
                  blk(R, hop), blk(R, NW)],
        out_specs=[blk(R, hop), blk(R, hop // 2), blk(R, hop // 2)],
        out_shape=[jax.ShapeDtypeStruct((n, hop), jnp.float32),
                   jax.ShapeDtypeStruct((n, hop // 2), jnp.float32),
                   jax.ShapeDtypeStruct((n, hop // 2), jnp.float32)],
    )(zp[0, :n, :], zp[1, :n, :], ulo, uhi, dT)

    tpk = _pack_bf16(tlo, thi)
    wp = _make_scatter_bf16(acc_rows, hop, nch_a, nch_b)(
        tpk, row_a, col_a, row_b, col_b, zerosh)

    out = pl.pallas_call(
        functools.partial(_final_body, hop=hop),
        grid=grid,
        in_specs=[blk(R, hop), blk(R, hop), blk(R, hop // 2), blk(R, hop // 2),
                  blk(R, hop), blk(R, hop), blk(R, NW),
                  full(1, hop), full(1, hop), full(1, hop),
                  full(3 * hop, out_ch), full(1, out_ch)],
        out_specs=blk(R, out_ch),
        out_shape=jax.ShapeDtypeStruct((n, out_ch), jnp.float32),
    )(wp[0, :n, :], wp[1, :n, :], tlo, thi, h0, h1, dT,
      b0.reshape(1, hop), b1.reshape(1, hop), b2.reshape(1, hop),
      Wout, bout.reshape(1, out_ch))
    return out

# --- scband reference (transcript-rebuilt; emitter-appended) ---
"""Pipeline reference for scband-mix-hop-82231443849284 (READ-ONLY COPY).

The authoritative reference and input builder live on the scoring server;
editing this copy changes nothing except your own understanding.
"""

import jax, jax.numpy as jnp
import numpy as np

N_NODES = 10000
N_EDGES = 320000
IN_CH = 128
HIDDEN = 192
OUT_CH = 128
HOP_DIM = HIDDEN // 3  # 64


def setup_inputs(seed: int = 0) -> dict:
    key = jax.random.key(seed)
    ks = jax.random.split(key, 12)
    x = jax.random.normal(ks[0], (N_NODES, IN_CH), dtype=jnp.float32)
    edge_index = jax.random.randint(ks[1], (2, N_EDGES), 0, N_NODES, dtype=jnp.int32)
    s_in = 1.0 / np.sqrt(IN_CH)
    s_h = 1.0 / np.sqrt(3 * HOP_DIM)
    W0 = jax.random.uniform(ks[2], (IN_CH, HOP_DIM), jnp.float32, -s_in, s_in)
    b0 = jax.random.uniform(ks[3], (HOP_DIM,), jnp.float32, -s_in, s_in)
    W1 = jax.random.uniform(ks[4], (IN_CH, HOP_DIM), jnp.float32, -s_in, s_in)
    b1 = jax.random.uniform(ks[5], (HOP_DIM,), jnp.float32, -s_in, s_in)
    W2 = jax.random.uniform(ks[6], (IN_CH, HOP_DIM), jnp.float32, -s_in, s_in)
    b2 = jax.random.uniform(ks[7], (HOP_DIM,), jnp.float32, -s_in, s_in)
    Wout = jax.random.uniform(ks[8], (3 * HOP_DIM, OUT_CH), jnp.float32, -s_h, s_h)
    bout = jax.random.uniform(ks[9], (OUT_CH,), jnp.float32, -s_h, s_h)
    return {"x": x, "edge_index": edge_index, "W0": W0, "b0": b0, "W1": W1, "b1": b1, "W2": W2, "b2": b2, "Wout": Wout, "bout": bout}


def reference(x, edge_index, W0, b0, W1, b1, W2, b2, Wout, bout):
    N = x.shape[0]
    loops = jnp.arange(N, dtype=edge_index.dtype)
    ei = jnp.concatenate([edge_index, jnp.stack([loops, loops])], axis=1)
    row, col = ei[0], ei[1]
    # degree of dst nodes (col)
    deg = jnp.zeros((N,), dtype=x.dtype).at[col].add(1.0)
    deg_inv_sqrt = deg ** -0.5
    deg_inv_sqrt = jnp.where(jnp.isinf(deg_inv_sqrt), 0.0, deg_inv_sqrt)
    norm = deg_inv_sqrt[row] * deg_inv_sqrt[col]

    def propagate(h):
        msgs = h[row] * norm[:, None]
        return jnp.zeros_like(h).at[col].add(msgs)

    h0 = x @ W0 + b0
    ax = propagate(x)
    h1 = ax @ W1 + b1
    a2x = propagate(ax)
    h2 = a2x @ W2 + b2
    h = jnp.concatenate([h0, h1, h2], axis=-1)
    h = jax.nn.relu(h)
    # dropout p=0.0 -> identity
    return h @ Wout + bout

if __name__ == "__main__":
    import jax
    _d = setup_inputs()
    print(jax.jit(kernel)(*tuple(_d.values())))

</pallas_src>

<mosaic_0001>
#map = affine_map<(d0, d1) -> (0, 0)>
#map1 = affine_map<(d0, d1) -> (0, 0, 0)>
module attributes {stable_mosaic.version = 14 : i64} {
  func.func @scat(%arg0: i32, %arg1: i32, %arg2: memref<10000x64xi32, #tpu.memory_space<hbm>>, %arg3: memref<16x88x128xi32, #tpu.memory_space<hbm>>, %arg4: memref<16x88x128xi32, #tpu.memory_space<hbm>>, %arg5: memref<16x72x128xi32, #tpu.memory_space<hbm>>, %arg6: memref<16x72x128xi32, #tpu.memory_space<hbm>>, %arg7: memref<10112x128xf32, #tpu.memory_space<hbm>>, %arg8: memref<2x10112x128xf32, #tpu.memory_space<hbm>>, %arg9: memref<8x128xi32, #tpu.memory_space<vmem>>, %arg10: memref<8x128xi32, #tpu.memory_space<vmem>>, %arg11: memref<128x64xi32, #tpu.memory_space<vmem>>, %arg12: memref<128x64xi32, #tpu.memory_space<vmem>>, %arg13: memref<128x128xf32, #tpu.memory_space<vmem>>, %arg14: memref<10112x128xf32, #tpu.memory_space<vmem_shared>>, %arg15: memref<!tpu.dma_semaphore, #tpu.memory_space<semaphore_mem>>, %arg16: memref<!tpu.dma_semaphore, #tpu.memory_space<semaphore_mem>>) attributes {dimension_semantics = [#tpu.dimension_semantics<core_parallel>, #tpu.dimension_semantics<subcore_parallel>], iteration_bounds = array<i64: 2, 16>, scalar_prefetch = 0 : i64, scratch_operands = 8 : i64, tpu.core_type = #tpu.core_type<sc_vector_subcore>, window_params = [{transform_indices = #map}, {transform_indices = #map1}, {transform_indices = #map1}, {transform_indices = #map1}, {transform_indices = #map1}, {transform_indices = #map}, {transform_indices = #map1}]} {
    %mul3A = arith.constant 632 : i32
    %mul3A_0 = arith.muli %arg1, %mul3A : i32
    %mul3A_1 = arith.constant 632 : i32
    %mul3A_2 = arith.muli %arg1, %mul3A_1 : i32
    "tpu.region"() ({
      %run_scoped3A = tpu.sem_alloc : memref<!tpu.dma_semaphore, #tpu.memory_space<semaphore_mem>>
      %dma_start3A = arith.constant 0 : i32
      %dma_start3A_15 = tpu.memref_slice %arg14[%mul3A_2, %dma_start3A] : memref<10112x128xf32, #tpu.memory_space<vmem_shared>> -> memref<632x128xf32, #tpu.memory_space<vmem_shared>>
      %dma_start3A_16 = arith.constant 0 : i32
      %dma_start3A_17 = tpu.memref_slice %arg7[%mul3A_0, %dma_start3A_16] : memref<10112x128xf32, #tpu.memory_space<hbm>> -> memref<632x128xf32, #tpu.memory_space<hbm>>
      tpu.enqueue_dma source(%dma_start3A_17 : memref<632x128xf32, #tpu.memory_space<hbm>>) target(%dma_start3A_15 : memref<632x128xf32, #tpu.memory_space<vmem_shared>>) target_semaphore(%run_scoped3A : memref<!tpu.dma_semaphore, #tpu.memory_space<semaphore_mem>>)
      %dma_wait3A = arith.constant 0 : i32
      %dma_wait3A_18 = tpu.memref_slice %arg14[%mul3A_2, %dma_wait3A] : memref<10112x128xf32, #tpu.memory_space<vmem_shared>> -> memref<632x128xf32, #tpu.memory_space<vmem_shared>>
      %dma_wait3A_19 = arith.constant 0 : i32
      %dma_wait3A_20 = tpu.memref_slice %arg7[%mul3A_0, %dma_wait3A_19] : memref<10112x128xf32, #tpu.memory_space<hbm>> -> memref<632x128xf32, #tpu.memory_space<hbm>>
      tpu.wait_dma2 semaphore(%run_scoped3A : memref<!tpu.dma_semaphore, #tpu.memory_space<semaphore_mem>>) src(%dma_wait3A_20 : memref<632x128xf32, #tpu.memory_space<hbm>>) dst(%dma_wait3A_18 : memref<632x128xf32, #tpu.memory_space<vmem_shared>>)
      tpu.yield
    }) : () -> ()
    %barrier3A = arith.constant 0 : index
    tpu.barrier barrier_id(%barrier3A)
    %eq3A = arith.constant 0 : i32
    %eq3A_3 = arith.cmpi eq, %arg0, %eq3A : i32
    %convert_element_type3A = arith.extui %eq3A_3 : i1 to i32
    %cond3A = arith.constant 0 : i32
    %cond3A_4 = arith.cmpi ne, %convert_element_type3A, %cond3A : i32
    scf.if %cond3A_4 {
      %scan3A = arith.constant 0 : i32
      %scan3A_15 = arith.constant 0 : i32
      %scan3A_16 = arith.constant 11 : i32
      %scan3A_17 = arith.addi %scan3A_15, %scan3A_16 : i32
      %scan3A_18 = arith.constant 1 : i32
      scf.for %scan3A_20 = %scan3A_15 to %scan3A_17 step %scan3A_18  : i32 {
        %mul3A_21 = arith.constant 8 : i32
        %mul3A_22 = arith.muli %scan3A_20, %mul3A_21 : i32
        %multiple_of3A = tpu.assume_multiple %mul3A_22, 8 : i32
        "tpu.region"() ({
          %run_scoped3A = tpu.sem_alloc : memref<!tpu.dma_semaphore, #tpu.memory_space<semaphore_mem>>
          %dma_start3A_293 = arith.constant 0 : i32
          %dma_start3A_294 = arith.constant 0 : i32
          %dma_start3A_295 = tpu.memref_slice %arg3[%arg1, %dma_start3A_293, %dma_start3A_294] : memref<16x88x128xi32, #tpu.memory_space<hbm>> -> memref<1x88x128xi32, #tpu.memory_space<hbm>>
          %dma_start3A_296 = tpu.memref_squeeze %dma_start3A_295 : memref<1x88x128xi32, #tpu.memory_space<hbm>> -> memref<88x128xi32, #tpu.memory_space<hbm>>
          %dma_start3A_297 = arith.constant 0 : i32
          %dma_start3A_298 = tpu.memref_slice %dma_start3A_296[%multiple_of3A, %dma_start3A_297] : memref<88x128xi32, #tpu.memory_space<hbm>> -> memref<8x128xi32, #tpu.memory_space<hbm>>
          %dma_start3A_299 = arith.constant 0 : i32
          %dma_start3A_300 = arith.constant 0 : i32
          %dma_start3A_301 = tpu.memref_slice %arg3[%arg1, %dma_start3A_299, %dma_start3A_300] : memref<16x88x128xi32, #tpu.memory_space<hbm>> -> memref<1x88x128xi32, #tpu.memory_space<hbm>>
          %dma_start3A_302 = tpu.memref_squeeze %dma_start3A_301 : memref<1x88x128xi32, #tpu.memory_space<hbm>> -> memref<88x128xi32, #tpu.memory_space<hbm>>
          %dma_start3A_303 = arith.constant 0 : i32
          %dma_start3A_304 = tpu.memref_slice %dma_start3A_302[%multiple_of3A, %dma_start3A_303] : memref<88x128xi32, #tpu.memory_space<hbm>> -> memref<8x128xi32, #tpu.memory_space<hbm>>
          tpu.enqueue_dma source(%dma_start3A_304 : memref<8x128xi32, #tpu.memory_space<hbm>>) target(%arg9 : memref<8x128xi32, #tpu.memory_space<vmem>>) target_semaphore(%run_scoped3A : memref<!tpu.dma_semaphore, #tpu.memory_space<semaphore_mem>>)
          %dma_wait3A_305 = arith.constant 0 : i32
          %dma_wait3A_306 = arith.constant 0 : i32
          %dma_wait3A_307 = tpu.memref_slice %arg3[%arg1, %dma_wait3A_305, %dma_wait3A_306] : memref<16x88x128xi32, #tpu.memory_space<hbm>> -> memref<1x88x128xi32, #tpu.memory_space<hbm>>
          %dma_wait3A_308 = tpu.memref_squeeze %dma_wait3A_307 : memref<1x88x128xi32, #tpu.memory_space<hbm>> -> memref<88x128xi32, #tpu.memory_space<hbm>>
          %dma_wait3A_309 = arith.constant 0 : i32
          %dma_wait3A_310 = tpu.memref_slice %dma_wait3A_308[%multiple_of3A, %dma_wait3A_309] : memref<88x128xi32, #tpu.memory_space<hbm>> -> memref<8x128xi32, #tpu.memory_space<hbm>>
          %dma_wait3A_311 = arith.constant 0 : i32
          %dma_wait3A_312 = arith.constant 0 : i32
          %dma_wait3A_313 = tpu.memref_slice %arg3[%arg1, %dma_wait3A_311, %dma_wait3A_312] : memref<16x88x128xi32, #tpu.memory_space<hbm>> -> memref<1x88x128xi32, #tpu.memory_space<hbm>>
          %dma_wait3A_314 = tpu.memref_squeeze %dma_wait3A_313 : memref<1x88x128xi32, #tpu.memory_space<hbm>> -> memref<88x128xi32, #tpu.memory_space<hbm>>
          %dma_wait3A_315 = arith.constant 0 : i32
          %dma_wait3A_316 = tpu.memref_slice %dma_wait3A_314[%multiple_of3A, %dma_wait3A_315] : memref<88x128xi32, #tpu.memory_space<hbm>> -> memref<8x128xi32, #tpu.memory_space<hbm>>
          tpu.wait_dma2 semaphore(%run_scoped3A : memref<!tpu.dma_semaphore, #tpu.memory_space<semaphore_mem>>) src(%dma_wait3A_316 : memref<8x128xi32, #tpu.memory_space<hbm>>) dst(%arg9 : memref<8x128xi32, #tpu.memory_space<vmem>>)
          tpu.yield
        }) : () -> ()
        "tpu.region"() ({
          %run_scoped3A = tpu.sem_alloc : memref<!tpu.dma_semaphore, #tpu.memory_space<semaphore_mem>>
          %dma_start3A_293 = arith.constant 0 : i32
          %dma_start3A_294 = arith.constant 0 : i32
          %dma_start3A_295 = tpu.memref_slice %arg4[%arg1, %dma_start3A_293, %dma_start3A_294] : memref<16x88x128xi32, #tpu.memory_space<hbm>> -> memref<1x88x128xi32, #tpu.memory_space<hbm>>
          %dma_start3A_296 = tpu.memref_squeeze %dma_start3A_295 : memref<1x88x128xi32, #tpu.memory_space<hbm>> -> memref<88x128xi32, #tpu.memory_space<hbm>>
          %dma_start3A_297 = arith.constant 0 : i32
          %dma_start3A_298 = tpu.memref_slice %dma_start3A_296[%multiple_of3A, %dma_start3A_297] : memref<88x128xi32, #tpu.memory_space<hbm>> -> memref<8x128xi32, #tpu.memory_space<hbm>>
          %dma_start3A_299 = arith.constant 0 : i32
          %dma_start3A_300 = arith.constant 0 : i32
          %dma_start3A_301 = tpu.memref_slice %arg4[%arg1, %dma_start3A_299, %dma_start3A_300] : memref<16x88x128xi32, #tpu.memory_space<hbm>> -> memref<1x88x128xi32, #tpu.memory_space<hbm>>
          %dma_start3A_302 = tpu.memref_squeeze %dma_start3A_301 : memref<1x88x128xi32, #tpu.memory_space<hbm>> -> memref<88x128xi32, #tpu.memory_space<hbm>>
          %dma_start3A_303 = arith.constant 0 : i32
          %dma_start3A_304 = tpu.memref_slice %dma_start3A_302[%multiple_of3A, %dma_start3A_303] : memref<88x128xi32, #tpu.memory_space<hbm>> -> memref<8x128xi32, #tpu.memory_space<hbm>>
          tpu.enqueue_dma source(%dma_start3A_304 : memref<8x128xi32, #tpu.memory_space<hbm>>) target(%arg10 : memref<8x128xi32, #tpu.memory_space<vmem>>) target_semaphore(%run_scoped3A : memref<!tpu.dma_semaphore, #tpu.memory_space<semaphore_mem>>)
          %dma_wait3A_305 = arith.constant 0 : i32
          %dma_wait3A_306 = arith.constant 0 : i32
          %dma_wait3A_307 = tpu.memref_slice %arg4[%arg1, %dma_wait3A_305, %dma_wait3A_306] : memref<16x88x128xi32, #tpu.memory_space<hbm>> -> memref<1x88x128xi32, #tpu.memory_space<hbm>>
          %dma_wait3A_308 = tpu.memref_squeeze %dma_wait3A_307 : memref<1x88x128xi32, #tpu.memory_space<hbm>> -> memref<88x128xi32, #tpu.memory_space<hbm>>
          %dma_wait3A_309 = arith.constant 0 : i32
          %dma_wait3A_310 = tpu.memref_slice %dma_wait3A_308[%multiple_of3A, %dma_wait3A_309] : memref<88x128xi32, #tpu.memory_space<hbm>> -> memref<8x128xi32, #tpu.memory_space<hbm>>
          %dma_wait3A_311 = arith.constant 0 : i32
          %dma_wait3A_312 = arith.constant 0 : i32
          %dma_wait3A_313 = tpu.memref_slice %arg4[%arg1, %dma_wait3A_311, %dma_wait3A_312] : memref<16x88x128xi32, #tpu.memory_space<hbm>> -> memref<1x88x128xi32, #tpu.memory_space<hbm>>
          %dma_wait3A_314 = tpu.memref_squeeze %dma_wait3A_313 : memref<1x88x128xi32, #tpu.memory_space<hbm>> -> memref<88x128xi32, #tpu.memory_space<hbm>>
          %dma_wait3A_315 = arith.constant 0 : i32
          %dma_wait3A_316 = tpu.memref_slice %dma_wait3A_314[%multiple_of3A, %dma_wait3A_315] : memref<88x128xi32, #tpu.memory_space<hbm>> -> memref<8x128xi32, #tpu.memory_space<hbm>>
          tpu.wait_dma2 semaphore(%run_scoped3A : memref<!tpu.dma_semaphore, #tpu.memory_space<semaphore_mem>>) src(%dma_wait3A_316 : memref<8x128xi32, #tpu.memory_space<hbm>>) dst(%arg10 : memref<8x128xi32, #tpu.memory_space<vmem>>)
          tpu.yield
        }) : () -> ()
        %dma_start3A = arith.constant 0 : i32
        %dma_start3A_23 = arith.constant 0 : i32
        %dma_start3A_24 = tpu.memref_slice %arg9[%dma_start3A, %dma_start3A_23] : memref<8x128xi32, #tpu.memory_space<vmem>> -> memref<1x128xi32, #tpu.memory_space<vmem>>
        %dma_start3A_25 = tpu.memref_squeeze %dma_start3A_24 : memref<1x128xi32, #tpu.memory_space<vmem>> -> memref<128xi32, #tpu.memory_space<vmem>>
        %dma_start3A_26 = arith.constant 0 : i32
        %dma_start3A_27 = arith.constant 0 : i32
        %dma_start3A_28 = tpu.memref_slice %arg2[%dma_start3A_26, %dma_start3A_27] : memref<10000x64xi32, #tpu.memory_space<hbm>> -> memref<10000x64xi32, #tpu.memory_space<hbm>>
        tpu.enqueue_indirect_dma source(%dma_start3A_28 : memref<10000x64xi32, #tpu.memory_space<hbm>>) target(%arg11 : memref<128x64xi32, #tpu.memory_space<vmem>>) offsets(%dma_start3A_25 : memref<128xi32, #tpu.memory_space<vmem>>) semaphore(%arg15 : memref<!tpu.dma_semaphore, #tpu.memory_space<semaphore_mem>>)
        %dma_wait3A = arith.constant 0 : i32
        %dma_wait3A_29 = arith.constant 0 : i32
        %dma_wait3A_30 = tpu.memref_slice %arg9[%dma_wait3A, %dma_wait3A_29] : memref<8x128xi32, #tpu.memory_space<vmem>> -> memref<1x128xi32, #tpu.memory_space<vmem>>
        %dma_wait3A_31 = tpu.memref_squeeze %dma_wait3A_30 : memref<1x128xi32, #tpu.memory_space<vmem>> -> memref<128xi32, #tpu.memory_space<vmem>>
        %dma_wait3A_32 = arith.constant 0 : i32
        %dma_wait3A_33 = arith.constant 0 : i32
        %dma_wait3A_34 = tpu.memref_slice %arg2[%dma_wait3A_32, %dma_wait3A_33] : memref<10000x64xi32, #tpu.memory_space<hbm>> -> memref<10000x64xi32, #tpu.memory_space<hbm>>
        tpu.wait_indirect_dma semaphore(%arg15 : memref<!tpu.dma_semaphore, #tpu.memory_space<semaphore_mem>>) src(%dma_wait3A_34 : memref<10000x64xi32, #tpu.memory_space<hbm>>) dst(%arg11 : memref<128x64xi32, #tpu.memory_space<vmem>>)
        %dma_start3A_35 = arith.constant 1 : i32
        %dma_start3A_36 = arith.constant 0 : i32
        %dma_start3A_37 = tpu.memref_slice %arg9[%dma_start3A_35, %dma_start3A_36] : memref<8x128xi32, #tpu.memory_space<vmem>> -> memref<1x128xi32, #tpu.memory_space<vmem>>
        %dma_start3A_38 = tpu.memref_squeeze %dma_start3A_37 : memref<1x128xi32, #tpu.memory_space<vmem>> -> memref<128xi32, #tpu.memory_space<vmem>>
        %dma_start3A_39 = arith.constant 0 : i32
        %dma_start3A_40 = arith.constant 0 : i32
        %dma_start3A_41 = tpu.memref_slice %arg2[%dma_start3A_39, %dma_start3A_40] : memref<10000x64xi32, #tpu.memory_space<hbm>> -> memref<10000x64xi32, #tpu.memory_space<hbm>>
        tpu.enqueue_indirect_dma source(%dma_start3A_41 : memref<10000x64xi32, #tpu.memory_space<hbm>>) target(%arg12 : memref<128x64xi32, #tpu.memory_space<vmem>>) offsets(%dma_start3A_38 : memref<128xi32, #tpu.memory_space<vmem>>) semaphore(%arg15 : memref<!tpu.dma_semaphore, #tpu.memory_space<semaphore_mem>>)
        %scan3A_42 = arith.constant 0 : i32
        %scan3A_43 = arith.constant 0 : i32
        %scan3A_44 = arith.constant 128 : i32
        %scan3A_45 = arith.addi %scan3A_43, %scan3A_44 : i32
        %scan3A_46 = arith.constant 1 : i32
        scf.for %scan3A_293 = %scan3A_43 to %scan3A_45 step %scan3A_46  : i32 {
          %get3A = arith.index_cast %scan3A_293 : i32 to index
          %get3A_294 = arith.constant 0 : index
          %get3A_295 = tpu.vector_load %arg11[%get3A, %get3A_294] {strides = array<i32>} : memref<128x64xi32, #tpu.memory_space<vmem>>, vector<16xi32>,
          %bitcast3A = vector.bitcast %get3A_295 : vector<16xi32> to vector<32xbf16>
          %unpack3A = tpu.unpack_subelements %bitcast3A, 0 {pack_format = #tpu.pack_format<interleaved>} : vector<32xbf16> -> vector<16xf32>
          %unpack3A_296 = tpu.unpack_subelements %bitcast3A, 1 {pack_format = #tpu.pack_format<interleaved>} : vector<32xbf16> -> vector<16xf32>
          %swap3A = arith.index_cast %scan3A_293 : i32 to index
          %swap3A_297 = arith.constant 0 : index
          %swap3A_298 = tpu.vector_load %arg13[%swap3A, %swap3A_297] {strides = array<i32>} : memref<128x128xf32, #tpu.memory_space<vmem>>, vector<16xf32>,
          tpu.vector_store %arg13[%swap3A, %swap3A_297], %unpack3A {strides = array<i32>} : memref<128x128xf32, #tpu.memory_space<vmem>>, vector<16xf32>,
          %swap3A_299 = arith.index_cast %scan3A_293 : i32 to index
          %swap3A_300 = arith.constant 64 : index
          %swap3A_301 = tpu.vector_load %arg13[%swap3A_299, %swap3A_300] {strides = array<i32>} : memref<128x128xf32, #tpu.memory_space<vmem>>, vector<16xf32>,
          tpu.vector_store %arg13[%swap3A_299, %swap3A_300], %unpack3A_296 {strides = array<i32>} : memref<128x128xf32, #tpu.memory_space<vmem>>, vector<16xf32>,
          %get3A_302 = arith.index_cast %scan3A_293 : i32 to index
          %get3A_303 = arith.constant 16 : index
          %get3A_304 = tpu.vector_load %arg11[%get3A_302, %get3A_303] {strides = array<i32>} : memref<128x64xi32, #tpu.memory_space<vmem>>, vector<16xi32>,
          %bitcast3A_305 = vector.bitcast %get3A_304 : vector<16xi32> to vector<32xbf16>
          %unpack3A_306 = tpu.unpack_subelements %bitcast3A_305, 0 {pack_format = #tpu.pack_format<interleaved>} : vector<32xbf16> -> vector<16xf32>
          %unpack3A_307 = tpu.unpack_subelements %bitcast3A_305, 1 {pack_format = #tpu.pack_format<interleaved>} : vector<32xbf16> -> vector<16xf32>
          %swap3A_308 = arith.index_cast %scan3A_293 : i32 to index
          %swap3A_309 = arith.constant 16 : index
          %swap3A_310 = tpu.vector_load %arg13[%swap3A_308, %swap3A_309] {strides = array<i32>} : memref<128x128xf32, #tpu.memory_space<vmem>>, vector<16xf32>,
          tpu.vector_store %arg13[%swap3A_308, %swap3A_309], %unpack3A_306 {strides = array<i32>} : memref<128x128xf32, #tpu.memory_space<vmem>>, vector<16xf32>,
          %swap3A_311 = arith.index_cast %scan3A_293 : i32 to index
          %swap3A_312 = arith.constant 80 : index
          %swap3A_313 = tpu.vector_load %arg13[%swap3A_311, %swap3A_312] {strides = array<i32>} : memref<128x128xf32, #tpu.memory_space<vmem>>, vector<16xf32>,
          tpu.vector_store %arg13[%swap3A_311, %swap3A_312], %unpack3A_307 {strides = array<i32>} : memref<128x128xf32, #tpu.memory_space<vmem>>, vector<16xf32>,
          %get3A_314 = arith.index_cast %scan3A_293 : i32 to index
          %get3A_315 = arith.constant 32 : index
          %get3A_316 = tpu.vector_load %arg11[%get3A_314, %get3A_315] {strides = array<i32>} : memref<128x64xi32, #tpu.memory_space<vmem>>, vector<16xi32>,
          %bitcast3A_317 = vector.bitcast %get3A_316 : vector<16xi32> to vector<32xbf16>
          %unpack3A_318 = tpu.unpack_subelements %bitcast3A_317, 0 {pack_format = #tpu.pack_format<interleaved>} : vector<32xbf16> -> vector<16xf32>
          %unpack3A_319 = tpu.unpack_subelements %bitcast3A_317, 1 {pack_format = #tpu.pack_format<interleaved>} : vector<32xbf16> -> vector<16xf32>
          %swap3A_320 = arith.index_cast %scan3A_293 : i32 to index
          %swap3A_321 = arith.constant 32 : index
          %swap3A_322 = tpu.vector_load %arg13[%swap3A_320, %swap3A_321] {strides = array<i32>} : memref<128x128xf32, #tpu.memory_space<vmem>>, vector<16xf32>,
          tpu.vector_store %arg13[%swap3A_320, %swap3A_321], %unpack3A_318 {strides = array<i32>} : memref<128x128xf32, #tpu.memory_space<vmem>>, vector<16xf32>,
          %swap3A_323 = arith.index_cast %scan3A_293 : i32 to index
          %swap3A_324 = arith.constant 96 : index
          %swap3A_325 = tpu.vector_load %arg13[%swap3A_323, %swap3A_324] {strides = array<i32>} : memref<128x128xf32, #tpu.memory_space<vmem>>, vector<16xf32>,
          tpu.vector_store %arg13[%swap3A_323, %swap3A_324], %unpack3A_319 {strides = array<i32>} : memref<128x128xf32, #tpu.memory_space<vmem>>, vector<16xf32>,
          %get3A_326 = arith.index_cast %scan3A_293 : i32 to index
          %get3A_327 = arith.constant 48 : index
          %get3A_328 = tpu.vector_load %arg11[%get3A_326, %get3A_327] {strides = array<i32>} : memref<128x64xi32, #tpu.memory_space<vmem>>, vector<16xi32>,
          %bitcast3A_329 = vector.bitcast %get3A_328 : vector<16xi32> to vector<32xbf16>
          %unpack3A_330 = tpu.unpack_subelements %bitcast3A_329, 0 {pack_format = #tpu.pack_format<interleaved>} : vector<32xbf16> -> vector<16xf32>
          %unpack3A_331 = tpu.unpack_subelements %bitcast3A_329, 1 {pack_format = #tpu.pack_format<interleaved>} : vector<32xbf16> -> vector<16xf32>
          %swap3A_332 = arith.index_cast %scan3A_293 : i32 to index
          %swap3A_333 = arith.constant 48 : index
          %swap3A_334 = tpu.vector_load %arg13[%swap3A_332, %swap3A_333] {strides = array<i32>} : memref<128x128xf32, #tpu.memory_space<vmem>>, vector<16xf32>,
          tpu.vector_store %arg13[%swap3A_332, %swap3A_333], %unpack3A_330 {strides = array<i32>} : memref<128x128xf32, #tpu.memory_space<vmem>>, vector<16xf32>,
          %swap3A_335 = arith.index_cast %scan3A_293 : i32 to index
          %swap3A_336 = arith.constant 112 : index
          %swap3A_337 = tpu.vector_load %arg13[%swap3A_335, %swap3A_336] {strides = array<i32>} : memref<128x128xf32, #tpu.memory_space<vmem>>, vector<16xf32>,
          tpu.vector_store %arg13[%swap3A_335, %swap3A_336], %unpack3A_331 {strides = array<i32>} : memref<128x128xf32, #tpu.memory_space<vmem>>, vector<16xf32>,
        }
        %scan3A_47 = arith.constant 128 : i32
        %dma_start3A_48 = arith.constant 0 : i32
        %dma_start3A_49 = arith.constant 0 : i32
        %dma_start3A_50 = tpu.memref_slice %arg10[%dma_start3A_48, %dma_start3A_49] : memref<8x128xi32, #tpu.memory_space<vmem>> -> memref<1x128xi32, #tpu.memory_space<vmem>>
        %dma_start3A_51 = tpu.memref_squeeze %dma_start3A_50 : memref<1x128xi32, #tpu.memory_space<vmem>> -> memref<128xi32, #tpu.memory_space<vmem>>
        %dma_start3A_52 = arith.constant 0 : i32
        %dma_start3A_53 = arith.constant 0 : i32
        %dma_start3A_54 = tpu.memref_slice %arg14[%dma_start3A_52, %dma_start3A_53] : memref<10112x128xf32, #tpu.memory_space<vmem_shared>> -> memref<10112x128xf32, #tpu.memory_space<vmem_shared>>
        tpu.enqueue_indirect_dma source(%arg13 : memref<128x128xf32, #tpu.memory_space<vmem>>) target(%dma_start3A_54 : memref<10112x128xf32, #tpu.memory_space<vmem_shared>>) offsets(%dma_start3A_51 : memref<128xi32, #tpu.memory_space<vmem>>) semaphore(%arg16 : memref<!tpu.dma_semaphore, #tpu.memory_space<semaphore_mem>>) {add = true}
        %dma_wait3A_55 = arith.constant 1 : i32
        %dma_wait3A_56 = arith.constant 0 : i32
        %dma_wait3A_57 = tpu.memref_slice %arg9[%dma_wait3A_55, %dma_wait3A_56] : memref<8x128xi32, #tpu.memory_space<vmem>> -> memref<1x128xi32, #tpu.memory_space<vmem>>
        %dma_wait3A_58 = tpu.memref_squeeze %dma_wait3A_57 : memref<1x128xi32, #tpu.memory_space<vmem>> -> memref<128xi32, #tpu.memory_space<vmem>>
        %dma_wait3A_59 = arith.constant 0 : i32
        %dma_wait3A_60 = arith.constant 0 : i32
        %dma_wait3A_61 = tpu.memref_slice %arg2[%dma_wait3A_59, %dma_wait3A_60] : memref<10000x64xi32, #tpu.memory_space<hbm>> -> memref<10000x64xi32, #tpu.memory_space<hbm>>
        tpu.wait_indirect_dma semaphore(%arg15 : memref<!tpu.dma_semaphore, #tpu.memory_space<semaphore_mem>>) src(%dma_wait3A_61 : memref<10000x64xi32, #tpu.memory_space<hbm>>) dst(%arg12 : memref<128x64xi32, #tpu.memory_space<vmem>>)
        %dma_start3A_62 = arith.constant 2 : i32
        %dma_start3A_63 = arith.constant 0 : i32
        %dma_start3A_64 = tpu.memref_slice %arg9[%dma_start3A_62, %dma_start3A_63] : memref<8x128xi32, #tpu.memory_space<vmem>> -> memref<1x128xi32, #tpu.memory_space<vmem>>
        %dma_start3A_65 = tpu.memref_squeeze %dma_start3A_64 : memref<1x128xi32, #tpu.memory_space<vmem>> -> memref<128xi32, #tpu.memory_space<vmem>>
        %dma_start3A_66 = arith.constant 0 : i32
        %dma_start3A_67 = arith.constant 0 : i32
        %dma_start3A_68 = tpu.memref_slice %arg2[%dma_start3A_66, %dma_start3A_67] : memref<10000x64xi32, #tpu.memory_space<hbm>> -> memref<10000x64xi32, #tpu.memory_space<hbm>>
        tpu.enqueue_indirect_dma source(%dma_start3A_68 : memref<10000x64xi32, #tpu.memory_space<hbm>>) target(%arg11 : memref<128x64xi32, #tpu.memory_space<vmem>>) offsets(%dma_start3A_65 : memref<128xi32, #tpu.memory_space<vmem>>) semaphore(%arg15 : memref<!tpu.dma_semaphore, #tpu.memory_space<semaphore_mem>>)
        %dma_wait3A_69 = arith.constant 0 : i32
        %dma_wait3A_70 = arith.constant 0 : i32
        %dma_wait3A_71 = tpu.memref_slice %arg10[%dma_wait3A_69, %dma_wait3A_70] : memref<8x128xi32, #tpu.memory_space<vmem>> -> memref<1x128xi32, #tpu.memory_space<vmem>>
        %dma_wait3A_72 = tpu.memref_squeeze %dma_wait3A_71 : memref<1x128xi32, #tpu.memory_space<vmem>> -> memref<128xi32, #tpu.memory_space<vmem>>
        %dma_wait3A_73 = arith.constant 0 : i32
        %dma_wait3A_74 = arith.constant 0 : i32
        %dma_wait3A_75 = tpu.memref_slice %arg14[%dma_wait3A_73, %dma_wait3A_74] : memref<10112x128xf32, #tpu.memory_space<vmem_shared>> -> memref<10112x128xf32, #tpu.memory_space<vmem_shared>>
        tpu.wait_indirect_dma semaphore(%arg16 : memref<!tpu.dma_semaphore, #tpu.memory_space<semaphore_mem>>) src(%arg13 : memref<128x128xf32, #tpu.memory_space<vmem>>) dst(%dma_wait3A_75 : memref<10112x128xf32, #tpu.memory_space<vmem_shared>>)
        %scan3A_76 = arith.constant 0 : i32
        %scan3A_77 = arith.constant 0 : i32
        %scan3A_78 = arith.constant 128 : i32
        %scan3A_79 = arith.addi %scan3A_77, %scan3A_78 : i32
        %scan3A_80 = arith.constant 1 : i32
        scf.for %scan3A_293 = %scan3A_77 to %scan3A_79 step %scan3A_80  : i32 {
          %get3A = arith.index_cast %scan3A_293 : i32 to index
          %get3A_294 = arith.constant 0 : index
          %get3A_295 = tpu.vector_load %arg12[%get3A, %get3A_294] {strides = array<i32>} : memref<128x64xi32, #tpu.memory_space<vmem>>, vector<16xi32>,
          %bitcast3A = vector.bitcast %get3A_295 : vector<16xi32> to vector<32xbf16>
          %unpack3A = tpu.unpack_subelements %bitcast3A, 0 {pack_format = #tpu.pack_format<interleaved>} : vector<32xbf16> -> vector<16xf32>
          %unpack3A_296 = tpu.unpack_subelements %bitcast3A, 1 {pack_format = #tpu.pack_format<interleaved>} : vector<32xbf16> -> vector<16xf32>
          %swap3A = arith.index_cast %scan3A_293 : i32 to index
          %swap3A_297 = arith.constant 0 : index
          %swap3A_298 = tpu.vector_load %arg13[%swap3A, %swap3A_297] {strides = array<i32>} : memref<128x128xf32, #tpu.memory_space<vmem>>, vector<16xf32>,
          tpu.vector_store %arg13[%swap3A, %swap3A_297], %unpack3A {strides = array<i32>} : memref<128x128xf32, #tpu.memory_space<vmem>>, vector<16xf32>,
          %swap3A_299 = arith.index_cast %scan3A_293 : i32 to index
          %swap3A_300 = arith.constant 64 : index
          %swap3A_301 = tpu.vector_load %arg13[%swap3A_299, %swap3A_300] {strides = array<i32>} : memref<128x128xf32, #tpu.memory_space<vmem>>, vector<16xf32>,
          tpu.vector_store %arg13[%swap3A_299, %swap3A_300], %unpack3A_296 {strides = array<i32>} : memref<128x128xf32, #tpu.memory_space<vmem>>, vector<16xf32>,
          %get3A_302 = arith.index_cast %scan3A_293 : i32 to index
          %get3A_303 = arith.constant 16 : index
          %get3A_304 = tpu.vector_load %arg12[%get3A_302, %get3A_303] {strides = array<i32>} : memref<128x64xi32, #tpu.memory_space<vmem>>, vector<16xi32>,
          %bitcast3A_305 = vector.bitcast %get3A_304 : vector<16xi32> to vector<32xbf16>
          %unpack3A_306 = tpu.unpack_subelements %bitcast3A_305, 0 {pack_format = #tpu.pack_format<interleaved>} : vector<32xbf16> -> vector<16xf32>
          %unpack3A_307 = tpu.unpack_subelements %bitcast3A_305, 1 {pack_format = #tpu.pack_format<interleaved>} : vector<32xbf16> -> vector<16xf32>
          %swap3A_308 = arith.index_cast %scan3A_293 : i32 to index
          %swap3A_309 = arith.constant 16 : index
          %swap3A_310 = tpu.vector_load %arg13[%swap3A_308, %swap3A_309] {strides = array<i32>} : memref<128x128xf32, #tpu.memory_space<vmem>>, vector<16xf32>,
          tpu.vector_store %arg13[%swap3A_308, %swap3A_309], %unpack3A_306 {strides = array<i32>} : memref<128x128xf32, #tpu.memory_space<vmem>>, vector<16xf32>,
          %swap3A_311 = arith.index_cast %scan3A_293 : i32 to index
          %swap3A_312 = arith.constant 80 : index
          %swap3A_313 = tpu.vector_load %arg13[%swap3A_311, %swap3A_312] {strides = array<i32>} : memref<128x128xf32, #tpu.memory_space<vmem>>, vector<16xf32>,
          tpu.vector_store %arg13[%swap3A_311, %swap3A_312], %unpack3A_307 {strides = array<i32>} : memref<128x128xf32, #tpu.memory_space<vmem>>, vector<16xf32>,
          %get3A_314 = arith.index_cast %scan3A_293 : i32 to index
          %get3A_315 = arith.constant 32 : index
          %get3A_316 = tpu.vector_load %arg12[%get3A_314, %get3A_315] {strides = array<i32>} : memref<128x64xi32, #tpu.memory_space<vmem>>, vector<16xi32>,
          %bitcast3A_317 = vector.bitcast %get3A_316 : vector<16xi32> to vector<32xbf16>
          %unpack3A_318 = tpu.unpack_subelements %bitcast3A_317, 0 {pack_format = #tpu.pack_format<interleaved>} : vector<32xbf16> -> vector<16xf32>
          %unpack3A_319 = tpu.unpack_subelements %bitcast3A_317, 1 {pack_format = #tpu.pack_format<interleaved>} : vector<32xbf16> -> vector<16xf32>
          %swap3A_320 = arith.index_cast %scan3A_293 : i32 to index
          %swap3A_321 = arith.constant 32 : index
          %swap3A_322 = tpu.vector_load %arg13[%swap3A_320, %swap3A_321] {strides = array<i32>} : memref<128x128xf32, #tpu.memory_space<vmem>>, vector<16xf32>,
          tpu.vector_store %arg13[%swap3A_320, %swap3A_321], %unpack3A_318 {strides = array<i32>} : memref<128x128xf32, #tpu.memory_space<vmem>>, vector<16xf32>,
          %swap3A_323 = arith.index_cast %scan3A_293 : i32 to index
          %swap3A_324 = arith.constant 96 : index
          %swap3A_325 = tpu.vector_load %arg13[%swap3A_323, %swap3A_324] {strides = array<i32>} : memref<128x128xf32, #tpu.memory_space<vmem>>, vector<16xf32>,
          tpu.vector_store %arg13[%swap3A_323, %swap3A_324], %unpack3A_319 {strides = array<i32>} : memref<128x128xf32, #tpu.memory_space<vmem>>, vector<16xf32>,
          %get3A_326 = arith.index_cast %scan3A_293 : i32 to index
          %get3A_327 = arith.constant 48 : index
          %get3A_328 = tpu.vector_load %arg12[%get3A_326, %get3A_327] {strides = array<i32>} : memref<128x64xi32, #tpu.memory_space<vmem>>, vector<16xi32>,
          %bitcast3A_329 = vector.bitcast %get3A_328 : vector<16xi32> to vector<32xbf16>
          %unpack3A_330 = tpu.unpack_subelements %bitcast3A_329, 0 {pack_format = #tpu.pack_format<interleaved>} : vector<32xbf16> -> vector<16xf32>
          %unpack3A_331 = tpu.unpack_subelements %bitcast3A_329, 1 {pack_format = #tpu.pack_format<interleaved>} : vector<32xbf16> -> vector<16xf32>
          %swap3A_332 = arith.index_cast %scan3A_293 : i32 to index
          %swap3A_333 = arith.constant 48 : index
          %swap3A_334 = tpu.vector_load %arg13[%swap3A_332, %swap3A_333] {strides = array<i32>} : memref<128x128xf32, #tpu.memory_space<vmem>>, vector<16xf32>,
          tpu.vector_store %arg13[%swap3A_332, %swap3A_333], %unpack3A_330 {strides = array<i32>} : memref<128x128xf32, #tpu.memory_space<vmem>>, vector<16xf32>,
          %swap3A_335 = arith.index_cast %scan3A_293 : i32 to index
          %swap3A_336 = arith.constant 112 : index
          %swap3A_337 = tpu.vector_load %arg13[%swap3A_335, %swap3A_336] {strides = array<i32>} : memref<128x128xf32, #tpu.memory_space<vmem>>, vector<16xf32>,
          tpu.vector_store %arg13[%swap3A_335, %swap3A_336], %unpack3A_331 {strides = array<i32>} : memref<128x128xf32, #tpu.memory_space<vmem>>, vector<16xf32>,
        }
        %scan3A_81 = arith.constant 128 : i32
        %dma_start3A_82 = arith.constant 1 : i32
        %dma_start3A_83 = arith.constant 0 : i32
        %dma_start3A_84 = tpu.memref_slice %arg10[%dma_start3A_82, %dma_start3A_83] : memref<8x128xi32, #tpu.memory_space<vmem>> -> memref<1x128xi32, #tpu.memory_space<vmem>>
        %dma_start3A_85 = tpu.memref_squeeze %dma_start3A_84 : memref<1x128xi32, #tpu.memory_space<vmem>> -> memref<128xi32, #tpu.memory_space<vmem>>
        %dma_start3A_86 = arith.constant 0 : i32
        %dma_start3A_87 = arith.constant 0 : i32
        %dma_start3A_88 = tpu.memref_slice %arg14[%dma_start3A_86, %dma_start3A_87] : memref<10112x128xf32, #tpu.memory_space<vmem_shared>> -> memref<10112x128xf32, #tpu.memory_space<vmem_shared>>
        tpu.enqueue_indirect_dma source(%arg13 : memref<128x128xf32, #tpu.memory_space<vmem>>) target(%dma_start3A_88 : memref<10112x128xf32, #tpu.memory_space<vmem_shared>>) offsets(%dma_start3A_85 : memref<128xi32, #tpu.memory_space<vmem>>) semaphore(%arg16 : memref<!tpu.dma_semaphore, #tpu.memory_space<semaphore_mem>>) {add = true}
        %dma_wait3A_89 = arith.constant 2 : i32
        %dma_wait3A_90 = arith.constant 0 : i32
        %dma_wait3A_91 = tpu.memref_slice %arg9[%dma_wait3A_89, %dma_wait3A_90] : memref<8x128xi32, #tpu.memory_space<vmem>> -> memref<1x128xi32, #tpu.memory_space<vmem>>
        %dma_wait3A_92 = tpu.memref_squeeze %dma_wait3A_91 : memref<1x128xi32, #tpu.memory_space<vmem>> -> memref<128xi32, #tpu.memory_space<vmem>>
        %dma_wait3A_93 = arith.constant 0 : i32
        %dma_wait3A_94 = arith.constant 0 : i32
        %dma_wait3A_95 = tpu.memref_slice %arg2[%dma_wait3A_93, %dma_wait3A_94] : memref<10000x64xi32, #tpu.memory_space<hbm>> -> memref<10000x64xi32, #tpu.memory_space<hbm>>
        tpu.wait_indirect_dma semaphore(%arg15 : memref<!tpu.dma_semaphore, #tpu.memory_space<semaphore_mem>>) src(%dma_wait3A_95 : memref<10000x64xi32, #tpu.memory_space<hbm>>) dst(%arg11 : memref<128x64xi32, #tpu.memory_space<vmem>>)
        %dma_start3A_96 = arith.constant 3 : i32
        %dma_start3A_97 = arith.constant 0 : i32
        %dma_start3A_98 = tpu.memref_slice %arg9[%dma_start3A_96, %dma_start3A_97] : memref<8x128xi32, #tpu.memory_space<vmem>> -> memref<1x128xi32, #tpu.memory_space<vmem>>
        %dma_start3A_99 = tpu.memref_squeeze %dma_start3A_98 : memref<1x128xi32, #tpu.memory_space<vmem>> -> memref<128xi32, #tpu.memory_space<vmem>>
        %dma_start3A_100 = arith.constant 0 : i32
        %dma_start3A_101 = arith.constant 0 : i32
        %dma_start3A_102 = tpu.memref_slice %arg2[%dma_start3A_100, %dma_start3A_101] : memref<10000x64xi32, #tpu.memory_space<hbm>> -> memref<10000x64xi32, #tpu.memory_space<hbm>>
        tpu.enqueue_indirect_dma source(%dma_start3A_102 : memref<10000x64xi32, #tpu.memory_space<hbm>>) target(%arg12 : memref<128x64xi32, #tpu.memory_space<vmem>>) offsets(%dma_start3A_99 : memref<128xi32, #tpu.memory_space<vmem>>) semaphore(%arg15 : memref<!tpu.dma_semaphore, #tpu.memory_space<semaphore_mem>>)
        %dma_wait3A_103 = arith.constant 1 : i32
        %dma_wait3A_104 = arith.constant 0 : i32
        %dma_wait3A_105 = tpu.memref_slice %arg10[%dma_wait3A_103, %dma_wait3A_104] : memref<8x128xi32, #tpu.memory_space<vmem>> -> memref<1x128xi32, #tpu.memory_space<vmem>>
        %dma_wait3A_106 = tpu.memref_squeeze %dma_wait3A_105 : memref<1x128xi32, #tpu.memory_space<vmem>> -> memref<128xi32, #tpu.memory_space<vmem>>
        %dma_wait3A_107 = arith.constant 0 : i32
        %dma_wait3A_108 = arith.constant 0 : i32
        %dma_wait3A_109 = tpu.memref_slice %arg14[%dma_wait3A_107, %dma_wait3A_108] : memref<10112x128xf32, #tpu.memory_space<vmem_shared>> -> memref<10112x128xf32, #tpu.memory_space<vmem_shared>>
        tpu.wait_indirect_dma semaphore(%arg16 : memref<!tpu.dma_semaphore, #tpu.memory_space<semaphore_mem>>) src(%arg13 : memref<128x128xf32, #tpu.memory_space<vmem>>) dst(%dma_wait3A_109 : memref<10112x128xf32, #tpu.memory_space<vmem_shared>>)
        %scan3A_110 = arith.constant 0 : i32
        %scan3A_111 = arith.constant 0 : i32
        %scan3A_112 = arith.constant 128 : i32
        %scan3A_113 = arith.addi %scan3A_111, %scan3A_112 : i32
        %scan3A_114 = arith.constant 1 : i32
        scf.for %scan3A_293 = %scan3A_111 to %scan3A_113 step %scan3A_114  : i32 {
          %get3A = arith.index_cast %scan3A_293 : i32 to index
          %get3A_294 = arith.constant 0 : index
          %get3A_295 = tpu.vector_load %arg11[%get3A, %get3A_294] {strides = array<i32>} : memref<128x64xi32, #tpu.memory_space<vmem>>, vector<16xi32>,
          %bitcast3A = vector.bitcast %get3A_295 : vector<16xi32> to vector<32xbf16>
          %unpack3A = tpu.unpack_subelements %bitcast3A, 0 {pack_format = #tpu.pack_format<interleaved>} : vector<32xbf16> -> vector<16xf32>
          %unpack3A_296 = tpu.unpack_subelements %bitcast3A, 1 {pack_format = #tpu.pack_format<interleaved>} : vector<32xbf16> -> vector<16xf32>
          %swap3A = arith.index_cast %scan3A_293 : i32 to index
          %swap3A_297 = arith.constant 0 : index
          %swap3A_298 = tpu.vector_load %arg13[%swap3A, %swap3A_297] {strides = array<i32>} : memref<128x128xf32, #tpu.memory_space<vmem>>, vector<16xf32>,
          tpu.vector_store %arg13[%swap3A, %swap3A_297], %unpack3A {strides = array<i32>} : memref<128x128xf32, #tpu.memory_space<vmem>>, vector<16xf32>,
          %swap3A_299 = arith.index_cast %scan3A_293 : i32 to index
          %swap3A_300 = arith.constant 64 : index
          %swap3A_301 = tpu.vector_load %arg13[%swap3A_299, %swap3A_300] {strides = array<i32>} : memref<128x128xf32, #tpu.memory_space<vmem>>, vector<16xf32>,
          tpu.vector_store %arg13[%swap3A_299, %swap3A_300], %unpack3A_296 {strides = array<i32>} : memref<128x128xf32, #tpu.memory_space<vmem>>, vector<16xf32>,
          %get3A_302 = arith.index_cast %scan3A_293 : i32 to index
          %get3A_303 = arith.constant 16 : index
          %get3A_304 = tpu.vector_load %arg11[%get3A_302, %get3A_303] {strides = array<i32>} : memref<128x64xi32, #tpu.memory_space<vmem>>, vector<16xi32>,
          %bitcast3A_305 = vector.bitcast %get3A_304 : vector<16xi32> to vector<32xbf16>
          %unpack3A_306 = tpu.unpack_subelements %bitcast3A_305, 0 {pack_format = #tpu.pack_format<interleaved>} : vector<32xbf16> -> vector<16xf32>
          %unpack3A_307 = tpu.unpack_subelements %bitcast3A_305, 1 {pack_format = #tpu.pack_format<interleaved>} : vector<32xbf16> -> vector<16xf32>
          %swap3A_308 = arith.index_cast %scan3A_293 : i32 to index
          %swap3A_309 = arith.constant 16 : index
          %swap3A_310 = tpu.vector_load %arg13[%swap3A_308, %swap3A_309] {strides = array<i32>} : memref<128x128xf32, #tpu.memory_space<vmem>>, vector<16xf32>,
          tpu.vector_store %arg13[%swap3A_308, %swap3A_309], %unpack3A_306 {strides = array<i32>} : memref<128x128xf32, #tpu.memory_space<vmem>>, vector<16xf32>,
          %swap3A_311 = arith.index_cast %scan3A_293 : i32 to index
          %swap3A_312 = arith.constant 80 : index
          %swap3A_313 = tpu.vector_load %arg13[%swap3A_311, %swap3A_312] {strides = array<i32>} : memref<128x128xf32, #tpu.memory_space<vmem>>, vector<16xf32>,
          tpu.vector_store %arg13[%swap3A_311, %swap3A_312], %unpack3A_307 {strides = array<i32>} : memref<128x128xf32, #tpu.memory_space<vmem>>, vector<16xf32>,
          %get3A_314 = arith.index_cast %scan3A_293 : i32 to index
          %get3A_315 = arith.constant 32 : index
          %get3A_316 = tpu.vector_load %arg11[%get3A_314, %get3A_315] {strides = array<i32>} : memref<128x64xi32, #tpu.memory_space<vmem>>, vector<16xi32>,
          %bitcast3A_317 = vector.bitcast %get3A_316 : vector<16xi32> to vector<32xbf16>
          %unpack3A_318 = tpu.unpack_subelements %bitcast3A_317, 0 {pack_format = #tpu.pack_format<interleaved>} : vector<32xbf16> -> vector<16xf32>
          %unpack3A_319 = tpu.unpack_subelements %bitcast3A_317, 1 {pack_format = #tpu.pack_format<interleaved>} : vector<32xbf16> -> vector<16xf32>
          %swap3A_320 = arith.index_cast %scan3A_293 : i32 to index
          %swap3A_321 = arith.constant 32 : index
          %swap3A_322 = tpu.vector_load %arg13[%swap3A_320, %swap3A_321] {strides = array<i32>} : memref<128x128xf32, #tpu.memory_space<vmem>>, vector<16xf32>,
          tpu.vector_store %arg13[%swap3A_320, %swap3A_321], %unpack3A_318 {strides = array<i32>} : memref<128x128xf32, #tpu.memory_space<vmem>>, vector<16xf32>,
          %swap3A_323 = arith.index_cast %scan3A_293 : i32 to index
          %swap3A_324 = arith.constant 96 : index
          %swap3A_325 = tpu.vector_load %arg13[%swap3A_323, %swap3A_324] {strides = array<i32>} : memref<128x128xf32, #tpu.memory_space<vmem>>, vector<16xf32>,
          tpu.vector_store %arg13[%swap3A_323, %swap3A_324], %unpack3A_319 {strides = array<i32>} : memref<128x128xf32, #tpu.memory_space<vmem>>, vector<16xf32>,
          %get3A_326 = arith.index_cast %scan3A_293 : i32 to index
          %get3A_327 = arith.constant 48 : index
          %get3A_328 = tpu.vector_load %arg11[%get3A_326, %get3A_327] {strides = array<i32>} : memref<128x64xi32, #tpu.memory_space<vmem>>, vector<16xi32>,
          %bitcast3A_329 = vector.bitcast %get3A_328 : vector<16xi32> to vector<32xbf16>
          %unpack3A_330 = tpu.unpack_subelements %bitcast3A_329, 0 {pack_format = #tpu.pack_format<interleaved>} : vector<32xbf16> -> vector<16xf32>
          %unpack3A_331 = tpu.unpack_subelements %bitcast3A_329, 1 {pack_format = #tpu.pack_format<interleaved>} : vector<32xbf16> -> vector<16xf32>
          %swap3A_332 = arith.index_cast %scan3A_293 : i32 to index
          %swap3A_333 = arith.constant 48 : index
          %swap3A_334 = tpu.vector_load %arg13[%swap3A_332, %swap3A_333] {strides = array<i32>} : memref<128x128xf32, #tpu.memory_space<vmem>>, vector<16xf32>,
          tpu.vector_store %arg13[%swap3A_332, %swap3A_333], %unpack3A_330 {strides = array<i32>} : memref<128x128xf32, #tpu.memory_space<vmem>>, vector<16xf32>,
          %swap3A_335 = arith.index_cast %scan3A_293 : i32 to index
          %swap3A_336 = arith.constant 112 : index
          %swap3A_337 = tpu.vector_load %arg13[%swap3A_335, %swap3A_336] {strides = array<i32>} : memref<128x128xf32, #tpu.memory_space<vmem>>, vector<16xf32>,
          tpu.vector_store %arg13[%swap3A_335, %swap3A_336], %unpack3A_331 {strides = array<i32>} : memref<128x128xf32, #tpu.memory_space<vmem>>, vector<16xf32>,
        }
        %scan3A_115 = arith.constant 128 : i32
        %dma_start3A_116 = arith.constant 2 : i32
        %dma_start3A_117 = arith.constant 0 : i32
        %dma_start3A_118 = tpu.memref_slice %arg10[%dma_start3A_116, %dma_start3A_117] : memref<8x128xi32, #tpu.memory_space<vmem>> -> memref<1x128xi32, #tpu.memory_space<vmem>>
        %dma_start3A_119 = tpu.memref_squeeze %dma_start3A_118 : memref<1x128xi32, #tpu.memory_space<vmem>> -> memref<128xi32, #tpu.memory_space<vmem>>
        %dma_start3A_120 = arith.constant 0 : i32
        %dma_start3A_121 = arith.constant 0 : i32
        %dma_start3A_122 = tpu.memref_slice %arg14[%dma_start3A_120, %dma_start3A_121] : memref<10112x128xf32, #tpu.memory_space<vmem_shared>> -> memref<10112x128xf32, #tpu.memory_space<vmem_shared>>
        tpu.enqueue_indirect_dma source(%arg13 : memref<128x128xf32, #tpu.memory_space<vmem>>) target(%dma_start3A_122 : memref<10112x128xf32, #tpu.memory_space<vmem_shared>>) offsets(%dma_start3A_119 : memref<128xi32, #tpu.memory_space<vmem>>) semaphore(%arg16 : memref<!tpu.dma_semaphore, #tpu.memory_space<semaphore_mem>>) {add = true}
        %dma_wait3A_123 = arith.constant 3 : i32
        %dma_wait3A_124 = arith.constant 0 : i32
        %dma_wait3A_125 = tpu.memref_slice %arg9[%dma_wait3A_123, %dma_wait3A_124] : memref<8x128xi32, #tpu.memory_space<vmem>> -> memref<1x128xi32, #tpu.memory_space<vmem>>
        %dma_wait3A_126 = tpu.memref_squeeze %dma_wait3A_125 : memref<1x128xi32, #tpu.memory_space<vmem>> -> memref<128xi32, #tpu.memory_space<vmem>>
        %dma_wait3A_127 = arith.constant 0 : i32
        %dma_wait3A_128 = arith.constant 0 : i32
        %dma_wait3A_129 = tpu.memref_slice %arg2[%dma_wait3A_127, %dma_wait3A_128] : memref<10000x64xi32, #tpu.memory_space<hbm>> -> memref<10000x64xi32, #tpu.memory_space<hbm>>
        tpu.wait_indirect_dma semaphore(%arg15 : memref<!tpu.dma_semaphore, #tpu.memory_space<semaphore_mem>>) src(%dma_wait3A_129 : memref<10000x64xi32, #tpu.memory_space<hbm>>) dst(%arg12 : memref<128x64xi32, #tpu.memory_space<vmem>>)
        %dma_start3A_130 = arith.constant 4 : i32
        %dma_start3A_131 = arith.constant 0 : i32
        %dma_start3A_132 = tpu.memref_slice %arg9[%dma_start3A_130, %dma_start3A_131] : memref<8x128xi32, #tpu.memory_space<vmem>> -> memref<1x128xi32, #tpu.memory_space<vmem>>
        %dma_start3A_133 = tpu.memref_squeeze %dma_start3A_132 : memref<1x128xi32, #tpu.memory_space<vmem>> -> memref<128xi32, #tpu.memory_space<vmem>>
        %dma_start3A_134 = arith.constant 0 : i32
        %dma_start3A_135 = arith.constant 0 : i32
        %dma_start3A_136 = tpu.memref_slice %arg2[%dma_start3A_134, %dma_start3A_135] : memref<10000x64xi32, #tpu.memory_space<hbm>> -> memref<10000x64xi32, #tpu.memory_space<hbm>>
        tpu.enqueue_indirect_dma source(%dma_start3A_136 : memref<10000x64xi32, #tpu.memory_space<hbm>>) target(%arg11 : memref<128x64xi32, #tpu.memory_space<vmem>>) offsets(%dma_start3A_133 : memref<128xi32, #tpu.memory_space<vmem>>) semaphore(%arg15 : memref<!tpu.dma_semaphore, #tpu.memory_space<semaphore_mem>>)
        %dma_wait3A_137 = arith.constant 2 : i32
        %dma_wait3A_138 = arith.constant 0 : i32
        %dma_wait3A_139 = tpu.memref_slice %arg10[%dma_wait3A_137, %dma_wait3A_138] : memref<8x128xi32, #tpu.memory_space<vmem>> -> memref<1x128xi32, #tpu.memory_space<vmem>>
        %dma_wait3A_140 = tpu.memref_squeeze %dma_wait3A_139 : memref<1x128xi32, #tpu.memory_space<vmem>> -> memref<128xi32, #tpu.memory_space<vmem>>
        %dma_wait3A_141 = arith.constant 0 : i32
        %dma_wait3A_142 = arith.constant 0 : i32
        %dma_wait3A_143 = tpu.memref_slice %arg14[%dma_wait3A_141, %dma_wait3A_142] : memref<10112x128xf32, #tpu.memory_space<vmem_shared>> -> memref<10112x128xf32, #tpu.memory_space<vmem_shared>>
        tpu.wait_indirect_dma semaphore(%arg16 : memref<!tpu.dma_semaphore, #tpu.memory_space<semaphore_mem>>) src(%arg13 : memref<128x128xf32, #tpu.memory_space<vmem>>) dst(%dma_wait3A_143 : memref<10112x128xf32, #tpu.memory_space<vmem_shared>>)
        %scan3A_144 = arith.constant 0 : i32
        %scan3A_145 = arith.constant 0 : i32
        %scan3A_146 = arith.constant 128 : i32
        %scan3A_147 = arith.addi %scan3A_145, %scan3A_146 : i32
        %scan3A_148 = arith.constant 1 : i32
        scf.for %scan3A_293 = %scan3A_145 to %scan3A_147 step %scan3A_148  : i32 {
          %get3A = arith.index_cast %scan3A_293 : i32 to index
          %get3A_294 = arith.constant 0 : index
          %get3A_295 = tpu.vector_load %arg12[%get3A, %get3A_294] {strides = array<i32>} : memref<128x64xi32, #tpu.memory_space<vmem>>, vector<16xi32>,
          %bitcast3A = vector.bitcast %get3A_295 : vector<16xi32> to vector<32xbf16>
          %unpack3A = tpu.unpack_subelements %bitcast3A, 0 {pack_format = #tpu.pack_format<interleaved>} : vector<32xbf16> -> vector<16xf32>
          %unpack3A_296 = tpu.unpack_subelements %bitcast3A, 1 {pack_format = #tpu.pack_format<interleaved>} : vector<32xbf16> -> vector<16xf32>
          %swap3A = arith.index_cast %scan3A_293 : i32 to index
          %swap3A_297 = arith.constant 0 : index
          %swap3A_298 = tpu.vector_load %arg13[%swap3A, %swap3A_297] {strides = array<i32>} : memref<128x128xf32, #tpu.memory_space<vmem>>, vector<16xf32>,
          tpu.vector_store %arg13[%swap3A, %swap3A_297], %unpack3A {strides = array<i32>} : memref<128x128xf32, #tpu.memory_space<vmem>>, vector<16xf32>,
          %swap3A_299 = arith.index_cast %scan3A_293 : i32 to index
          %swap3A_300 = arith.constant 64 : index
          %swap3A_301 = tpu.vector_load %arg13[%swap3A_299, %swap3A_300] {strides = array<i32>} : memref<128x128xf32, #tpu.memory_space<vmem>>, vector<16xf32>,
          tpu.vector_store %arg13[%swap3A_299, %swap3A_300], %unpack3A_296 {strides = array<i32>} : memref<128x128xf32, #tpu.memory_space<vmem>>, vector<16xf32>,
          %get3A_302 = arith.index_cast %scan3A_293 : i32 to index
          %get3A_303 = arith.constant 16 : index
          %get3A_304 = tpu.vector_load %arg12[%get3A_302, %get3A_303] {strides = array<i32>} : memref<128x64xi32, #tpu.memory_space<vmem>>, vector<16xi32>,
          %bitcast3A_305 = vector.bitcast %get3A_304 : vector<16xi32> to vector<32xbf16>
          %unpack3A_306 = tpu.unpack_subelements %bitcast3A_305, 0 {pack_format = #tpu.pack_format<interleaved>} : vector<32xbf16> -> vector<16xf32>
          %unpack3A_307 = tpu.unpack_subelements %bitcast3A_305, 1 {pack_format = #tpu.pack_format<interleaved>} : vector<32xbf16> -> vector<16xf32>
          %swap3A_308 = arith.index_cast %scan3A_293 : i32 to index
          %swap3A_309 = arith.constant 16 : index
          %swap3A_310 = tpu.vector_load %arg13[%swap3A_308, %swap3A_309] {strides = array<i32>} : memref<128x128xf32, #tpu.memory_space<vmem>>, vector<16xf32>,
          tpu.vector_store %arg13[%swap3A_308, %swap3A_309], %unpack3A_306 {strides = array<i32>} : memref<128x128xf32, #tpu.memory_space<vmem>>, vector<16xf32>,
          %swap3A_311 = arith.index_cast %scan3A_293 : i32 to index
          %swap3A_312 = arith.constant 80 : index
          %swap3A_313 = tpu.vector_load %arg13[%swap3A_311, %swap3A_312] {strides = array<i32>} : memref<128x128xf32, #tpu.memory_space<vmem>>, vector<16xf32>,
          tpu.vector_store %arg13[%swap3A_311, %swap3A_312], %unpack3A_307 {strides = array<i32>} : memref<128x128xf32, #tpu.memory_space<vmem>>, vector<16xf32>,
          %get3A_314 = arith.index_cast %scan3A_293 : i32 to index
          %get3A_315 = arith.constant 32 : index
          %get3A_316 = tpu.vector_load %arg12[%get3A_314, %get3A_315] {strides = array<i32>} : memref<128x64xi32, #tpu.memory_space<vmem>>, vector<16xi32>,
          %bitcast3A_317 = vector.bitcast %get3A_316 : vector<16xi32> to vector<32xbf16>
          %unpack3A_318 = tpu.unpack_subelements %bitcast3A_317, 0 {pack_format = #tpu.pack_format<interleaved>} : vector<32xbf16> -> vector<16xf32>
          %unpack3A_319 = tpu.unpack_subelements %bitcast3A_317, 1 {pack_format = #tpu.pack_format<interleaved>} : vector<32xbf16> -> vector<16xf32>
          %swap3A_320 = arith.index_cast %scan3A_293 : i32 to index
          %swap3A_321 = arith.constant 32 : index
          %swap3A_322 = tpu.vector_load %arg13[%swap3A_320, %swap3A_321] {strides = array<i32>} : memref<128x128xf32, #tpu.memory_space<vmem>>, vector<16xf32>,
          tpu.vector_store %arg13[%swap3A_320, %swap3A_321], %unpack3A_318 {strides = array<i32>} : memref<128x128xf32, #tpu.memory_space<vmem>>, vector<16xf32>,
          %swap3A_323 = arith.index_cast %scan3A_293 : i32 to index
          %swap3A_324 = arith.constant 96 : index
          %swap3A_325 = tpu.vector_load %arg13[%swap3A_323, %swap3A_324] {strides = array<i32>} : memref<128x128xf32, #tpu.memory_space<vmem>>, vector<16xf32>,
          tpu.vector_store %arg13[%swap3A_323, %swap3A_324], %unpack3A_319 {strides = array<i32>} : memref<128x128xf32, #tpu.memory_space<vmem>>, vector<16xf32>,
          %get3A_326 = arith.index_cast %scan3A_293 : i32 to index
          %get3A_327 = arith.constant 48 : index
          %get3A_328 = tpu.vector_load %arg12[%get3A_326, %get3A_327] {strides = array<i32>} : memref<128x64xi32, #tpu.memory_space<vmem>>, vector<16xi32>,
          %bitcast3A_329 = vector.bitcast %get3A_328 : vector<16xi32> to vector<32xbf16>
          %unpack3A_330 = tpu.unpack_subelements %bitcast3A_329, 0 {pack_format = #tpu.pack_format<interleaved>} : vector<32xbf16> -> vector<16xf32>
          %unpack3A_331 = tpu.unpack_subelements %bitcast3A_329, 1 {pack_format = #tpu.pack_format<interleaved>} : vector<32xbf16> -> vector<16xf32>
          %swap3A_332 = arith.index_cast %scan3A_293 : i32 to index
          %swap3A_333 = arith.constant 48 : index
          %swap3A_334 = tpu.vector_load %arg13[%swap3A_332, %swap3A_333] {strides = array<i32>} : memref<128x128xf32, #tpu.memory_space<vmem>>, vector<16xf32>,
          tpu.vector_store %arg13[%swap3A_332, %swap3A_333], %unpack3A_330 {strides = array<i32>} : memref<128x128xf32, #tpu.memory_space<vmem>>, vector<16xf32>,
          %swap3A_335 = arith.index_cast %scan3A_293 : i32 to index
          %swap3A_336 = arith.constant 112 : index
          %swap3A_337 = tpu.vector_load %arg13[%swap3A_335, %swap3A_336] {strides = array<i32>} : memref<128x128xf32, #tpu.memory_space<vmem>>, vector<16xf32>,
          tpu.vector_store %arg13[%swap3A_335, %swap3A_336], %unpack3A_331 {strides = array<i32>} : memref<128x128xf32, #tpu.memory_space<vmem>>, vector<16xf32>,
        }
        %scan3A_149 = arith.constant 128 : i32
        %dma_start3A_150 = arith.constant 3 : i32
        %dma_start3A_151 = arith.constant 0 : i32
        %dma_start3A_152 = tpu.memref_slice %arg10[%dma_start3A_150, %dma_start3A_151] : memref<8x128xi32, #tpu.memory_space<vmem>> -> memref<1x128xi32, #tpu.memory_space<vmem>>
        %dma_start3A_153 = tpu.memref_squeeze %dma_start3A_152 : memref<1x128xi32, #tpu.memory_space<vmem>> -> memref<128xi32, #tpu.memory_space<vmem>>
        %dma_start3A_154 = arith.constant 0 : i32
        %dma_start3A_155 = arith.constant 0 : i32
        %dma_start3A_156 = tpu.memref_slice %arg14[%dma_start3A_154, %dma_start3A_155] : memref<10112x128xf32, #tpu.memory_space<vmem_shared>> -> memref<10112x128xf32, #tpu.memory_space<vmem_shared>>
        tpu.enqueue_indirect_dma source(%arg13 : memref<128x128xf32, #tpu.memory_space<vmem>>) target(%dma_start3A_156 : memref<10112x128xf32, #tpu.memory_space<vmem_shared>>) offsets(%dma_start3A_153 : memref<128xi32, #tpu.memory_space<vmem>>) semaphore(%arg16 : memref<!tpu.dma_semaphore, #tpu.memory_space<semaphore_mem>>) {add = true}
        %dma_wait3A_157 = arith.constant 4 : i32
        %dma_wait3A_158 = arith.constant 0 : i32
        %dma_wait3A_159 = tpu.memref_slice %arg9[%dma_wait3A_157, %dma_wait3A_158] : memref<8x128xi32, #tpu.memory_space<vmem>> -> memref<1x128xi32, #tpu.memory_space<vmem>>
        %dma_wait3A_160 = tpu.memref_squeeze %dma_wait3A_159 : memref<1x128xi32, #tpu.memory_space<vmem>> -> memref<128xi32, #tpu.memory_space<vmem>>
        %dma_wait3A_161 = arith.constant 0 : i32
        %dma_wait3A_162 = arith.constant 0 : i32
        %dma_wait3A_163 = tpu.memref_slice %arg2[%dma_wait3A_161, %dma_wait3A_162] : memref<10000x64xi32, #tpu.memory_space<hbm>> -> memref<10000x64xi32, #tpu.memory_space<hbm>>
        tpu.wait_indirect_dma semaphore(%arg15 : memref<!tpu.dma_semaphore, #tpu.memory_space<semaphore_mem>>) src(%dma_wait3A_163 : memref<10000x64xi32, #tpu.memory_space<hbm>>) dst(%arg11 : memref<128x64xi32, #tpu.memory_space<vmem>>)
        %dma_start3A_164 = arith.constant 5 : i32
        %dma_start3A_165 = arith.constant 0 : i32
        %dma_start3A_166 = tpu.memref_slice %arg9[%dma_start3A_164, %dma_start3A_165] : memref<8x128xi32, #tpu.memory_space<vmem>> -> memref<1x128xi32, #tpu.memory_space<vmem>>
        %dma_start3A_167 = tpu.memref_squeeze %dma_start3A_166 : memref<1x128xi32, #tpu.memory_space<vmem>> -> memref<128xi32, #tpu.memory_space<vmem>>
        %dma_start3A_168 = arith.constant 0 : i32
        %dma_start3A_169 = arith.constant 0 : i32
        %dma_start3A_170 = tpu.memref_slice %arg2[%dma_start3A_168, %dma_start3A_169] : memref<10000x64xi32, #tpu.memory_space<hbm>> -> memref<10000x64xi32, #tpu.memory_space<hbm>>
        tpu.enqueue_indirect_dma source(%dma_start3A_170 : memref<10000x64xi32, #tpu.memory_space<hbm>>) target(%arg12 : memref<128x64xi32, #tpu.memory_space<vmem>>) offsets(%dma_start3A_167 : memref<128xi32, #tpu.memory_space<vmem>>) semaphore(%arg15 : memref<!tpu.dma_semaphore, #tpu.memory_space<semaphore_mem>>)
        %dma_wait3A_171 = arith.constant 3 : i32
        %dma_wait3A_172 = arith.constant 0 : i32
        %dma_wait3A_173 = tpu.memref_slice %arg10[%dma_wait3A_171, %dma_wait3A_172] : memref<8x128xi32, #tpu.memory_space<vmem>> -> memref<1x128xi32, #tpu.memory_space<vmem>>
        %dma_wait3A_174 = tpu.memref_squeeze %dma_wait3A_173 : memref<1x128xi32, #tpu.memory_space<vmem>> -> memref<128xi32, #tpu.memory_space<vmem>>
        %dma_wait3A_175 = arith.constant 0 : i32
        %dma_wait3A_176 = arith.constant 0 : i32
        %dma_wait3A_177 = tpu.memref_slice %arg14[%dma_wait3A_175, %dma_wait3A_176] : memref<10112x128xf32, #tpu.memory_space<vmem_shared>> -> memref<10112x128xf32, #tpu.memory_space<vmem_shared>>
        tpu.wait_indirect_dma semaphore(%arg16 : memref<!tpu.dma_semaphore, #tpu.memory_space<semaphore_mem>>) src(%arg13 : memref<128x128xf32, #tpu.memory_space<vmem>>) dst(%dma_wait3A_177 : memref<10112x128xf32, #tpu.memory_space<vmem_shared>>)
        %scan3A_178 = arith.constant 0 : i32
        %scan3A_179 = arith.constant 0 : i32
        %scan3A_180 = arith.constant 128 : i32
        %scan3A_181 = arith.addi %scan3A_179, %scan3A_180 : i32
        %scan3A_182 = arith.constant 1 : i32
        scf.for %scan3A_293 = %scan3A_179 to %scan3A_181 step %scan3A_182  : i32 {
          %get3A = arith.index_cast %scan3A_293 : i32 to index
          %get3A_294 = arith.constant 0 : index
          %get3A_295 = tpu.vector_load %arg11[%get3A, %get3A_294] {strides = array<i32>} : memref<128x64xi32, #tpu.memory_space<vmem>>, vector<16xi32>,
          %bitcast3A = vector.bitcast %get3A_295 : vector<16xi32> to vector<32xbf16>
          %unpack3A = tpu.unpack_subelements %bitcast3A, 0 {pack_format = #tpu.pack_format<interleaved>} : vector<32xbf16> -> vector<16xf32>
          %unpack3A_296 = tpu.unpack_subelements %bitcast3A, 1 {pack_format = #tpu.pack_format<interleaved>} : vector<32xbf16> -> vector<16xf32>
          %swap3A = arith.index_cast %scan3A_293 : i32 to index
          %swap3A_297 = arith.constant 0 : index
          %swap3A_298 = tpu.vector_load %arg13[%swap3A, %swap3A_297] {strides = array<i32>} : memref<128x128xf32, #tpu.memory_space<vmem>>, vector<16xf32>,
          tpu.vector_store %arg13[%swap3A, %swap3A_297], %unpack3A {strides = array<i32>} : memref<128x128xf32, #tpu.memory_space<vmem>>, vector<16xf32>,
          %swap3A_299 = arith.index_cast %scan3A_293 : i32 to index
          %swap3A_300 = arith.constant 64 : index
          %swap3A_301 = tpu.vector_load %arg13[%swap3A_299, %swap3A_300] {strides = array<i32>} : memref<128x128xf32, #tpu.memory_space<vmem>>, vector<16xf32>,
          tpu.vector_store %arg13[%swap3A_299, %swap3A_300], %unpack3A_296 {strides = array<i32>} : memref<128x128xf32, #tpu.memory_space<vmem>>, vector<16xf32>,
          %get3A_302 = arith.index_cast %scan3A_293 : i32 to index
          %get3A_303 = arith.constant 16 : index
          %get3A_304 = tpu.vector_load %arg11[%get3A_302, %get3A_303] {strides = array<i32>} : memref<128x64xi32, #tpu.memory_space<vmem>>, vector<16xi32>,
          %bitcast3A_305 = vector.bitcast %get3A_304 : vector<16xi32> to vector<32xbf16>
          %unpack3A_306 = tpu.unpack_subelements %bitcast3A_305, 0 {pack_format = #tpu.pack_format<interleaved>} : vector<32xbf16> -> vector<16xf32>
          %unpack3A_307 = tpu.unpack_subelements %bitcast3A_305, 1 {pack_format = #tpu.pack_format<interleaved>} : vector<32xbf16> -> vector<16xf32>
          %swap3A_308 = arith.index_cast %scan3A_293 : i32 to index
          %swap3A_309 = arith.constant 16 : index
          %swap3A_310 = tpu.vector_load %arg13[%swap3A_308, %swap3A_309] {strides = array<i32>} : memref<128x128xf32, #tpu.memory_space<vmem>>, vector<16xf32>,
          tpu.vector_store %arg13[%swap3A_308, %swap3A_309], %unpack3A_306 {strides = array<i32>} : memref<128x128xf32, #tpu.memory_space<vmem>>, vector<16xf32>,
          %swap3A_311 = arith.index_cast %scan3A_293 : i32 to index
          %swap3A_312 = arith.constant 80 : index
          %swap3A_313 = tpu.vector_load %arg13[%swap3A_311, %swap3A_312] {strides = array<i32>} : memref<128x128xf32, #tpu.memory_space<vmem>>, vector<16xf32>,
          tpu.vector_store %arg13[%swap3A_311, %swap3A_312], %unpack3A_307 {strides = array<i32>} : memref<128x128xf32, #tpu.memory_space<vmem>>, vector<16xf32>,
          %get3A_314 = arith.index_cast %scan3A_293 : i32 to index
          %get3A_315 = arith.constant 32 : index
          %get3A_316 = tpu.vector_load %arg11[%get3A_314, %get3A_315] {strides = array<i32>} : memref<128x64xi32, #tpu.memory_space<vmem>>, vector<16xi32>,
          %bitcast3A_317 = vector.bitcast %get3A_316 : vector<16xi32> to vector<32xbf16>
          %unpack3A_318 = tpu.unpack_subelements %bitcast3A_317, 0 {pack_format = #tpu.pack_format<interleaved>} : vector<32xbf16> -> vector<16xf32>
          %unpack3A_319 = tpu.unpack_subelements %bitcast3A_317, 1 {pack_format = #tpu.pack_format<interleaved>} : vector<32xbf16> -> vector<16xf32>
          %swap3A_320 = arith.index_cast %scan3A_293 : i32 to index
          %swap3A_321 = arith.constant 32 : index
          %swap3A_322 = tpu.vector_load %arg13[%swap3A_320, %swap3A_321] {strides = array<i32>} : memref<128x128xf32, #tpu.memory_space<vmem>>, vector<16xf32>,
          tpu.vector_store %arg13[%swap3A_320, %swap3A_321], %unpack3A_318 {strides = array<i32>} : memref<128x128xf32, #tpu.memory_space<vmem>>, vector<16xf32>,
          %swap3A_323 = arith.index_cast %scan3A_293 : i32 to index
          %swap3A_324 = arith.constant 96 : index
          %swap3A_325 = tpu.vector_load %arg13[%swap3A_323, %swap3A_324] {strides = array<i32>} : memref<128x128xf32, #tpu.memory_space<vmem>>, vector<16xf32>,
          tpu.vector_store %arg13[%swap3A_323, %swap3A_324], %unpack3A_319 {strides = array<i32>} : memref<128x128xf32, #tpu.memory_space<vmem>>, vector<16xf32>,
          %get3A_326 = arith.index_cast %scan3A_293 : i32 to index
          %get3A_327 = arith.constant 48 : index
          %get3A_328 = tpu.vector_load %arg11[%get3A_326, %get3A_327] {strides = array<i32>} : memref<128x64xi32, #tpu.memory_space<vmem>>, vector<16xi32>,
          %bitcast3A_329 = vector.bitcast %get3A_328 : vector<16xi32> to vector<32xbf16>
          %unpack3A_330 = tpu.unpack_subelements %bitcast3A_329, 0 {pack_format = #tpu.pack_format<interleaved>} : vector<32xbf16> -> vector<16xf32>
          %unpack3A_331 = tpu.unpack_subelements %bitcast3A_329, 1 {pack_format = #tpu.pack_format<interleaved>} : vector<32xbf16> -> vector<16xf32>
          %swap3A_332 = arith.index_cast %scan3A_293 : i32 to index
          %swap3A_333 = arith.constant 48 : index
          %swap3A_334 = tpu.vector_load %arg13[%swap3A_332, %swap3A_333] {strides = array<i32>} : memref<128x128xf32, #tpu.memory_space<vmem>>, vector<16xf32>,
          tpu.vector_store %arg13[%swap3A_332, %swap3A_333], %unpack3A_330 {strides = array<i32>} : memref<128x128xf32, #tpu.memory_space<vmem>>, vector<16xf32>,
          %swap3A_335 = arith.index_cast %scan3A_293 : i32 to index
          %swap3A_336 = arith.constant 112 : index
          %swap3A_337 = tpu.vector_load %arg13[%swap3A_335, %swap3A_336] {strides = array<i32>} : memref<128x128xf32, #tpu.memory_space<vmem>>, vector<16xf32>,
          tpu.vector_store %arg13[%swap3A_335, %swap3A_336], %unpack3A_331 {strides = array<i32>} : memref<128x128xf32, #tpu.memory_space<vmem>>, vector<16xf32>,
        }
        %scan3A_183 = arith.constant 128 : i32
        %dma_start3A_184 = arith.constant 4 : i32
        %dma_start3A_185 = arith.constant 0 : i32
        %dma_start3A_186 = tpu.memref_slice %arg10[%dma_start3A_184, %dma_start3A_185] : memref<8x128xi32, #tpu.memory_space<vmem>> -> memref<1x128xi32, #tpu.memory_space<vmem>>
        %dma_start3A_187 = tpu.memref_squeeze %dma_start3A_186 : memref<1x128xi32, #tpu.memory_space<vmem>> -> memref<128xi32, #tpu.memory_space<vmem>>
        %dma_start3A_188 = arith.constant 0 : i32
        %dma_start3A_189 = arith.constant 0 : i32
        %dma_start3A_190 = tpu.memref_slice %arg14[%dma_start3A_188, %dma_start3A_189] : memref<10112x128xf32, #tpu.memory_space<vmem_shared>> -> memref<10112x128xf32, #tpu.memory_space<vmem_shared>>
        tpu.enqueue_indirect_dma source(%arg13 : memref<128x128xf32, #tpu.memory_space<vmem>>) target(%dma_start3A_190 : memref<10112x128xf32, #tpu.memory_space<vmem_shared>>) offsets(%dma_start3A_187 : memref<128xi32, #tpu.memory_space<vmem>>) semaphore(%arg16 : memref<!tpu.dma_semaphore, #tpu.memory_space<semaphore_mem>>) {add = true}
        %dma_wait3A_191 = arith.constant 5 : i32
        %dma_wait3A_192 = arith.constant 0 : i32
        %dma_wait3A_193 = tpu.memref_slice %arg9[%dma_wait3A_191, %dma_wait3A_192] : memref<8x128xi32, #tpu.memory_space<vmem>> -> memref<1x128xi32, #tpu.memory_space<vmem>>
        %dma_wait3A_194 = tpu.memref_squeeze %dma_wait3A_193 : memref<1x128xi32, #tpu.memory_space<vmem>> -> memref<128xi32, #tpu.memory_space<vmem>>
        %dma_wait3A_195 = arith.constant 0 : i32
        %dma_wait3A_196 = arith.constant 0 : i32
        %dma_wait3A_197 = tpu.memref_slice %arg2[%dma_wait3A_195, %dma_wait3A_196] : memref<10000x64xi32, #tpu.memory_space<hbm>> -> memref<10000x64xi32, #tpu.memory_space<hbm>>
        tpu.wait_indirect_dma semaphore(%arg15 : memref<!tpu.dma_semaphore, #tpu.memory_space<semaphore_mem>>) src(%dma_wait3A_197 : memref<10000x64xi32, #tpu.memory_space<hbm>>) dst(%arg12 : memref<128x64xi32, #tpu.memory_space<vmem>>)
        %dma_start3A_198 = arith.constant 6 : i32
        %dma_start3A_199 = arith.constant 0 : i32
        %dma_start3A_200 = tpu.memref_slice %arg9[%dma_start3A_198, %dma_start3A_199] : memref<8x128xi32, #tpu.memory_space<vmem>> -> memref<1x128xi32, #tpu.memory_space<vmem>>
        %dma_start3A_201 = tpu.memref_squeeze %dma_start3A_200 : memref<1x128xi32, #tpu.memory_space<vmem>> -> memref<128xi32, #tpu.memory_space<vmem>>
        %dma_start3A_202 = arith.constant 0 : i32
        %dma_start3A_203 = arith.constant 0 : i32
        %dma_start3A_204 = tpu.memref_slice %arg2[%dma_start3A_202, %dma_start3A_203] : memref<10000x64xi32, #tpu.memory_space<hbm>> -> memref<10000x64xi32, #tpu.memory_space<hbm>>
        tpu.enqueue_indirect_dma source(%dma_start3A_204 : memref<10000x64xi32, #tpu.memory_space<hbm>>) target(%arg11 : memref<128x64xi32, #tpu.memory_space<vmem>>) offsets(%dma_start3A_201 : memref<128xi32, #tpu.memory_space<vmem>>) semaphore(%arg15 : memref<!tpu.dma_semaphore, #tpu.memory_space<semaphore_mem>>)
        %dma_wait3A_205 = arith.constant 4 : i32
        %dma_wait3A_206 = arith.constant 0 : i32
        %dma_wait3A_207 = tpu.memref_slice %arg10[%dma_wait3A_205, %dma_wait3A_206] : memref<8x128xi32, #tpu.memory_space<vmem>> -> memref<1x128xi32, #tpu.memory_space<vmem>>
        %dma_wait3A_208 = tpu.memref_squeeze %dma_wait3A_207 : memref<1x128xi32, #tpu.memory_space<vmem>> -> memref<128xi32, #tpu.memory_space<vmem>>
        %dma_wait3A_209 = arith.constant 0 : i32
        %dma_wait3A_210 = arith.constant 0 : i32
        %dma_wait3A_211 = tpu.memref_slice %arg14[%dma_wait3A_209, %dma_wait3A_210] : memref<10112x128xf32, #tpu.memory_space<vmem_shared>> -> memref<10112x128xf32, #tpu.memory_space<vmem_shared>>
        tpu.wait_indirect_dma semaphore(%arg16 : memref<!tpu.dma_semaphore, #tpu.memory_space<semaphore_mem>>) src(%arg13 : memref<128x128xf32, #tpu.memory_space<vmem>>) dst(%dma_wait3A_211 : memref<10112x128xf32, #tpu.memory_space<vmem_shared>>)
        %scan3A_212 = arith.constant 0 : i32
        %scan3A_213 = arith.constant 0 : i32
        %scan3A_214 = arith.constant 128 : i32
        %scan3A_215 = arith.addi %scan3A_213, %scan3A_214 : i32
        %scan3A_216 = arith.constant 1 : i32
        scf.for %scan3A_293 = %scan3A_213 to %scan3A_215 step %scan3A_216  : i32 {
          %get3A = arith.index_cast %scan3A_293 : i32 to index
          %get3A_294 = arith.constant 0 : index
          %get3A_295 = tpu.vector_load %arg12[%get3A, %get3A_294] {strides = array<i32>} : memref<128x64xi32, #tpu.memory_space<vmem>>, vector<16xi32>,
          %bitcast3A = vector.bitcast %get3A_295 : vector<16xi32> to vector<32xbf16>
          %unpack3A = tpu.unpack_subelements %bitcast3A, 0 {pack_format = #tpu.pack_format<interleaved>} : vector<32xbf16> -> vector<16xf32>
          %unpack3A_296 = tpu.unpack_subelements %bitcast3A, 1 {pack_format = #tpu.pack_format<interleaved>} : vector<32xbf16> -> vector<16xf32>
          %swap3A = arith.index_cast %scan3A_293 : i32 to index
          %swap3A_297 = arith.constant 0 : index
          %swap3A_298 = tpu.vector_load %arg13[%swap3A, %swap3A_297] {strides = array<i32>} : memref<128x128xf32, #tpu.memory_space<vmem>>, vector<16xf32>,
          tpu.vector_store %arg13[%swap3A, %swap3A_297], %unpack3A {strides = array<i32>} : memref<128x128xf32, #tpu.memory_space<vmem>>, vector<16xf32>,
          %swap3A_299 = arith.index_cast %scan3A_293 : i32 to index
          %swap3A_300 = arith.constant 64 : index
          %swap3A_301 = tpu.vector_load %arg13[%swap3A_299, %swap3A_300] {strides = array<i32>} : memref<128x128xf32, #tpu.memory_space<vmem>>, vector<16xf32>,
          tpu.vector_store %arg13[%swap3A_299, %swap3A_300], %unpack3A_296 {strides = array<i32>} : memref<128x128xf32, #tpu.memory_space<vmem>>, vector<16xf32>,
          %get3A_302 = arith.index_cast %scan3A_293 : i32 to index
          %get3A_303 = arith.constant 16 : index
          %get3A_304 = tpu.vector_load %arg12[%get3A_302, %get3A_303] {strides = array<i32>} : memref<128x64xi32, #tpu.memory_space<vmem>>, vector<16xi32>,
          %bitcast3A_305 = vector.bitcast %get3A_304 : vector<16xi32> to vector<32xbf16>
          %unpack3A_306 = tpu.unpack_subelements %bitcast3A_305, 0 {pack_format = #tpu.pack_format<interleaved>} : vector<32xbf16> -> vector<16xf32>
          %unpack3A_307 = tpu.unpack_subelements %bitcast3A_305, 1 {pack_format = #tpu.pack_format<interleaved>} : vector<32xbf16> -> vector<16xf32>
          %swap3A_308 = arith.index_cast %scan3A_293 : i32 to index
          %swap3A_309 = arith.constant 16 : index
          %swap3A_310 = tpu.vector_load %arg13[%swap3A_308, %swap3A_309] {strides = array<i32>} : memref<128x128xf32, #tpu.memory_space<vmem>>, vector<16xf32>,
          tpu.vector_store %arg13[%swap3A_308, %swap3A_309], %unpack3A_306 {strides = array<i32>} : memref<128x128xf32, #tpu.memory_space<vmem>>, vector<16xf32>,
          %swap3A_311 = arith.index_cast %scan3A_293 : i32 to index
          %swap3A_312 = arith.constant 80 : index
          %swap3A_313 = tpu.vector_load %arg13[%swap3A_311, %swap3A_312] {strides = array<i32>} : memref<128x128xf32, #tpu.memory_space<vmem>>, vector<16xf32>,
          tpu.vector_store %arg13[%swap3A_311, %swap3A_312], %unpack3A_307 {strides = array<i32>} : memref<128x128xf32, #tpu.memory_space<vmem>>, vector<16xf32>,
          %get3A_314 = arith.index_cast %scan3A_293 : i32 to index
          %get3A_315 = arith.constant 32 : index
          %get3A_316 = tpu.vector_load %arg12[%get3A_314, %get3A_315] {strides = array<i32>} : memref<128x64xi32, #tpu.memory_space<vmem>>, vector<16xi32>,
          %bitcast3A_317 = vector.bitcast %get3A_316 : vector<16xi32> to vector<32xbf16>
          %unpack3A_318 = tpu.unpack_subelements %bitcast3A_317, 0 {pack_format = #tpu.pack_format<interleaved>} : vector<32xbf16> -> vector<16xf32>
          %unpack3A_319 = tpu.unpack_subelements %bitcast3A_317, 1 {pack_format = #tpu.pack_format<interleaved>} : vector<32xbf16> -> vector<16xf32>
          %swap3A_320 = arith.index_cast %scan3A_293 : i32 to index
          %swap3A_321 = arith.constant 32 : index
          %swap3A_322 = tpu.vector_load %arg13[%swap3A_320, %swap3A_321] {strides = array<i32>} : memref<128x128xf32, #tpu.memory_space<vmem>>, vector<16xf32>,
          tpu.vector_store %arg13[%swap3A_320, %swap3A_321], %unpack3A_318 {strides = array<i32>} : memref<128x128xf32, #tpu.memory_space<vmem>>, vector<16xf32>,
          %swap3A_323 = arith.index_cast %scan3A_293 : i32 to index
          %swap3A_324 = arith.constant 96 : index
          %swap3A_325 = tpu.vector_load %arg13[%swap3A_323, %swap3A_324] {strides = array<i32>} : memref<128x128xf32, #tpu.memory_space<vmem>>, vector<16xf32>,
          tpu.vector_store %arg13[%swap3A_323, %swap3A_324], %unpack3A_319 {strides = array<i32>} : memref<128x128xf32, #tpu.memory_space<vmem>>, vector<16xf32>,
          %get3A_326 = arith.index_cast %scan3A_293 : i32 to index
          %get3A_327 = arith.constant 48 : index
          %get3A_328 = tpu.vector_load %arg12[%get3A_326, %get3A_327] {strides = array<i32>} : memref<128x64xi32, #tpu.memory_space<vmem>>, vector<16xi32>,
          %bitcast3A_329 = vector.bitcast %get3A_328 : vector<16xi32> to vector<32xbf16>
          %unpack3A_330 = tpu.unpack_subelements %bitcast3A_329, 0 {pack_format = #tpu.pack_format<interleaved>} : vector<32xbf16> -> vector<16xf32>
          %unpack3A_331 = tpu.unpack_subelements %bitcast3A_329, 1 {pack_format = #tpu.pack_format<interleaved>} : vector<32xbf16> -> vector<16xf32>
          %swap3A_332 = arith.index_cast %scan3A_293 : i32 to index
          %swap3A_333 = arith.constant 48 : index
          %swap3A_334 = tpu.vector_load %arg13[%swap3A_332, %swap3A_333] {strides = array<i32>} : memref<128x128xf32, #tpu.memory_space<vmem>>, vector<16xf32>,
          tpu.vector_store %arg13[%swap3A_332, %swap3A_333], %unpack3A_330 {strides = array<i32>} : memref<128x128xf32, #tpu.memory_space<vmem>>, vector<16xf32>,
          %swap3A_335 = arith.index_cast %scan3A_293 : i32 to index
          %swap3A_336 = arith.constant 112 : index
          %swap3A_337 = tpu.vector_load %arg13[%swap3A_335, %swap3A_336] {strides = array<i32>} : memref<128x128xf32, #tpu.memory_space<vmem>>, vector<16xf32>,
          tpu.vector_store %arg13[%swap3A_335, %swap3A_336], %unpack3A_331 {strides = array<i32>} : memref<128x128xf32, #tpu.memory_space<vmem>>, vector<16xf32>,
        }
        %scan3A_217 = arith.constant 128 : i32
        %dma_start3A_218 = arith.constant 5 : i32
        %dma_start3A_219 = arith.constant 0 : i32
        %dma_start3A_220 = tpu.memref_slice %arg10[%dma_start3A_218, %dma_start3A_219] : memref<8x128xi32, #tpu.memory_space<vmem>> -> memref<1x128xi32, #tpu.memory_space<vmem>>
        %dma_start3A_221 = tpu.memref_squeeze %dma_start3A_220 : memref<1x128xi32, #tpu.memory_space<vmem>> -> memref<128xi32, #tpu.memory_space<vmem>>
        %dma_start3A_222 = arith.constant 0 : i32
        %dma_start3A_223 = arith.constant 0 : i32
        %dma_start3A_224 = tpu.memref_slice %arg14[%dma_start3A_222, %dma_start3A_223] : memref<10112x128xf32, #tpu.memory_space<vmem_shared>> -> memref<10112x128xf32, #tpu.memory_space<vmem_shared>>
        tpu.enqueue_indirect_dma source(%arg13 : memref<128x128xf32, #tpu.memory_space<vmem>>) target(%dma_start3A_224 : memref<10112x128xf32, #tpu.memory_space<vmem_shared>>) offsets(%dma_start3A_221 : memref<128xi32, #tpu.memory_space<vmem>>) semaphore(%arg16 : memref<!tpu.dma_semaphore, #tpu.memory_space<semaphore_mem>>) {add = true}
        %dma_wait3A_225 = arith.constant 6 : i32
        %dma_wait3A_226 = arith.constant 0 : i32
        %dma_wait3A_227 = tpu.memref_slice %arg9[%dma_wait3A_225, %dma_wait3A_226] : memref<8x128xi32, #tpu.memory_space<vmem>> -> memref<1x128xi32, #tpu.memory_space<vmem>>
        %dma_wait3A_228 = tpu.memref_squeeze %dma_wait3A_227 : memref<1x128xi32, #tpu.memory_space<vmem>> -> memref<128xi32, #tpu.memory_space<vmem>>
        %dma_wait3A_229 = arith.constant 0 : i32
        %dma_wait3A_230 = arith.constant 0 : i32
        %dma_wait3A_231 = tpu.memref_slice %arg2[%dma_wait3A_229, %dma_wait3A_230] : memref<10000x64xi32, #tpu.memory_space<hbm>> -> memref<10000x64xi32, #tpu.memory_space<hbm>>
        tpu.wait_indirect_dma semaphore(%arg15 : memref<!tpu.dma_semaphore, #tpu.memory_space<semaphore_mem>>) src(%dma_wait3A_231 : memref<10000x64xi32, #tpu.memory_space<hbm>>) dst(%arg11 : memref<128x64xi32, #tpu.memory_space<vmem>>)
        %dma_start3A_232 = arith.constant 7 : i32
        %dma_start3A_233 = arith.constant 0 : i32
        %dma_start3A_234 = tpu.memref_slice %arg9[%dma_start3A_232, %dma_start3A_233] : memref<8x128xi32, #tpu.memory_space<vmem>> -> memref<1x128xi32, #tpu.memory_space<vmem>>
        %dma_start3A_235 = tpu.memref_squeeze %dma_start3A_234 : memref<1x128xi32, #tpu.memory_space<vmem>> -> memref<128xi32, #tpu.memory_space<vmem>>
        %dma_start3A_236 = arith.constant 0 : i32
        %dma_start3A_237 = arith.constant 0 : i32
        %dma_start3A_238 = tpu.memref_slice %arg2[%dma_start3A_236, %dma_start3A_237] : memref<10000x64xi32, #tpu.memory_space<hbm>> -> memref<10000x64xi32, #tpu.memory_space<hbm>>
        tpu.enqueue_indirect_dma source(%dma_start3A_238 : memref<10000x64xi32, #tpu.memory_space<hbm>>) target(%arg12 : memref<128x64xi32, #tpu.memory_space<vmem>>) offsets(%dma_start3A_235 : memref<128xi32, #tpu.memory_space<vmem>>) semaphore(%arg15 : memref<!tpu.dma_semaphore, #tpu.memory_space<semaphore_mem>>)
        %dma_wait3A_239 = arith.constant 5 : i32
        %dma_wait3A_240 = arith.constant 0 : i32
        %dma_wait3A_241 = tpu.memref_slice %arg10[%dma_wait3A_239, %dma_wait3A_240] : memref<8x128xi32, #tpu.memory_space<vmem>> -> memref<1x128xi32, #tpu.memory_space<vmem>>
        %dma_wait3A_242 = tpu.memref_squeeze %dma_wait3A_241 : memref<1x128xi32, #tpu.memory_space<vmem>> -> memref<128xi32, #tpu.memory_space<vmem>>
        %dma_wait3A_243 = arith.constant 0 : i32
        %dma_wait3A_244 = arith.constant 0 : i32
        %dma_wait3A_245 = tpu.memref_slice %arg14[%dma_wait3A_243, %dma_wait3A_244] : memref<10112x128xf32, #tpu.memory_space<vmem_shared>> -> memref<10112x128xf32, #tpu.memory_space<vmem_shared>>
        tpu.wait_indirect_dma semaphore(%arg16 : memref<!tpu.dma_semaphore, #tpu.memory_space<semaphore_mem>>) src(%arg13 : memref<128x128xf32, #tpu.memory_space<vmem>>) dst(%dma_wait3A_245 : memref<10112x128xf32, #tpu.memory_space<vmem_shared>>)
        %scan3A_246 = arith.constant 0 : i32
        %scan3A_247 = arith.constant 0 : i32
        %scan3A_248 = arith.constant 128 : i32
        %scan3A_249 = arith.addi %scan3A_247, %scan3A_248 : i32
        %scan3A_250 = arith.constant 1 : i32
        scf.for %scan3A_293 = %scan3A_247 to %scan3A_249 step %scan3A_250  : i32 {
          %get3A = arith.index_cast %scan3A_293 : i32 to index
          %get3A_294 = arith.constant 0 : index
          %get3A_295 = tpu.vector_load %arg11[%get3A, %get3A_294] {strides = array<i32>} : memref<128x64xi32, #tpu.memory_space<vmem>>, vector<16xi32>,
          %bitcast3A = vector.bitcast %get3A_295 : vector<16xi32> to vector<32xbf16>
          %unpack3A = tpu.unpack_subelements %bitcast3A, 0 {pack_format = #tpu.pack_format<interleaved>} : vector<32xbf16> -> vector<16xf32>
          %unpack3A_296 = tpu.unpack_subelements %bitcast3A, 1 {pack_format = #tpu.pack_format<interleaved>} : vector<32xbf16> -> vector<16xf32>
          %swap3A = arith.index_cast %scan3A_293 : i32 to index
          %swap3A_297 = arith.constant 0 : index
          %swap3A_298 = tpu.vector_load %arg13[%swap3A, %swap3A_297] {strides = array<i32>} : memref<128x128xf32, #tpu.memory_space<vmem>>, vector<16xf32>,
          tpu.vector_store %arg13[%swap3A, %swap3A_297], %unpack3A {strides = array<i32>} : memref<128x128xf32, #tpu.memory_space<vmem>>, vector<16xf32>,
          %swap3A_299 = arith.index_cast %scan3A_293 : i32 to index
          %swap3A_300 = arith.constant 64 : index
          %swap3A_301 = tpu.vector_load %arg13[%swap3A_299, %swap3A_300] {strides = array<i32>} : memref<128x128xf32, #tpu.memory_space<vmem>>, vector<16xf32>,
          tpu.vector_store %arg13[%swap3A_299, %swap3A_300], %unpack3A_296 {strides = array<i32>} : memref<128x128xf32, #tpu.memory_space<vmem>>, vector<16xf32>,
          %get3A_302 = arith.index_cast %scan3A_293 : i32 to index
          %get3A_303 = arith.constant 16 : index
          %get3A_304 = tpu.vector_load %arg11[%get3A_302, %get3A_303] {strides = array<i32>} : memref<128x64xi32, #tpu.memory_space<vmem>>, vector<16xi32>,
          %bitcast3A_305 = vector.bitcast %get3A_304 : vector<16xi32> to vector<32xbf16>
          %unpack3A_306 = tpu.unpack_subelements %bitcast3A_305, 0 {pack_format = #tpu.pack_format<interleaved>} : vector<32xbf16> -> vector<16xf32>
          %unpack3A_307 = tpu.unpack_subelements %bitcast3A_305, 1 {pack_format = #tpu.pack_format<interleaved>} : vector<32xbf16> -> vector<16xf32>
          %swap3A_308 = arith.index_cast %scan3A_293 : i32 to index
          %swap3A_309 = arith.constant 16 : index
          %swap3A_310 = tpu.vector_load %arg13[%swap3A_308, %swap3A_309] {strides = array<i32>} : memref<128x128xf32, #tpu.memory_space<vmem>>, vector<16xf32>,
          tpu.vector_store %arg13[%swap3A_308, %swap3A_309], %unpack3A_306 {strides = array<i32>} : memref<128x128xf32, #tpu.memory_space<vmem>>, vector<16xf32>,
          %swap3A_311 = arith.index_cast %scan3A_293 : i32 to index
          %swap3A_312 = arith.constant 80 : index
          %swap3A_313 = tpu.vector_load %arg13[%swap3A_311, %swap3A_312] {strides = array<i32>} : memref<128x128xf32, #tpu.memory_space<vmem>>, vector<16xf32>,
          tpu.vector_store %arg13[%swap3A_311, %swap3A_312], %unpack3A_307 {strides = array<i32>} : memref<128x128xf32, #tpu.memory_space<vmem>>, vector<16xf32>,
          %get3A_314 = arith.index_cast %scan3A_293 : i32 to index
          %get3A_315 = arith.constant 32 : index
          %get3A_316 = tpu.vector_load %arg11[%get3A_314, %get3A_315] {strides = array<i32>} : memref<128x64xi32, #tpu.memory_space<vmem>>, vector<16xi32>,
          %bitcast3A_317 = vector.bitcast %get3A_316 : vector<16xi32> to vector<32xbf16>
          %unpack3A_318 = tpu.unpack_subelements %bitcast3A_317, 0 {pack_format = #tpu.pack_format<interleaved>} : vector<32xbf16> -> vector<16xf32>
          %unpack3A_319 = tpu.unpack_subelements %bitcast3A_317, 1 {pack_format = #tpu.pack_format<interleaved>} : vector<32xbf16> -> vector<16xf32>
          %swap3A_320 = arith.index_cast %scan3A_293 : i32 to index
          %swap3A_321 = arith.constant 32 : index
          %swap3A_322 = tpu.vector_load %arg13[%swap3A_320, %swap3A_321] {strides = array<i32>} : memref<128x128xf32, #tpu.memory_space<vmem>>, vector<16xf32>,
          tpu.vector_store %arg13[%swap3A_320, %swap3A_321], %unpack3A_318 {strides = array<i32>} : memref<128x128xf32, #tpu.memory_space<vmem>>, vector<16xf32>,
          %swap3A_323 = arith.index_cast %scan3A_293 : i32 to index
          %swap3A_324 = arith.constant 96 : index
          %swap3A_325 = tpu.vector_load %arg13[%swap3A_323, %swap3A_324] {strides = array<i32>} : memref<128x128xf32, #tpu.memory_space<vmem>>, vector<16xf32>,
          tpu.vector_store %arg13[%swap3A_323, %swap3A_324], %unpack3A_319 {strides = array<i32>} : memref<128x128xf32, #tpu.memory_space<vmem>>, vector<16xf32>,
          %get3A_326 = arith.index_cast %scan3A_293 : i32 to index
          %get3A_327 = arith.constant 48 : index
          %get3A_328 = tpu.vector_load %arg11[%get3A_326, %get3A_327] {strides = array<i32>} : memref<128x64xi32, #tpu.memory_space<vmem>>, vector<16xi32>,
          %bitcast3A_329 = vector.bitcast %get3A_328 : vector<16xi32> to vector<32xbf16>
          %unpack3A_330 = tpu.unpack_subelements %bitcast3A_329, 0 {pack_format = #tpu.pack_format<interleaved>} : vector<32xbf16> -> vector<16xf32>
          %unpack3A_331 = tpu.unpack_subelements %bitcast3A_329, 1 {pack_format = #tpu.pack_format<interleaved>} : vector<32xbf16> -> vector<16xf32>
          %swap3A_332 = arith.index_cast %scan3A_293 : i32 to index
          %swap3A_333 = arith.constant 48 : index
          %swap3A_334 = tpu.vector_load %arg13[%swap3A_332, %swap3A_333] {strides = array<i32>} : memref<128x128xf32, #tpu.memory_space<vmem>>, vector<16xf32>,
          tpu.vector_store %arg13[%swap3A_332, %swap3A_333], %unpack3A_330 {strides = array<i32>} : memref<128x128xf32, #tpu.memory_space<vmem>>, vector<16xf32>,
          %swap3A_335 = arith.index_cast %scan3A_293 : i32 to index
          %swap3A_336 = arith.constant 112 : index
          %swap3A_337 = tpu.vector_load %arg13[%swap3A_335, %swap3A_336] {strides = array<i32>} : memref<128x128xf32, #tpu.memory_space<vmem>>, vector<16xf32>,
          tpu.vector_store %arg13[%swap3A_335, %swap3A_336], %unpack3A_331 {strides = array<i32>} : memref<128x128xf32, #tpu.memory_space<vmem>>, vector<16xf32>,
        }
        %scan3A_251 = arith.constant 128 : i32
        %dma_start3A_252 = arith.constant 6 : i32
        %dma_start3A_253 = arith.constant 0 : i32
        %dma_start3A_254 = tpu.memref_slice %arg10[%dma_start3A_252, %dma_start3A_253] : memref<8x128xi32, #tpu.memory_space<vmem>> -> memref<1x128xi32, #tpu.memory_space<vmem>>
        %dma_start3A_255 = tpu.memref_squeeze %dma_start3A_254 : memref<1x128xi32, #tpu.memory_space<vmem>> -> memref<128xi32, #tpu.memory_space<vmem>>
        %dma_start3A_256 = arith.constant 0 : i32
        %dma_start3A_257 = arith.constant 0 : i32
        %dma_start3A_258 = tpu.memref_slice %arg14[%dma_start3A_256, %dma_start3A_257] : memref<10112x128xf32, #tpu.memory_space<vmem_shared>> -> memref<10112x128xf32, #tpu.memory_space<vmem_shared>>
        tpu.enqueue_indirect_dma source(%arg13 : memref<128x128xf32, #tpu.memory_space<vmem>>) target(%dma_start3A_258 : memref<10112x128xf32, #tpu.memory_space<vmem_shared>>) offsets(%dma_start3A_255 : memref<128xi32, #tpu.memory_space<vmem>>) semaphore(%arg16 : memref<!tpu.dma_semaphore, #tpu.memory_space<semaphore_mem>>) {add = true}
        %dma_wait3A_259 = arith.constant 7 : i32
        %dma_wait3A_260 = arith.constant 0 : i32
        %dma_wait3A_261 = tpu.memref_slice %arg9[%dma_wait3A_259, %dma_wait3A_260] : memref<8x128xi32, #tpu.memory_space<vmem>> -> memref<1x128xi32, #tpu.memory_space<vmem>>
        %dma_wait3A_262 = tpu.memref_squeeze %dma_wait3A_261 : memref<1x128xi32, #tpu.memory_space<vmem>> -> memref<128xi32, #tpu.memory_space<vmem>>
        %dma_wait3A_263 = arith.constant 0 : i32
        %dma_wait3A_264 = arith.constant 0 : i32
        %dma_wait3A_265 = tpu.memref_slice %arg2[%dma_wait3A_263, %dma_wait3A_264] : memref<10000x64xi32, #tpu.memory_space<hbm>> -> memref<10000x64xi32, #tpu.memory_space<hbm>>
        tpu.wait_indirect_dma semaphore(%arg15 : memref<!tpu.dma_semaphore, #tpu.memory_space<semaphore_mem>>) src(%dma_wait3A_265 : memref<10000x64xi32, #tpu.memory_space<hbm>>) dst(%arg12 : memref<128x64xi32, #tpu.memory_space<vmem>>)
        %dma_wait3A_266 = arith.constant 6 : i32
        %dma_wait3A_267 = arith.constant 0 : i32
        %dma_wait3A_268 = tpu.memref_slice %arg10[%dma_wait3A_266, %dma_wait3A_267] : memref<8x128xi32, #tpu.memory_space<vmem>> -> memref<1x128xi32, #tpu.memory_space<vmem>>
        %dma_wait3A_269 = tpu.memref_squeeze %dma_wait3A_268 : memref<1x128xi32, #tpu.memory_space<vmem>> -> memref<128xi32, #tpu.memory_space<vmem>>
        %dma_wait3A_270 = arith.constant 0 : i32
        %dma_wait3A_271 = arith.constant 0 : i32
        %dma_wait3A_272 = tpu.memref_slice %arg14[%dma_wait3A_270, %dma_wait3A_271] : memref<10112x128xf32, #tpu.memory_space<vmem_shared>> -> memref<10112x128xf32, #tpu.memory_space<vmem_shared>>
        tpu.wait_indirect_dma semaphore(%arg16 : memref<!tpu.dma_semaphore, #tpu.memory_space<semaphore_mem>>) src(%arg13 : memref<128x128xf32, #tpu.memory_space<vmem>>) dst(%dma_wait3A_272 : memref<10112x128xf32, #tpu.memory_space<vmem_shared>>)
        %scan3A_273 = arith.constant 0 : i32
        %scan3A_274 = arith.constant 0 : i32
        %scan3A_275 = arith.constant 128 : i32
        %scan3A_276 = arith.addi %scan3A_274, %scan3A_275 : i32
        %scan3A_277 = arith.constant 1 : i32
        scf.for %scan3A_293 = %scan3A_274 to %scan3A_276 step %scan3A_277  : i32 {
          %get3A = arith.index_cast %scan3A_293 : i32 to index
          %get3A_294 = arith.constant 0 : index
          %get3A_295 = tpu.vector_load %arg12[%get3A, %get3A_294] {strides = array<i32>} : memref<128x64xi32, #tpu.memory_space<vmem>>, vector<16xi32>,
          %bitcast3A = vector.bitcast %get3A_295 : vector<16xi32> to vector<32xbf16>
          %unpack3A = tpu.unpack_subelements %bitcast3A, 0 {pack_format = #tpu.pack_format<interleaved>} : vector<32xbf16> -> vector<16xf32>
          %unpack3A_296 = tpu.unpack_subelements %bitcast3A, 1 {pack_format = #tpu.pack_format<interleaved>} : vector<32xbf16> -> vector<16xf32>
          %swap3A = arith.index_cast %scan3A_293 : i32 to index
          %swap3A_297 = arith.constant 0 : index
          %swap3A_298 = tpu.vector_load %arg13[%swap3A, %swap3A_297] {strides = array<i32>} : memref<128x128xf32, #tpu.memory_space<vmem>>, vector<16xf32>,
          tpu.vector_store %arg13[%swap3A, %swap3A_297], %unpack3A {strides = array<i32>} : memref<128x128xf32, #tpu.memory_space<vmem>>, vector<16xf32>,
          %swap3A_299 = arith.index_cast %scan3A_293 : i32 to index
          %swap3A_300 = arith.constant 64 : index
          %swap3A_301 = tpu.vector_load %arg13[%swap3A_299, %swap3A_300] {strides = array<i32>} : memref<128x128xf32, #tpu.memory_space<vmem>>, vector<16xf32>,
          tpu.vector_store %arg13[%swap3A_299, %swap3A_300], %unpack3A_296 {strides = array<i32>} : memref<128x128xf32, #tpu.memory_space<vmem>>, vector<16xf32>,
          %get3A_302 = arith.index_cast %scan3A_293 : i32 to index
          %get3A_303 = arith.constant 16 : index
          %get3A_304 = tpu.vector_load %arg12[%get3A_302, %get3A_303] {strides = array<i32>} : memref<128x64xi32, #tpu.memory_space<vmem>>, vector<16xi32>,
          %bitcast3A_305 = vector.bitcast %get3A_304 : vector<16xi32> to vector<32xbf16>
          %unpack3A_306 = tpu.unpack_subelements %bitcast3A_305, 0 {pack_format = #tpu.pack_format<interleaved>} : vector<32xbf16> -> vector<16xf32>
          %unpack3A_307 = tpu.unpack_subelements %bitcast3A_305, 1 {pack_format = #tpu.pack_format<interleaved>} : vector<32xbf16> -> vector<16xf32>
          %swap3A_308 = arith.index_cast %scan3A_293 : i32 to index
          %swap3A_309 = arith.constant 16 : index
          %swap3A_310 = tpu.vector_load %arg13[%swap3A_308, %swap3A_309] {strides = array<i32>} : memref<128x128xf32, #tpu.memory_space<vmem>>, vector<16xf32>,
          tpu.vector_store %arg13[%swap3A_308, %swap3A_309], %unpack3A_306 {strides = array<i32>} : memref<128x128xf32, #tpu.memory_space<vmem>>, vector<16xf32>,
          %swap3A_311 = arith.index_cast %scan3A_293 : i32 to index
          %swap3A_312 = arith.constant 80 : index
          %swap3A_313 = tpu.vector_load %arg13[%swap3A_311, %swap3A_312] {strides = array<i32>} : memref<128x128xf32, #tpu.memory_space<vmem>>, vector<16xf32>,
          tpu.vector_store %arg13[%swap3A_311, %swap3A_312], %unpack3A_307 {strides = array<i32>} : memref<128x128xf32, #tpu.memory_space<vmem>>, vector<16xf32>,
          %get3A_314 = arith.index_cast %scan3A_293 : i32 to index
          %get3A_315 = arith.constant 32 : index
          %get3A_316 = tpu.vector_load %arg12[%get3A_314, %get3A_315] {strides = array<i32>} : memref<128x64xi32, #tpu.memory_space<vmem>>, vector<16xi32>,
          %bitcast3A_317 = vector.bitcast %get3A_316 : vector<16xi32> to vector<32xbf16>
          %unpack3A_318 = tpu.unpack_subelements %bitcast3A_317, 0 {pack_format = #tpu.pack_format<interleaved>} : vector<32xbf16> -> vector<16xf32>
          %unpack3A_319 = tpu.unpack_subelements %bitcast3A_317, 1 {pack_format = #tpu.pack_format<interleaved>} : vector<32xbf16> -> vector<16xf32>
          %swap3A_320 = arith.index_cast %scan3A_293 : i32 to index
          %swap3A_321 = arith.constant 32 : index
          %swap3A_322 = tpu.vector_load %arg13[%swap3A_320, %swap3A_321] {strides = array<i32>} : memref<128x128xf32, #tpu.memory_space<vmem>>, vector<16xf32>,
          tpu.vector_store %arg13[%swap3A_320, %swap3A_321], %unpack3A_318 {strides = array<i32>} : memref<128x128xf32, #tpu.memory_space<vmem>>, vector<16xf32>,
          %swap3A_323 = arith.index_cast %scan3A_293 : i32 to index
          %swap3A_324 = arith.constant 96 : index
          %swap3A_325 = tpu.vector_load %arg13[%swap3A_323, %swap3A_324] {strides = array<i32>} : memref<128x128xf32, #tpu.memory_space<vmem>>, vector<16xf32>,
          tpu.vector_store %arg13[%swap3A_323, %swap3A_324], %unpack3A_319 {strides = array<i32>} : memref<128x128xf32, #tpu.memory_space<vmem>>, vector<16xf32>,
          %get3A_326 = arith.index_cast %scan3A_293 : i32 to index
          %get3A_327 = arith.constant 48 : index
          %get3A_328 = tpu.vector_load %arg12[%get3A_326, %get3A_327] {strides = array<i32>} : memref<128x64xi32, #tpu.memory_space<vmem>>, vector<16xi32>,
          %bitcast3A_329 = vector.bitcast %get3A_328 : vector<16xi32> to vector<32xbf16>
          %unpack3A_330 = tpu.unpack_subelements %bitcast3A_329, 0 {pack_format = #tpu.pack_format<interleaved>} : vector<32xbf16> -> vector<16xf32>
          %unpack3A_331 = tpu.unpack_subelements %bitcast3A_329, 1 {pack_format = #tpu.pack_format<interleaved>} : vector<32xbf16> -> vector<16xf32>
          %swap3A_332 = arith.index_cast %scan3A_293 : i32 to index
          %swap3A_333 = arith.constant 48 : index
          %swap3A_334 = tpu.vector_load %arg13[%swap3A_332, %swap3A_333] {strides = array<i32>} : memref<128x128xf32, #tpu.memory_space<vmem>>, vector<16xf32>,
          tpu.vector_store %arg13[%swap3A_332, %swap3A_333], %unpack3A_330 {strides = array<i32>} : memref<128x128xf32, #tpu.memory_space<vmem>>, vector<16xf32>,
          %swap3A_335 = arith.index_cast %scan3A_293 : i32 to index
          %swap3A_336 = arith.constant 112 : index
          %swap3A_337 = tpu.vector_load %arg13[%swap3A_335, %swap3A_336] {strides = array<i32>} : memref<128x128xf32, #tpu.memory_space<vmem>>, vector<16xf32>,
          tpu.vector_store %arg13[%swap3A_335, %swap3A_336], %unpack3A_331 {strides = array<i32>} : memref<128x128xf32, #tpu.memory_space<vmem>>, vector<16xf32>,
        }
        %scan3A_278 = arith.constant 128 : i32
        %dma_start3A_279 = arith.constant 7 : i32
        %dma_start3A_280 = arith.constant 0 : i32
        %dma_start3A_281 = tpu.memref_slice %arg10[%dma_start3A_279, %dma_start3A_280] : memref<8x128xi32, #tpu.memory_space<vmem>> -> memref<1x128xi32, #tpu.memory_space<vmem>>
        %dma_start3A_282 = tpu.memref_squeeze %dma_start3A_281 : memref<1x128xi32, #tpu.memory_space<vmem>> -> memref<128xi32, #tpu.memory_space<vmem>>
        %dma_start3A_283 = arith.constant 0 : i32
        %dma_start3A_284 = arith.constant 0 : i32
        %dma_start3A_285 = tpu.memref_slice %arg14[%dma_start3A_283, %dma_start3A_284] : memref<10112x128xf32, #tpu.memory_space<vmem_shared>> -> memref<10112x128xf32, #tpu.memory_space<vmem_shared>>
        tpu.enqueue_indirect_dma source(%arg13 : memref<128x128xf32, #tpu.memory_space<vmem>>) target(%dma_start3A_285 : memref<10112x128xf32, #tpu.memory_space<vmem_shared>>) offsets(%dma_start3A_282 : memref<128xi32, #tpu.memory_space<vmem>>) semaphore(%arg16 : memref<!tpu.dma_semaphore, #tpu.memory_space<semaphore_mem>>) {add = true}
        %dma_wait3A_286 = arith.constant 7 : i32
        %dma_wait3A_287 = arith.constant 0 : i32
        %dma_wait3A_288 = tpu.memref_slice %arg10[%dma_wait3A_286, %dma_wait3A_287] : memref<8x128xi32, #tpu.memory_space<vmem>> -> memref<1x128xi32, #tpu.memory_space<vmem>>
        %dma_wait3A_289 = tpu.memref_squeeze %dma_wait3A_288 : memref<1x128xi32, #tpu.memory_space<vmem>> -> memref<128xi32, #tpu.memory_space<vmem>>
        %dma_wait3A_290 = arith.constant 0 : i32
        %dma_wait3A_291 = arith.constant 0 : i32
        %dma_wait3A_292 = tpu.memref_slice %arg14[%dma_wait3A_290, %dma_wait3A_291] : memref<10112x128xf32, #tpu.memory_space<vmem_shared>> -> memref<10112x128xf32, #tpu.memory_space<vmem_shared>>
        tpu.wait_indirect_dma semaphore(%arg16 : memref<!tpu.dma_semaphore, #tpu.memory_space<semaphore_mem>>) src(%arg13 : memref<128x128xf32, #tpu.memory_space<vmem>>) dst(%dma_wait3A_292 : memref<10112x128xf32, #tpu.memory_space<vmem_shared>>)
      }
      %scan3A_19 = arith.constant 11 : i32
    } else {
    }
    %eq3A_5 = arith.constant 1 : i32
    %eq3A_6 = arith.cmpi eq, %arg0, %eq3A_5 : i32
    %convert_element_type3A_7 = arith.extui %eq3A_6 : i1 to i32
    %cond3A_8 = arith.constant 0 : i32
    %cond3A_9 = arith.cmpi ne, %convert_element_type3A_7, %cond3A_8 : i32
    scf.if %cond3A_9 {
      %scan3A = arith.constant 0 : i32
      %scan3A_15 = arith.constant 0 : i32
      %scan3A_16 = arith.constant 9 : i32
      %scan3A_17 = arith.addi %scan3A_15, %scan3A_16 : i32
      %scan3A_18 = arith.constant 1 : i32
      scf.for %scan3A_20 = %scan3A_15 to %scan3A_17 step %scan3A_18  : i32 {
        %mul3A_21 = arith.constant 8 : i32
        %mul3A_22 = arith.muli %scan3A_20, %mul3A_21 : i32
        %multiple_of3A = tpu.assume_multiple %mul3A_22, 8 : i32
        "tpu.region"() ({
          %run_scoped3A = tpu.sem_alloc : memref<!tpu.dma_semaphore, #tpu.memory_space<semaphore_mem>>
          %dma_start3A_293 = arith.constant 0 : i32
          %dma_start3A_294 = arith.constant 0 : i32
          %dma_start3A_295 = tpu.memref_slice %arg5[%arg1, %dma_start3A_293, %dma_start3A_294] : memref<16x72x128xi32, #tpu.memory_space<hbm>> -> memref<1x72x128xi32, #tpu.memory_space<hbm>>
          %dma_start3A_296 = tpu.memref_squeeze %dma_start3A_295 : memref<1x72x128xi32, #tpu.memory_space<hbm>> -> memref<72x128xi32, #tpu.memory_space<hbm>>
          %dma_start3A_297 = arith.constant 0 : i32
          %dma_start3A_298 = tpu.memref_slice %dma_start3A_296[%multiple_of3A, %dma_start3A_297] : memref<72x128xi32, #tpu.memory_space<hbm>> -> memref<8x128xi32, #tpu.memory_space<hbm>>
          %dma_start3A_299 = arith.constant 0 : i32
          %dma_start3A_300 = arith.constant 0 : i32
          %dma_start3A_301 = tpu.memref_slice %arg5[%arg1, %dma_start3A_299, %dma_start3A_300] : memref<16x72x128xi32, #tpu.memory_space<hbm>> -> memref<1x72x128xi32, #tpu.memory_space<hbm>>
          %dma_start3A_302 = tpu.memref_squeeze %dma_start3A_301 : memref<1x72x128xi32, #tpu.memory_space<hbm>> -> memref<72x128xi32, #tpu.memory_space<hbm>>
          %dma_start3A_303 = arith.constant 0 : i32
          %dma_start3A_304 = tpu.memref_slice %dma_start3A_302[%multiple_of3A, %dma_start3A_303] : memref<72x128xi32, #tpu.memory_space<hbm>> -> memref<8x128xi32, #tpu.memory_space<hbm>>
          tpu.enqueue_dma source(%dma_start3A_304 : memref<8x128xi32, #tpu.memory_space<hbm>>) target(%arg9 : memref<8x128xi32, #tpu.memory_space<vmem>>) target_semaphore(%run_scoped3A : memref<!tpu.dma_semaphore, #tpu.memory_space<semaphore_mem>>)
          %dma_wait3A_305 = arith.constant 0 : i32
          %dma_wait3A_306 = arith.constant 0 : i32
          %dma_wait3A_307 = tpu.memref_slice %arg5[%arg1, %dma_wait3A_305, %dma_wait3A_306] : memref<16x72x128xi32, #tpu.memory_space<hbm>> -> memref<1x72x128xi32, #tpu.memory_space<hbm>>
          %dma_wait3A_308 = tpu.memref_squeeze %dma_wait3A_307 : memref<1x72x128xi32, #tpu.memory_space<hbm>> -> memref<72x128xi32, #tpu.memory_space<hbm>>
          %dma_wait3A_309 = arith.constant 0 : i32
          %dma_wait3A_310 = tpu.memref_slice %dma_wait3A_308[%multiple_of3A, %dma_wait3A_309] : memref<72x128xi32, #tpu.memory_space<hbm>> -> memref<8x128xi32, #tpu.memory_space<hbm>>
          %dma_wait3A_311 = arith.constant 0 : i32
          %dma_wait3A_312 = arith.constant 0 : i32
          %dma_wait3A_313 = tpu.memref_slice %arg5[%arg1, %dma_wait3A_311, %dma_wait3A_312] : memref<16x72x128xi32, #tpu.memory_space<hbm>> -> memref<1x72x128xi32, #tpu.memory_space<hbm>>
          %dma_wait3A_314 = tpu.memref_squeeze %dma_wait3A_313 : memref<1x72x128xi32, #tpu.memory_space<hbm>> -> memref<72x128xi32, #tpu.memory_space<hbm>>
          %dma_wait3A_315 = arith.constant 0 : i32
          %dma_wait3A_316 = tpu.memref_slice %dma_wait3A_314[%multiple_of3A, %dma_wait3A_315] : memref<72x128xi32, #tpu.memory_space<hbm>> -> memref<8x128xi32, #tpu.memory_space<hbm>>
          tpu.wait_dma2 semaphore(%run_scoped3A : memref<!tpu.dma_semaphore, #tpu.memory_space<semaphore_mem>>) src(%dma_wait3A_316 : memref<8x128xi32, #tpu.memory_space<hbm>>) dst(%arg9 : memref<8x128xi32, #tpu.memory_space<vmem>>)
          tpu.yield
        }) : () -> ()
        "tpu.region"() ({
          %run_scoped3A = tpu.sem_alloc : memref<!tpu.dma_semaphore, #tpu.memory_space<semaphore_mem>>
          %dma_start3A_293 = arith.constant 0 : i32
          %dma_start3A_294 = arith.constant 0 : i32
          %dma_start3A_295 = tpu.memref_slice %arg6[%arg1, %dma_start3A_293, %dma_start3A_294] : memref<16x72x128xi32, #tpu.memory_space<hbm>> -> memref<1x72x128xi32, #tpu.memory_space<hbm>>
          %dma_start3A_296 = tpu.memref_squeeze %dma_start3A_295 : memref<1x72x128xi32, #tpu.memory_space<hbm>> -> memref<72x128xi32, #tpu.memory_space<hbm>>
          %dma_start3A_297 = arith.constant 0 : i32
          %dma_start3A_298 = tpu.memref_slice %dma_start3A_296[%multiple_of3A, %dma_start3A_297] : memref<72x128xi32, #tpu.memory_space<hbm>> -> memref<8x128xi32, #tpu.memory_space<hbm>>
          %dma_start3A_299 = arith.constant 0 : i32
          %dma_start3A_300 = arith.constant 0 : i32
          %dma_start3A_301 = tpu.memref_slice %arg6[%arg1, %dma_start3A_299, %dma_start3A_300] : memref<16x72x128xi32, #tpu.memory_space<hbm>> -> memref<1x72x128xi32, #tpu.memory_space<hbm>>
          %dma_start3A_302 = tpu.memref_squeeze %dma_start3A_301 : memref<1x72x128xi32, #tpu.memory_space<hbm>> -> memref<72x128xi32, #tpu.memory_space<hbm>>
          %dma_start3A_303 = arith.constant 0 : i32
          %dma_start3A_304 = tpu.memref_slice %dma_start3A_302[%multiple_of3A, %dma_start3A_303] : memref<72x128xi32, #tpu.memory_space<hbm>> -> memref<8x128xi32, #tpu.memory_space<hbm>>
          tpu.enqueue_dma source(%dma_start3A_304 : memref<8x128xi32, #tpu.memory_space<hbm>>) target(%arg10 : memref<8x128xi32, #tpu.memory_space<vmem>>) target_semaphore(%run_scoped3A : memref<!tpu.dma_semaphore, #tpu.memory_space<semaphore_mem>>)
          %dma_wait3A_305 = arith.constant 0 : i32
          %dma_wait3A_306 = arith.constant 0 : i32
          %dma_wait3A_307 = tpu.memref_slice %arg6[%arg1, %dma_wait3A_305, %dma_wait3A_306] : memref<16x72x128xi32, #tpu.memory_space<hbm>> -> memref<1x72x128xi32, #tpu.memory_space<hbm>>
          %dma_wait3A_308 = tpu.memref_squeeze %dma_wait3A_307 : memref<1x72x128xi32, #tpu.memory_space<hbm>> -> memref<72x128xi32, #tpu.memory_space<hbm>>
          %dma_wait3A_309 = arith.constant 0 : i32
          %dma_wait3A_310 = tpu.memref_slice %dma_wait3A_308[%multiple_of3A, %dma_wait3A_309] : memref<72x128xi32, #tpu.memory_space<hbm>> -> memref<8x128xi32, #tpu.memory_space<hbm>>
          %dma_wait3A_311 = arith.constant 0 : i32
          %dma_wait3A_312 = arith.constant 0 : i32
          %dma_wait3A_313 = tpu.memref_slice %arg6[%arg1, %dma_wait3A_311, %dma_wait3A_312] : memref<16x72x128xi32, #tpu.memory_space<hbm>> -> memref<1x72x128xi32, #tpu.memory_space<hbm>>
          %dma_wait3A_314 = tpu.memref_squeeze %dma_wait3A_313 : memref<1x72x128xi32, #tpu.memory_space<hbm>> -> memref<72x128xi32, #tpu.memory_space<hbm>>
          %dma_wait3A_315 = arith.constant 0 : i32
          %dma_wait3A_316 = tpu.memref_slice %dma_wait3A_314[%multiple_of3A, %dma_wait3A_315] : memref<72x128xi32, #tpu.memory_space<hbm>> -> memref<8x128xi32, #tpu.memory_space<hbm>>
          tpu.wait_dma2 semaphore(%run_scoped3A : memref<!tpu.dma_semaphore, #tpu.memory_space<semaphore_mem>>) src(%dma_wait3A_316 : memref<8x128xi32, #tpu.memory_space<hbm>>) dst(%arg10 : memref<8x128xi32, #tpu.memory_space<vmem>>)
          tpu.yield
        }) : () -> ()
        %dma_start3A = arith.constant 0 : i32
        %dma_start3A_23 = arith.constant 0 : i32
        %dma_start3A_24 = tpu.memref_slice %arg9[%dma_start3A, %dma_start3A_23] : memref<8x128xi32, #tpu.memory_space<vmem>> -> memref<1x128xi32, #tpu.memory_space<vmem>>
        %dma_start3A_25 = tpu.memref_squeeze %dma_start3A_24 : memref<1x128xi32, #tpu.memory_space<vmem>> -> memref<128xi32, #tpu.memory_space<vmem>>
        %dma_start3A_26 = arith.constant 0 : i32
        %dma_start3A_27 = arith.constant 0 : i32
        %dma_start3A_28 = tpu.memref_slice %arg2[%dma_start3A_26, %dma_start3A_27] : memref<10000x64xi32, #tpu.memory_space<hbm>> -> memref<10000x64xi32, #tpu.memory_space<hbm>>
        tpu.enqueue_indirect_dma source(%dma_start3A_28 : memref<10000x64xi32, #tpu.memory_space<hbm>>) target(%arg11 : memref<128x64xi32, #tpu.memory_space<vmem>>) offsets(%dma_start3A_25 : memref<128xi32, #tpu.memory_space<vmem>>) semaphore(%arg15 : memref<!tpu.dma_semaphore, #tpu.memory_space<semaphore_mem>>)
        %dma_wait3A = arith.constant 0 : i32
        %dma_wait3A_29 = arith.constant 0 : i32
        %dma_wait3A_30 = tpu.memref_slice %arg9[%dma_wait3A, %dma_wait3A_29] : memref<8x128xi32, #tpu.memory_space<vmem>> -> memref<1x128xi32, #tpu.memory_space<vmem>>
        %dma_wait3A_31 = tpu.memref_squeeze %dma_wait3A_30 : memref<1x128xi32, #tpu.memory_space<vmem>> -> memref<128xi32, #tpu.memory_space<vmem>>
        %dma_wait3A_32 = arith.constant 0 : i32
        %dma_wait3A_33 = arith.constant 0 : i32
        %dma_wait3A_34 = tpu.memref_slice %arg2[%dma_wait3A_32, %dma_wait3A_33] : memref<10000x64xi32, #tpu.memory_space<hbm>> -> memref<10000x64xi32, #tpu.memory_space<hbm>>
        tpu.wait_indirect_dma semaphore(%arg15 : memref<!tpu.dma_semaphore, #tpu.memory_space<semaphore_mem>>) src(%dma_wait3A_34 : memref<10000x64xi32, #tpu.memory_space<hbm>>) dst(%arg11 : memref<128x64xi32, #tpu.memory_space<vmem>>)
        %dma_start3A_35 = arith.constant 1 : i32
        %dma_start3A_36 = arith.constant 0 : i32
        %dma_start3A_37 = tpu.memref_slice %arg9[%dma_start3A_35, %dma_start3A_36] : memref<8x128xi32, #tpu.memory_space<vmem>> -> memref<1x128xi32, #tpu.memory_space<vmem>>
        %dma_start3A_38 = tpu.memref_squeeze %dma_start3A_37 : memref<1x128xi32, #tpu.memory_space<vmem>> -> memref<128xi32, #tpu.memory_space<vmem>>
        %dma_start3A_39 = arith.constant 0 : i32
        %dma_start3A_40 = arith.constant 0 : i32
        %dma_start3A_41 = tpu.memref_slice %arg2[%dma_start3A_39, %dma_start3A_40] : memref<10000x64xi32, #tpu.memory_space<hbm>> -> memref<10000x64xi32, #tpu.memory_space<hbm>>
        tpu.enqueue_indirect_dma source(%dma_start3A_41 : memref<10000x64xi32, #tpu.memory_space<hbm>>) target(%arg12 : memref<128x64xi32, #tpu.memory_space<vmem>>) offsets(%dma_start3A_38 : memref<128xi32, #tpu.memory_space<vmem>>) semaphore(%arg15 : memref<!tpu.dma_semaphore, #tpu.memory_space<semaphore_mem>>)
        %scan3A_42 = arith.constant 0 : i32
        %scan3A_43 = arith.constant 0 : i32
        %scan3A_44 = arith.constant 128 : i32
        %scan3A_45 = arith.addi %scan3A_43, %scan3A_44 : i32
        %scan3A_46 = arith.constant 1 : i32
        scf.for %scan3A_293 = %scan3A_43 to %scan3A_45 step %scan3A_46  : i32 {
          %get3A = arith.index_cast %scan3A_293 : i32 to index
          %get3A_294 = arith.constant 0 : index
          %get3A_295 = tpu.vector_load %arg11[%get3A, %get3A_294] {strides = array<i32>} : memref<128x64xi32, #tpu.memory_space<vmem>>, vector<16xi32>,
          %bitcast3A = vector.bitcast %get3A_295 : vector<16xi32> to vector<32xbf16>
          %unpack3A = tpu.unpack_subelements %bitcast3A, 0 {pack_format = #tpu.pack_format<interleaved>} : vector<32xbf16> -> vector<16xf32>
          %unpack3A_296 = tpu.unpack_subelements %bitcast3A, 1 {pack_format = #tpu.pack_format<interleaved>} : vector<32xbf16> -> vector<16xf32>
          %swap3A = arith.index_cast %scan3A_293 : i32 to index
          %swap3A_297 = arith.constant 0 : index
          %swap3A_298 = tpu.vector_load %arg13[%swap3A, %swap3A_297] {strides = array<i32>} : memref<128x128xf32, #tpu.memory_space<vmem>>, vector<16xf32>,
          tpu.vector_store %arg13[%swap3A, %swap3A_297], %unpack3A {strides = array<i32>} : memref<128x128xf32, #tpu.memory_space<vmem>>, vector<16xf32>,
          %swap3A_299 = arith.index_cast %scan3A_293 : i32 to index
          %swap3A_300 = arith.constant 64 : index
          %swap3A_301 = tpu.vector_load %arg13[%swap3A_299, %swap3A_300] {strides = array<i32>} : memref<128x128xf32, #tpu.memory_space<vmem>>, vector<16xf32>,
          tpu.vector_store %arg13[%swap3A_299, %swap3A_300], %unpack3A_296 {strides = array<i32>} : memref<128x128xf32, #tpu.memory_space<vmem>>, vector<16xf32>,
          %get3A_302 = arith.index_cast %scan3A_293 : i32 to index
          %get3A_303 = arith.constant 16 : index
          %get3A_304 = tpu.vector_load %arg11[%get3A_302, %get3A_303] {strides = array<i32>} : memref<128x64xi32, #tpu.memory_space<vmem>>, vector<16xi32>,
          %bitcast3A_305 = vector.bitcast %get3A_304 : vector<16xi32> to vector<32xbf16>
          %unpack3A_306 = tpu.unpack_subelements %bitcast3A_305, 0 {pack_format = #tpu.pack_format<interleaved>} : vector<32xbf16> -> vector<16xf32>
          %unpack3A_307 = tpu.unpack_subelements %bitcast3A_305, 1 {pack_format = #tpu.pack_format<interleaved>} : vector<32xbf16> -> vector<16xf32>
          %swap3A_308 = arith.index_cast %scan3A_293 : i32 to index
          %swap3A_309 = arith.constant 16 : index
          %swap3A_310 = tpu.vector_load %arg13[%swap3A_308, %swap3A_309] {strides = array<i32>} : memref<128x128xf32, #tpu.memory_space<vmem>>, vector<16xf32>,
          tpu.vector_store %arg13[%swap3A_308, %swap3A_309], %unpack3A_306 {strides = array<i32>} : memref<128x128xf32, #tpu.memory_space<vmem>>, vector<16xf32>,
          %swap3A_311 = arith.index_cast %scan3A_293 : i32 to index
          %swap3A_312 = arith.constant 80 : index
          %swap3A_313 = tpu.vector_load %arg13[%swap3A_311, %swap3A_312] {strides = array<i32>} : memref<128x128xf32, #tpu.memory_space<vmem>>, vector<16xf32>,
          tpu.vector_store %arg13[%swap3A_311, %swap3A_312], %unpack3A_307 {strides = array<i32>} : memref<128x128xf32, #tpu.memory_space<vmem>>, vector<16xf32>,
          %get3A_314 = arith.index_cast %scan3A_293 : i32 to index
          %get3A_315 = arith.constant 32 : index
          %get3A_316 = tpu.vector_load %arg11[%get3A_314, %get3A_315] {strides = array<i32>} : memref<128x64xi32, #tpu.memory_space<vmem>>, vector<16xi32>,
          %bitcast3A_317 = vector.bitcast %get3A_316 : vector<16xi32> to vector<32xbf16>
          %unpack3A_318 = tpu.unpack_subelements %bitcast3A_317, 0 {pack_format = #tpu.pack_format<interleaved>} : vector<32xbf16> -> vector<16xf32>
          %unpack3A_319 = tpu.unpack_subelements %bitcast3A_317, 1 {pack_format = #tpu.pack_format<interleaved>} : vector<32xbf16> -> vector<16xf32>
          %swap3A_320 = arith.index_cast %scan3A_293 : i32 to index
          %swap3A_321 = arith.constant 32 : index
          %swap3A_322 = tpu.vector_load %arg13[%swap3A_320, %swap3A_321] {strides = array<i32>} : memref<128x128xf32, #tpu.memory_space<vmem>>, vector<16xf32>,
          tpu.vector_store %arg13[%swap3A_320, %swap3A_321], %unpack3A_318 {strides = array<i32>} : memref<128x128xf32, #tpu.memory_space<vmem>>, vector<16xf32>,
          %swap3A_323 = arith.index_cast %scan3A_293 : i32 to index
          %swap3A_324 = arith.constant 96 : index
          %swap3A_325 = tpu.vector_load %arg13[%swap3A_323, %swap3A_324] {strides = array<i32>} : memref<128x128xf32, #tpu.memory_space<vmem>>, vector<16xf32>,
          tpu.vector_store %arg13[%swap3A_323, %swap3A_324], %unpack3A_319 {strides = array<i32>} : memref<128x128xf32, #tpu.memory_space<vmem>>, vector<16xf32>,
          %get3A_326 = arith.index_cast %scan3A_293 : i32 to index
          %get3A_327 = arith.constant 48 : index
          %get3A_328 = tpu.vector_load %arg11[%get3A_326, %get3A_327] {strides = array<i32>} : memref<128x64xi32, #tpu.memory_space<vmem>>, vector<16xi32>,
          %bitcast3A_329 = vector.bitcast %get3A_328 : vector<16xi32> to vector<32xbf16>
          %unpack3A_330 = tpu.unpack_subelements %bitcast3A_329, 0 {pack_format = #tpu.pack_format<interleaved>} : vector<32xbf16> -> vector<16xf32>
          %unpack3A_331 = tpu.unpack_subelements %bitcast3A_329, 1 {pack_format = #tpu.pack_format<interleaved>} : vector<32xbf16> -> vector<16xf32>
          %swap3A_332 = arith.index_cast %scan3A_293 : i32 to index
          %swap3A_333 = arith.constant 48 : index
          %swap3A_334 = tpu.vector_load %arg13[%swap3A_332, %swap3A_333] {strides = array<i32>} : memref<128x128xf32, #tpu.memory_space<vmem>>, vector<16xf32>,
          tpu.vector_store %arg13[%swap3A_332, %swap3A_333], %unpack3A_330 {strides = array<i32>} : memref<128x128xf32, #tpu.memory_space<vmem>>, vector<16xf32>,
          %swap3A_335 = arith.index_cast %scan3A_293 : i32 to index
          %swap3A_336 = arith.constant 112 : index
          %swap3A_337 = tpu.vector_load %arg13[%swap3A_335, %swap3A_336] {strides = array<i32>} : memref<128x128xf32, #tpu.memory_space<vmem>>, vector<16xf32>,
          tpu.vector_store %arg13[%swap3A_335, %swap3A_336], %unpack3A_331 {strides = array<i32>} : memref<128x128xf32, #tpu.memory_space<vmem>>, vector<16xf32>,
        }
        %scan3A_47 = arith.constant 128 : i32
        %dma_start3A_48 = arith.constant 0 : i32
        %dma_start3A_49 = arith.constant 0 : i32
        %dma_start3A_50 = tpu.memref_slice %arg10[%dma_start3A_48, %dma_start3A_49] : memref<8x128xi32, #tpu.memory_space<vmem>> -> memref<1x128xi32, #tpu.memory_space<vmem>>
        %dma_start3A_51 = tpu.memref_squeeze %dma_start3A_50 : memref<1x128xi32, #tpu.memory_space<vmem>> -> memref<128xi32, #tpu.memory_space<vmem>>
        %dma_start3A_52 = arith.constant 0 : i32
        %dma_start3A_53 = arith.constant 0 : i32
        %dma_start3A_54 = tpu.memref_slice %arg14[%dma_start3A_52, %dma_start3A_53] : memref<10112x128xf32, #tpu.memory_space<vmem_shared>> -> memref<10112x128xf32, #tpu.memory_space<vmem_shared>>
        tpu.enqueue_indirect_dma source(%arg13 : memref<128x128xf32, #tpu.memory_space<vmem>>) target(%dma_start3A_54 : memref<10112x128xf32, #tpu.memory_space<vmem_shared>>) offsets(%dma_start3A_51 : memref<128xi32, #tpu.memory_space<vmem>>) semaphore(%arg16 : memref<!tpu.dma_semaphore, #tpu.memory_space<semaphore_mem>>) {add = true}
        %dma_wait3A_55 = arith.constant 1 : i32
        %dma_wait3A_56 = arith.constant 0 : i32
        %dma_wait3A_57 = tpu.memref_slice %arg9[%dma_wait3A_55, %dma_wait3A_56] : memref<8x128xi32, #tpu.memory_space<vmem>> -> memref<1x128xi32, #tpu.memory_space<vmem>>
        %dma_wait3A_58 = tpu.memref_squeeze %dma_wait3A_57 : memref<1x128xi32, #tpu.memory_space<vmem>> -> memref<128xi32, #tpu.memory_space<vmem>>
        %dma_wait3A_59 = arith.constant 0 : i32
        %dma_wait3A_60 = arith.constant 0 : i32
        %dma_wait3A_61 = tpu.memref_slice %arg2[%dma_wait3A_59, %dma_wait3A_60] : memref<10000x64xi32, #tpu.memory_space<hbm>> -> memref<10000x64xi32, #tpu.memory_space<hbm>>
        tpu.wait_indirect_dma semaphore(%arg15 : memref<!tpu.dma_semaphore, #tpu.memory_space<semaphore_mem>>) src(%dma_wait3A_61 : memref<10000x64xi32, #tpu.memory_space<hbm>>) dst(%arg12 : memref<128x64xi32, #tpu.memory_space<vmem>>)
        %dma_start3A_62 = arith.constant 2 : i32
        %dma_start3A_63 = arith.constant 0 : i32
        %dma_start3A_64 = tpu.memref_slice %arg9[%dma_start3A_62, %dma_start3A_63] : memref<8x128xi32, #tpu.memory_space<vmem>> -> memref<1x128xi32, #tpu.memory_space<vmem>>
        %dma_start3A_65 = tpu.memref_squeeze %dma_start3A_64 : memref<1x128xi32, #tpu.memory_space<vmem>> -> memref<128xi32, #tpu.memory_space<vmem>>
        %dma_start3A_66 = arith.constant 0 : i32
        %dma_start3A_67 = arith.constant 0 : i32
        %dma_start3A_68 = tpu.memref_slice %arg2[%dma_start3A_66, %dma_start3A_67] : memref<10000x64xi32, #tpu.memory_space<hbm>> -> memref<10000x64xi32, #tpu.memory_space<hbm>>
        tpu.enqueue_indirect_dma source(%dma_start3A_68 : memref<10000x64xi32, #tpu.memory_space<hbm>>) target(%arg11 : memref<128x64xi32, #tpu.memory_space<vmem>>) offsets(%dma_start3A_65 : memref<128xi32, #tpu.memory_space<vmem>>) semaphore(%arg15 : memref<!tpu.dma_semaphore, #tpu.memory_space<semaphore_mem>>)
        %dma_wait3A_69 = arith.constant 0 : i32
        %dma_wait3A_70 = arith.constant 0 : i32
        %dma_wait3A_71 = tpu.memref_slice %arg10[%dma_wait3A_69, %dma_wait3A_70] : memref<8x128xi32, #tpu.memory_space<vmem>> -> memref<1x128xi32, #tpu.memory_space<vmem>>
        %dma_wait3A_72 = tpu.memref_squeeze %dma_wait3A_71 : memref<1x128xi32, #tpu.memory_space<vmem>> -> memref<128xi32, #tpu.memory_space<vmem>>
        %dma_wait3A_73 = arith.constant 0 : i32
        %dma_wait3A_74 = arith.constant 0 : i32
        %dma_wait3A_75 = tpu.memref_slice %arg14[%dma_wait3A_73, %dma_wait3A_74] : memref<10112x128xf32, #tpu.memory_space<vmem_shared>> -> memref<10112x128xf32, #tpu.memory_space<vmem_shared>>
        tpu.wait_indirect_dma semaphore(%arg16 : memref<!tpu.dma_semaphore, #tpu.memory_space<semaphore_mem>>) src(%arg13 : memref<128x128xf32, #tpu.memory_space<vmem>>) dst(%dma_wait3A_75 : memref<10112x128xf32, #tpu.memory_space<vmem_shared>>)
        %scan3A_76 = arith.constant 0 : i32
        %scan3A_77 = arith.constant 0 : i32
        %scan3A_78 = arith.constant 128 : i32
        %scan3A_79 = arith.addi %scan3A_77, %scan3A_78 : i32
        %scan3A_80 = arith.constant 1 : i32
        scf.for %scan3A_293 = %scan3A_77 to %scan3A_79 step %scan3A_80  : i32 {
          %get3A = arith.index_cast %scan3A_293 : i32 to index
          %get3A_294 = arith.constant 0 : index
          %get3A_295 = tpu.vector_load %arg12[%get3A, %get3A_294] {strides = array<i32>} : memref<128x64xi32, #tpu.memory_space<vmem>>, vector<16xi32>,
          %bitcast3A = vector.bitcast %get3A_295 : vector<16xi32> to vector<32xbf16>
          %unpack3A = tpu.unpack_subelements %bitcast3A, 0 {pack_format = #tpu.pack_format<interleaved>} : vector<32xbf16> -> vector<16xf32>
          %unpack3A_296 = tpu.unpack_subelements %bitcast3A, 1 {pack_format = #tpu.pack_format<interleaved>} : vector<32xbf16> -> vector<16xf32>
          %swap3A = arith.index_cast %scan3A_293 : i32 to index
          %swap3A_297 = arith.constant 0 : index
          %swap3A_298 = tpu.vector_load %arg13[%swap3A, %swap3A_297] {strides = array<i32>} : memref<128x128xf32, #tpu.memory_space<vmem>>, vector<16xf32>,
          tpu.vector_store %arg13[%swap3A, %swap3A_297], %unpack3A {strides = array<i32>} : memref<128x128xf32, #tpu.memory_space<vmem>>, vector<16xf32>,
          %swap3A_299 = arith.index_cast %scan3A_293 : i32 to index
          %swap3A_300 = arith.constant 64 : index
          %swap3A_301 = tpu.vector_load %arg13[%swap3A_299, %swap3A_300] {strides = array<i32>} : memref<128x128xf32, #tpu.memory_space<vmem>>, vector<16xf32>,
          tpu.vector_store %arg13[%swap3A_299, %swap3A_300], %unpack3A_296 {strides = array<i32>} : memref<128x128xf32, #tpu.memory_space<vmem>>, vector<16xf32>,
          %get3A_302 = arith.index_cast %scan3A_293 : i32 to index
          %get3A_303 = arith.constant 16 : index
          %get3A_304 = tpu.vector_load %arg12[%get3A_302, %get3A_303] {strides = array<i32>} : memref<128x64xi32, #tpu.memory_space<vmem>>, vector<16xi32>,
          %bitcast3A_305 = vector.bitcast %get3A_304 : vector<16xi32> to vector<32xbf16>
          %unpack3A_306 = tpu.unpack_subelements %bitcast3A_305, 0 {pack_format = #tpu.pack_format<interleaved>} : vector<32xbf16> -> vector<16xf32>
          %unpack3A_307 = tpu.unpack_subelements %bitcast3A_305, 1 {pack_format = #tpu.pack_format<interleaved>} : vector<32xbf16> -> vector<16xf32>
          %swap3A_308 = arith.index_cast %scan3A_293 : i32 to index
          %swap3A_309 = arith.constant 16 : index
          %swap3A_310 = tpu.vector_load %arg13[%swap3A_308, %swap3A_309] {strides = array<i32>} : memref<128x128xf32, #tpu.memory_space<vmem>>, vector<16xf32>,
          tpu.vector_store %arg13[%swap3A_308, %swap3A_309], %unpack3A_306 {strides = array<i32>} : memref<128x128xf32, #tpu.memory_space<vmem>>, vector<16xf32>,
          %swap3A_311 = arith.index_cast %scan3A_293 : i32 to index
          %swap3A_312 = arith.constant 80 : index
          %swap3A_313 = tpu.vector_load %arg13[%swap3A_311, %swap3A_312] {strides = array<i32>} : memref<128x128xf32, #tpu.memory_space<vmem>>, vector<16xf32>,
          tpu.vector_store %arg13[%swap3A_311, %swap3A_312], %unpack3A_307 {strides = array<i32>} : memref<128x128xf32, #tpu.memory_space<vmem>>, vector<16xf32>,
          %get3A_314 = arith.index_cast %scan3A_293 : i32 to index
          %get3A_315 = arith.constant 32 : index
          %get3A_316 = tpu.vector_load %arg12[%get3A_314, %get3A_315] {strides = array<i32>} : memref<128x64xi32, #tpu.memory_space<vmem>>, vector<16xi32>,
          %bitcast3A_317 = vector.bitcast %get3A_316 : vector<16xi32> to vector<32xbf16>
          %unpack3A_318 = tpu.unpack_subelements %bitcast3A_317, 0 {pack_format = #tpu.pack_format<interleaved>} : vector<32xbf16> -> vector<16xf32>
          %unpack3A_319 = tpu.unpack_subelements %bitcast3A_317, 1 {pack_format = #tpu.pack_format<interleaved>} : vector<32xbf16> -> vector<16xf32>
          %swap3A_320 = arith.index_cast %scan3A_293 : i32 to index
          %swap3A_321 = arith.constant 32 : index
          %swap3A_322 = tpu.vector_load %arg13[%swap3A_320, %swap3A_321] {strides = array<i32>} : memref<128x128xf32, #tpu.memory_space<vmem>>, vector<16xf32>,
          tpu.vector_store %arg13[%swap3A_320, %swap3A_321], %unpack3A_318 {strides = array<i32>} : memref<128x128xf32, #tpu.memory_space<vmem>>, vector<16xf32>,
          %swap3A_323 = arith.index_cast %scan3A_293 : i32 to index
          %swap3A_324 = arith.constant 96 : index
          %swap3A_325 = tpu.vector_load %arg13[%swap3A_323, %swap3A_324] {strides = array<i32>} : memref<128x128xf32, #tpu.memory_space<vmem>>, vector<16xf32>,
          tpu.vector_store %arg13[%swap3A_323, %swap3A_324], %unpack3A_319 {strides = array<i32>} : memref<128x128xf32, #tpu.memory_space<vmem>>, vector<16xf32>,
          %get3A_326 = arith.index_cast %scan3A_293 : i32 to index
          %get3A_327 = arith.constant 48 : index
          %get3A_328 = tpu.vector_load %arg12[%get3A_326, %get3A_327] {strides = array<i32>} : memref<128x64xi32, #tpu.memory_space<vmem>>, vector<16xi32>,
          %bitcast3A_329 = vector.bitcast %get3A_328 : vector<16xi32> to vector<32xbf16>
          %unpack3A_330 = tpu.unpack_subelements %bitcast3A_329, 0 {pack_format = #tpu.pack_format<interleaved>} : vector<32xbf16> -> vector<16xf32>
          %unpack3A_331 = tpu.unpack_subelements %bitcast3A_329, 1 {pack_format = #tpu.pack_format<interleaved>} : vector<32xbf16> -> vector<16xf32>
          %swap3A_332 = arith.index_cast %scan3A_293 : i32 to index
          %swap3A_333 = arith.constant 48 : index
          %swap3A_334 = tpu.vector_load %arg13[%swap3A_332, %swap3A_333] {strides = array<i32>} : memref<128x128xf32, #tpu.memory_space<vmem>>, vector<16xf32>,
          tpu.vector_store %arg13[%swap3A_332, %swap3A_333], %unpack3A_330 {strides = array<i32>} : memref<128x128xf32, #tpu.memory_space<vmem>>, vector<16xf32>,
          %swap3A_335 = arith.index_cast %scan3A_293 : i32 to index
          %swap3A_336 = arith.constant 112 : index
          %swap3A_337 = tpu.vector_load %arg13[%swap3A_335, %swap3A_336] {strides = array<i32>} : memref<128x128xf32, #tpu.memory_space<vmem>>, vector<16xf32>,
          tpu.vector_store %arg13[%swap3A_335, %swap3A_336], %unpack3A_331 {strides = array<i32>} : memref<128x128xf32, #tpu.memory_space<vmem>>, vector<16xf32>,
        }
        %scan3A_81 = arith.constant 128 : i32
        %dma_start3A_82 = arith.constant 1 : i32
        %dma_start3A_83 = arith.constant 0 : i32
        %dma_start3A_84 = tpu.memref_slice %arg10[%dma_start3A_82, %dma_start3A_83] : memref<8x128xi32, #tpu.memory_space<vmem>> -> memref<1x128xi32, #tpu.memory_space<vmem>>
        %dma_start3A_85 = tpu.memref_squeeze %dma_start3A_84 : memref<1x128xi32, #tpu.memory_space<vmem>> -> memref<128xi32, #tpu.memory_space<vmem>>
        %dma_start3A_86 = arith.constant 0 : i32
        %dma_start3A_87 = arith.constant 0 : i32
        %dma_start3A_88 = tpu.memref_slice %arg14[%dma_start3A_86, %dma_start3A_87] : memref<10112x128xf32, #tpu.memory_space<vmem_shared>> -> memref<10112x128xf32, #tpu.memory_space<vmem_shared>>
        tpu.enqueue_indirect_dma source(%arg13 : memref<128x128xf32, #tpu.memory_space<vmem>>) target(%dma_start3A_88 : memref<10112x128xf32, #tpu.memory_space<vmem_shared>>) offsets(%dma_start3A_85 : memref<128xi32, #tpu.memory_space<vmem>>) semaphore(%arg16 : memref<!tpu.dma_semaphore, #tpu.memory_space<semaphore_mem>>) {add = true}
        %dma_wait3A_89 = arith.constant 2 : i32
        %dma_wait3A_90 = arith.constant 0 : i32
        %dma_wait3A_91 = tpu.memref_slice %arg9[%dma_wait3A_89, %dma_wait3A_90] : memref<8x128xi32, #tpu.memory_space<vmem>> -> memref<1x128xi32, #tpu.memory_space<vmem>>
        %dma_wait3A_92 = tpu.memref_squeeze %dma_wait3A_91 : memref<1x128xi32, #tpu.memory_space<vmem>> -> memref<128xi32, #tpu.memory_space<vmem>>
        %dma_wait3A_93 = arith.constant 0 : i32
        %dma_wait3A_94 = arith.constant 0 : i32
        %dma_wait3A_95 = tpu.memref_slice %arg2[%dma_wait3A_93, %dma_wait3A_94] : memref<10000x64xi32, #tpu.memory_space<hbm>> -> memref<10000x64xi32, #tpu.memory_space<hbm>>
        tpu.wait_indirect_dma semaphore(%arg15 : memref<!tpu.dma_semaphore, #tpu.memory_space<semaphore_mem>>) src(%dma_wait3A_95 : memref<10000x64xi32, #tpu.memory_space<hbm>>) dst(%arg11 : memref<128x64xi32, #tpu.memory_space<vmem>>)
        %dma_start3A_96 = arith.constant 3 : i32
        %dma_start3A_97 = arith.constant 0 : i32
        %dma_start3A_98 = tpu.memref_slice %arg9[%dma_start3A_96, %dma_start3A_97] : memref<8x128xi32, #tpu.memory_space<vmem>> -> memref<1x128xi32, #tpu.memory_space<vmem>>
        %dma_start3A_99 = tpu.memref_squeeze %dma_start3A_98 : memref<1x128xi32, #tpu.memory_space<vmem>> -> memref<128xi32, #tpu.memory_space<vmem>>
        %dma_start3A_100 = arith.constant 0 : i32
        %dma_start3A_101 = arith.constant 0 : i32
        %dma_start3A_102 = tpu.memref_slice %arg2[%dma_start3A_100, %dma_start3A_101] : memref<10000x64xi32, #tpu.memory_space<hbm>> -> memref<10000x64xi32, #tpu.memory_space<hbm>>
        tpu.enqueue_indirect_dma source(%dma_start3A_102 : memref<10000x64xi32, #tpu.memory_space<hbm>>) target(%arg12 : memref<128x64xi32, #tpu.memory_space<vmem>>) offsets(%dma_start3A_99 : memref<128xi32, #tpu.memory_space<vmem>>) semaphore(%arg15 : memref<!tpu.dma_semaphore, #tpu.memory_space<semaphore_mem>>)
        %dma_wait3A_103 = arith.constant 1 : i32
        %dma_wait3A_104 = arith.constant 0 : i32
        %dma_wait3A_105 = tpu.memref_slice %arg10[%dma_wait3A_103, %dma_wait3A_104] : memref<8x128xi32, #tpu.memory_space<vmem>> -> memref<1x128xi32, #tpu.memory_space<vmem>>
        %dma_wait3A_106 = tpu.memref_squeeze %dma_wait3A_105 : memref<1x128xi32, #tpu.memory_space<vmem>> -> memref<128xi32, #tpu.memory_space<vmem>>
        %dma_wait3A_107 = arith.constant 0 : i32
        %dma_wait3A_108 = arith.constant 0 : i32
        %dma_wait3A_109 = tpu.memref_slice %arg14[%dma_wait3A_107, %dma_wait3A_108] : memref<10112x128xf32, #tpu.memory_space<vmem_shared>> -> memref<10112x128xf32, #tpu.memory_space<vmem_shared>>
        tpu.wait_indirect_dma semaphore(%arg16 : memref<!tpu.dma_semaphore, #tpu.memory_space<semaphore_mem>>) src(%arg13 : memref<128x128xf32, #tpu.memory_space<vmem>>) dst(%dma_wait3A_109 : memref<10112x128xf32, #tpu.memory_space<vmem_shared>>)
        %scan3A_110 = arith.constant 0 : i32
        %scan3A_111 = arith.constant 0 : i32
        %scan3A_112 = arith.constant 128 : i32
        %scan3A_113 = arith.addi %scan3A_111, %scan3A_112 : i32
        %scan3A_114 = arith.constant 1 : i32
        scf.for %scan3A_293 = %scan3A_111 to %scan3A_113 step %scan3A_114  : i32 {
          %get3A = arith.index_cast %scan3A_293 : i32 to index
          %get3A_294 = arith.constant 0 : index
          %get3A_295 = tpu.vector_load %arg11[%get3A, %get3A_294] {strides = array<i32>} : memref<128x64xi32, #tpu.memory_space<vmem>>, vector<16xi32>,
          %bitcast3A = vector.bitcast %get3A_295 : vector<16xi32> to vector<32xbf16>
          %unpack3A = tpu.unpack_subelements %bitcast3A, 0 {pack_format = #tpu.pack_format<interleaved>} : vector<32xbf16> -> vector<16xf32>
          %unpack3A_296 = tpu.unpack_subelements %bitcast3A, 1 {pack_format = #tpu.pack_format<interleaved>} : vector<32xbf16> -> vector<16xf32>
          %swap3A = arith.index_cast %scan3A_293 : i32 to index
          %swap3A_297 = arith.constant 0 : index
          %swap3A_298 = tpu.vector_load %arg13[%swap3A, %swap3A_297] {strides = array<i32>} : memref<128x128xf32, #tpu.memory_space<vmem>>, vector<16xf32>,
          tpu.vector_store %arg13[%swap3A, %swap3A_297], %unpack3A {strides = array<i32>} : memref<128x128xf32, #tpu.memory_space<vmem>>, vector<16xf32>,
          %swap3A_299 = arith.index_cast %scan3A_293 : i32 to index
          %swap3A_300 = arith.constant 64 : index
          %swap3A_301 = tpu.vector_load %arg13[%swap3A_299, %swap3A_300] {strides = array<i32>} : memref<128x128xf32, #tpu.memory_space<vmem>>, vector<16xf32>,
          tpu.vector_store %arg13[%swap3A_299, %swap3A_300], %unpack3A_296 {strides = array<i32>} : memref<128x128xf32, #tpu.memory_space<vmem>>, vector<16xf32>,
          %get3A_302 = arith.index_cast %scan3A_293 : i32 to index
          %get3A_303 = arith.constant 16 : index
          %get3A_304 = tpu.vector_load %arg11[%get3A_302, %get3A_303] {strides = array<i32>} : memref<128x64xi32, #tpu.memory_space<vmem>>, vector<16xi32>,
          %bitcast3A_305 = vector.bitcast %get3A_304 : vector<16xi32> to vector<32xbf16>
          %unpack3A_306 = tpu.unpack_subelements %bitcast3A_305, 0 {pack_format = #tpu.pack_format<interleaved>} : vector<32xbf16> -> vector<16xf32>
          %unpack3A_307 = tpu.unpack_subelements %bitcast3A_305, 1 {pack_format = #tpu.pack_format<interleaved>} : vector<32xbf16> -> vector<16xf32>
          %swap3A_308 = arith.index_cast %scan3A_293 : i32 to index
          %swap3A_309 = arith.constant 16 : index
          %swap3A_310 = tpu.vector_load %arg13[%swap3A_308, %swap3A_309] {strides = array<i32>} : memref<128x128xf32, #tpu.memory_space<vmem>>, vector<16xf32>,
          tpu.vector_store %arg13[%swap3A_308, %swap3A_309], %unpack3A_306 {strides = array<i32>} : memref<128x128xf32, #tpu.memory_space<vmem>>, vector<16xf32>,
          %swap3A_311 = arith.index_cast %scan3A_293 : i32 to index
          %swap3A_312 = arith.constant 80 : index
          %swap3A_313 = tpu.vector_load %arg13[%swap3A_311, %swap3A_312] {strides = array<i32>} : memref<128x128xf32, #tpu.memory_space<vmem>>, vector<16xf32>,
          tpu.vector_store %arg13[%swap3A_311, %swap3A_312], %unpack3A_307 {strides = array<i32>} : memref<128x128xf32, #tpu.memory_space<vmem>>, vector<16xf32>,
          %get3A_314 = arith.index_cast %scan3A_293 : i32 to index
          %get3A_315 = arith.constant 32 : index
          %get3A_316 = tpu.vector_load %arg11[%get3A_314, %get3A_315] {strides = array<i32>} : memref<128x64xi32, #tpu.memory_space<vmem>>, vector<16xi32>,
          %bitcast3A_317 = vector.bitcast %get3A_316 : vector<16xi32> to vector<32xbf16>
          %unpack3A_318 = tpu.unpack_subelements %bitcast3A_317, 0 {pack_format = #tpu.pack_format<interleaved>} : vector<32xbf16> -> vector<16xf32>
          %unpack3A_319 = tpu.unpack_subelements %bitcast3A_317, 1 {pack_format = #tpu.pack_format<interleaved>} : vector<32xbf16> -> vector<16xf32>
          %swap3A_320 = arith.index_cast %scan3A_293 : i32 to index
          %swap3A_321 = arith.constant 32 : index
          %swap3A_322 = tpu.vector_load %arg13[%swap3A_320, %swap3A_321] {strides = array<i32>} : memref<128x128xf32, #tpu.memory_space<vmem>>, vector<16xf32>,
          tpu.vector_store %arg13[%swap3A_320, %swap3A_321], %unpack3A_318 {strides = array<i32>} : memref<128x128xf32, #tpu.memory_space<vmem>>, vector<16xf32>,
          %swap3A_323 = arith.index_cast %scan3A_293 : i32 to index
          %swap3A_324 = arith.constant 96 : index
          %swap3A_325 = tpu.vector_load %arg13[%swap3A_323, %swap3A_324] {strides = array<i32>} : memref<128x128xf32, #tpu.memory_space<vmem>>, vector<16xf32>,
          tpu.vector_store %arg13[%swap3A_323, %swap3A_324], %unpack3A_319 {strides = array<i32>} : memref<128x128xf32, #tpu.memory_space<vmem>>, vector<16xf32>,
          %get3A_326 = arith.index_cast %scan3A_293 : i32 to index
          %get3A_327 = arith.constant 48 : index
          %get3A_328 = tpu.vector_load %arg11[%get3A_326, %get3A_327] {strides = array<i32>} : memref<128x64xi32, #tpu.memory_space<vmem>>, vector<16xi32>,
          %bitcast3A_329 = vector.bitcast %get3A_328 : vector<16xi32> to vector<32xbf16>
          %unpack3A_330 = tpu.unpack_subelements %bitcast3A_329, 0 {pack_format = #tpu.pack_format<interleaved>} : vector<32xbf16> -> vector<16xf32>
          %unpack3A_331 = tpu.unpack_subelements %bitcast3A_329, 1 {pack_format = #tpu.pack_format<interleaved>} : vector<32xbf16> -> vector<16xf32>
          %swap3A_332 = arith.index_cast %scan3A_293 : i32 to index
          %swap3A_333 = arith.constant 48 : index
          %swap3A_334 = tpu.vector_load %arg13[%swap3A_332, %swap3A_333] {strides = array<i32>} : memref<128x128xf32, #tpu.memory_space<vmem>>, vector<16xf32>,
          tpu.vector_store %arg13[%swap3A_332, %swap3A_333], %unpack3A_330 {strides = array<i32>} : memref<128x128xf32, #tpu.memory_space<vmem>>, vector<16xf32>,
          %swap3A_335 = arith.index_cast %scan3A_293 : i32 to index
          %swap3A_336 = arith.constant 112 : index
          %swap3A_337 = tpu.vector_load %arg13[%swap3A_335, %swap3A_336] {strides = array<i32>} : memref<128x128xf32, #tpu.memory_space<vmem>>, vector<16xf32>,
          tpu.vector_store %arg13[%swap3A_335, %swap3A_336], %unpack3A_331 {strides = array<i32>} : memref<128x128xf32, #tpu.memory_space<vmem>>, vector<16xf32>,
        }
        %scan3A_115 = arith.constant 128 : i32
        %dma_start3A_116 = arith.constant 2 : i32
        %dma_start3A_117 = arith.constant 0 : i32
        %dma_start3A_118 = tpu.memref_slice %arg10[%dma_start3A_116, %dma_start3A_117] : memref<8x128xi32, #tpu.memory_space<vmem>> -> memref<1x128xi32, #tpu.memory_space<vmem>>
        %dma_start3A_119 = tpu.memref_squeeze %dma_start3A_118 : memref<1x128xi32, #tpu.memory_space<vmem>> -> memref<128xi32, #tpu.memory_space<vmem>>
        %dma_start3A_120 = arith.constant 0 : i32
        %dma_start3A_121 = arith.constant 0 : i32
        %dma_start3A_122 = tpu.memref_slice %arg14[%dma_start3A_120, %dma_start3A_121] : memref<10112x128xf32, #tpu.memory_space<vmem_shared>> -> memref<10112x128xf32, #tpu.memory_space<vmem_shared>>
        tpu.enqueue_indirect_dma source(%arg13 : memref<128x128xf32, #tpu.memory_space<vmem>>) target(%dma_start3A_122 : memref<10112x128xf32, #tpu.memory_space<vmem_shared>>) offsets(%dma_start3A_119 : memref<128xi32, #tpu.memory_space<vmem>>) semaphore(%arg16 : memref<!tpu.dma_semaphore, #tpu.memory_space<semaphore_mem>>) {add = true}
        %dma_wait3A_123 = arith.constant 3 : i32
        %dma_wait3A_124 = arith.constant 0 : i32
        %dma_wait3A_125 = tpu.memref_slice %arg9[%dma_wait3A_123, %dma_wait3A_124] : memref<8x128xi32, #tpu.memory_space<vmem>> -> memref<1x128xi32, #tpu.memory_space<vmem>>
        %dma_wait3A_126 = tpu.memref_squeeze %dma_wait3A_125 : memref<1x128xi32, #tpu.memory_space<vmem>> -> memref<128xi32, #tpu.memory_space<vmem>>
        %dma_wait3A_127 = arith.constant 0 : i32
        %dma_wait3A_128 = arith.constant 0 : i32
        %dma_wait3A_129 = tpu.memref_slice %arg2[%dma_wait3A_127, %dma_wait3A_128] : memref<10000x64xi32, #tpu.memory_space<hbm>> -> memref<10000x64xi32, #tpu.memory_space<hbm>>
        tpu.wait_indirect_dma semaphore(%arg15 : memref<!tpu.dma_semaphore, #tpu.memory_space<semaphore_mem>>) src(%dma_wait3A_129 : memref<10000x64xi32, #tpu.memory_space<hbm>>) dst(%arg12 : memref<128x64xi32, #tpu.memory_space<vmem>>)
        %dma_start3A_130 = arith.constant 4 : i32
        %dma_start3A_131 = arith.constant 0 : i32
        %dma_start3A_132 = tpu.memref_slice %arg9[%dma_start3A_130, %dma_start3A_131] : memref<8x128xi32, #tpu.memory_space<vmem>> -> memref<1x128xi32, #tpu.memory_space<vmem>>
        %dma_start3A_133 = tpu.memref_squeeze %dma_start3A_132 : memref<1x128xi32, #tpu.memory_space<vmem>> -> memref<128xi32, #tpu.memory_space<vmem>>
        %dma_start3A_134 = arith.constant 0 : i32
        %dma_start3A_135 = arith.constant 0 : i32
        %dma_start3A_136 = tpu.memref_slice %arg2[%dma_start3A_134, %dma_start3A_135] : memref<10000x64xi32, #tpu.memory_space<hbm>> -> memref<10000x64xi32, #tpu.memory_space<hbm>>
        tpu.enqueue_indirect_dma source(%dma_start3A_136 : memref<10000x64xi32, #tpu.memory_space<hbm>>) target(%arg11 : memref<128x64xi32, #tpu.memory_space<vmem>>) offsets(%dma_start3A_133 : memref<128xi32, #tpu.memory_space<vmem>>) semaphore(%arg15 : memref<!tpu.dma_semaphore, #tpu.memory_space<semaphore_mem>>)
        %dma_wait3A_137 = arith.constant 2 : i32
        %dma_wait3A_138 = arith.constant 0 : i32
        %dma_wait3A_139 = tpu.memref_slice %arg10[%dma_wait3A_137, %dma_wait3A_138] : memref<8x128xi32, #tpu.memory_space<vmem>> -> memref<1x128xi32, #tpu.memory_space<vmem>>
        %dma_wait3A_140 = tpu.memref_squeeze %dma_wait3A_139 : memref<1x128xi32, #tpu.memory_space<vmem>> -> memref<128xi32, #tpu.memory_space<vmem>>
        %dma_wait3A_141 = arith.constant 0 : i32
        %dma_wait3A_142 = arith.constant 0 : i32
        %dma_wait3A_143 = tpu.memref_slice %arg14[%dma_wait3A_141, %dma_wait3A_142] : memref<10112x128xf32, #tpu.memory_space<vmem_shared>> -> memref<10112x128xf32, #tpu.memory_space<vmem_shared>>
        tpu.wait_indirect_dma semaphore(%arg16 : memref<!tpu.dma_semaphore, #tpu.memory_space<semaphore_mem>>) src(%arg13 : memref<128x128xf32, #tpu.memory_space<vmem>>) dst(%dma_wait3A_143 : memref<10112x128xf32, #tpu.memory_space<vmem_shared>>)
        %scan3A_144 = arith.constant 0 : i32
        %scan3A_145 = arith.constant 0 : i32
        %scan3A_146 = arith.constant 128 : i32
        %scan3A_147 = arith.addi %scan3A_145, %scan3A_146 : i32
        %scan3A_148 = arith.constant 1 : i32
        scf.for %scan3A_293 = %scan3A_145 to %scan3A_147 step %scan3A_148  : i32 {
          %get3A = arith.index_cast %scan3A_293 : i32 to index
          %get3A_294 = arith.constant 0 : index
          %get3A_295 = tpu.vector_load %arg12[%get3A, %get3A_294] {strides = array<i32>} : memref<128x64xi32, #tpu.memory_space<vmem>>, vector<16xi32>,
          %bitcast3A = vector.bitcast %get3A_295 : vector<16xi32> to vector<32xbf16>
          %unpack3A = tpu.unpack_subelements %bitcast3A, 0 {pack_format = #tpu.pack_format<interleaved>} : vector<32xbf16> -> vector<16xf32>
          %unpack3A_296 = tpu.unpack_subelements %bitcast3A, 1 {pack_format = #tpu.pack_format<interleaved>} : vector<32xbf16> -> vector<16xf32>
          %swap3A = arith.index_cast %scan3A_293 : i32 to index
          %swap3A_297 = arith.constant 0 : index
          %swap3A_298 = tpu.vector_load %arg13[%swap3A, %swap3A_297] {strides = array<i32>} : memref<128x128xf32, #tpu.memory_space<vmem>>, vector<16xf32>,
          tpu.vector_store %arg13[%swap3A, %swap3A_297], %unpack3A {strides = array<i32>} : memref<128x128xf32, #tpu.memory_space<vmem>>, vector<16xf32>,
          %swap3A_299 = arith.index_cast %scan3A_293 : i32 to index
          %swap3A_300 = arith.constant 64 : index
          %swap3A_301 = tpu.vector_load %arg13[%swap3A_299, %swap3A_300] {strides = array<i32>} : memref<128x128xf32, #tpu.memory_space<vmem>>, vector<16xf32>,
          tpu.vector_store %arg13[%swap3A_299, %swap3A_300], %unpack3A_296 {strides = array<i32>} : memref<128x128xf32, #tpu.memory_space<vmem>>, vector<16xf32>,
          %get3A_302 = arith.index_cast %scan3A_293 : i32 to index
          %get3A_303 = arith.constant 16 : index
          %get3A_304 = tpu.vector_load %arg12[%get3A_302, %get3A_303] {strides = array<i32>} : memref<128x64xi32, #tpu.memory_space<vmem>>, vector<16xi32>,
          %bitcast3A_305 = vector.bitcast %get3A_304 : vector<16xi32> to vector<32xbf16>
          %unpack3A_306 = tpu.unpack_subelements %bitcast3A_305, 0 {pack_format = #tpu.pack_format<interleaved>} : vector<32xbf16> -> vector<16xf32>
          %unpack3A_307 = tpu.unpack_subelements %bitcast3A_305, 1 {pack_format = #tpu.pack_format<interleaved>} : vector<32xbf16> -> vector<16xf32>
          %swap3A_308 = arith.index_cast %scan3A_293 : i32 to index
          %swap3A_309 = arith.constant 16 : index
          %swap3A_310 = tpu.vector_load %arg13[%swap3A_308, %swap3A_309] {strides = array<i32>} : memref<128x128xf32, #tpu.memory_space<vmem>>, vector<16xf32>,
          tpu.vector_store %arg13[%swap3A_308, %swap3A_309], %unpack3A_306 {strides = array<i32>} : memref<128x128xf32, #tpu.memory_space<vmem>>, vector<16xf32>,
          %swap3A_311 = arith.index_cast %scan3A_293 : i32 to index
          %swap3A_312 = arith.constant 80 : index
          %swap3A_313 = tpu.vector_load %arg13[%swap3A_311, %swap3A_312] {strides = array<i32>} : memref<128x128xf32, #tpu.memory_space<vmem>>, vector<16xf32>,
          tpu.vector_store %arg13[%swap3A_311, %swap3A_312], %unpack3A_307 {strides = array<i32>} : memref<128x128xf32, #tpu.memory_space<vmem>>, vector<16xf32>,
          %get3A_314 = arith.index_cast %scan3A_293 : i32 to index
          %get3A_315 = arith.constant 32 : index
          %get3A_316 = tpu.vector_load %arg12[%get3A_314, %get3A_315] {strides = array<i32>} : memref<128x64xi32, #tpu.memory_space<vmem>>, vector<16xi32>,
          %bitcast3A_317 = vector.bitcast %get3A_316 : vector<16xi32> to vector<32xbf16>
          %unpack3A_318 = tpu.unpack_subelements %bitcast3A_317, 0 {pack_format = #tpu.pack_format<interleaved>} : vector<32xbf16> -> vector<16xf32>
          %unpack3A_319 = tpu.unpack_subelements %bitcast3A_317, 1 {pack_format = #tpu.pack_format<interleaved>} : vector<32xbf16> -> vector<16xf32>
          %swap3A_320 = arith.index_cast %scan3A_293 : i32 to index
          %swap3A_321 = arith.constant 32 : index
          %swap3A_322 = tpu.vector_load %arg13[%swap3A_320, %swap3A_321] {strides = array<i32>} : memref<128x128xf32, #tpu.memory_space<vmem>>, vector<16xf32>,
          tpu.vector_store %arg13[%swap3A_320, %swap3A_321], %unpack3A_318 {strides = array<i32>} : memref<128x128xf32, #tpu.memory_space<vmem>>, vector<16xf32>,
          %swap3A_323 = arith.index_cast %scan3A_293 : i32 to index
          %swap3A_324 = arith.constant 96 : index
          %swap3A_325 = tpu.vector_load %arg13[%swap3A_323, %swap3A_324] {strides = array<i32>} : memref<128x128xf32, #tpu.memory_space<vmem>>, vector<16xf32>,
          tpu.vector_store %arg13[%swap3A_323, %swap3A_324], %unpack3A_319 {strides = array<i32>} : memref<128x128xf32, #tpu.memory_space<vmem>>, vector<16xf32>,
          %get3A_326 = arith.index_cast %scan3A_293 : i32 to index
          %get3A_327 = arith.constant 48 : index
          %get3A_328 = tpu.vector_load %arg12[%get3A_326, %get3A_327] {strides = array<i32>} : memref<128x64xi32, #tpu.memory_space<vmem>>, vector<16xi32>,
          %bitcast3A_329 = vector.bitcast %get3A_328 : vector<16xi32> to vector<32xbf16>
          %unpack3A_330 = tpu.unpack_subelements %bitcast3A_329, 0 {pack_format = #tpu.pack_format<interleaved>} : vector<32xbf16> -> vector<16xf32>
          %unpack3A_331 = tpu.unpack_subelements %bitcast3A_329, 1 {pack_format = #tpu.pack_format<interleaved>} : vector<32xbf16> -> vector<16xf32>
          %swap3A_332 = arith.index_cast %scan3A_293 : i32 to index
          %swap3A_333 = arith.constant 48 : index
          %swap3A_334 = tpu.vector_load %arg13[%swap3A_332, %swap3A_333] {strides = array<i32>} : memref<128x128xf32, #tpu.memory_space<vmem>>, vector<16xf32>,
          tpu.vector_store %arg13[%swap3A_332, %swap3A_333], %unpack3A_330 {strides = array<i32>} : memref<128x128xf32, #tpu.memory_space<vmem>>, vector<16xf32>,
          %swap3A_335 = arith.index_cast %scan3A_293 : i32 to index
          %swap3A_336 = arith.constant 112 : index
          %swap3A_337 = tpu.vector_load %arg13[%swap3A_335, %swap3A_336] {strides = array<i32>} : memref<128x128xf32, #tpu.memory_space<vmem>>, vector<16xf32>,
          tpu.vector_store %arg13[%swap3A_335, %swap3A_336], %unpack3A_331 {strides = array<i32>} : memref<128x128xf32, #tpu.memory_space<vmem>>, vector<16xf32>,
        }
        %scan3A_149 = arith.constant 128 : i32
        %dma_start3A_150 = arith.constant 3 : i32
        %dma_start3A_151 = arith.constant 0 : i32
        %dma_start3A_152 = tpu.memref_slice %arg10[%dma_start3A_150, %dma_start3A_151] : memref<8x128xi32, #tpu.memory_space<vmem>> -> memref<1x128xi32, #tpu.memory_space<vmem>>
        %dma_start3A_153 = tpu.memref_squeeze %dma_start3A_152 : memref<1x128xi32, #tpu.memory_space<vmem>> -> memref<128xi32, #tpu.memory_space<vmem>>
        %dma_start3A_154 = arith.constant 0 : i32
        %dma_start3A_155 = arith.constant 0 : i32
        %dma_start3A_156 = tpu.memref_slice %arg14[%dma_start3A_154, %dma_start3A_155] : memref<10112x128xf32, #tpu.memory_space<vmem_shared>> -> memref<10112x128xf32, #tpu.memory_space<vmem_shared>>
        tpu.enqueue_indirect_dma source(%arg13 : memref<128x128xf32, #tpu.memory_space<vmem>>) target(%dma_start3A_156 : memref<10112x128xf32, #tpu.memory_space<vmem_shared>>) offsets(%dma_start3A_153 : memref<128xi32, #tpu.memory_space<vmem>>) semaphore(%arg16 : memref<!tpu.dma_semaphore, #tpu.memory_space<semaphore_mem>>) {add = true}
        %dma_wait3A_157 = arith.constant 4 : i32
        %dma_wait3A_158 = arith.constant 0 : i32
        %dma_wait3A_159 = tpu.memref_slice %arg9[%dma_wait3A_157, %dma_wait3A_158] : memref<8x128xi32, #tpu.memory_space<vmem>> -> memref<1x128xi32, #tpu.memory_space<vmem>>
        %dma_wait3A_160 = tpu.memref_squeeze %dma_wait3A_159 : memref<1x128xi32, #tpu.memory_space<vmem>> -> memref<128xi32, #tpu.memory_space<vmem>>
        %dma_wait3A_161 = arith.constant 0 : i32
        %dma_wait3A_162 = arith.constant 0 : i32
        %dma_wait3A_163 = tpu.memref_slice %arg2[%dma_wait3A_161, %dma_wait3A_162] : memref<10000x64xi32, #tpu.memory_space<hbm>> -> memref<10000x64xi32, #tpu.memory_space<hbm>>
        tpu.wait_indirect_dma semaphore(%arg15 : memref<!tpu.dma_semaphore, #tpu.memory_space<semaphore_mem>>) src(%dma_wait3A_163 : memref<10000x64xi32, #tpu.memory_space<hbm>>) dst(%arg11 : memref<128x64xi32, #tpu.memory_space<vmem>>)
        %dma_start3A_164 = arith.constant 5 : i32
        %dma_start3A_165 = arith.constant 0 : i32
        %dma_start3A_166 = tpu.memref_slice %arg9[%dma_start3A_164, %dma_start3A_165] : memref<8x128xi32, #tpu.memory_space<vmem>> -> memref<1x128xi32, #tpu.memory_space<vmem>>
        %dma_start3A_167 = tpu.memref_squeeze %dma_start3A_166 : memref<1x128xi32, #tpu.memory_space<vmem>> -> memref<128xi32, #tpu.memory_space<vmem>>
        %dma_start3A_168 = arith.constant 0 : i32
        %dma_start3A_169 = arith.constant 0 : i32
        %dma_start3A_170 = tpu.memref_slice %arg2[%dma_start3A_168, %dma_start3A_169] : memref<10000x64xi32, #tpu.memory_space<hbm>> -> memref<10000x64xi32, #tpu.memory_space<hbm>>
        tpu.enqueue_indirect_dma source(%dma_start3A_170 : memref<10000x64xi32, #tpu.memory_space<hbm>>) target(%arg12 : memref<128x64xi32, #tpu.memory_space<vmem>>) offsets(%dma_start3A_167 : memref<128xi32, #tpu.memory_space<vmem>>) semaphore(%arg15 : memref<!tpu.dma_semaphore, #tpu.memory_space<semaphore_mem>>)
        %dma_wait3A_171 = arith.constant 3 : i32
        %dma_wait3A_172 = arith.constant 0 : i32
        %dma_wait3A_173 = tpu.memref_slice %arg10[%dma_wait3A_171, %dma_wait3A_172] : memref<8x128xi32, #tpu.memory_space<vmem>> -> memref<1x128xi32, #tpu.memory_space<vmem>>
        %dma_wait3A_174 = tpu.memref_squeeze %dma_wait3A_173 : memref<1x128xi32, #tpu.memory_space<vmem>> -> memref<128xi32, #tpu.memory_space<vmem>>
        %dma_wait3A_175 = arith.constant 0 : i32
        %dma_wait3A_176 = arith.constant 0 : i32
        %dma_wait3A_177 = tpu.memref_slice %arg14[%dma_wait3A_175, %dma_wait3A_176] : memref<10112x128xf32, #tpu.memory_space<vmem_shared>> -> memref<10112x128xf32, #tpu.memory_space<vmem_shared>>
        tpu.wait_indirect_dma semaphore(%arg16 : memref<!tpu.dma_semaphore, #tpu.memory_space<semaphore_mem>>) src(%arg13 : memref<128x128xf32, #tpu.memory_space<vmem>>) dst(%dma_wait3A_177 : memref<10112x128xf32, #tpu.memory_space<vmem_shared>>)
        %scan3A_178 = arith.constant 0 : i32
        %scan3A_179 = arith.constant 0 : i32
        %scan3A_180 = arith.constant 128 : i32
        %scan3A_181 = arith.addi %scan3A_179, %scan3A_180 : i32
        %scan3A_182 = arith.constant 1 : i32
        scf.for %scan3A_293 = %scan3A_179 to %scan3A_181 step %scan3A_182  : i32 {
          %get3A = arith.index_cast %scan3A_293 : i32 to index
          %get3A_294 = arith.constant 0 : index
          %get3A_295 = tpu.vector_load %arg11[%get3A, %get3A_294] {strides = array<i32>} : memref<128x64xi32, #tpu.memory_space<vmem>>, vector<16xi32>,
          %bitcast3A = vector.bitcast %get3A_295 : vector<16xi32> to vector<32xbf16>
          %unpack3A = tpu.unpack_subelements %bitcast3A, 0 {pack_format = #tpu.pack_format<interleaved>} : vector<32xbf16> -> vector<16xf32>
          %unpack3A_296 = tpu.unpack_subelements %bitcast3A, 1 {pack_format = #tpu.pack_format<interleaved>} : vector<32xbf16> -> vector<16xf32>
          %swap3A = arith.index_cast %scan3A_293 : i32 to index
          %swap3A_297 = arith.constant 0 : index
          %swap3A_298 = tpu.vector_load %arg13[%swap3A, %swap3A_297] {strides = array<i32>} : memref<128x128xf32, #tpu.memory_space<vmem>>, vector<16xf32>,
          tpu.vector_store %arg13[%swap3A, %swap3A_297], %unpack3A {strides = array<i32>} : memref<128x128xf32, #tpu.memory_space<vmem>>, vector<16xf32>,
          %swap3A_299 = arith.index_cast %scan3A_293 : i32 to index
          %swap3A_300 = arith.constant 64 : index
          %swap3A_301 = tpu.vector_load %arg13[%swap3A_299, %swap3A_300] {strides = array<i32>} : memref<128x128xf32, #tpu.memory_space<vmem>>, vector<16xf32>,
          tpu.vector_store %arg13[%swap3A_299, %swap3A_300], %unpack3A_296 {strides = array<i32>} : memref<128x128xf32, #tpu.memory_space<vmem>>, vector<16xf32>,
          %get3A_302 = arith.index_cast %scan3A_293 : i32 to index
          %get3A_303 = arith.constant 16 : index
          %get3A_304 = tpu.vector_load %arg11[%get3A_302, %get3A_303] {strides = array<i32>} : memref<128x64xi32, #tpu.memory_space<vmem>>, vector<16xi32>,
          %bitcast3A_305 = vector.bitcast %get3A_304 : vector<16xi32> to vector<32xbf16>
          %unpack3A_306 = tpu.unpack_subelements %bitcast3A_305, 0 {pack_format = #tpu.pack_format<interleaved>} : vector<32xbf16> -> vector<16xf32>
          %unpack3A_307 = tpu.unpack_subelements %bitcast3A_305, 1 {pack_format = #tpu.pack_format<interleaved>} : vector<32xbf16> -> vector<16xf32>
          %swap3A_308 = arith.index_cast %scan3A_293 : i32 to index
          %swap3A_309 = arith.constant 16 : index
          %swap3A_310 = tpu.vector_load %arg13[%swap3A_308, %swap3A_309] {strides = array<i32>} : memref<128x128xf32, #tpu.memory_space<vmem>>, vector<16xf32>,
          tpu.vector_store %arg13[%swap3A_308, %swap3A_309], %unpack3A_306 {strides = array<i32>} : memref<128x128xf32, #tpu.memory_space<vmem>>, vector<16xf32>,
          %swap3A_311 = arith.index_cast %scan3A_293 : i32 to index
          %swap3A_312 = arith.constant 80 : index
          %swap3A_313 = tpu.vector_load %arg13[%swap3A_311, %swap3A_312] {strides = array<i32>} : memref<128x128xf32, #tpu.memory_space<vmem>>, vector<16xf32>,
          tpu.vector_store %arg13[%swap3A_311, %swap3A_312], %unpack3A_307 {strides = array<i32>} : memref<128x128xf32, #tpu.memory_space<vmem>>, vector<16xf32>,
          %get3A_314 = arith.index_cast %scan3A_293 : i32 to index
          %get3A_315 = arith.constant 32 : index
          %get3A_316 = tpu.vector_load %arg11[%get3A_314, %get3A_315] {strides = array<i32>} : memref<128x64xi32, #tpu.memory_space<vmem>>, vector<16xi32>,
          %bitcast3A_317 = vector.bitcast %get3A_316 : vector<16xi32> to vector<32xbf16>
          %unpack3A_318 = tpu.unpack_subelements %bitcast3A_317, 0 {pack_format = #tpu.pack_format<interleaved>} : vector<32xbf16> -> vector<16xf32>
          %unpack3A_319 = tpu.unpack_subelements %bitcast3A_317, 1 {pack_format = #tpu.pack_format<interleaved>} : vector<32xbf16> -> vector<16xf32>
          %swap3A_320 = arith.index_cast %scan3A_293 : i32 to index
          %swap3A_321 = arith.constant 32 : index
          %swap3A_322 = tpu.vector_load %arg13[%swap3A_320, %swap3A_321] {strides = array<i32>} : memref<128x128xf32, #tpu.memory_space<vmem>>, vector<16xf32>,
          tpu.vector_store %arg13[%swap3A_320, %swap3A_321], %unpack3A_318 {strides = array<i32>} : memref<128x128xf32, #tpu.memory_space<vmem>>, vector<16xf32>,
          %swap3A_323 = arith.index_cast %scan3A_293 : i32 to index
          %swap3A_324 = arith.constant 96 : index
          %swap3A_325 = tpu.vector_load %arg13[%swap3A_323, %swap3A_324] {strides = array<i32>} : memref<128x128xf32, #tpu.memory_space<vmem>>, vector<16xf32>,
          tpu.vector_store %arg13[%swap3A_323, %swap3A_324], %unpack3A_319 {strides = array<i32>} : memref<128x128xf32, #tpu.memory_space<vmem>>, vector<16xf32>,
          %get3A_326 = arith.index_cast %scan3A_293 : i32 to index
          %get3A_327 = arith.constant 48 : index
          %get3A_328 = tpu.vector_load %arg11[%get3A_326, %get3A_327] {strides = array<i32>} : memref<128x64xi32, #tpu.memory_space<vmem>>, vector<16xi32>,
          %bitcast3A_329 = vector.bitcast %get3A_328 : vector<16xi32> to vector<32xbf16>
          %unpack3A_330 = tpu.unpack_subelements %bitcast3A_329, 0 {pack_format = #tpu.pack_format<interleaved>} : vector<32xbf16> -> vector<16xf32>
          %unpack3A_331 = tpu.unpack_subelements %bitcast3A_329, 1 {pack_format = #tpu.pack_format<interleaved>} : vector<32xbf16> -> vector<16xf32>
          %swap3A_332 = arith.index_cast %scan3A_293 : i32 to index
          %swap3A_333 = arith.constant 48 : index
          %swap3A_334 = tpu.vector_load %arg13[%swap3A_332, %swap3A_333] {strides = array<i32>} : memref<128x128xf32, #tpu.memory_space<vmem>>, vector<16xf32>,
          tpu.vector_store %arg13[%swap3A_332, %swap3A_333], %unpack3A_330 {strides = array<i32>} : memref<128x128xf32, #tpu.memory_space<vmem>>, vector<16xf32>,
          %swap3A_335 = arith.index_cast %scan3A_293 : i32 to index
          %swap3A_336 = arith.constant 112 : index
          %swap3A_337 = tpu.vector_load %arg13[%swap3A_335, %swap3A_336] {strides = array<i32>} : memref<128x128xf32, #tpu.memory_space<vmem>>, vector<16xf32>,
          tpu.vector_store %arg13[%swap3A_335, %swap3A_336], %unpack3A_331 {strides = array<i32>} : memref<128x128xf32, #tpu.memory_space<vmem>>, vector<16xf32>,
        }
        %scan3A_183 = arith.constant 128 : i32
        %dma_start3A_184 = arith.constant 4 : i32
        %dma_start3A_185 = arith.constant 0 : i32
        %dma_start3A_186 = tpu.memref_slice %arg10[%dma_start3A_184, %dma_start3A_185] : memref<8x128xi32, #tpu.memory_space<vmem>> -> memref<1x128xi32, #tpu.memory_space<vmem>>
        %dma_start3A_187 = tpu.memref_squeeze %dma_start3A_186 : memref<1x128xi32, #tpu.memory_space<vmem>> -> memref<128xi32, #tpu.memory_space<vmem>>
        %dma_start3A_188 = arith.constant 0 : i32
        %dma_start3A_189 = arith.constant 0 : i32
        %dma_start3A_190 = tpu.memref_slice %arg14[%dma_start3A_188, %dma_start3A_189] : memref<10112x128xf32, #tpu.memory_space<vmem_shared>> -> memref<10112x128xf32, #tpu.memory_space<vmem_shared>>
        tpu.enqueue_indirect_dma source(%arg13 : memref<128x128xf32, #tpu.memory_space<vmem>>) target(%dma_start3A_190 : memref<10112x128xf32, #tpu.memory_space<vmem_shared>>) offsets(%dma_start3A_187 : memref<128xi32, #tpu.memory_space<vmem>>) semaphore(%arg16 : memref<!tpu.dma_semaphore, #tpu.memory_space<semaphore_mem>>) {add = true}
        %dma_wait3A_191 = arith.constant 5 : i32
        %dma_wait3A_192 = arith.constant 0 : i32
        %dma_wait3A_193 = tpu.memref_slice %arg9[%dma_wait3A_191, %dma_wait3A_192] : memref<8x128xi32, #tpu.memory_space<vmem>> -> memref<1x128xi32, #tpu.memory_space<vmem>>
        %dma_wait3A_194 = tpu.memref_squeeze %dma_wait3A_193 : memref<1x128xi32, #tpu.memory_space<vmem>> -> memref<128xi32, #tpu.memory_space<vmem>>
        %dma_wait3A_195 = arith.constant 0 : i32
        %dma_wait3A_196 = arith.constant 0 : i32
        %dma_wait3A_197 = tpu.memref_slice %arg2[%dma_wait3A_195, %dma_wait3A_196] : memref<10000x64xi32, #tpu.memory_space<hbm>> -> memref<10000x64xi32, #tpu.memory_space<hbm>>
        tpu.wait_indirect_dma semaphore(%arg15 : memref<!tpu.dma_semaphore, #tpu.memory_space<semaphore_mem>>) src(%dma_wait3A_197 : memref<10000x64xi32, #tpu.memory_space<hbm>>) dst(%arg12 : memref<128x64xi32, #tpu.memory_space<vmem>>)
        %dma_start3A_198 = arith.constant 6 : i32
        %dma_start3A_199 = arith.constant 0 : i32
        %dma_start3A_200 = tpu.memref_slice %arg9[%dma_start3A_198, %dma_start3A_199] : memref<8x128xi32, #tpu.memory_space<vmem>> -> memref<1x128xi32, #tpu.memory_space<vmem>>
        %dma_start3A_201 = tpu.memref_squeeze %dma_start3A_200 : memref<1x128xi32, #tpu.memory_space<vmem>> -> memref<128xi32, #tpu.memory_space<vmem>>
        %dma_start3A_202 = arith.constant 0 : i32
        %dma_start3A_203 = arith.constant 0 : i32
        %dma_start3A_204 = tpu.memref_slice %arg2[%dma_start3A_202, %dma_start3A_203] : memref<10000x64xi32, #tpu.memory_space<hbm>> -> memref<10000x64xi32, #tpu.memory_space<hbm>>
        tpu.enqueue_indirect_dma source(%dma_start3A_204 : memref<10000x64xi32, #tpu.memory_space<hbm>>) target(%arg11 : memref<128x64xi32, #tpu.memory_space<vmem>>) offsets(%dma_start3A_201 : memref<128xi32, #tpu.memory_space<vmem>>) semaphore(%arg15 : memref<!tpu.dma_semaphore, #tpu.memory_space<semaphore_mem>>)
        %dma_wait3A_205 = arith.constant 4 : i32
        %dma_wait3A_206 = arith.constant 0 : i32
        %dma_wait3A_207 = tpu.memref_slice %arg10[%dma_wait3A_205, %dma_wait3A_206] : memref<8x128xi32, #tpu.memory_space<vmem>> -> memref<1x128xi32, #tpu.memory_space<vmem>>
        %dma_wait3A_208 = tpu.memref_squeeze %dma_wait3A_207 : memref<1x128xi32, #tpu.memory_space<vmem>> -> memref<128xi32, #tpu.memory_space<vmem>>
        %dma_wait3A_209 = arith.constant 0 : i32
        %dma_wait3A_210 = arith.constant 0 : i32
        %dma_wait3A_211 = tpu.memref_slice %arg14[%dma_wait3A_209, %dma_wait3A_210] : memref<10112x128xf32, #tpu.memory_space<vmem_shared>> -> memref<10112x128xf32, #tpu.memory_space<vmem_shared>>
        tpu.wait_indirect_dma semaphore(%arg16 : memref<!tpu.dma_semaphore, #tpu.memory_space<semaphore_mem>>) src(%arg13 : memref<128x128xf32, #tpu.memory_space<vmem>>) dst(%dma_wait3A_211 : memref<10112x128xf32, #tpu.memory_space<vmem_shared>>)
        %scan3A_212 = arith.constant 0 : i32
        %scan3A_213 = arith.constant 0 : i32
        %scan3A_214 = arith.constant 128 : i32
        %scan3A_215 = arith.addi %scan3A_213, %scan3A_214 : i32
        %scan3A_216 = arith.constant 1 : i32
        scf.for %scan3A_293 = %scan3A_213 to %scan3A_215 step %scan3A_216  : i32 {
          %get3A = arith.index_cast %scan3A_293 : i32 to index
          %get3A_294 = arith.constant 0 : index
          %get3A_295 = tpu.vector_load %arg12[%get3A, %get3A_294] {strides = array<i32>} : memref<128x64xi32, #tpu.memory_space<vmem>>, vector<16xi32>,
          %bitcast3A = vector.bitcast %get3A_295 : vector<16xi32> to vector<32xbf16>
          %unpack3A = tpu.unpack_subelements %bitcast3A, 0 {pack_format = #tpu.pack_format<interleaved>} : vector<32xbf16> -> vector<16xf32>
          %unpack3A_296 = tpu.unpack_subelements %bitcast3A, 1 {pack_format = #tpu.pack_format<interleaved>} : vector<32xbf16> -> vector<16xf32>
          %swap3A = arith.index_cast %scan3A_293 : i32 to index
          %swap3A_297 = arith.constant 0 : index
          %swap3A_298 = tpu.vector_load %arg13[%swap3A, %swap3A_297] {strides = array<i32>} : memref<128x128xf32, #tpu.memory_space<vmem>>, vector<16xf32>,
          tpu.vector_store %arg13[%swap3A, %swap3A_297], %unpack3A {strides = array<i32>} : memref<128x128xf32, #tpu.memory_space<vmem>>, vector<16xf32>,
          %swap3A_299 = arith.index_cast %scan3A_293 : i32 to index
          %swap3A_300 = arith.constant 64 : index
          %swap3A_301 = tpu.vector_load %arg13[%swap3A_299, %swap3A_300] {strides = array<i32>} : memref<128x128xf32, #tpu.memory_space<vmem>>, vector<16xf32>,
          tpu.vector_store %arg13[%swap3A_299, %swap3A_300], %unpack3A_296 {strides = array<i32>} : memref<128x128xf32, #tpu.memory_space<vmem>>, vector<16xf32>,
          %get3A_302 = arith.index_cast %scan3A_293 : i32 to index
          %get3A_303 = arith.constant 16 : index
          %get3A_304 = tpu.vector_load %arg12[%get3A_302, %get3A_303] {strides = array<i32>} : memref<128x64xi32, #tpu.memory_space<vmem>>, vector<16xi32>,
          %bitcast3A_305 = vector.bitcast %get3A_304 : vector<16xi32> to vector<32xbf16>
          %unpack3A_306 = tpu.unpack_subelements %bitcast3A_305, 0 {pack_format = #tpu.pack_format<interleaved>} : vector<32xbf16> -> vector<16xf32>
          %unpack3A_307 = tpu.unpack_subelements %bitcast3A_305, 1 {pack_format = #tpu.pack_format<interleaved>} : vector<32xbf16> -> vector<16xf32>
          %swap3A_308 = arith.index_cast %scan3A_293 : i32 to index
          %swap3A_309 = arith.constant 16 : index
          %swap3A_310 = tpu.vector_load %arg13[%swap3A_308, %swap3A_309] {strides = array<i32>} : memref<128x128xf32, #tpu.memory_space<vmem>>, vector<16xf32>,
          tpu.vector_store %arg13[%swap3A_308, %swap3A_309], %unpack3A_306 {strides = array<i32>} : memref<128x128xf32, #tpu.memory_space<vmem>>, vector<16xf32>,
          %swap3A_311 = arith.index_cast %scan3A_293 : i32 to index
          %swap3A_312 = arith.constant 80 : index
          %swap3A_313 = tpu.vector_load %arg13[%swap3A_311, %swap3A_312] {strides = array<i32>} : memref<128x128xf32, #tpu.memory_space<vmem>>, vector<16xf32>,
          tpu.vector_store %arg13[%swap3A_311, %swap3A_312], %unpack3A_307 {strides = array<i32>} : memref<128x128xf32, #tpu.memory_space<vmem>>, vector<16xf32>,
          %get3A_314 = arith.index_cast %scan3A_293 : i32 to index
          %get3A_315 = arith.constant 32 : index
          %get3A_316 = tpu.vector_load %arg12[%get3A_314, %get3A_315] {strides = array<i32>} : memref<128x64xi32, #tpu.memory_space<vmem>>, vector<16xi32>,
          %bitcast3A_317 = vector.bitcast %get3A_316 : vector<16xi32> to vector<32xbf16>
          %unpack3A_318 = tpu.unpack_subelements %bitcast3A_317, 0 {pack_format = #tpu.pack_format<interleaved>} : vector<32xbf16> -> vector<16xf32>
          %unpack3A_319 = tpu.unpack_subelements %bitcast3A_317, 1 {pack_format = #tpu.pack_format<interleaved>} : vector<32xbf16> -> vector<16xf32>
          %swap3A_320 = arith.index_cast %scan3A_293 : i32 to index
          %swap3A_321 = arith.constant 32 : index
          %swap3A_322 = tpu.vector_load %arg13[%swap3A_320, %swap3A_321] {strides = array<i32>} : memref<128x128xf32, #tpu.memory_space<vmem>>, vector<16xf32>,
          tpu.vector_store %arg13[%swap3A_320, %swap3A_321], %unpack3A_318 {strides = array<i32>} : memref<128x128xf32, #tpu.memory_space<vmem>>, vector<16xf32>,
          %swap3A_323 = arith.index_cast %scan3A_293 : i32 to index
          %swap3A_324 = arith.constant 96 : index
          %swap3A_325 = tpu.vector_load %arg13[%swap3A_323, %swap3A_324] {strides = array<i32>} : memref<128x128xf32, #tpu.memory_space<vmem>>, vector<16xf32>,
          tpu.vector_store %arg13[%swap3A_323, %swap3A_324], %unpack3A_319 {strides = array<i32>} : memref<128x128xf32, #tpu.memory_space<vmem>>, vector<16xf32>,
          %get3A_326 = arith.index_cast %scan3A_293 : i32 to index
          %get3A_327 = arith.constant 48 : index
          %get3A_328 = tpu.vector_load %arg12[%get3A_326, %get3A_327] {strides = array<i32>} : memref<128x64xi32, #tpu.memory_space<vmem>>, vector<16xi32>,
          %bitcast3A_329 = vector.bitcast %get3A_328 : vector<16xi32> to vector<32xbf16>
          %unpack3A_330 = tpu.unpack_subelements %bitcast3A_329, 0 {pack_format = #tpu.pack_format<interleaved>} : vector<32xbf16> -> vector<16xf32>
          %unpack3A_331 = tpu.unpack_subelements %bitcast3A_329, 1 {pack_format = #tpu.pack_format<interleaved>} : vector<32xbf16> -> vector<16xf32>
          %swap3A_332 = arith.index_cast %scan3A_293 : i32 to index
          %swap3A_333 = arith.constant 48 : index
          %swap3A_334 = tpu.vector_load %arg13[%swap3A_332, %swap3A_333] {strides = array<i32>} : memref<128x128xf32, #tpu.memory_space<vmem>>, vector<16xf32>,
          tpu.vector_store %arg13[%swap3A_332, %swap3A_333], %unpack3A_330 {strides = array<i32>} : memref<128x128xf32, #tpu.memory_space<vmem>>, vector<16xf32>,
          %swap3A_335 = arith.index_cast %scan3A_293 : i32 to index
          %swap3A_336 = arith.constant 112 : index
          %swap3A_337 = tpu.vector_load %arg13[%swap3A_335, %swap3A_336] {strides = array<i32>} : memref<128x128xf32, #tpu.memory_space<vmem>>, vector<16xf32>,
          tpu.vector_store %arg13[%swap3A_335, %swap3A_336], %unpack3A_331 {strides = array<i32>} : memref<128x128xf32, #tpu.memory_space<vmem>>, vector<16xf32>,
        }
        %scan3A_217 = arith.constant 128 : i32
        %dma_start3A_218 = arith.constant 5 : i32
        %dma_start3A_219 = arith.constant 0 : i32
        %dma_start3A_220 = tpu.memref_slice %arg10[%dma_start3A_218, %dma_start3A_219] : memref<8x128xi32, #tpu.memory_space<vmem>> -> memref<1x128xi32, #tpu.memory_space<vmem>>
        %dma_start3A_221 = tpu.memref_squeeze %dma_start3A_220 : memref<1x128xi32, #tpu.memory_space<vmem>> -> memref<128xi32, #tpu.memory_space<vmem>>
        %dma_start3A_222 = arith.constant 0 : i32
        %dma_start3A_223 = arith.constant 0 : i32
        %dma_start3A_224 = tpu.memref_slice %arg14[%dma_start3A_222, %dma_start3A_223] : memref<10112x128xf32, #tpu.memory_space<vmem_shared>> -> memref<10112x128xf32, #tpu.memory_space<vmem_shared>>
        tpu.enqueue_indirect_dma source(%arg13 : memref<128x128xf32, #tpu.memory_space<vmem>>) target(%dma_start3A_224 : memref<10112x128xf32, #tpu.memory_space<vmem_shared>>) offsets(%dma_start3A_221 : memref<128xi32, #tpu.memory_space<vmem>>) semaphore(%arg16 : memref<!tpu.dma_semaphore, #tpu.memory_space<semaphore_mem>>) {add = true}
        %dma_wait3A_225 = arith.constant 6 : i32
        %dma_wait3A_226 = arith.constant 0 : i32
        %dma_wait3A_227 = tpu.memref_slice %arg9[%dma_wait3A_225, %dma_wait3A_226] : memref<8x128xi32, #tpu.memory_space<vmem>> -> memref<1x128xi32, #tpu.memory_space<vmem>>
        %dma_wait3A_228 = tpu.memref_squeeze %dma_wait3A_227 : memref<1x128xi32, #tpu.memory_space<vmem>> -> memref<128xi32, #tpu.memory_space<vmem>>
        %dma_wait3A_229 = arith.constant 0 : i32
        %dma_wait3A_230 = arith.constant 0 : i32
        %dma_wait3A_231 = tpu.memref_slice %arg2[%dma_wait3A_229, %dma_wait3A_230] : memref<10000x64xi32, #tpu.memory_space<hbm>> -> memref<10000x64xi32, #tpu.memory_space<hbm>>
        tpu.wait_indirect_dma semaphore(%arg15 : memref<!tpu.dma_semaphore, #tpu.memory_space<semaphore_mem>>) src(%dma_wait3A_231 : memref<10000x64xi32, #tpu.memory_space<hbm>>) dst(%arg11 : memref<128x64xi32, #tpu.memory_space<vmem>>)
        %dma_start3A_232 = arith.constant 7 : i32
        %dma_start3A_233 = arith.constant 0 : i32
        %dma_start3A_234 = tpu.memref_slice %arg9[%dma_start3A_232, %dma_start3A_233] : memref<8x128xi32, #tpu.memory_space<vmem>> -> memref<1x128xi32, #tpu.memory_space<vmem>>
        %dma_start3A_235 = tpu.memref_squeeze %dma_start3A_234 : memref<1x128xi32, #tpu.memory_space<vmem>> -> memref<128xi32, #tpu.memory_space<vmem>>
        %dma_start3A_236 = arith.constant 0 : i32
        %dma_start3A_237 = arith.constant 0 : i32
        %dma_start3A_238 = tpu.memref_slice %arg2[%dma_start3A_236, %dma_start3A_237] : memref<10000x64xi32, #tpu.memory_space<hbm>> -> memref<10000x64xi32, #tpu.memory_space<hbm>>
        tpu.enqueue_indirect_dma source(%dma_start3A_238 : memref<10000x64xi32, #tpu.memory_space<hbm>>) target(%arg12 : memref<128x64xi32, #tpu.memory_space<vmem>>) offsets(%dma_start3A_235 : memref<128xi32, #tpu.memory_space<vmem>>) semaphore(%arg15 : memref<!tpu.dma_semaphore, #tpu.memory_space<semaphore_mem>>)
        %dma_wait3A_239 = arith.constant 5 : i32
        %dma_wait3A_240 = arith.constant 0 : i32
        %dma_wait3A_241 = tpu.memref_slice %arg10[%dma_wait3A_239, %dma_wait3A_240] : memref<8x128xi32, #tpu.memory_space<vmem>> -> memref<1x128xi32, #tpu.memory_space<vmem>>
        %dma_wait3A_242 = tpu.memref_squeeze %dma_wait3A_241 : memref<1x128xi32, #tpu.memory_space<vmem>> -> memref<128xi32, #tpu.memory_space<vmem>>
        %dma_wait3A_243 = arith.constant 0 : i32
        %dma_wait3A_244 = arith.constant 0 : i32
        %dma_wait3A_245 = tpu.memref_slice %arg14[%dma_wait3A_243, %dma_wait3A_244] : memref<10112x128xf32, #tpu.memory_space<vmem_shared>> -> memref<10112x128xf32, #tpu.memory_space<vmem_shared>>
        tpu.wait_indirect_dma semaphore(%arg16 : memref<!tpu.dma_semaphore, #tpu.memory_space<semaphore_mem>>) src(%arg13 : memref<128x128xf32, #tpu.memory_space<vmem>>) dst(%dma_wait3A_245 : memref<10112x128xf32, #tpu.memory_space<vmem_shared>>)
        %scan3A_246 = arith.constant 0 : i32
        %scan3A_247 = arith.constant 0 : i32
        %scan3A_248 = arith.constant 128 : i32
        %scan3A_249 = arith.addi %scan3A_247, %scan3A_248 : i32
        %scan3A_250 = arith.constant 1 : i32
        scf.for %scan3A_293 = %scan3A_247 to %scan3A_249 step %scan3A_250  : i32 {
          %get3A = arith.index_cast %scan3A_293 : i32 to index
          %get3A_294 = arith.constant 0 : index
          %get3A_295 = tpu.vector_load %arg11[%get3A, %get3A_294] {strides = array<i32>} : memref<128x64xi32, #tpu.memory_space<vmem>>, vector<16xi32>,
          %bitcast3A = vector.bitcast %get3A_295 : vector<16xi32> to vector<32xbf16>
          %unpack3A = tpu.unpack_subelements %bitcast3A, 0 {pack_format = #tpu.pack_format<interleaved>} : vector<32xbf16> -> vector<16xf32>
          %unpack3A_296 = tpu.unpack_subelements %bitcast3A, 1 {pack_format = #tpu.pack_format<interleaved>} : vector<32xbf16> -> vector<16xf32>
          %swap3A = arith.index_cast %scan3A_293 : i32 to index
          %swap3A_297 = arith.constant 0 : index
          %swap3A_298 = tpu.vector_load %arg13[%swap3A, %swap3A_297] {strides = array<i32>} : memref<128x128xf32, #tpu.memory_space<vmem>>, vector<16xf32>,
          tpu.vector_store %arg13[%swap3A, %swap3A_297], %unpack3A {strides = array<i32>} : memref<128x128xf32, #tpu.memory_space<vmem>>, vector<16xf32>,
          %swap3A_299 = arith.index_cast %scan3A_293 : i32 to index
          %swap3A_300 = arith.constant 64 : index
          %swap3A_301 = tpu.vector_load %arg13[%swap3A_299, %swap3A_300] {strides = array<i32>} : memref<128x128xf32, #tpu.memory_space<vmem>>, vector<16xf32>,
          tpu.vector_store %arg13[%swap3A_299, %swap3A_300], %unpack3A_296 {strides = array<i32>} : memref<128x128xf32, #tpu.memory_space<vmem>>, vector<16xf32>,
          %get3A_302 = arith.index_cast %scan3A_293 : i32 to index
          %get3A_303 = arith.constant 16 : index
          %get3A_304 = tpu.vector_load %arg11[%get3A_302, %get3A_303] {strides = array<i32>} : memref<128x64xi32, #tpu.memory_space<vmem>>, vector<16xi32>,
          %bitcast3A_305 = vector.bitcast %get3A_304 : vector<16xi32> to vector<32xbf16>
          %unpack3A_306 = tpu.unpack_subelements %bitcast3A_305, 0 {pack_format = #tpu.pack_format<interleaved>} : vector<32xbf16> -> vector<16xf32>
          %unpack3A_307 = tpu.unpack_subelements %bitcast3A_305, 1 {pack_format = #tpu.pack_format<interleaved>} : vector<32xbf16> -> vector<16xf32>
          %swap3A_308 = arith.index_cast %scan3A_293 : i32 to index
          %swap3A_309 = arith.constant 16 : index
          %swap3A_310 = tpu.vector_load %arg13[%swap3A_308, %swap3A_309] {strides = array<i32>} : memref<128x128xf32, #tpu.memory_space<vmem>>, vector<16xf32>,
          tpu.vector_store %arg13[%swap3A_308, %swap3A_309], %unpack3A_306 {strides = array<i32>} : memref<128x128xf32, #tpu.memory_space<vmem>>, vector<16xf32>,
          %swap3A_311 = arith.index_cast %scan3A_293 : i32 to index
          %swap3A_312 = arith.constant 80 : index
          %swap3A_313 = tpu.vector_load %arg13[%swap3A_311, %swap3A_312] {strides = array<i32>} : memref<128x128xf32, #tpu.memory_space<vmem>>, vector<16xf32>,
          tpu.vector_store %arg13[%swap3A_311, %swap3A_312], %unpack3A_307 {strides = array<i32>} : memref<128x128xf32, #tpu.memory_space<vmem>>, vector<16xf32>,
          %get3A_314 = arith.index_cast %scan3A_293 : i32 to index
          %get3A_315 = arith.constant 32 : index
          %get3A_316 = tpu.vector_load %arg11[%get3A_314, %get3A_315] {strides = array<i32>} : memref<128x64xi32, #tpu.memory_space<vmem>>, vector<16xi32>,
          %bitcast3A_317 = vector.bitcast %get3A_316 : vector<16xi32> to vector<32xbf16>
          %unpack3A_318 = tpu.unpack_subelements %bitcast3A_317, 0 {pack_format = #tpu.pack_format<interleaved>} : vector<32xbf16> -> vector<16xf32>
          %unpack3A_319 = tpu.unpack_subelements %bitcast3A_317, 1 {pack_format = #tpu.pack_format<interleaved>} : vector<32xbf16> -> vector<16xf32>
          %swap3A_320 = arith.index_cast %scan3A_293 : i32 to index
          %swap3A_321 = arith.constant 32 : index
          %swap3A_322 = tpu.vector_load %arg13[%swap3A_320, %swap3A_321] {strides = array<i32>} : memref<128x128xf32, #tpu.memory_space<vmem>>, vector<16xf32>,
          tpu.vector_store %arg13[%swap3A_320, %swap3A_321], %unpack3A_318 {strides = array<i32>} : memref<128x128xf32, #tpu.memory_space<vmem>>, vector<16xf32>,
          %swap3A_323 = arith.index_cast %scan3A_293 : i32 to index
          %swap3A_324 = arith.constant 96 : index
          %swap3A_325 = tpu.vector_load %arg13[%swap3A_323, %swap3A_324] {strides = array<i32>} : memref<128x128xf32, #tpu.memory_space<vmem>>, vector<16xf32>,
          tpu.vector_store %arg13[%swap3A_323, %swap3A_324], %unpack3A_319 {strides = array<i32>} : memref<128x128xf32, #tpu.memory_space<vmem>>, vector<16xf32>,
          %get3A_326 = arith.index_cast %scan3A_293 : i32 to index
          %get3A_327 = arith.constant 48 : index
          %get3A_328 = tpu.vector_load %arg11[%get3A_326, %get3A_327] {strides = array<i32>} : memref<128x64xi32, #tpu.memory_space<vmem>>, vector<16xi32>,
          %bitcast3A_329 = vector.bitcast %get3A_328 : vector<16xi32> to vector<32xbf16>
          %unpack3A_330 = tpu.unpack_subelements %bitcast3A_329, 0 {pack_format = #tpu.pack_format<interleaved>} : vector<32xbf16> -> vector<16xf32>
          %unpack3A_331 = tpu.unpack_subelements %bitcast3A_329, 1 {pack_format = #tpu.pack_format<interleaved>} : vector<32xbf16> -> vector<16xf32>
          %swap3A_332 = arith.index_cast %scan3A_293 : i32 to index
          %swap3A_333 = arith.constant 48 : index
          %swap3A_334 = tpu.vector_load %arg13[%swap3A_332, %swap3A_333] {strides = array<i32>} : memref<128x128xf32, #tpu.memory_space<vmem>>, vector<16xf32>,
          tpu.vector_store %arg13[%swap3A_332, %swap3A_333], %unpack3A_330 {strides = array<i32>} : memref<128x128xf32, #tpu.memory_space<vmem>>, vector<16xf32>,
          %swap3A_335 = arith.index_cast %scan3A_293 : i32 to index
          %swap3A_336 = arith.constant 112 : index
          %swap3A_337 = tpu.vector_load %arg13[%swap3A_335, %swap3A_336] {strides = array<i32>} : memref<128x128xf32, #tpu.memory_space<vmem>>, vector<16xf32>,
          tpu.vector_store %arg13[%swap3A_335, %swap3A_336], %unpack3A_331 {strides = array<i32>} : memref<128x128xf32, #tpu.memory_space<vmem>>, vector<16xf32>,
        }
        %scan3A_251 = arith.constant 128 : i32
        %dma_start3A_252 = arith.constant 6 : i32
        %dma_start3A_253 = arith.constant 0 : i32
        %dma_start3A_254 = tpu.memref_slice %arg10[%dma_start3A_252, %dma_start3A_253] : memref<8x128xi32, #tpu.memory_space<vmem>> -> memref<1x128xi32, #tpu.memory_space<vmem>>
        %dma_start3A_255 = tpu.memref_squeeze %dma_start3A_254 : memref<1x128xi32, #tpu.memory_space<vmem>> -> memref<128xi32, #tpu.memory_space<vmem>>
        %dma_start3A_256 = arith.constant 0 : i32
        %dma_start3A_257 = arith.constant 0 : i32
        %dma_start3A_258 = tpu.memref_slice %arg14[%dma_start3A_256, %dma_start3A_257] : memref<10112x128xf32, #tpu.memory_space<vmem_shared>> -> memref<10112x128xf32, #tpu.memory_space<vmem_shared>>
        tpu.enqueue_indirect_dma source(%arg13 : memref<128x128xf32, #tpu.memory_space<vmem>>) target(%dma_start3A_258 : memref<10112x128xf32, #tpu.memory_space<vmem_shared>>) offsets(%dma_start3A_255 : memref<128xi32, #tpu.memory_space<vmem>>) semaphore(%arg16 : memref<!tpu.dma_semaphore, #tpu.memory_space<semaphore_mem>>) {add = true}
        %dma_wait3A_259 = arith.constant 7 : i32
        %dma_wait3A_260 = arith.constant 0 : i32
        %dma_wait3A_261 = tpu.memref_slice %arg9[%dma_wait3A_259, %dma_wait3A_260] : memref<8x128xi32, #tpu.memory_space<vmem>> -> memref<1x128xi32, #tpu.memory_space<vmem>>
        %dma_wait3A_262 = tpu.memref_squeeze %dma_wait3A_261 : memref<1x128xi32, #tpu.memory_space<vmem>> -> memref<128xi32, #tpu.memory_space<vmem>>
        %dma_wait3A_263 = arith.constant 0 : i32
        %dma_wait3A_264 = arith.constant 0 : i32
        %dma_wait3A_265 = tpu.memref_slice %arg2[%dma_wait3A_263, %dma_wait3A_264] : memref<10000x64xi32, #tpu.memory_space<hbm>> -> memref<10000x64xi32, #tpu.memory_space<hbm>>
        tpu.wait_indirect_dma semaphore(%arg15 : memref<!tpu.dma_semaphore, #tpu.memory_space<semaphore_mem>>) src(%dma_wait3A_265 : memref<10000x64xi32, #tpu.memory_space<hbm>>) dst(%arg12 : memref<128x64xi32, #tpu.memory_space<vmem>>)
        %dma_wait3A_266 = arith.constant 6 : i32
        %dma_wait3A_267 = arith.constant 0 : i32
        %dma_wait3A_268 = tpu.memref_slice %arg10[%dma_wait3A_266, %dma_wait3A_267] : memref<8x128xi32, #tpu.memory_space<vmem>> -> memref<1x128xi32, #tpu.memory_space<vmem>>
        %dma_wait3A_269 = tpu.memref_squeeze %dma_wait3A_268 : memref<1x128xi32, #tpu.memory_space<vmem>> -> memref<128xi32, #tpu.memory_space<vmem>>
        %dma_wait3A_270 = arith.constant 0 : i32
        %dma_wait3A_271 = arith.constant 0 : i32
        %dma_wait3A_272 = tpu.memref_slice %arg14[%dma_wait3A_270, %dma_wait3A_271] : memref<10112x128xf32, #tpu.memory_space<vmem_shared>> -> memref<10112x128xf32, #tpu.memory_space<vmem_shared>>
        tpu.wait_indirect_dma semaphore(%arg16 : memref<!tpu.dma_semaphore, #tpu.memory_space<semaphore_mem>>) src(%arg13 : memref<128x128xf32, #tpu.memory_space<vmem>>) dst(%dma_wait3A_272 : memref<10112x128xf32, #tpu.memory_space<vmem_shared>>)
        %scan3A_273 = arith.constant 0 : i32
        %scan3A_274 = arith.constant 0 : i32
        %scan3A_275 = arith.constant 128 : i32
        %scan3A_276 = arith.addi %scan3A_274, %scan3A_275 : i32
        %scan3A_277 = arith.constant 1 : i32
        scf.for %scan3A_293 = %scan3A_274 to %scan3A_276 step %scan3A_277  : i32 {
          %get3A = arith.index_cast %scan3A_293 : i32 to index
          %get3A_294 = arith.constant 0 : index
          %get3A_295 = tpu.vector_load %arg12[%get3A, %get3A_294] {strides = array<i32>} : memref<128x64xi32, #tpu.memory_space<vmem>>, vector<16xi32>,
          %bitcast3A = vector.bitcast %get3A_295 : vector<16xi32> to vector<32xbf16>
          %unpack3A = tpu.unpack_subelements %bitcast3A, 0 {pack_format = #tpu.pack_format<interleaved>} : vector<32xbf16> -> vector<16xf32>
          %unpack3A_296 = tpu.unpack_subelements %bitcast3A, 1 {pack_format = #tpu.pack_format<interleaved>} : vector<32xbf16> -> vector<16xf32>
          %swap3A = arith.index_cast %scan3A_293 : i32 to index
          %swap3A_297 = arith.constant 0 : index
          %swap3A_298 = tpu.vector_load %arg13[%swap3A, %swap3A_297] {strides = array<i32>} : memref<128x128xf32, #tpu.memory_space<vmem>>, vector<16xf32>,
          tpu.vector_store %arg13[%swap3A, %swap3A_297], %unpack3A {strides = array<i32>} : memref<128x128xf32, #tpu.memory_space<vmem>>, vector<16xf32>,
          %swap3A_299 = arith.index_cast %scan3A_293 : i32 to index
          %swap3A_300 = arith.constant 64 : index
          %swap3A_301 = tpu.vector_load %arg13[%swap3A_299, %swap3A_300] {strides = array<i32>} : memref<128x128xf32, #tpu.memory_space<vmem>>, vector<16xf32>,
          tpu.vector_store %arg13[%swap3A_299, %swap3A_300], %unpack3A_296 {strides = array<i32>} : memref<128x128xf32, #tpu.memory_space<vmem>>, vector<16xf32>,
          %get3A_302 = arith.index_cast %scan3A_293 : i32 to index
          %get3A_303 = arith.constant 16 : index
          %get3A_304 = tpu.vector_load %arg12[%get3A_302, %get3A_303] {strides = array<i32>} : memref<128x64xi32, #tpu.memory_space<vmem>>, vector<16xi32>,
          %bitcast3A_305 = vector.bitcast %get3A_304 : vector<16xi32> to vector<32xbf16>
          %unpack3A_306 = tpu.unpack_subelements %bitcast3A_305, 0 {pack_format = #tpu.pack_format<interleaved>} : vector<32xbf16> -> vector<16xf32>
          %unpack3A_307 = tpu.unpack_subelements %bitcast3A_305, 1 {pack_format = #tpu.pack_format<interleaved>} : vector<32xbf16> -> vector<16xf32>
          %swap3A_308 = arith.index_cast %scan3A_293 : i32 to index
          %swap3A_309 = arith.constant 16 : index
          %swap3A_310 = tpu.vector_load %arg13[%swap3A_308, %swap3A_309] {strides = array<i32>} : memref<128x128xf32, #tpu.memory_space<vmem>>, vector<16xf32>,
          tpu.vector_store %arg13[%swap3A_308, %swap3A_309], %unpack3A_306 {strides = array<i32>} : memref<128x128xf32, #tpu.memory_space<vmem>>, vector<16xf32>,
          %swap3A_311 = arith.index_cast %scan3A_293 : i32 to index
          %swap3A_312 = arith.constant 80 : index
          %swap3A_313 = tpu.vector_load %arg13[%swap3A_311, %swap3A_312] {strides = array<i32>} : memref<128x128xf32, #tpu.memory_space<vmem>>, vector<16xf32>,
          tpu.vector_store %arg13[%swap3A_311, %swap3A_312], %unpack3A_307 {strides = array<i32>} : memref<128x128xf32, #tpu.memory_space<vmem>>, vector<16xf32>,
          %get3A_314 = arith.index_cast %scan3A_293 : i32 to index
          %get3A_315 = arith.constant 32 : index
          %get3A_316 = tpu.vector_load %arg12[%get3A_314, %get3A_315] {strides = array<i32>} : memref<128x64xi32, #tpu.memory_space<vmem>>, vector<16xi32>,
          %bitcast3A_317 = vector.bitcast %get3A_316 : vector<16xi32> to vector<32xbf16>
          %unpack3A_318 = tpu.unpack_subelements %bitcast3A_317, 0 {pack_format = #tpu.pack_format<interleaved>} : vector<32xbf16> -> vector<16xf32>
          %unpack3A_319 = tpu.unpack_subelements %bitcast3A_317, 1 {pack_format = #tpu.pack_format<interleaved>} : vector<32xbf16> -> vector<16xf32>
          %swap3A_320 = arith.index_cast %scan3A_293 : i32 to index
          %swap3A_321 = arith.constant 32 : index
          %swap3A_322 = tpu.vector_load %arg13[%swap3A_320, %swap3A_321] {strides = array<i32>} : memref<128x128xf32, #tpu.memory_space<vmem>>, vector<16xf32>,
          tpu.vector_store %arg13[%swap3A_320, %swap3A_321], %unpack3A_318 {strides = array<i32>} : memref<128x128xf32, #tpu.memory_space<vmem>>, vector<16xf32>,
          %swap3A_323 = arith.index_cast %scan3A_293 : i32 to index
          %swap3A_324 = arith.constant 96 : index
          %swap3A_325 = tpu.vector_load %arg13[%swap3A_323, %swap3A_324] {strides = array<i32>} : memref<128x128xf32, #tpu.memory_space<vmem>>, vector<16xf32>,
          tpu.vector_store %arg13[%swap3A_323, %swap3A_324], %unpack3A_319 {strides = array<i32>} : memref<128x128xf32, #tpu.memory_space<vmem>>, vector<16xf32>,
          %get3A_326 = arith.index_cast %scan3A_293 : i32 to index
          %get3A_327 = arith.constant 48 : index
          %get3A_328 = tpu.vector_load %arg12[%get3A_326, %get3A_327] {strides = array<i32>} : memref<128x64xi32, #tpu.memory_space<vmem>>, vector<16xi32>,
          %bitcast3A_329 = vector.bitcast %get3A_328 : vector<16xi32> to vector<32xbf16>
          %unpack3A_330 = tpu.unpack_subelements %bitcast3A_329, 0 {pack_format = #tpu.pack_format<interleaved>} : vector<32xbf16> -> vector<16xf32>
          %unpack3A_331 = tpu.unpack_subelements %bitcast3A_329, 1 {pack_format = #tpu.pack_format<interleaved>} : vector<32xbf16> -> vector<16xf32>
          %swap3A_332 = arith.index_cast %scan3A_293 : i32 to index
          %swap3A_333 = arith.constant 48 : index
          %swap3A_334 = tpu.vector_load %arg13[%swap3A_332, %swap3A_333] {strides = array<i32>} : memref<128x128xf32, #tpu.memory_space<vmem>>, vector<16xf32>,
          tpu.vector_store %arg13[%swap3A_332, %swap3A_333], %unpack3A_330 {strides = array<i32>} : memref<128x128xf32, #tpu.memory_space<vmem>>, vector<16xf32>,
          %swap3A_335 = arith.index_cast %scan3A_293 : i32 to index
          %swap3A_336 = arith.constant 112 : index
          %swap3A_337 = tpu.vector_load %arg13[%swap3A_335, %swap3A_336] {strides = array<i32>} : memref<128x128xf32, #tpu.memory_space<vmem>>, vector<16xf32>,
          tpu.vector_store %arg13[%swap3A_335, %swap3A_336], %unpack3A_331 {strides = array<i32>} : memref<128x128xf32, #tpu.memory_space<vmem>>, vector<16xf32>,
        }
        %scan3A_278 = arith.constant 128 : i32
        %dma_start3A_279 = arith.constant 7 : i32
        %dma_start3A_280 = arith.constant 0 : i32
        %dma_start3A_281 = tpu.memref_slice %arg10[%dma_start3A_279, %dma_start3A_280] : memref<8x128xi32, #tpu.memory_space<vmem>> -> memref<1x128xi32, #tpu.memory_space<vmem>>
        %dma_start3A_282 = tpu.memref_squeeze %dma_start3A_281 : memref<1x128xi32, #tpu.memory_space<vmem>> -> memref<128xi32, #tpu.memory_space<vmem>>
        %dma_start3A_283 = arith.constant 0 : i32
        %dma_start3A_284 = arith.constant 0 : i32
        %dma_start3A_285 = tpu.memref_slice %arg14[%dma_start3A_283, %dma_start3A_284] : memref<10112x128xf32, #tpu.memory_space<vmem_shared>> -> memref<10112x128xf32, #tpu.memory_space<vmem_shared>>
        tpu.enqueue_indirect_dma source(%arg13 : memref<128x128xf32, #tpu.memory_space<vmem>>) target(%dma_start3A_285 : memref<10112x128xf32, #tpu.memory_space<vmem_shared>>) offsets(%dma_start3A_282 : memref<128xi32, #tpu.memory_space<vmem>>) semaphore(%arg16 : memref<!tpu.dma_semaphore, #tpu.memory_space<semaphore_mem>>) {add = true}
        %dma_wait3A_286 = arith.constant 7 : i32
        %dma_wait3A_287 = arith.constant 0 : i32
        %dma_wait3A_288 = tpu.memref_slice %arg10[%dma_wait3A_286, %dma_wait3A_287] : memref<8x128xi32, #tpu.memory_space<vmem>> -> memref<1x128xi32, #tpu.memory_space<vmem>>
        %dma_wait3A_289 = tpu.memref_squeeze %dma_wait3A_288 : memref<1x128xi32, #tpu.memory_space<vmem>> -> memref<128xi32, #tpu.memory_space<vmem>>
        %dma_wait3A_290 = arith.constant 0 : i32
        %dma_wait3A_291 = arith.constant 0 : i32
        %dma_wait3A_292 = tpu.memref_slice %arg14[%dma_wait3A_290, %dma_wait3A_291] : memref<10112x128xf32, #tpu.memory_space<vmem_shared>> -> memref<10112x128xf32, #tpu.memory_space<vmem_shared>>
        tpu.wait_indirect_dma semaphore(%arg16 : memref<!tpu.dma_semaphore, #tpu.memory_space<semaphore_mem>>) src(%arg13 : memref<128x128xf32, #tpu.memory_space<vmem>>) dst(%dma_wait3A_292 : memref<10112x128xf32, #tpu.memory_space<vmem_shared>>)
      }
      %scan3A_19 = arith.constant 9 : i32
    } else {
    }
    %barrier3A_10 = arith.constant 0 : index
    tpu.barrier barrier_id(%barrier3A_10)
    %mul3A_11 = arith.constant 632 : i32
    %mul3A_12 = arith.muli %arg1, %mul3A_11 : i32
    %mul3A_13 = arith.constant 632 : i32
    %mul3A_14 = arith.muli %arg1, %mul3A_13 : i32
    "tpu.region"() ({
      %run_scoped3A = tpu.sem_alloc : memref<!tpu.dma_semaphore, #tpu.memory_space<semaphore_mem>>
      %dma_start3A = arith.constant 0 : i32
      %dma_start3A_15 = arith.constant 0 : i32
      %dma_start3A_16 = tpu.memref_slice %arg8[%arg0, %dma_start3A, %dma_start3A_15] : memref<2x10112x128xf32, #tpu.memory_space<hbm>> -> memref<1x10112x128xf32, #tpu.memory_space<hbm>>
      %dma_start3A_17 = tpu.memref_squeeze %dma_start3A_16 : memref<1x10112x128xf32, #tpu.memory_space<hbm>> -> memref<10112x128xf32, #tpu.memory_space<hbm>>
      %dma_start3A_18 = arith.constant 0 : i32
      %dma_start3A_19 = tpu.memref_slice %dma_start3A_17[%mul3A_14, %dma_start3A_18] : memref<10112x128xf32, #tpu.memory_space<hbm>> -> memref<632x128xf32, #tpu.memory_space<hbm>>
      %dma_start3A_20 = arith.constant 0 : i32
      %dma_start3A_21 = tpu.memref_slice %arg14[%mul3A_12, %dma_start3A_20] : memref<10112x128xf32, #tpu.memory_space<vmem_shared>> -> memref<632x128xf32, #tpu.memory_space<vmem_shared>>
      tpu.enqueue_dma source(%dma_start3A_21 : memref<632x128xf32, #tpu.memory_space<vmem_shared>>) target(%dma_start3A_19 : memref<632x128xf32, #tpu.memory_space<hbm>>) target_semaphore(%run_scoped3A : memref<!tpu.dma_semaphore, #tpu.memory_space<semaphore_mem>>)
      %dma_wait3A = arith.constant 0 : i32
      %dma_wait3A_22 = arith.constant 0 : i32
      %dma_wait3A_23 = tpu.memref_slice %arg8[%arg0, %dma_wait3A, %dma_wait3A_22] : memref<2x10112x128xf32, #tpu.memory_space<hbm>> -> memref<1x10112x128xf32, #tpu.memory_space<hbm>>
      %dma_wait3A_24 = tpu.memref_squeeze %dma_wait3A_23 : memref<1x10112x128xf32, #tpu.memory_space<hbm>> -> memref<10112x128xf32, #tpu.memory_space<hbm>>
      %dma_wait3A_25 = arith.constant 0 : i32
      %dma_wait3A_26 = tpu.memref_slice %dma_wait3A_24[%mul3A_14, %dma_wait3A_25] : memref<10112x128xf32, #tpu.memory_space<hbm>> -> memref<632x128xf32, #tpu.memory_space<hbm>>
      %dma_wait3A_27 = arith.constant 0 : i32
      %dma_wait3A_28 = tpu.memref_slice %arg14[%mul3A_12, %dma_wait3A_27] : memref<10112x128xf32, #tpu.memory_space<vmem_shared>> -> memref<632x128xf32, #tpu.memory_space<vmem_shared>>
      tpu.wait_dma2 semaphore(%run_scoped3A : memref<!tpu.dma_semaphore, #tpu.memory_space<semaphore_mem>>) src(%dma_wait3A_28 : memref<632x128xf32, #tpu.memory_space<vmem_shared>>) dst(%dma_wait3A_26 : memref<632x128xf32, #tpu.memory_space<hbm>>)
      tpu.yield
    }) : () -> ()
    return
  }
}

#map = affine_map<(d0, d1) -> (0, 0)>
module attributes {stable_mosaic.version = 14 : i64} {
  func.func @deg(%arg0: i32, %arg1: i32, %arg2: memref<2560x128xi32, #tpu.memory_space<hbm>>, %arg3: memref<32x10112xf32, #tpu.memory_space<hbm>>, %arg4: memref<80x128xi32, #tpu.memory_space<vmem>>, %arg5: memref<10112xf32, #tpu.memory_space<vmem>>) attributes {dimension_semantics = [#tpu.dimension_semantics<core_parallel>, #tpu.dimension_semantics<subcore_parallel>], iteration_bounds = array<i64: 2, 16>, scalar_prefetch = 0 : i64, scratch_operands = 2 : i64, tpu.core_type = #tpu.core_type<sc_vector_subcore>, window_params = [{transform_indices = #map}, {transform_indices = #map}]} {
    %mul3A = arith.constant 2 : i32
    %mul3A_0 = arith.muli %arg1, %mul3A : i32
    %add3A = arith.addi %mul3A_0, %arg0 : i32
    %mul3A_1 = arith.constant 80 : i32
    %mul3A_2 = arith.muli %add3A, %mul3A_1 : i32
    "tpu.region"() ({
      %run_scoped3A = tpu.sem_alloc : memref<!tpu.dma_semaphore, #tpu.memory_space<semaphore_mem>>
      %dma_start3A = arith.constant 0 : i32
      %dma_start3A_15 = tpu.memref_slice %arg2[%mul3A_2, %dma_start3A] : memref<2560x128xi32, #tpu.memory_space<hbm>> -> memref<80x128xi32, #tpu.memory_space<hbm>>
      %dma_start3A_16 = arith.constant 0 : i32
      %dma_start3A_17 = tpu.memref_slice %arg2[%mul3A_2, %dma_start3A_16] : memref<2560x128xi32, #tpu.memory_space<hbm>> -> memref<80x128xi32, #tpu.memory_space<hbm>>
      tpu.enqueue_dma source(%dma_start3A_17 : memref<80x128xi32, #tpu.memory_space<hbm>>) target(%arg4 : memref<80x128xi32, #tpu.memory_space<vmem>>) target_semaphore(%run_scoped3A : memref<!tpu.dma_semaphore, #tpu.memory_space<semaphore_mem>>)
      %dma_wait3A = arith.constant 0 : i32
      %dma_wait3A_18 = tpu.memref_slice %arg2[%mul3A_2, %dma_wait3A] : memref<2560x128xi32, #tpu.memory_space<hbm>> -> memref<80x128xi32, #tpu.memory_space<hbm>>
      %dma_wait3A_19 = arith.constant 0 : i32
      %dma_wait3A_20 = tpu.memref_slice %arg2[%mul3A_2, %dma_wait3A_19] : memref<2560x128xi32, #tpu.memory_space<hbm>> -> memref<80x128xi32, #tpu.memory_space<hbm>>
      tpu.wait_dma2 semaphore(%run_scoped3A : memref<!tpu.dma_semaphore, #tpu.memory_space<semaphore_mem>>) src(%dma_wait3A_20 : memref<80x128xi32, #tpu.memory_space<hbm>>) dst(%arg4 : memref<80x128xi32, #tpu.memory_space<vmem>>)
      tpu.yield
    }) : () -> ()
    %scan3A = arith.constant 0 : i32
    %scan3A_3 = arith.constant 0 : i32
    %scan3A_4 = arith.constant 632 : i32
    %scan3A_5 = arith.addi %scan3A_3, %scan3A_4 : i32
    %scan3A_6 = arith.constant 1 : i32
    scf.for %scan3A_15 = %scan3A_3 to %scan3A_5 step %scan3A_6  : i32 {
      %broadcast_in_dim3A_16 = arith.constant 0.000000e+00 : f32
      %broadcast_in_dim3A_17 = vector.broadcast %broadcast_in_dim3A_16 : f32 to vector<16xf32>
      %mul3A_18 = arith.constant 16 : i32
      %mul3A_19 = arith.muli %scan3A_15, %mul3A_18 : i32
      %swap3A = arith.index_cast %mul3A_19 : i32 to index
      %swap3A_20 = tpu.vector_load %arg5[%swap3A] {strides = array<i32>} : memref<10112xf32, #tpu.memory_space<vmem>>, vector<16xf32>,
      tpu.vector_store %arg5[%swap3A], %broadcast_in_dim3A_17 {strides = array<i32>} : memref<10112xf32, #tpu.memory_space<vmem>>, vector<16xf32>,
    }
    %scan3A_7 = arith.constant 632 : i32
    %broadcast_in_dim3A = arith.constant 1.000000e+00 : f32
    %broadcast_in_dim3A_8 = vector.broadcast %broadcast_in_dim3A : f32 to vector<16xf32>
    %scan3A_9 = arith.constant 0 : i32
    %scan3A_10 = arith.constant 0 : i32
    %scan3A_11 = arith.constant 80 : i32
    %scan3A_12 = arith.addi %scan3A_10, %scan3A_11 : i32
    %scan3A_13 = arith.constant 1 : i32
    scf.for %scan3A_15 = %scan3A_10 to %scan3A_12 step %scan3A_13  : i32 {
      %get3A = arith.index_cast %scan3A_15 : i32 to index
      %get3A_16 = arith.constant 0 : index
      %get3A_17 = tpu.vector_load %arg4[%get3A, %get3A_16] {strides = array<i32>} : memref<80x128xi32, #tpu.memory_space<vmem>>, vector<16xi32>,
      tpu.vector_store_idx %arg5[%get3A_17], %broadcast_in_dim3A_8 {add = true} : memref<10112xf32, #tpu.memory_space<vmem>>[vector<16xi32>], vector<16xf32>,
      %get3A_18 = arith.index_cast %scan3A_15 : i32 to index
      %get3A_19 = arith.constant 16 : index
      %get3A_20 = tpu.vector_load %arg4[%get3A_18, %get3A_19] {strides = array<i32>} : memref<80x128xi32, #tpu.memory_space<vmem>>, vector<16xi32>,
      tpu.vector_store_idx %arg5[%get3A_20], %broadcast_in_dim3A_8 {add = true} : memref<10112xf32, #tpu.memory_space<vmem>>[vector<16xi32>], vector<16xf32>,
      %get3A_21 = arith.index_cast %scan3A_15 : i32 to index
      %get3A_22 = arith.constant 32 : index
      %get3A_23 = tpu.vector_load %arg4[%get3A_21, %get3A_22] {strides = array<i32>} : memref<80x128xi32, #tpu.memory_space<vmem>>, vector<16xi32>,
      tpu.vector_store_idx %arg5[%get3A_23], %broadcast_in_dim3A_8 {add = true} : memref<10112xf32, #tpu.memory_space<vmem>>[vector<16xi32>], vector<16xf32>,
      %get3A_24 = arith.index_cast %scan3A_15 : i32 to index
      %get3A_25 = arith.constant 48 : index
      %get3A_26 = tpu.vector_load %arg4[%get3A_24, %get3A_25] {strides = array<i32>} : memref<80x128xi32, #tpu.memory_space<vmem>>, vector<16xi32>,
      tpu.vector_store_idx %arg5[%get3A_26], %broadcast_in_dim3A_8 {add = true} : memref<10112xf32, #tpu.memory_space<vmem>>[vector<16xi32>], vector<16xf32>,
      %get3A_27 = arith.index_cast %scan3A_15 : i32 to index
      %get3A_28 = arith.constant 64 : index
      %get3A_29 = tpu.vector_load %arg4[%get3A_27, %get3A_28] {strides = array<i32>} : memref<80x128xi32, #tpu.memory_space<vmem>>, vector<16xi32>,
      tpu.vector_store_idx %arg5[%get3A_29], %broadcast_in_dim3A_8 {add = true} : memref<10112xf32, #tpu.memory_space<vmem>>[vector<16xi32>], vector<16xf32>,
      %get3A_30 = arith.index_cast %scan3A_15 : i32 to index
      %get3A_31 = arith.constant 80 : index
      %get3A_32 = tpu.vector_load %arg4[%get3A_30, %get3A_31] {strides = array<i32>} : memref<80x128xi32, #tpu.memory_space<vmem>>, vector<16xi32>,
      tpu.vector_store_idx %arg5[%get3A_32], %broadcast_in_dim3A_8 {add = true} : memref<10112xf32, #tpu.memory_space<vmem>>[vector<16xi32>], vector<16xf32>,
      %get3A_33 = arith.index_cast %scan3A_15 : i32 to index
      %get3A_34 = arith.constant 96 : index
      %get3A_35 = tpu.vector_load %arg4[%get3A_33, %get3A_34] {strides = array<i32>} : memref<80x128xi32, #tpu.memory_space<vmem>>, vector<16xi32>,
      tpu.vector_store_idx %arg5[%get3A_35], %broadcast_in_dim3A_8 {add = true} : memref<10112xf32, #tpu.memory_space<vmem>>[vector<16xi32>], vector<16xf32>,
      %get3A_36 = arith.index_cast %scan3A_15 : i32 to index
      %get3A_37 = arith.constant 112 : index
      %get3A_38 = tpu.vector_load %arg4[%get3A_36, %get3A_37] {strides = array<i32>} : memref<80x128xi32, #tpu.memory_space<vmem>>, vector<16xi32>,
      tpu.vector_store_idx %arg5[%get3A_38], %broadcast_in_dim3A_8 {add = true} : memref<10112xf32, #tpu.memory_space<vmem>>[vector<16xi32>], vector<16xf32>,
    }
    %scan3A_14 = arith.constant 80 : i32
    "tpu.region"() ({
      %run_scoped3A = tpu.sem_alloc : memref<!tpu.dma_semaphore, #tpu.memory_space<semaphore_mem>>
      %dma_start3A = arith.constant 0 : i32
      %dma_start3A_15 = tpu.memref_slice %arg3[%add3A, %dma_start3A] : memref<32x10112xf32, #tpu.memory_space<hbm>> -> memref<1x10112xf32, #tpu.memory_space<hbm>>
      %dma_start3A_16 = tpu.memref_squeeze %dma_start3A_15 : memref<1x10112xf32, #tpu.memory_space<hbm>> -> memref<10112xf32, #tpu.memory_space<hbm>>
      %dma_start3A_17 = arith.constant 0 : i32
      %dma_start3A_18 = tpu.memref_slice %arg3[%add3A, %dma_start3A_17] : memref<32x10112xf32, #tpu.memory_space<hbm>> -> memref<1x10112xf32, #tpu.memory_space<hbm>>
      %dma_start3A_19 = tpu.memref_squeeze %dma_start3A_18 : memref<1x10112xf32, #tpu.memory_space<hbm>> -> memref<10112xf32, #tpu.memory_space<hbm>>
      tpu.enqueue_dma source(%arg5 : memref<10112xf32, #tpu.memory_space<vmem>>) target(%dma_start3A_19 : memref<10112xf32, #tpu.memory_space<hbm>>) target_semaphore(%run_scoped3A : memref<!tpu.dma_semaphore, #tpu.memory_space<semaphore_mem>>)
      %dma_wait3A = arith.constant 0 : i32
      %dma_wait3A_20 = tpu.memref_slice %arg3[%add3A, %dma_wait3A] : memref<32x10112xf32, #tpu.memory_space<hbm>> -> memref<1x10112xf32, #tpu.memory_space<hbm>>
      %dma_wait3A_21 = tpu.memref_squeeze %dma_wait3A_20 : memref<1x10112xf32, #tpu.memory_space<hbm>> -> memref<10112xf32, #tpu.memory_space<hbm>>
      %dma_wait3A_22 = arith.constant 0 : i32
      %dma_wait3A_23 = tpu.memref_slice %arg3[%add3A, %dma_wait3A_22] : memref<32x10112xf32, #tpu.memory_space<hbm>> -> memref<1x10112xf32, #tpu.memory_space<hbm>>
      %dma_wait3A_24 = tpu.memref_squeeze %dma_wait3A_23 : memref<1x10112xf32, #tpu.memory_space<hbm>> -> memref<10112xf32, #tpu.memory_space<hbm>>
      tpu.wait_dma2 semaphore(%run_scoped3A : memref<!tpu.dma_semaphore, #tpu.memory_space<semaphore_mem>>) src(%arg5 : memref<10112xf32, #tpu.memory_space<vmem>>) dst(%dma_wait3A_24 : memref<10112xf32, #tpu.memory_space<hbm>>)
      tpu.yield
    }) : () -> ()
    return
  }
}

#map = affine_map<(d0, d1) -> (0, 0)>
#map1 = affine_map<(d0, d1) -> (0, 0, 0)>
module attributes {stable_mosaic.version = 14 : i64} {
  func.func @scat(%arg0: i32, %arg1: i32, %arg2: memref<10000x32xi32, #tpu.memory_space<hbm>>, %arg3: memref<16x88x128xi32, #tpu.memory_space<hbm>>, %arg4: memref<16x88x128xi32, #tpu.memory_space<hbm>>, %arg5: memref<16x72x128xi32, #tpu.memory_space<hbm>>, %arg6: memref<16x72x128xi32, #tpu.memory_space<hbm>>, %arg7: memref<10112x64xf32, #tpu.memory_space<hbm>>, %arg8: memref<2x10112x64xf32, #tpu.memory_space<hbm>>, %arg9: memref<8x128xi32, #tpu.memory_space<vmem>>, %arg10: memref<8x128xi32, #tpu.memory_space<vmem>>, %arg11: memref<128x32xi32, #tpu.memory_space<vmem>>, %arg12: memref<128x32xi32, #tpu.memory_space<vmem>>, %arg13: memref<128x64xf32, #tpu.memory_space<vmem>>, %arg14: memref<10112x64xf32, #tpu.memory_space<vmem_shared>>, %arg15: memref<!tpu.dma_semaphore, #tpu.memory_space<semaphore_mem>>, %arg16: memref<!tpu.dma_semaphore, #tpu.memory_space<semaphore_mem>>) attributes {dimension_semantics = [#tpu.dimension_semantics<core_parallel>, #tpu.dimension_semantics<subcore_parallel>], iteration_bounds = array<i64: 2, 16>, scalar_prefetch = 0 : i64, scratch_operands = 8 : i64, tpu.core_type = #tpu.core_type<sc_vector_subcore>, window_params = [{transform_indices = #map}, {transform_indices = #map1}, {transform_indices = #map1}, {transform_indices = #map1}, {transform_indices = #map1}, {transform_indices = #map}, {transform_indices = #map1}]} {
    %mul3A = arith.constant 632 : i32
    %mul3A_0 = arith.muli %arg1, %mul3A : i32
    %mul3A_1 = arith.constant 632 : i32
    %mul3A_2 = arith.muli %arg1, %mul3A_1 : i32
    "tpu.region"() ({
      %run_scoped3A = tpu.sem_alloc : memref<!tpu.dma_semaphore, #tpu.memory_space<semaphore_mem>>
      %dma_start3A = arith.constant 0 : i32
      %dma_start3A_15 = tpu.memref_slice %arg14[%mul3A_2, %dma_start3A] : memref<10112x64xf32, #tpu.memory_space<vmem_shared>> -> memref<632x64xf32, #tpu.memory_space<vmem_shared>>
      %dma_start3A_16 = arith.constant 0 : i32
      %dma_start3A_17 = tpu.memref_slice %arg7[%mul3A_0, %dma_start3A_16] : memref<10112x64xf32, #tpu.memory_space<hbm>> -> memref<632x64xf32, #tpu.memory_space<hbm>>
      tpu.enqueue_dma source(%dma_start3A_17 : memref<632x64xf32, #tpu.memory_space<hbm>>) target(%dma_start3A_15 : memref<632x64xf32, #tpu.memory_space<vmem_shared>>) target_semaphore(%run_scoped3A : memref<!tpu.dma_semaphore, #tpu.memory_space<semaphore_mem>>)
      %dma_wait3A = arith.constant 0 : i32
      %dma_wait3A_18 = tpu.memref_slice %arg14[%mul3A_2, %dma_wait3A] : memref<10112x64xf32, #tpu.memory_space<vmem_shared>> -> memref<632x64xf32, #tpu.memory_space<vmem_shared>>
      %dma_wait3A_19 = arith.constant 0 : i32
      %dma_wait3A_20 = tpu.memref_slice %arg7[%mul3A_0, %dma_wait3A_19] : memref<10112x64xf32, #tpu.memory_space<hbm>> -> memref<632x64xf32, #tpu.memory_space<hbm>>
      tpu.wait_dma2 semaphore(%run_scoped3A : memref<!tpu.dma_semaphore, #tpu.memory_space<semaphore_mem>>) src(%dma_wait3A_20 : memref<632x64xf32, #tpu.memory_space<hbm>>) dst(%dma_wait3A_18 : memref<632x64xf32, #tpu.memory_space<vmem_shared>>)
      tpu.yield
    }) : () -> ()
    %barrier3A = arith.constant 0 : index
    tpu.barrier barrier_id(%barrier3A)
    %eq3A = arith.constant 0 : i32
    %eq3A_3 = arith.cmpi eq, %arg0, %eq3A : i32
    %convert_element_type3A = arith.extui %eq3A_3 : i1 to i32
    %cond3A = arith.constant 0 : i32
    %cond3A_4 = arith.cmpi ne, %convert_element_type3A, %cond3A : i32
    scf.if %cond3A_4 {
      %scan3A = arith.constant 0 : i32
      %scan3A_15 = arith.constant 0 : i32
      %scan3A_16 = arith.constant 11 : i32
      %scan3A_17 = arith.addi %scan3A_15, %scan3A_16 : i32
      %scan3A_18 = arith.constant 1 : i32
      scf.for %scan3A_20 = %scan3A_15 to %scan3A_17 step %scan3A_18  : i32 {
        %mul3A_21 = arith.constant 8 : i32
        %mul3A_22 = arith.muli %scan3A_20, %mul3A_21 : i32
        %multiple_of3A = tpu.assume_multiple %mul3A_22, 8 : i32
        "tpu.region"() ({
          %run_scoped3A = tpu.sem_alloc : memref<!tpu.dma_semaphore, #tpu.memory_space<semaphore_mem>>
          %dma_start3A_293 = arith.constant 0 : i32
          %dma_start3A_294 = arith.constant 0 : i32
          %dma_start3A_295 = tpu.memref_slice %arg3[%arg1, %dma_start3A_293, %dma_start3A_294] : memref<16x88x128xi32, #tpu.memory_space<hbm>> -> memref<1x88x128xi32, #tpu.memory_space<hbm>>
          %dma_start3A_296 = tpu.memref_squeeze %dma_start3A_295 : memref<1x88x128xi32, #tpu.memory_space<hbm>> -> memref<88x128xi32, #tpu.memory_space<hbm>>
          %dma_start3A_297 = arith.constant 0 : i32
          %dma_start3A_298 = tpu.memref_slice %dma_start3A_296[%multiple_of3A, %dma_start3A_297] : memref<88x128xi32, #tpu.memory_space<hbm>> -> memref<8x128xi32, #tpu.memory_space<hbm>>
          %dma_start3A_299 = arith.constant 0 : i32
          %dma_start3A_300 = arith.constant 0 : i32
          %dma_start3A_301 = tpu.memref_slice %arg3[%arg1, %dma_start3A_299, %dma_start3A_300] : memref<16x88x128xi32, #tpu.memory_space<hbm>> -> memref<1x88x128xi32, #tpu.memory_space<hbm>>
          %dma_start3A_302 = tpu.memref_squeeze %dma_start3A_301 : memref<1x88x128xi32, #tpu.memory_space<hbm>> -> memref<88x128xi32, #tpu.memory_space<hbm>>
          %dma_start3A_303 = arith.constant 0 : i32
          %dma_start3A_304 = tpu.memref_slice %dma_start3A_302[%multiple_of3A, %dma_start3A_303] : memref<88x128xi32, #tpu.memory_space<hbm>> -> memref<8x128xi32, #tpu.memory_space<hbm>>
          tpu.enqueue_dma source(%dma_start3A_304 : memref<8x128xi32, #tpu.memory_space<hbm>>) target(%arg9 : memref<8x128xi32, #tpu.memory_space<vmem>>) target_semaphore(%run_scoped3A : memref<!tpu.dma_semaphore, #tpu.memory_space<semaphore_mem>>)
          %dma_wait3A_305 = arith.constant 0 : i32
          %dma_wait3A_306 = arith.constant 0 : i32
          %dma_wait3A_307 = tpu.memref_slice %arg3[%arg1, %dma_wait3A_305, %dma_wait3A_306] : memref<16x88x128xi32, #tpu.memory_space<hbm>> -> memref<1x88x128xi32, #tpu.memory_space<hbm>>
          %dma_wait3A_308 = tpu.memref_squeeze %dma_wait3A_307 : memref<1x88x128xi32, #tpu.memory_space<hbm>> -> memref<88x128xi32, #tpu.memory_space<hbm>>
          %dma_wait3A_309 = arith.constant 0 : i32
          %dma_wait3A_310 = tpu.memref_slice %dma_wait3A_308[%multiple_of3A, %dma_wait3A_309] : memref<88x128xi32, #tpu.memory_space<hbm>> -> memref<8x128xi32, #tpu.memory_space<hbm>>
          %dma_wait3A_311 = arith.constant 0 : i32
          %dma_wait3A_312 = arith.constant 0 : i32
          %dma_wait3A_313 = tpu.memref_slice %arg3[%arg1, %dma_wait3A_311, %dma_wait3A_312] : memref<16x88x128xi32, #tpu.memory_space<hbm>> -> memref<1x88x128xi32, #tpu.memory_space<hbm>>
          %dma_wait3A_314 = tpu.memref_squeeze %dma_wait3A_313 : memref<1x88x128xi32, #tpu.memory_space<hbm>> -> memref<88x128xi32, #tpu.memory_space<hbm>>
          %dma_wait3A_315 = arith.constant 0 : i32
          %dma_wait3A_316 = tpu.memref_slice %dma_wait3A_314[%multiple_of3A, %dma_wait3A_315] : memref<88x128xi32, #tpu.memory_space<hbm>> -> memref<8x128xi32, #tpu.memory_space<hbm>>
          tpu.wait_dma2 semaphore(%run_scoped3A : memref<!tpu.dma_semaphore, #tpu.memory_space<semaphore_mem>>) src(%dma_wait3A_316 : memref<8x128xi32, #tpu.memory_space<hbm>>) dst(%arg9 : memref<8x128xi32, #tpu.memory_space<vmem>>)
          tpu.yield
        }) : () -> ()
        "tpu.region"() ({
          %run_scoped3A = tpu.sem_alloc : memref<!tpu.dma_semaphore, #tpu.memory_space<semaphore_mem>>
          %dma_start3A_293 = arith.constant 0 : i32
          %dma_start3A_294 = arith.constant 0 : i32
          %dma_start3A_295 = tpu.memref_slice %arg4[%arg1, %dma_start3A_293, %dma_start3A_294] : memref<16x88x128xi32, #tpu.memory_space<hbm>> -> memref<1x88x128xi32, #tpu.memory_space<hbm>>
          %dma_start3A_296 = tpu.memref_squeeze %dma_start3A_295 : memref<1x88x128xi32, #tpu.memory_space<hbm>> -> memref<88x128xi32, #tpu.memory_space<hbm>>
          %dma_start3A_297 = arith.constant 0 : i32
          %dma_start3A_298 = tpu.memref_slice %dma_start3A_296[%multiple_of3A, %dma_start3A_297] : memref<88x128xi32, #tpu.memory_space<hbm>> -> memref<8x128xi32, #tpu.memory_space<hbm>>
          %dma_start3A_299 = arith.constant 0 : i32
          %dma_start3A_300 = arith.constant 0 : i32
          %dma_start3A_301 = tpu.memref_slice %arg4[%arg1, %dma_start3A_299, %dma_start3A_300] : memref<16x88x128xi32, #tpu.memory_space<hbm>> -> memref<1x88x128xi32, #tpu.memory_space<hbm>>
          %dma_start3A_302 = tpu.memref_squeeze %dma_start3A_301 : memref<1x88x128xi32, #tpu.memory_space<hbm>> -> memref<88x128xi32, #tpu.memory_space<hbm>>
          %dma_start3A_303 = arith.constant 0 : i32
          %dma_start3A_304 = tpu.memref_slice %dma_start3A_302[%multiple_of3A, %dma_start3A_303] : memref<88x128xi32, #tpu.memory_space<hbm>> -> memref<8x128xi32, #tpu.memory_space<hbm>>
          tpu.enqueue_dma source(%dma_start3A_304 : memref<8x128xi32, #tpu.memory_space<hbm>>) target(%arg10 : memref<8x128xi32, #tpu.memory_space<vmem>>) target_semaphore(%run_scoped3A : memref<!tpu.dma_semaphore, #tpu.memory_space<semaphore_mem>>)
          %dma_wait3A_305 = arith.constant 0 : i32
          %dma_wait3A_306 = arith.constant 0 : i32
          %dma_wait3A_307 = tpu.memref_slice %arg4[%arg1, %dma_wait3A_305, %dma_wait3A_306] : memref<16x88x128xi32, #tpu.memory_space<hbm>> -> memref<1x88x128xi32, #tpu.memory_space<hbm>>
          %dma_wait3A_308 = tpu.memref_squeeze %dma_wait3A_307 : memref<1x88x128xi32, #tpu.memory_space<hbm>> -> memref<88x128xi32, #tpu.memory_space<hbm>>
          %dma_wait3A_309 = arith.constant 0 : i32
          %dma_wait3A_310 = tpu.memref_slice %dma_wait3A_308[%multiple_of3A, %dma_wait3A_309] : memref<88x128xi32, #tpu.memory_space<hbm>> -> memref<8x128xi32, #tpu.memory_space<hbm>>
          %dma_wait3A_311 = arith.constant 0 : i32
          %dma_wait3A_312 = arith.constant 0 : i32
          %dma_wait3A_313 = tpu.memref_slice %arg4[%arg1, %dma_wait3A_311, %dma_wait3A_312] : memref<16x88x128xi32, #tpu.memory_space<hbm>> -> memref<1x88x128xi32, #tpu.memory_space<hbm>>
          %dma_wait3A_314 = tpu.memref_squeeze %dma_wait3A_313 : memref<1x88x128xi32, #tpu.memory_space<hbm>> -> memref<88x128xi32, #tpu.memory_space<hbm>>
          %dma_wait3A_315 = arith.constant 0 : i32
          %dma_wait3A_316 = tpu.memref_slice %dma_wait3A_314[%multiple_of3A, %dma_wait3A_315] : memref<88x128xi32, #tpu.memory_space<hbm>> -> memref<8x128xi32, #tpu.memory_space<hbm>>
          tpu.wait_dma2 semaphore(%run_scoped3A : memref<!tpu.dma_semaphore, #tpu.memory_space<semaphore_mem>>) src(%dma_wait3A_316 : memref<8x128xi32, #tpu.memory_space<hbm>>) dst(%arg10 : memref<8x128xi32, #tpu.memory_space<vmem>>)
          tpu.yield
        }) : () -> ()
        %dma_start3A = arith.constant 0 : i32
        %dma_start3A_23 = arith.constant 0 : i32
        %dma_start3A_24 = tpu.memref_slice %arg9[%dma_start3A, %dma_start3A_23] : memref<8x128xi32, #tpu.memory_space<vmem>> -> memref<1x128xi32, #tpu.memory_space<vmem>>
        %dma_start3A_25 = tpu.memref_squeeze %dma_start3A_24 : memref<1x128xi32, #tpu.memory_space<vmem>> -> memref<128xi32, #tpu.memory_space<vmem>>
        %dma_start3A_26 = arith.constant 0 : i32
        %dma_start3A_27 = arith.constant 0 : i32
        %dma_start3A_28 = tpu.memref_slice %arg2[%dma_start3A_26, %dma_start3A_27] : memref<10000x32xi32, #tpu.memory_space<hbm>> -> memref<10000x32xi32, #tpu.memory_space<hbm>>
        tpu.enqueue_indirect_dma source(%dma_start3A_28 : memref<10000x32xi32, #tpu.memory_space<hbm>>) target(%arg11 : memref<128x32xi32, #tpu.memory_space<vmem>>) offsets(%dma_start3A_25 : memref<128xi32, #tpu.memory_space<vmem>>) semaphore(%arg15 : memref<!tpu.dma_semaphore, #tpu.memory_space<semaphore_mem>>)
        %dma_wait3A = arith.constant 0 : i32
        %dma_wait3A_29 = arith.constant 0 : i32
        %dma_wait3A_30 = tpu.memref_slice %arg9[%dma_wait3A, %dma_wait3A_29] : memref<8x128xi32, #tpu.memory_space<vmem>> -> memref<1x128xi32, #tpu.memory_space<vmem>>
        %dma_wait3A_31 = tpu.memref_squeeze %dma_wait3A_30 : memref<1x128xi32, #tpu.memory_space<vmem>> -> memref<128xi32, #tpu.memory_space<vmem>>
        %dma_wait3A_32 = arith.constant 0 : i32
        %dma_wait3A_33 = arith.constant 0 : i32
        %dma_wait3A_34 = tpu.memref_slice %arg2[%dma_wait3A_32, %dma_wait3A_33] : memref<10000x32xi32, #tpu.memory_space<hbm>> -> memref<10000x32xi32, #tpu.memory_space<hbm>>
        tpu.wait_indirect_dma semaphore(%arg15 : memref<!tpu.dma_semaphore, #tpu.memory_space<semaphore_mem>>) src(%dma_wait3A_34 : memref<10000x32xi32, #tpu.memory_space<hbm>>) dst(%arg11 : memref<128x32xi32, #tpu.memory_space<vmem>>)
        %dma_start3A_35 = arith.constant 1 : i32
        %dma_start3A_36 = arith.constant 0 : i32
        %dma_start3A_37 = tpu.memref_slice %arg9[%dma_start3A_35, %dma_start3A_36] : memref<8x128xi32, #tpu.memory_space<vmem>> -> memref<1x128xi32, #tpu.memory_space<vmem>>
        %dma_start3A_38 = tpu.memref_squeeze %dma_start3A_37 : memref<1x128xi32, #tpu.memory_space<vmem>> -> memref<128xi32, #tpu.memory_space<vmem>>
        %dma_start3A_39 = arith.constant 0 : i32
        %dma_start3A_40 = arith.constant 0 : i32
        %dma_start3A_41 = tpu.memref_slice %arg2[%dma_start3A_39, %dma_start3A_40] : memref<10000x32xi32, #tpu.memory_space<hbm>> -> memref<10000x32xi32, #tpu.memory_space<hbm>>
        tpu.enqueue_indirect_dma source(%dma_start3A_41 : memref<10000x32xi32, #tpu.memory_space<hbm>>) target(%arg12 : memref<128x32xi32, #tpu.memory_space<vmem>>) offsets(%dma_start3A_38 : memref<128xi32, #tpu.memory_space<vmem>>) semaphore(%arg15 : memref<!tpu.dma_semaphore, #tpu.memory_space<semaphore_mem>>)
        %scan3A_42 = arith.constant 0 : i32
        %scan3A_43 = arith.constant 0 : i32
        %scan3A_44 = arith.constant 128 : i32
        %scan3A_45 = arith.addi %scan3A_43, %scan3A_44 : i32
        %scan3A_46 = arith.constant 1 : i32
        scf.for %scan3A_293 = %scan3A_43 to %scan3A_45 step %scan3A_46  : i32 {
          %get3A = arith.index_cast %scan3A_293 : i32 to index
          %get3A_294 = arith.constant 0 : index
          %get3A_295 = tpu.vector_load %arg11[%get3A, %get3A_294] {strides = array<i32>} : memref<128x32xi32, #tpu.memory_space<vmem>>, vector<16xi32>,
          %bitcast3A = vector.bitcast %get3A_295 : vector<16xi32> to vector<32xbf16>
          %unpack3A = tpu.unpack_subelements %bitcast3A, 0 {pack_format = #tpu.pack_format<interleaved>} : vector<32xbf16> -> vector<16xf32>
          %unpack3A_296 = tpu.unpack_subelements %bitcast3A, 1 {pack_format = #tpu.pack_format<interleaved>} : vector<32xbf16> -> vector<16xf32>
          %swap3A = arith.index_cast %scan3A_293 : i32 to index
          %swap3A_297 = arith.constant 0 : index
          %swap3A_298 = tpu.vector_load %arg13[%swap3A, %swap3A_297] {strides = array<i32>} : memref<128x64xf32, #tpu.memory_space<vmem>>, vector<16xf32>,
          tpu.vector_store %arg13[%swap3A, %swap3A_297], %unpack3A {strides = array<i32>} : memref<128x64xf32, #tpu.memory_space<vmem>>, vector<16xf32>,
          %swap3A_299 = arith.index_cast %scan3A_293 : i32 to index
          %swap3A_300 = arith.constant 32 : index
          %swap3A_301 = tpu.vector_load %arg13[%swap3A_299, %swap3A_300] {strides = array<i32>} : memref<128x64xf32, #tpu.memory_space<vmem>>, vector<16xf32>,
          tpu.vector_store %arg13[%swap3A_299, %swap3A_300], %unpack3A_296 {strides = array<i32>} : memref<128x64xf32, #tpu.memory_space<vmem>>, vector<16xf32>,
          %get3A_302 = arith.index_cast %scan3A_293 : i32 to index
          %get3A_303 = arith.constant 16 : index
          %get3A_304 = tpu.vector_load %arg11[%get3A_302, %get3A_303] {strides = array<i32>} : memref<128x32xi32, #tpu.memory_space<vmem>>, vector<16xi32>,
          %bitcast3A_305 = vector.bitcast %get3A_304 : vector<16xi32> to vector<32xbf16>
          %unpack3A_306 = tpu.unpack_subelements %bitcast3A_305, 0 {pack_format = #tpu.pack_format<interleaved>} : vector<32xbf16> -> vector<16xf32>
          %unpack3A_307 = tpu.unpack_subelements %bitcast3A_305, 1 {pack_format = #tpu.pack_format<interleaved>} : vector<32xbf16> -> vector<16xf32>
          %swap3A_308 = arith.index_cast %scan3A_293 : i32 to index
          %swap3A_309 = arith.constant 16 : index
          %swap3A_310 = tpu.vector_load %arg13[%swap3A_308, %swap3A_309] {strides = array<i32>} : memref<128x64xf32, #tpu.memory_space<vmem>>, vector<16xf32>,
          tpu.vector_store %arg13[%swap3A_308, %swap3A_309], %unpack3A_306 {strides = array<i32>} : memref<128x64xf32, #tpu.memory_space<vmem>>, vector<16xf32>,
          %swap3A_311 = arith.index_cast %scan3A_293 : i32 to index
          %swap3A_312 = arith.constant 48 : index
          %swap3A_313 = tpu.vector_load %arg13[%swap3A_311, %swap3A_312] {strides = array<i32>} : memref<128x64xf32, #tpu.memory_space<vmem>>, vector<16xf32>,
          tpu.vector_store %arg13[%swap3A_311, %swap3A_312], %unpack3A_307 {strides = array<i32>} : memref<128x64xf32, #tpu.memory_space<vmem>>, vector<16xf32>,
        }
        %scan3A_47 = arith.constant 128 : i32
        %dma_start3A_48 = arith.constant 0 : i32
        %dma_start3A_49 = arith.constant 0 : i32
        %dma_start3A_50 = tpu.memref_slice %arg10[%dma_start3A_48, %dma_start3A_49] : memref<8x128xi32, #tpu.memory_space<vmem>> -> memref<1x128xi32, #tpu.memory_space<vmem>>
        %dma_start3A_51 = tpu.memref_squeeze %dma_start3A_50 : memref<1x128xi32, #tpu.memory_space<vmem>> -> memref<128xi32, #tpu.memory_space<vmem>>
        %dma_start3A_52 = arith.constant 0 : i32
        %dma_start3A_53 = arith.constant 0 : i32
        %dma_start3A_54 = tpu.memref_slice %arg14[%dma_start3A_52, %dma_start3A_53] : memref<10112x64xf32, #tpu.memory_space<vmem_shared>> -> memref<10112x64xf32, #tpu.memory_space<vmem_shared>>
        tpu.enqueue_indirect_dma source(%arg13 : memref<128x64xf32, #tpu.memory_space<vmem>>) target(%dma_start3A_54 : memref<10112x64xf32, #tpu.memory_space<vmem_shared>>) offsets(%dma_start3A_51 : memref<128xi32, #tpu.memory_space<vmem>>) semaphore(%arg16 : memref<!tpu.dma_semaphore, #tpu.memory_space<semaphore_mem>>) {add = true}
        %dma_wait3A_55 = arith.constant 1 : i32
        %dma_wait3A_56 = arith.constant 0 : i32
        %dma_wait3A_57 = tpu.memref_slice %arg9[%dma_wait3A_55, %dma_wait3A_56] : memref<8x128xi32, #tpu.memory_space<vmem>> -> memref<1x128xi32, #tpu.memory_space<vmem>>
        %dma_wait3A_58 = tpu.memref_squeeze %dma_wait3A_57 : memref<1x128xi32, #tpu.memory_space<vmem>> -> memref<128xi32, #tpu.memory_space<vmem>>
        %dma_wait3A_59 = arith.constant 0 : i32
        %dma_wait3A_60 = arith.constant 0 : i32
        %dma_wait3A_61 = tpu.memref_slice %arg2[%dma_wait3A_59, %dma_wait3A_60] : memref<10000x32xi32, #tpu.memory_space<hbm>> -> memref<10000x32xi32, #tpu.memory_space<hbm>>
        tpu.wait_indirect_dma semaphore(%arg15 : memref<!tpu.dma_semaphore, #tpu.memory_space<semaphore_mem>>) src(%dma_wait3A_61 : memref<10000x32xi32, #tpu.memory_space<hbm>>) dst(%arg12 : memref<128x32xi32, #tpu.memory_space<vmem>>)
        %dma_start3A_62 = arith.constant 2 : i32
        %dma_start3A_63 = arith.constant 0 : i32
        %dma_start3A_64 = tpu.memref_slice %arg9[%dma_start3A_62, %dma_start3A_63] : memref<8x128xi32, #tpu.memory_space<vmem>> -> memref<1x128xi32, #tpu.memory_space<vmem>>
        %dma_start3A_65 = tpu.memref_squeeze %dma_start3A_64 : memref<1x128xi32, #tpu.memory_space<vmem>> -> memref<128xi32, #tpu.memory_space<vmem>>
        %dma_start3A_66 = arith.constant 0 : i32
        %dma_start3A_67 = arith.constant 0 : i32
        %dma_start3A_68 = tpu.memref_slice %arg2[%dma_start3A_66, %dma_start3A_67] : memref<10000x32xi32, #tpu.memory_space<hbm>> -> memref<10000x32xi32, #tpu.memory_space<hbm>>
        tpu.enqueue_indirect_dma source(%dma_start3A_68 : memref<10000x32xi32, #tpu.memory_space<hbm>>) target(%arg11 : memref<128x32xi32, #tpu.memory_space<vmem>>) offsets(%dma_start3A_65 : memref<128xi32, #tpu.memory_space<vmem>>) semaphore(%arg15 : memref<!tpu.dma_semaphore, #tpu.memory_space<semaphore_mem>>)
        %dma_wait3A_69 = arith.constant 0 : i32
        %dma_wait3A_70 = arith.constant 0 : i32
        %dma_wait3A_71 = tpu.memref_slice %arg10[%dma_wait3A_69, %dma_wait3A_70] : memref<8x128xi32, #tpu.memory_space<vmem>> -> memref<1x128xi32, #tpu.memory_space<vmem>>
        %dma_wait3A_72 = tpu.memref_squeeze %dma_wait3A_71 : memref<1x128xi32, #tpu.memory_space<vmem>> -> memref<128xi32, #tpu.memory_space<vmem>>
        %dma_wait3A_73 = arith.constant 0 : i32
        %dma_wait3A_74 = arith.constant 0 : i32
        %dma_wait3A_75 = tpu.memref_slice %arg14[%dma_wait3A_73, %dma_wait3A_74] : memref<10112x64xf32, #tpu.memory_space<vmem_shared>> -> memref<10112x64xf32, #tpu.memory_space<vmem_shared>>
        tpu.wait_indirect_dma semaphore(%arg16 : memref<!tpu.dma_semaphore, #tpu.memory_space<semaphore_mem>>) src(%arg13 : memref<128x64xf32, #tpu.memory_space<vmem>>) dst(%dma_wait3A_75 : memref<10112x64xf32, #tpu.memory_space<vmem_shared>>)
        %scan3A_76 = arith.constant 0 : i32
        %scan3A_77 = arith.constant 0 : i32
        %scan3A_78 = arith.constant 128 : i32
        %scan3A_79 = arith.addi %scan3A_77, %scan3A_78 : i32
        %scan3A_80 = arith.constant 1 : i32
        scf.for %scan3A_293 = %scan3A_77 to %scan3A_79 step %scan3A_80  : i32 {
          %get3A = arith.index_cast %scan3A_293 : i32 to index
          %get3A_294 = arith.constant 0 : index
          %get3A_295 = tpu.vector_load %arg12[%get3A, %get3A_294] {strides = array<i32>} : memref<128x32xi32, #tpu.memory_space<vmem>>, vector<16xi32>,
          %bitcast3A = vector.bitcast %get3A_295 : vector<16xi32> to vector<32xbf16>
          %unpack3A = tpu.unpack_subelements %bitcast3A, 0 {pack_format = #tpu.pack_format<interleaved>} : vector<32xbf16> -> vector<16xf32>
          %unpack3A_296 = tpu.unpack_subelements %bitcast3A, 1 {pack_format = #tpu.pack_format<interleaved>} : vector<32xbf16> -> vector<16xf32>
          %swap3A = arith.index_cast %scan3A_293 : i32 to index
          %swap3A_297 = arith.constant 0 : index
          %swap3A_298 = tpu.vector_load %arg13[%swap3A, %swap3A_297] {strides = array<i32>} : memref<128x64xf32, #tpu.memory_space<vmem>>, vector<16xf32>,
          tpu.vector_store %arg13[%swap3A, %swap3A_297], %unpack3A {strides = array<i32>} : memref<128x64xf32, #tpu.memory_space<vmem>>, vector<16xf32>,
          %swap3A_299 = arith.index_cast %scan3A_293 : i32 to index
          %swap3A_300 = arith.constant 32 : index
          %swap3A_301 = tpu.vector_load %arg13[%swap3A_299, %swap3A_300] {strides = array<i32>} : memref<128x64xf32, #tpu.memory_space<vmem>>, vector<16xf32>,
          tpu.vector_store %arg13[%swap3A_299, %swap3A_300], %unpack3A_296 {strides = array<i32>} : memref<128x64xf32, #tpu.memory_space<vmem>>, vector<16xf32>,
          %get3A_302 = arith.index_cast %scan3A_293 : i32 to index
          %get3A_303 = arith.constant 16 : index
          %get3A_304 = tpu.vector_load %arg12[%get3A_302, %get3A_303] {strides = array<i32>} : memref<128x32xi32, #tpu.memory_space<vmem>>, vector<16xi32>,
          %bitcast3A_305 = vector.bitcast %get3A_304 : vector<16xi32> to vector<32xbf16>
          %unpack3A_306 = tpu.unpack_subelements %bitcast3A_305, 0 {pack_format = #tpu.pack_format<interleaved>} : vector<32xbf16> -> vector<16xf32>
          %unpack3A_307 = tpu.unpack_subelements %bitcast3A_305, 1 {pack_format = #tpu.pack_format<interleaved>} : vector<32xbf16> -> vector<16xf32>
          %swap3A_308 = arith.index_cast %scan3A_293 : i32 to index
          %swap3A_309 = arith.constant 16 : index
          %swap3A_310 = tpu.vector_load %arg13[%swap3A_308, %swap3A_309] {strides = array<i32>} : memref<128x64xf32, #tpu.memory_space<vmem>>, vector<16xf32>,
          tpu.vector_store %arg13[%swap3A_308, %swap3A_309], %unpack3A_306 {strides = array<i32>} : memref<128x64xf32, #tpu.memory_space<vmem>>, vector<16xf32>,
          %swap3A_311 = arith.index_cast %scan3A_293 : i32 to index
          %swap3A_312 = arith.constant 48 : index
          %swap3A_313 = tpu.vector_load %arg13[%swap3A_311, %swap3A_312] {strides = array<i32>} : memref<128x64xf32, #tpu.memory_space<vmem>>, vector<16xf32>,
          tpu.vector_store %arg13[%swap3A_311, %swap3A_312], %unpack3A_307 {strides = array<i32>} : memref<128x64xf32, #tpu.memory_space<vmem>>, vector<16xf32>,
        }
        %scan3A_81 = arith.constant 128 : i32
        %dma_start3A_82 = arith.constant 1 : i32
        %dma_start3A_83 = arith.constant 0 : i32
        %dma_start3A_84 = tpu.memref_slice %arg10[%dma_start3A_82, %dma_start3A_83] : memref<8x128xi32, #tpu.memory_space<vmem>> -> memref<1x128xi32, #tpu.memory_space<vmem>>
        %dma_start3A_85 = tpu.memref_squeeze %dma_start3A_84 : memref<1x128xi32, #tpu.memory_space<vmem>> -> memref<128xi32, #tpu.memory_space<vmem>>
        %dma_start3A_86 = arith.constant 0 : i32
        %dma_start3A_87 = arith.constant 0 : i32
        %dma_start3A_88 = tpu.memref_slice %arg14[%dma_start3A_86, %dma_start3A_87] : memref<10112x64xf32, #tpu.memory_space<vmem_shared>> -> memref<10112x64xf32, #tpu.memory_space<vmem_shared>>
        tpu.enqueue_indirect_dma source(%arg13 : memref<128x64xf32, #tpu.memory_space<vmem>>) target(%dma_start3A_88 : memref<10112x64xf32, #tpu.memory_space<vmem_shared>>) offsets(%dma_start3A_85 : memref<128xi32, #tpu.memory_space<vmem>>) semaphore(%arg16 : memref<!tpu.dma_semaphore, #tpu.memory_space<semaphore_mem>>) {add = true}
        %dma_wait3A_89 = arith.constant 2 : i32
        %dma_wait3A_90 = arith.constant 0 : i32
        %dma_wait3A_91 = tpu.memref_slice %arg9[%dma_wait3A_89, %dma_wait3A_90] : memref<8x128xi32, #tpu.memory_space<vmem>> -> memref<1x128xi32, #tpu.memory_space<vmem>>
        %dma_wait3A_92 = tpu.memref_squeeze %dma_wait3A_91 : memref<1x128xi32, #tpu.memory_space<vmem>> -> memref<128xi32, #tpu.memory_space<vmem>>
        %dma_wait3A_93 = arith.constant 0 : i32
        %dma_wait3A_94 = arith.constant 0 : i32
        %dma_wait3A_95 = tpu.memref_slice %arg2[%dma_wait3A_93, %dma_wait3A_94] : memref<10000x32xi32, #tpu.memory_space<hbm>> -> memref<10000x32xi32, #tpu.memory_space<hbm>>
        tpu.wait_indirect_dma semaphore(%arg15 : memref<!tpu.dma_semaphore, #tpu.memory_space<semaphore_mem>>) src(%dma_wait3A_95 : memref<10000x32xi32, #tpu.memory_space<hbm>>) dst(%arg11 : memref<128x32xi32, #tpu.memory_space<vmem>>)
        %dma_start3A_96 = arith.constant 3 : i32
        %dma_start3A_97 = arith.constant 0 : i32
        %dma_start3A_98 = tpu.memref_slice %arg9[%dma_start3A_96, %dma_start3A_97] : memref<8x128xi32, #tpu.memory_space<vmem>> -> memref<1x128xi32, #tpu.memory_space<vmem>>
        %dma_start3A_99 = tpu.memref_squeeze %dma_start3A_98 : memref<1x128xi32, #tpu.memory_space<vmem>> -> memref<128xi32, #tpu.memory_space<vmem>>
        %dma_start3A_100 = arith.constant 0 : i32
        %dma_start3A_101 = arith.constant 0 : i32
        %dma_start3A_102 = tpu.memref_slice %arg2[%dma_start3A_100, %dma_start3A_101] : memref<10000x32xi32, #tpu.memory_space<hbm>> -> memref<10000x32xi32, #tpu.memory_space<hbm>>
        tpu.enqueue_indirect_dma source(%dma_start3A_102 : memref<10000x32xi32, #tpu.memory_space<hbm>>) target(%arg12 : memref<128x32xi32, #tpu.memory_space<vmem>>) offsets(%dma_start3A_99 : memref<128xi32, #tpu.memory_space<vmem>>) semaphore(%arg15 : memref<!tpu.dma_semaphore, #tpu.memory_space<semaphore_mem>>)
        %dma_wait3A_103 = arith.constant 1 : i32
        %dma_wait3A_104 = arith.constant 0 : i32
        %dma_wait3A_105 = tpu.memref_slice %arg10[%dma_wait3A_103, %dma_wait3A_104] : memref<8x128xi32, #tpu.memory_space<vmem>> -> memref<1x128xi32, #tpu.memory_space<vmem>>
        %dma_wait3A_106 = tpu.memref_squeeze %dma_wait3A_105 : memref<1x128xi32, #tpu.memory_space<vmem>> -> memref<128xi32, #tpu.memory_space<vmem>>
        %dma_wait3A_107 = arith.constant 0 : i32
        %dma_wait3A_108 = arith.constant 0 : i32
        %dma_wait3A_109 = tpu.memref_slice %arg14[%dma_wait3A_107, %dma_wait3A_108] : memref<10112x64xf32, #tpu.memory_space<vmem_shared>> -> memref<10112x64xf32, #tpu.memory_space<vmem_shared>>
        tpu.wait_indirect_dma semaphore(%arg16 : memref<!tpu.dma_semaphore, #tpu.memory_space<semaphore_mem>>) src(%arg13 : memref<128x64xf32, #tpu.memory_space<vmem>>) dst(%dma_wait3A_109 : memref<10112x64xf32, #tpu.memory_space<vmem_shared>>)
        %scan3A_110 = arith.constant 0 : i32
        %scan3A_111 = arith.constant 0 : i32
        %scan3A_112 = arith.constant 128 : i32
        %scan3A_113 = arith.addi %scan3A_111, %scan3A_112 : i32
        %scan3A_114 = arith.constant 1 : i32
        scf.for %scan3A_293 = %scan3A_111 to %scan3A_113 step %scan3A_114  : i32 {
          %get3A = arith.index_cast %scan3A_293 : i32 to index
          %get3A_294 = arith.constant 0 : index
          %get3A_295 = tpu.vector_load %arg11[%get3A, %get3A_294] {strides = array<i32>} : memref<128x32xi32, #tpu.memory_space<vmem>>, vector<16xi32>,
          %bitcast3A = vector.bitcast %get3A_295 : vector<16xi32> to vector<32xbf16>
          %unpack3A = tpu.unpack_subelements %bitcast3A, 0 {pack_format = #tpu.pack_format<interleaved>} : vector<32xbf16> -> vector<16xf32>
          %unpack3A_296 = tpu.unpack_subelements %bitcast3A, 1 {pack_format = #tpu.pack_format<interleaved>} : vector<32xbf16> -> vector<16xf32>
          %swap3A = arith.index_cast %scan3A_293 : i32 to index
          %swap3A_297 = arith.constant 0 : index
          %swap3A_298 = tpu.vector_load %arg13[%swap3A, %swap3A_297] {strides = array<i32>} : memref<128x64xf32, #tpu.memory_space<vmem>>, vector<16xf32>,
          tpu.vector_store %arg13[%swap3A, %swap3A_297], %unpack3A {strides = array<i32>} : memref<128x64xf32, #tpu.memory_space<vmem>>, vector<16xf32>,
          %swap3A_299 = arith.index_cast %scan3A_293 : i32 to index
          %swap3A_300 = arith.constant 32 : index
          %swap3A_301 = tpu.vector_load %arg13[%swap3A_299, %swap3A_300] {strides = array<i32>} : memref<128x64xf32, #tpu.memory_space<vmem>>, vector<16xf32>,
          tpu.vector_store %arg13[%swap3A_299, %swap3A_300], %unpack3A_296 {strides = array<i32>} : memref<128x64xf32, #tpu.memory_space<vmem>>, vector<16xf32>,
          %get3A_302 = arith.index_cast %scan3A_293 : i32 to index
          %get3A_303 = arith.constant 16 : index
          %get3A_304 = tpu.vector_load %arg11[%get3A_302, %get3A_303] {strides = array<i32>} : memref<128x32xi32, #tpu.memory_space<vmem>>, vector<16xi32>,
          %bitcast3A_305 = vector.bitcast %get3A_304 : vector<16xi32> to vector<32xbf16>
          %unpack3A_306 = tpu.unpack_subelements %bitcast3A_305, 0 {pack_format = #tpu.pack_format<interleaved>} : vector<32xbf16> -> vector<16xf32>
          %unpack3A_307 = tpu.unpack_subelements %bitcast3A_305, 1 {pack_format = #tpu.pack_format<interleaved>} : vector<32xbf16> -> vector<16xf32>
          %swap3A_308 = arith.index_cast %scan3A_293 : i32 to index
          %swap3A_309 = arith.constant 16 : index
          %swap3A_310 = tpu.vector_load %arg13[%swap3A_308, %swap3A_309] {strides = array<i32>} : memref<128x64xf32, #tpu.memory_space<vmem>>, vector<16xf32>,
          tpu.vector_store %arg13[%swap3A_308, %swap3A_309], %unpack3A_306 {strides = array<i32>} : memref<128x64xf32, #tpu.memory_space<vmem>>, vector<16xf32>,
          %swap3A_311 = arith.index_cast %scan3A_293 : i32 to index
          %swap3A_312 = arith.constant 48 : index
          %swap3A_313 = tpu.vector_load %arg13[%swap3A_311, %swap3A_312] {strides = array<i32>} : memref<128x64xf32, #tpu.memory_space<vmem>>, vector<16xf32>,
          tpu.vector_store %arg13[%swap3A_311, %swap3A_312], %unpack3A_307 {strides = array<i32>} : memref<128x64xf32, #tpu.memory_space<vmem>>, vector<16xf32>,
        }
        %scan3A_115 = arith.constant 128 : i32
        %dma_start3A_116 = arith.constant 2 : i32
        %dma_start3A_117 = arith.constant 0 : i32
        %dma_start3A_118 = tpu.memref_slice %arg10[%dma_start3A_116, %dma_start3A_117] : memref<8x128xi32, #tpu.memory_space<vmem>> -> memref<1x128xi32, #tpu.memory_space<vmem>>
        %dma_start3A_119 = tpu.memref_squeeze %dma_start3A_118 : memref<1x128xi32, #tpu.memory_space<vmem>> -> memref<128xi32, #tpu.memory_space<vmem>>
        %dma_start3A_120 = arith.constant 0 : i32
        %dma_start3A_121 = arith.constant 0 : i32
        %dma_start3A_122 = tpu.memref_slice %arg14[%dma_start3A_120, %dma_start3A_121] : memref<10112x64xf32, #tpu.memory_space<vmem_shared>> -> memref<10112x64xf32, #tpu.memory_space<vmem_shared>>
        tpu.enqueue_indirect_dma source(%arg13 : memref<128x64xf32, #tpu.memory_space<vmem>>) target(%dma_start3A_122 : memref<10112x64xf32, #tpu.memory_space<vmem_shared>>) offsets(%dma_start3A_119 : memref<128xi32, #tpu.memory_space<vmem>>) semaphore(%arg16 : memref<!tpu.dma_semaphore, #tpu.memory_space<semaphore_mem>>) {add = true}
        %dma_wait3A_123 = arith.constant 3 : i32
        %dma_wait3A_124 = arith.constant 0 : i32
        %dma_wait3A_125 = tpu.memref_slice %arg9[%dma_wait3A_123, %dma_wait3A_124] : memref<8x128xi32, #tpu.memory_space<vmem>> -> memref<1x128xi32, #tpu.memory_space<vmem>>
        %dma_wait3A_126 = tpu.memref_squeeze %dma_wait3A_125 : memref<1x128xi32, #tpu.memory_space<vmem>> -> memref<128xi32, #tpu.memory_space<vmem>>
        %dma_wait3A_127 = arith.constant 0 : i32
        %dma_wait3A_128 = arith.constant 0 : i32
        %dma_wait3A_129 = tpu.memref_slice %arg2[%dma_wait3A_127, %dma_wait3A_128] : memref<10000x32xi32, #tpu.memory_space<hbm>> -> memref<10000x32xi32, #tpu.memory_space<hbm>>
        tpu.wait_indirect_dma semaphore(%arg15 : memref<!tpu.dma_semaphore, #tpu.memory_space<semaphore_mem>>) src(%dma_wait3A_129 : memref<10000x32xi32, #tpu.memory_space<hbm>>) dst(%arg12 : memref<128x32xi32, #tpu.memory_space<vmem>>)
        %dma_start3A_130 = arith.constant 4 : i32
        %dma_start3A_131 = arith.constant 0 : i32
        %dma_start3A_132 = tpu.memref_slice %arg9[%dma_start3A_130, %dma_start3A_131] : memref<8x128xi32, #tpu.memory_space<vmem>> -> memref<1x128xi32, #tpu.memory_space<vmem>>
        %dma_start3A_133 = tpu.memref_squeeze %dma_start3A_132 : memref<1x128xi32, #tpu.memory_space<vmem>> -> memref<128xi32, #tpu.memory_space<vmem>>
        %dma_start3A_134 = arith.constant 0 : i32
        %dma_start3A_135 = arith.constant 0 : i32
        %dma_start3A_136 = tpu.memref_slice %arg2[%dma_start3A_134, %dma_start3A_135] : memref<10000x32xi32, #tpu.memory_space<hbm>> -> memref<10000x32xi32, #tpu.memory_space<hbm>>
        tpu.enqueue_indirect_dma source(%dma_start3A_136 : memref<10000x32xi32, #tpu.memory_space<hbm>>) target(%arg11 : memref<128x32xi32, #tpu.memory_space<vmem>>) offsets(%dma_start3A_133 : memref<128xi32, #tpu.memory_space<vmem>>) semaphore(%arg15 : memref<!tpu.dma_semaphore, #tpu.memory_space<semaphore_mem>>)
        %dma_wait3A_137 = arith.constant 2 : i32
        %dma_wait3A_138 = arith.constant 0 : i32
        %dma_wait3A_139 = tpu.memref_slice %arg10[%dma_wait3A_137, %dma_wait3A_138] : memref<8x128xi32, #tpu.memory_space<vmem>> -> memref<1x128xi32, #tpu.memory_space<vmem>>
        %dma_wait3A_140 = tpu.memref_squeeze %dma_wait3A_139 : memref<1x128xi32, #tpu.memory_space<vmem>> -> memref<128xi32, #tpu.memory_space<vmem>>
        %dma_wait3A_141 = arith.constant 0 : i32
        %dma_wait3A_142 = arith.constant 0 : i32
        %dma_wait3A_143 = tpu.memref_slice %arg14[%dma_wait3A_141, %dma_wait3A_142] : memref<10112x64xf32, #tpu.memory_space<vmem_shared>> -> memref<10112x64xf32, #tpu.memory_space<vmem_shared>>
        tpu.wait_indirect_dma semaphore(%arg16 : memref<!tpu.dma_semaphore, #tpu.memory_space<semaphore_mem>>) src(%arg13 : memref<128x64xf32, #tpu.memory_space<vmem>>) dst(%dma_wait3A_143 : memref<10112x64xf32, #tpu.memory_space<vmem_shared>>)
        %scan3A_144 = arith.constant 0 : i32
        %scan3A_145 = arith.constant 0 : i32
        %scan3A_146 = arith.constant 128 : i32
        %scan3A_147 = arith.addi %scan3A_145, %scan3A_146 : i32
        %scan3A_148 = arith.constant 1 : i32
        scf.for %scan3A_293 = %scan3A_145 to %scan3A_147 step %scan3A_148  : i32 {
          %get3A = arith.index_cast %scan3A_293 : i32 to index
          %get3A_294 = arith.constant 0 : index
          %get3A_295 = tpu.vector_load %arg12[%get3A, %get3A_294] {strides = array<i32>} : memref<128x32xi32, #tpu.memory_space<vmem>>, vector<16xi32>,
          %bitcast3A = vector.bitcast %get3A_295 : vector<16xi32> to vector<32xbf16>
          %unpack3A = tpu.unpack_subelements %bitcast3A, 0 {pack_format = #tpu.pack_format<interleaved>} : vector<32xbf16> -> vector<16xf32>
          %unpack3A_296 = tpu.unpack_subelements %bitcast3A, 1 {pack_format = #tpu.pack_format<interleaved>} : vector<32xbf16> -> vector<16xf32>
          %swap3A = arith.index_cast %scan3A_293 : i32 to index
          %swap3A_297 = arith.constant 0 : index
          %swap3A_298 = tpu.vector_load %arg13[%swap3A, %swap3A_297] {strides = array<i32>} : memref<128x64xf32, #tpu.memory_space<vmem>>, vector<16xf32>,
          tpu.vector_store %arg13[%swap3A, %swap3A_297], %unpack3A {strides = array<i32>} : memref<128x64xf32, #tpu.memory_space<vmem>>, vector<16xf32>,
          %swap3A_299 = arith.index_cast %scan3A_293 : i32 to index
          %swap3A_300 = arith.constant 32 : index
          %swap3A_301 = tpu.vector_load %arg13[%swap3A_299, %swap3A_300] {strides = array<i32>} : memref<128x64xf32, #tpu.memory_space<vmem>>, vector<16xf32>,
          tpu.vector_store %arg13[%swap3A_299, %swap3A_300], %unpack3A_296 {strides = array<i32>} : memref<128x64xf32, #tpu.memory_space<vmem>>, vector<16xf32>,
          %get3A_302 = arith.index_cast %scan3A_293 : i32 to index
          %get3A_303 = arith.constant 16 : index
          %get3A_304 = tpu.vector_load %arg12[%get3A_302, %get3A_303] {strides = array<i32>} : memref<128x32xi32, #tpu.memory_space<vmem>>, vector<16xi32>,
          %bitcast3A_305 = vector.bitcast %get3A_304 : vector<16xi32> to vector<32xbf16>
          %unpack3A_306 = tpu.unpack_subelements %bitcast3A_305, 0 {pack_format = #tpu.pack_format<interleaved>} : vector<32xbf16> -> vector<16xf32>
          %unpack3A_307 = tpu.unpack_subelements %bitcast3A_305, 1 {pack_format = #tpu.pack_format<interleaved>} : vector<32xbf16> -> vector<16xf32>
          %swap3A_308 = arith.index_cast %scan3A_293 : i32 to index
          %swap3A_309 = arith.constant 16 : index
          %swap3A_310 = tpu.vector_load %arg13[%swap3A_308, %swap3A_309] {strides = array<i32>} : memref<128x64xf32, #tpu.memory_space<vmem>>, vector<16xf32>,
          tpu.vector_store %arg13[%swap3A_308, %swap3A_309], %unpack3A_306 {strides = array<i32>} : memref<128x64xf32, #tpu.memory_space<vmem>>, vector<16xf32>,
          %swap3A_311 = arith.index_cast %scan3A_293 : i32 to index
          %swap3A_312 = arith.constant 48 : index
          %swap3A_313 = tpu.vector_load %arg13[%swap3A_311, %swap3A_312] {strides = array<i32>} : memref<128x64xf32, #tpu.memory_space<vmem>>, vector<16xf32>,
          tpu.vector_store %arg13[%swap3A_311, %swap3A_312], %unpack3A_307 {strides = array<i32>} : memref<128x64xf32, #tpu.memory_space<vmem>>, vector<16xf32>,
        }
        %scan3A_149 = arith.constant 128 : i32
        %dma_start3A_150 = arith.constant 3 : i32
        %dma_start3A_151 = arith.constant 0 : i32
        %dma_start3A_152 = tpu.memref_slice %arg10[%dma_start3A_150, %dma_start3A_151] : memref<8x128xi32, #tpu.memory_space<vmem>> -> memref<1x128xi32, #tpu.memory_space<vmem>>
        %dma_start3A_153 = tpu.memref_squeeze %dma_start3A_152 : memref<1x128xi32, #tpu.memory_space<vmem>> -> memref<128xi32, #tpu.memory_space<vmem>>
        %dma_start3A_154 = arith.constant 0 : i32
        %dma_start3A_155 = arith.constant 0 : i32
        %dma_start3A_156 = tpu.memref_slice %arg14[%dma_start3A_154, %dma_start3A_155] : memref<10112x64xf32, #tpu.memory_space<vmem_shared>> -> memref<10112x64xf32, #tpu.memory_space<vmem_shared>>
        tpu.enqueue_indirect_dma source(%arg13 : memref<128x64xf32, #tpu.memory_space<vmem>>) target(%dma_start3A_156 : memref<10112x64xf32, #tpu.memory_space<vmem_shared>>) offsets(%dma_start3A_153 : memref<128xi32, #tpu.memory_space<vmem>>) semaphore(%arg16 : memref<!tpu.dma_semaphore, #tpu.memory_space<semaphore_mem>>) {add = true}
        %dma_wait3A_157 = arith.constant 4 : i32
        %dma_wait3A_158 = arith.constant 0 : i32
        %dma_wait3A_159 = tpu.memref_slice %arg9[%dma_wait3A_157, %dma_wait3A_158] : memref<8x128xi32, #tpu.memory_space<vmem>> -> memref<1x128xi32, #tpu.memory_space<vmem>>
        %dma_wait3A_160 = tpu.memref_squeeze %dma_wait3A_159 : memref<1x128xi32, #tpu.memory_space<vmem>> -> memref<128xi32, #tpu.memory_space<vmem>>
        %dma_wait3A_161 = arith.constant 0 : i32
        %dma_wait3A_162 = arith.constant 0 : i32
        %dma_wait3A_163 = tpu.memref_slice %arg2[%dma_wait3A_161, %dma_wait3A_162] : memref<10000x32xi32, #tpu.memory_space<hbm>> -> memref<10000x32xi32, #tpu.memory_space<hbm>>
        tpu.wait_indirect_dma semaphore(%arg15 : memref<!tpu.dma_semaphore, #tpu.memory_space<semaphore_mem>>) src(%dma_wait3A_163 : memref<10000x32xi32, #tpu.memory_space<hbm>>) dst(%arg11 : memref<128x32xi32, #tpu.memory_space<vmem>>)
        %dma_start3A_164 = arith.constant 5 : i32
        %dma_start3A_165 = arith.constant 0 : i32
        %dma_start3A_166 = tpu.memref_slice %arg9[%dma_start3A_164, %dma_start3A_165] : memref<8x128xi32, #tpu.memory_space<vmem>> -> memref<1x128xi32, #tpu.memory_space<vmem>>
        %dma_start3A_167 = tpu.memref_squeeze %dma_start3A_166 : memref<1x128xi32, #tpu.memory_space<vmem>> -> memref<128xi32, #tpu.memory_space<vmem>>
        %dma_start3A_168 = arith.constant 0 : i32
        %dma_start3A_169 = arith.constant 0 : i32
        %dma_start3A_170 = tpu.memref_slice %arg2[%dma_start3A_168, %dma_start3A_169] : memref<10000x32xi32, #tpu.memory_space<hbm>> -> memref<10000x32xi32, #tpu.memory_space<hbm>>
        tpu.enqueue_indirect_dma source(%dma_start3A_170 : memref<10000x32xi32, #tpu.memory_space<hbm>>) target(%arg12 : memref<128x32xi32, #tpu.memory_space<vmem>>) offsets(%dma_start3A_167 : memref<128xi32, #tpu.memory_space<vmem>>) semaphore(%arg15 : memref<!tpu.dma_semaphore, #tpu.memory_space<semaphore_mem>>)
        %dma_wait3A_171 = arith.constant 3 : i32
        %dma_wait3A_172 = arith.constant 0 : i32
        %dma_wait3A_173 = tpu.memref_slice %arg10[%dma_wait3A_171, %dma_wait3A_172] : memref<8x128xi32, #tpu.memory_space<vmem>> -> memref<1x128xi32, #tpu.memory_space<vmem>>
        %dma_wait3A_174 = tpu.memref_squeeze %dma_wait3A_173 : memref<1x128xi32, #tpu.memory_space<vmem>> -> memref<128xi32, #tpu.memory_space<vmem>>
        %dma_wait3A_175 = arith.constant 0 : i32
        %dma_wait3A_176 = arith.constant 0 : i32
        %dma_wait3A_177 = tpu.memref_slice %arg14[%dma_wait3A_175, %dma_wait3A_176] : memref<10112x64xf32, #tpu.memory_space<vmem_shared>> -> memref<10112x64xf32, #tpu.memory_space<vmem_shared>>
        tpu.wait_indirect_dma semaphore(%arg16 : memref<!tpu.dma_semaphore, #tpu.memory_space<semaphore_mem>>) src(%arg13 : memref<128x64xf32, #tpu.memory_space<vmem>>) dst(%dma_wait3A_177 : memref<10112x64xf32, #tpu.memory_space<vmem_shared>>)
        %scan3A_178 = arith.constant 0 : i32
        %scan3A_179 = arith.constant 0 : i32
        %scan3A_180 = arith.constant 128 : i32
        %scan3A_181 = arith.addi %scan3A_179, %scan3A_180 : i32
        %scan3A_182 = arith.constant 1 : i32
        scf.for %scan3A_293 = %scan3A_179 to %scan3A_181 step %scan3A_182  : i32 {
          %get3A = arith.index_cast %scan3A_293 : i32 to index
          %get3A_294 = arith.constant 0 : index
          %get3A_295 = tpu.vector_load %arg11[%get3A, %get3A_294] {strides = array<i32>} : memref<128x32xi32, #tpu.memory_space<vmem>>, vector<16xi32>,
          %bitcast3A = vector.bitcast %get3A_295 : vector<16xi32> to vector<32xbf16>
          %unpack3A = tpu.unpack_subelements %bitcast3A, 0 {pack_format = #tpu.pack_format<interleaved>} : vector<32xbf16> -> vector<16xf32>
          %unpack3A_296 = tpu.unpack_subelements %bitcast3A, 1 {pack_format = #tpu.pack_format<interleaved>} : vector<32xbf16> -> vector<16xf32>
          %swap3A = arith.index_cast %scan3A_293 : i32 to index
          %swap3A_297 = arith.constant 0 : index
          %swap3A_298 = tpu.vector_load %arg13[%swap3A, %swap3A_297] {strides = array<i32>} : memref<128x64xf32, #tpu.memory_space<vmem>>, vector<16xf32>,
          tpu.vector_store %arg13[%swap3A, %swap3A_297], %unpack3A {strides = array<i32>} : memref<128x64xf32, #tpu.memory_space<vmem>>, vector<16xf32>,
          %swap3A_299 = arith.index_cast %scan3A_293 : i32 to index
          %swap3A_300 = arith.constant 32 : index
          %swap3A_301 = tpu.vector_load %arg13[%swap3A_299, %swap3A_300] {strides = array<i32>} : memref<128x64xf32, #tpu.memory_space<vmem>>, vector<16xf32>,
          tpu.vector_store %arg13[%swap3A_299, %swap3A_300], %unpack3A_296 {strides = array<i32>} : memref<128x64xf32, #tpu.memory_space<vmem>>, vector<16xf32>,
          %get3A_302 = arith.index_cast %scan3A_293 : i32 to index
          %get3A_303 = arith.constant 16 : index
          %get3A_304 = tpu.vector_load %arg11[%get3A_302, %get3A_303] {strides = array<i32>} : memref<128x32xi32, #tpu.memory_space<vmem>>, vector<16xi32>,
          %bitcast3A_305 = vector.bitcast %get3A_304 : vector<16xi32> to vector<32xbf16>
          %unpack3A_306 = tpu.unpack_subelements %bitcast3A_305, 0 {pack_format = #tpu.pack_format<interleaved>} : vector<32xbf16> -> vector<16xf32>
          %unpack3A_307 = tpu.unpack_subelements %bitcast3A_305, 1 {pack_format = #tpu.pack_format<interleaved>} : vector<32xbf16> -> vector<16xf32>
          %swap3A_308 = arith.index_cast %scan3A_293 : i32 to index
          %swap3A_309 = arith.constant 16 : index
          %swap3A_310 = tpu.vector_load %arg13[%swap3A_308, %swap3A_309] {strides = array<i32>} : memref<128x64xf32, #tpu.memory_space<vmem>>, vector<16xf32>,
          tpu.vector_store %arg13[%swap3A_308, %swap3A_309], %unpack3A_306 {strides = array<i32>} : memref<128x64xf32, #tpu.memory_space<vmem>>, vector<16xf32>,
          %swap3A_311 = arith.index_cast %scan3A_293 : i32 to index
          %swap3A_312 = arith.constant 48 : index
          %swap3A_313 = tpu.vector_load %arg13[%swap3A_311, %swap3A_312] {strides = array<i32>} : memref<128x64xf32, #tpu.memory_space<vmem>>, vector<16xf32>,
          tpu.vector_store %arg13[%swap3A_311, %swap3A_312], %unpack3A_307 {strides = array<i32>} : memref<128x64xf32, #tpu.memory_space<vmem>>, vector<16xf32>,
        }
        %scan3A_183 = arith.constant 128 : i32
        %dma_start3A_184 = arith.constant 4 : i32
        %dma_start3A_185 = arith.constant 0 : i32
        %dma_start3A_186 = tpu.memref_slice %arg10[%dma_start3A_184, %dma_start3A_185] : memref<8x128xi32, #tpu.memory_space<vmem>> -> memref<1x128xi32, #tpu.memory_space<vmem>>
        %dma_start3A_187 = tpu.memref_squeeze %dma_start3A_186 : memref<1x128xi32, #tpu.memory_space<vmem>> -> memref<128xi32, #tpu.memory_space<vmem>>
        %dma_start3A_188 = arith.constant 0 : i32
        %dma_start3A_189 = arith.constant 0 : i32
        %dma_start3A_190 = tpu.memref_slice %arg14[%dma_start3A_188, %dma_start3A_189] : memref<10112x64xf32, #tpu.memory_space<vmem_shared>> -> memref<10112x64xf32, #tpu.memory_space<vmem_shared>>
        tpu.enqueue_indirect_dma source(%arg13 : memref<128x64xf32, #tpu.memory_space<vmem>>) target(%dma_start3A_190 : memref<10112x64xf32, #tpu.memory_space<vmem_shared>>) offsets(%dma_start3A_187 : memref<128xi32, #tpu.memory_space<vmem>>) semaphore(%arg16 : memref<!tpu.dma_semaphore, #tpu.memory_space<semaphore_mem>>) {add = true}
        %dma_wait3A_191 = arith.constant 5 : i32
        %dma_wait3A_192 = arith.constant 0 : i32
        %dma_wait3A_193 = tpu.memref_slice %arg9[%dma_wait3A_191, %dma_wait3A_192] : memref<8x128xi32, #tpu.memory_space<vmem>> -> memref<1x128xi32, #tpu.memory_space<vmem>>
        %dma_wait3A_194 = tpu.memref_squeeze %dma_wait3A_193 : memref<1x128xi32, #tpu.memory_space<vmem>> -> memref<128xi32, #tpu.memory_space<vmem>>
        %dma_wait3A_195 = arith.constant 0 : i32
        %dma_wait3A_196 = arith.constant 0 : i32
        %dma_wait3A_197 = tpu.memref_slice %arg2[%dma_wait3A_195, %dma_wait3A_196] : memref<10000x32xi32, #tpu.memory_space<hbm>> -> memref<10000x32xi32, #tpu.memory_space<hbm>>
        tpu.wait_indirect_dma semaphore(%arg15 : memref<!tpu.dma_semaphore, #tpu.memory_space<semaphore_mem>>) src(%dma_wait3A_197 : memref<10000x32xi32, #tpu.memory_space<hbm>>) dst(%arg12 : memref<128x32xi32, #tpu.memory_space<vmem>>)
        %dma_start3A_198 = arith.constant 6 : i32
        %dma_start3A_199 = arith.constant 0 : i32
        %dma_start3A_200 = tpu.memref_slice %arg9[%dma_start3A_198, %dma_start3A_199] : memref<8x128xi32, #tpu.memory_space<vmem>> -> memref<1x128xi32, #tpu.memory_space<vmem>>
        %dma_start3A_201 = tpu.memref_squeeze %dma_start3A_200 : memref<1x128xi32, #tpu.memory_space<vmem>> -> memref<128xi32, #tpu.memory_space<vmem>>
        %dma_start3A_202 = arith.constant 0 : i32
        %dma_start3A_203 = arith.constant 0 : i32
        %dma_start3A_204 = tpu.memref_slice %arg2[%dma_start3A_202, %dma_start3A_203] : memref<10000x32xi32, #tpu.memory_space<hbm>> -> memref<10000x32xi32, #tpu.memory_space<hbm>>
        tpu.enqueue_indirect_dma source(%dma_start3A_204 : memref<10000x32xi32, #tpu.memory_space<hbm>>) target(%arg11 : memref<128x32xi32, #tpu.memory_space<vmem>>) offsets(%dma_start3A_201 : memref<128xi32, #tpu.memory_space<vmem>>) semaphore(%arg15 : memref<!tpu.dma_semaphore, #tpu.memory_space<semaphore_mem>>)
        %dma_wait3A_205 = arith.constant 4 : i32
        %dma_wait3A_206 = arith.constant 0 : i32
        %dma_wait3A_207 = tpu.memref_slice %arg10[%dma_wait3A_205, %dma_wait3A_206] : memref<8x128xi32, #tpu.memory_space<vmem>> -> memref<1x128xi32, #tpu.memory_space<vmem>>
        %dma_wait3A_208 = tpu.memref_squeeze %dma_wait3A_207 : memref<1x128xi32, #tpu.memory_space<vmem>> -> memref<128xi32, #tpu.memory_space<vmem>>
        %dma_wait3A_209 = arith.constant 0 : i32
        %dma_wait3A_210 = arith.constant 0 : i32
        %dma_wait3A_211 = tpu.memref_slice %arg14[%dma_wait3A_209, %dma_wait3A_210] : memref<10112x64xf32, #tpu.memory_space<vmem_shared>> -> memref<10112x64xf32, #tpu.memory_space<vmem_shared>>
        tpu.wait_indirect_dma semaphore(%arg16 : memref<!tpu.dma_semaphore, #tpu.memory_space<semaphore_mem>>) src(%arg13 : memref<128x64xf32, #tpu.memory_space<vmem>>) dst(%dma_wait3A_211 : memref<10112x64xf32, #tpu.memory_space<vmem_shared>>)
        %scan3A_212 = arith.constant 0 : i32
        %scan3A_213 = arith.constant 0 : i32
        %scan3A_214 = arith.constant 128 : i32
        %scan3A_215 = arith.addi %scan3A_213, %scan3A_214 : i32
        %scan3A_216 = arith.constant 1 : i32
        scf.for %scan3A_293 = %scan3A_213 to %scan3A_215 step %scan3A_216  : i32 {
          %get3A = arith.index_cast %scan3A_293 : i32 to index
          %get3A_294 = arith.constant 0 : index
          %get3A_295 = tpu.vector_load %arg12[%get3A, %get3A_294] {strides = array<i32>} : memref<128x32xi32, #tpu.memory_space<vmem>>, vector<16xi32>,
          %bitcast3A = vector.bitcast %get3A_295 : vector<16xi32> to vector<32xbf16>
          %unpack3A = tpu.unpack_subelements %bitcast3A, 0 {pack_format = #tpu.pack_format<interleaved>} : vector<32xbf16> -> vector<16xf32>
          %unpack3A_296 = tpu.unpack_subelements %bitcast3A, 1 {pack_format = #tpu.pack_format<interleaved>} : vector<32xbf16> -> vector<16xf32>
          %swap3A = arith.index_cast %scan3A_293 : i32 to index
          %swap3A_297 = arith.constant 0 : index
          %swap3A_298 = tpu.vector_load %arg13[%swap3A, %swap3A_297] {strides = array<i32>} : memref<128x64xf32, #tpu.memory_space<vmem>>, vector<16xf32>,
          tpu.vector_store %arg13[%swap3A, %swap3A_297], %unpack3A {strides = array<i32>} : memref<128x64xf32, #tpu.memory_space<vmem>>, vector<16xf32>,
          %swap3A_299 = arith.index_cast %scan3A_293 : i32 to index
          %swap3A_300 = arith.constant 32 : index
          %swap3A_301 = tpu.vector_load %arg13[%swap3A_299, %swap3A_300] {strides = array<i32>} : memref<128x64xf32, #tpu.memory_space<vmem>>, vector<16xf32>,
          tpu.vector_store %arg13[%swap3A_299, %swap3A_300], %unpack3A_296 {strides = array<i32>} : memref<128x64xf32, #tpu.memory_space<vmem>>, vector<16xf32>,
          %get3A_302 = arith.index_cast %scan3A_293 : i32 to index
          %get3A_303 = arith.constant 16 : index
          %get3A_304 = tpu.vector_load %arg12[%get3A_302, %get3A_303] {strides = array<i32>} : memref<128x32xi32, #tpu.memory_space<vmem>>, vector<16xi32>,
          %bitcast3A_305 = vector.bitcast %get3A_304 : vector<16xi32> to vector<32xbf16>
          %unpack3A_306 = tpu.unpack_subelements %bitcast3A_305, 0 {pack_format = #tpu.pack_format<interleaved>} : vector<32xbf16> -> vector<16xf32>
          %unpack3A_307 = tpu.unpack_subelements %bitcast3A_305, 1 {pack_format = #tpu.pack_format<interleaved>} : vector<32xbf16> -> vector<16xf32>
          %swap3A_308 = arith.index_cast %scan3A_293 : i32 to index
          %swap3A_309 = arith.constant 16 : index
          %swap3A_310 = tpu.vector_load %arg13[%swap3A_308, %swap3A_309] {strides = array<i32>} : memref<128x64xf32, #tpu.memory_space<vmem>>, vector<16xf32>,
          tpu.vector_store %arg13[%swap3A_308, %swap3A_309], %unpack3A_306 {strides = array<i32>} : memref<128x64xf32, #tpu.memory_space<vmem>>, vector<16xf32>,
          %swap3A_311 = arith.index_cast %scan3A_293 : i32 to index
          %swap3A_312 = arith.constant 48 : index
          %swap3A_313 = tpu.vector_load %arg13[%swap3A_311, %swap3A_312] {strides = array<i32>} : memref<128x64xf32, #tpu.memory_space<vmem>>, vector<16xf32>,
          tpu.vector_store %arg13[%swap3A_311, %swap3A_312], %unpack3A_307 {strides = array<i32>} : memref<128x64xf32, #tpu.memory_space<vmem>>, vector<16xf32>,
        }
        %scan3A_217 = arith.constant 128 : i32
        %dma_start3A_218 = arith.constant 5 : i32
        %dma_start3A_219 = arith.constant 0 : i32
        %dma_start3A_220 = tpu.memref_slice %arg10[%dma_start3A_218, %dma_start3A_219] : memref<8x128xi32, #tpu.memory_space<vmem>> -> memref<1x128xi32, #tpu.memory_space<vmem>>
        %dma_start3A_221 = tpu.memref_squeeze %dma_start3A_220 : memref<1x128xi32, #tpu.memory_space<vmem>> -> memref<128xi32, #tpu.memory_space<vmem>>
        %dma_start3A_222 = arith.constant 0 : i32
        %dma_start3A_223 = arith.constant 0 : i32
        %dma_start3A_224 = tpu.memref_slice %arg14[%dma_start3A_222, %dma_start3A_223] : memref<10112x64xf32, #tpu.memory_space<vmem_shared>> -> memref<10112x64xf32, #tpu.memory_space<vmem_shared>>
        tpu.enqueue_indirect_dma source(%arg13 : memref<128x64xf32, #tpu.memory_space<vmem>>) target(%dma_start3A_224 : memref<10112x64xf32, #tpu.memory_space<vmem_shared>>) offsets(%dma_start3A_221 : memref<128xi32, #tpu.memory_space<vmem>>) semaphore(%arg16 : memref<!tpu.dma_semaphore, #tpu.memory_space<semaphore_mem>>) {add = true}
        %dma_wait3A_225 = arith.constant 6 : i32
        %dma_wait3A_226 = arith.constant 0 : i32
        %dma_wait3A_227 = tpu.memref_slice %arg9[%dma_wait3A_225, %dma_wait3A_226] : memref<8x128xi32, #tpu.memory_space<vmem>> -> memref<1x128xi32, #tpu.memory_space<vmem>>
        %dma_wait3A_228 = tpu.memref_squeeze %dma_wait3A_227 : memref<1x128xi32, #tpu.memory_space<vmem>> -> memref<128xi32, #tpu.memory_space<vmem>>
        %dma_wait3A_229 = arith.constant 0 : i32
        %dma_wait3A_230 = arith.constant 0 : i32
        %dma_wait3A_231 = tpu.memref_slice %arg2[%dma_wait3A_229, %dma_wait3A_230] : memref<10000x32xi32, #tpu.memory_space<hbm>> -> memref<10000x32xi32, #tpu.memory_space<hbm>>
        tpu.wait_indirect_dma semaphore(%arg15 : memref<!tpu.dma_semaphore, #tpu.memory_space<semaphore_mem>>) src(%dma_wait3A_231 : memref<10000x32xi32, #tpu.memory_space<hbm>>) dst(%arg11 : memref<128x32xi32, #tpu.memory_space<vmem>>)
        %dma_start3A_232 = arith.constant 7 : i32
        %dma_start3A_233 = arith.constant 0 : i32
        %dma_start3A_234 = tpu.memref_slice %arg9[%dma_start3A_232, %dma_start3A_233] : memref<8x128xi32, #tpu.memory_space<vmem>> -> memref<1x128xi32, #tpu.memory_space<vmem>>
        %dma_start3A_235 = tpu.memref_squeeze %dma_start3A_234 : memref<1x128xi32, #tpu.memory_space<vmem>> -> memref<128xi32, #tpu.memory_space<vmem>>
        %dma_start3A_236 = arith.constant 0 : i32
        %dma_start3A_237 = arith.constant 0 : i32
        %dma_start3A_238 = tpu.memref_slice %arg2[%dma_start3A_236, %dma_start3A_237] : memref<10000x32xi32, #tpu.memory_space<hbm>> -> memref<10000x32xi32, #tpu.memory_space<hbm>>
        tpu.enqueue_indirect_dma source(%dma_start3A_238 : memref<10000x32xi32, #tpu.memory_space<hbm>>) target(%arg12 : memref<128x32xi32, #tpu.memory_space<vmem>>) offsets(%dma_start3A_235 : memref<128xi32, #tpu.memory_space<vmem>>) semaphore(%arg15 : memref<!tpu.dma_semaphore, #tpu.memory_space<semaphore_mem>>)
        %dma_wait3A_239 = arith.constant 5 : i32
        %dma_wait3A_240 = arith.constant 0 : i32
        %dma_wait3A_241 = tpu.memref_slice %arg10[%dma_wait3A_239, %dma_wait3A_240] : memref<8x128xi32, #tpu.memory_space<vmem>> -> memref<1x128xi32, #tpu.memory_space<vmem>>
        %dma_wait3A_242 = tpu.memref_squeeze %dma_wait3A_241 : memref<1x128xi32, #tpu.memory_space<vmem>> -> memref<128xi32, #tpu.memory_space<vmem>>
        %dma_wait3A_243 = arith.constant 0 : i32
        %dma_wait3A_244 = arith.constant 0 : i32
        %dma_wait3A_245 = tpu.memref_slice %arg14[%dma_wait3A_243, %dma_wait3A_244] : memref<10112x64xf32, #tpu.memory_space<vmem_shared>> -> memref<10112x64xf32, #tpu.memory_space<vmem_shared>>
        tpu.wait_indirect_dma semaphore(%arg16 : memref<!tpu.dma_semaphore, #tpu.memory_space<semaphore_mem>>) src(%arg13 : memref<128x64xf32, #tpu.memory_space<vmem>>) dst(%dma_wait3A_245 : memref<10112x64xf32, #tpu.memory_space<vmem_shared>>)
        %scan3A_246 = arith.constant 0 : i32
        %scan3A_247 = arith.constant 0 : i32
        %scan3A_248 = arith.constant 128 : i32
        %scan3A_249 = arith.addi %scan3A_247, %scan3A_248 : i32
        %scan3A_250 = arith.constant 1 : i32
        scf.for %scan3A_293 = %scan3A_247 to %scan3A_249 step %scan3A_250  : i32 {
          %get3A = arith.index_cast %scan3A_293 : i32 to index
          %get3A_294 = arith.constant 0 : index
          %get3A_295 = tpu.vector_load %arg11[%get3A, %get3A_294] {strides = array<i32>} : memref<128x32xi32, #tpu.memory_space<vmem>>, vector<16xi32>,
          %bitcast3A = vector.bitcast %get3A_295 : vector<16xi32> to vector<32xbf16>
          %unpack3A = tpu.unpack_subelements %bitcast3A, 0 {pack_format = #tpu.pack_format<interleaved>} : vector<32xbf16> -> vector<16xf32>
          %unpack3A_296 = tpu.unpack_subelements %bitcast3A, 1 {pack_format = #tpu.pack_format<interleaved>} : vector<32xbf16> -> vector<16xf32>
          %swap3A = arith.index_cast %scan3A_293 : i32 to index
          %swap3A_297 = arith.constant 0 : index
          %swap3A_298 = tpu.vector_load %arg13[%swap3A, %swap3A_297] {strides = array<i32>} : memref<128x64xf32, #tpu.memory_space<vmem>>, vector<16xf32>,
          tpu.vector_store %arg13[%swap3A, %swap3A_297], %unpack3A {strides = array<i32>} : memref<128x64xf32, #tpu.memory_space<vmem>>, vector<16xf32>,
          %swap3A_299 = arith.index_cast %scan3A_293 : i32 to index
          %swap3A_300 = arith.constant 32 : index
          %swap3A_301 = tpu.vector_load %arg13[%swap3A_299, %swap3A_300] {strides = array<i32>} : memref<128x64xf32, #tpu.memory_space<vmem>>, vector<16xf32>,
          tpu.vector_store %arg13[%swap3A_299, %swap3A_300], %unpack3A_296 {strides = array<i32>} : memref<128x64xf32, #tpu.memory_space<vmem>>, vector<16xf32>,
          %get3A_302 = arith.index_cast %scan3A_293 : i32 to index
          %get3A_303 = arith.constant 16 : index
          %get3A_304 = tpu.vector_load %arg11[%get3A_302, %get3A_303] {strides = array<i32>} : memref<128x32xi32, #tpu.memory_space<vmem>>, vector<16xi32>,
          %bitcast3A_305 = vector.bitcast %get3A_304 : vector<16xi32> to vector<32xbf16>
          %unpack3A_306 = tpu.unpack_subelements %bitcast3A_305, 0 {pack_format = #tpu.pack_format<interleaved>} : vector<32xbf16> -> vector<16xf32>
          %unpack3A_307 = tpu.unpack_subelements %bitcast3A_305, 1 {pack_format = #tpu.pack_format<interleaved>} : vector<32xbf16> -> vector<16xf32>
          %swap3A_308 = arith.index_cast %scan3A_293 : i32 to index
          %swap3A_309 = arith.constant 16 : index
          %swap3A_310 = tpu.vector_load %arg13[%swap3A_308, %swap3A_309] {strides = array<i32>} : memref<128x64xf32, #tpu.memory_space<vmem>>, vector<16xf32>,
          tpu.vector_store %arg13[%swap3A_308, %swap3A_309], %unpack3A_306 {strides = array<i32>} : memref<128x64xf32, #tpu.memory_space<vmem>>, vector<16xf32>,
          %swap3A_311 = arith.index_cast %scan3A_293 : i32 to index
          %swap3A_312 = arith.constant 48 : index
          %swap3A_313 = tpu.vector_load %arg13[%swap3A_311, %swap3A_312] {strides = array<i32>} : memref<128x64xf32, #tpu.memory_space<vmem>>, vector<16xf32>,
          tpu.vector_store %arg13[%swap3A_311, %swap3A_312], %unpack3A_307 {strides = array<i32>} : memref<128x64xf32, #tpu.memory_space<vmem>>, vector<16xf32>,
        }
        %scan3A_251 = arith.constant 128 : i32
        %dma_start3A_252 = arith.constant 6 : i32
        %dma_start3A_253 = arith.constant 0 : i32
        %dma_start3A_254 = tpu.memref_slice %arg10[%dma_start3A_252, %dma_start3A_253] : memref<8x128xi32, #tpu.memory_space<vmem>> -> memref<1x128xi32, #tpu.memory_space<vmem>>
        %dma_start3A_255 = tpu.memref_squeeze %dma_start3A_254 : memref<1x128xi32, #tpu.memory_space<vmem>> -> memref<128xi32, #tpu.memory_space<vmem>>
        %dma_start3A_256 = arith.constant 0 : i32
        %dma_start3A_257 = arith.constant 0 : i32
        %dma_start3A_258 = tpu.memref_slice %arg14[%dma_start3A_256, %dma_start3A_257] : memref<10112x64xf32, #tpu.memory_space<vmem_shared>> -> memref<10112x64xf32, #tpu.memory_space<vmem_shared>>
        tpu.enqueue_indirect_dma source(%arg13 : memref<128x64xf32, #tpu.memory_space<vmem>>) target(%dma_start3A_258 : memref<10112x64xf32, #tpu.memory_space<vmem_shared>>) offsets(%dma_start3A_255 : memref<128xi32, #tpu.memory_space<vmem>>) semaphore(%arg16 : memref<!tpu.dma_semaphore, #tpu.memory_space<semaphore_mem>>) {add = true}
        %dma_wait3A_259 = arith.constant 7 : i32
        %dma_wait3A_260 = arith.constant 0 : i32
        %dma_wait3A_261 = tpu.memref_slice %arg9[%dma_wait3A_259, %dma_wait3A_260] : memref<8x128xi32, #tpu.memory_space<vmem>> -> memref<1x128xi32, #tpu.memory_space<vmem>>
        %dma_wait3A_262 = tpu.memref_squeeze %dma_wait3A_261 : memref<1x128xi32, #tpu.memory_space<vmem>> -> memref<128xi32, #tpu.memory_space<vmem>>
        %dma_wait3A_263 = arith.constant 0 : i32
        %dma_wait3A_264 = arith.constant 0 : i32
        %dma_wait3A_265 = tpu.memref_slice %arg2[%dma_wait3A_263, %dma_wait3A_264] : memref<10000x32xi32, #tpu.memory_space<hbm>> -> memref<10000x32xi32, #tpu.memory_space<hbm>>
        tpu.wait_indirect_dma semaphore(%arg15 : memref<!tpu.dma_semaphore, #tpu.memory_space<semaphore_mem>>) src(%dma_wait3A_265 : memref<10000x32xi32, #tpu.memory_space<hbm>>) dst(%arg12 : memref<128x32xi32, #tpu.memory_space<vmem>>)
        %dma_wait3A_266 = arith.constant 6 : i32
        %dma_wait3A_267 = arith.constant 0 : i32
        %dma_wait3A_268 = tpu.memref_slice %arg10[%dma_wait3A_266, %dma_wait3A_267] : memref<8x128xi32, #tpu.memory_space<vmem>> -> memref<1x128xi32, #tpu.memory_space<vmem>>
        %dma_wait3A_269 = tpu.memref_squeeze %dma_wait3A_268 : memref<1x128xi32, #tpu.memory_space<vmem>> -> memref<128xi32, #tpu.memory_space<vmem>>
        %dma_wait3A_270 = arith.constant 0 : i32
        %dma_wait3A_271 = arith.constant 0 : i32
        %dma_wait3A_272 = tpu.memref_slice %arg14[%dma_wait3A_270, %dma_wait3A_271] : memref<10112x64xf32, #tpu.memory_space<vmem_shared>> -> memref<10112x64xf32, #tpu.memory_space<vmem_shared>>
        tpu.wait_indirect_dma semaphore(%arg16 : memref<!tpu.dma_semaphore, #tpu.memory_space<semaphore_mem>>) src(%arg13 : memref<128x64xf32, #tpu.memory_space<vmem>>) dst(%dma_wait3A_272 : memref<10112x64xf32, #tpu.memory_space<vmem_shared>>)
        %scan3A_273 = arith.constant 0 : i32
        %scan3A_274 = arith.constant 0 : i32
        %scan3A_275 = arith.constant 128 : i32
        %scan3A_276 = arith.addi %scan3A_274, %scan3A_275 : i32
        %scan3A_277 = arith.constant 1 : i32
        scf.for %scan3A_293 = %scan3A_274 to %scan3A_276 step %scan3A_277  : i32 {
          %get3A = arith.index_cast %scan3A_293 : i32 to index
          %get3A_294 = arith.constant 0 : index
          %get3A_295 = tpu.vector_load %arg12[%get3A, %get3A_294] {strides = array<i32>} : memref<128x32xi32, #tpu.memory_space<vmem>>, vector<16xi32>,
          %bitcast3A = vector.bitcast %get3A_295 : vector<16xi32> to vector<32xbf16>
          %unpack3A = tpu.unpack_subelements %bitcast3A, 0 {pack_format = #tpu.pack_format<interleaved>} : vector<32xbf16> -> vector<16xf32>
          %unpack3A_296 = tpu.unpack_subelements %bitcast3A, 1 {pack_format = #tpu.pack_format<interleaved>} : vector<32xbf16> -> vector<16xf32>
          %swap3A = arith.index_cast %scan3A_293 : i32 to index
          %swap3A_297 = arith.constant 0 : index
          %swap3A_298 = tpu.vector_load %arg13[%swap3A, %swap3A_297] {strides = array<i32>} : memref<128x64xf32, #tpu.memory_space<vmem>>, vector<16xf32>,
          tpu.vector_store %arg13[%swap3A, %swap3A_297], %unpack3A {strides = array<i32>} : memref<128x64xf32, #tpu.memory_space<vmem>>, vector<16xf32>,
          %swap3A_299 = arith.index_cast %scan3A_293 : i32 to index
          %swap3A_300 = arith.constant 32 : index
          %swap3A_301 = tpu.vector_load %arg13[%swap3A_299, %swap3A_300] {strides = array<i32>} : memref<128x64xf32, #tpu.memory_space<vmem>>, vector<16xf32>,
          tpu.vector_store %arg13[%swap3A_299, %swap3A_300], %unpack3A_296 {strides = array<i32>} : memref<128x64xf32, #tpu.memory_space<vmem>>, vector<16xf32>,
          %get3A_302 = arith.index_cast %scan3A_293 : i32 to index
          %get3A_303 = arith.constant 16 : index
          %get3A_304 = tpu.vector_load %arg12[%get3A_302, %get3A_303] {strides = array<i32>} : memref<128x32xi32, #tpu.memory_space<vmem>>, vector<16xi32>,
          %bitcast3A_305 = vector.bitcast %get3A_304 : vector<16xi32> to vector<32xbf16>
          %unpack3A_306 = tpu.unpack_subelements %bitcast3A_305, 0 {pack_format = #tpu.pack_format<interleaved>} : vector<32xbf16> -> vector<16xf32>
          %unpack3A_307 = tpu.unpack_subelements %bitcast3A_305, 1 {pack_format = #tpu.pack_format<interleaved>} : vector<32xbf16> -> vector<16xf32>
          %swap3A_308 = arith.index_cast %scan3A_293 : i32 to index
          %swap3A_309 = arith.constant 16 : index
          %swap3A_310 = tpu.vector_load %arg13[%swap3A_308, %swap3A_309] {strides = array<i32>} : memref<128x64xf32, #tpu.memory_space<vmem>>, vector<16xf32>,
          tpu.vector_store %arg13[%swap3A_308, %swap3A_309], %unpack3A_306 {strides = array<i32>} : memref<128x64xf32, #tpu.memory_space<vmem>>, vector<16xf32>,
          %swap3A_311 = arith.index_cast %scan3A_293 : i32 to index
          %swap3A_312 = arith.constant 48 : index
          %swap3A_313 = tpu.vector_load %arg13[%swap3A_311, %swap3A_312] {strides = array<i32>} : memref<128x64xf32, #tpu.memory_space<vmem>>, vector<16xf32>,
          tpu.vector_store %arg13[%swap3A_311, %swap3A_312], %unpack3A_307 {strides = array<i32>} : memref<128x64xf32, #tpu.memory_space<vmem>>, vector<16xf32>,
        }
        %scan3A_278 = arith.constant 128 : i32
        %dma_start3A_279 = arith.constant 7 : i32
        %dma_start3A_280 = arith.constant 0 : i32
        %dma_start3A_281 = tpu.memref_slice %arg10[%dma_start3A_279, %dma_start3A_280] : memref<8x128xi32, #tpu.memory_space<vmem>> -> memref<1x128xi32, #tpu.memory_space<vmem>>
        %dma_start3A_282 = tpu.memref_squeeze %dma_start3A_281 : memref<1x128xi32, #tpu.memory_space<vmem>> -> memref<128xi32, #tpu.memory_space<vmem>>
        %dma_start3A_283 = arith.constant 0 : i32
        %dma_start3A_284 = arith.constant 0 : i32
        %dma_start3A_285 = tpu.memref_slice %arg14[%dma_start3A_283, %dma_start3A_284] : memref<10112x64xf32, #tpu.memory_space<vmem_shared>> -> memref<10112x64xf32, #tpu.memory_space<vmem_shared>>
        tpu.enqueue_indirect_dma source(%arg13 : memref<128x64xf32, #tpu.memory_space<vmem>>) target(%dma_start3A_285 : memref<10112x64xf32, #tpu.memory_space<vmem_shared>>) offsets(%dma_start3A_282 : memref<128xi32, #tpu.memory_space<vmem>>) semaphore(%arg16 : memref<!tpu.dma_semaphore, #tpu.memory_space<semaphore_mem>>) {add = true}
        %dma_wait3A_286 = arith.constant 7 : i32
        %dma_wait3A_287 = arith.constant 0 : i32
        %dma_wait3A_288 = tpu.memref_slice %arg10[%dma_wait3A_286, %dma_wait3A_287] : memref<8x128xi32, #tpu.memory_space<vmem>> -> memref<1x128xi32, #tpu.memory_space<vmem>>
        %dma_wait3A_289 = tpu.memref_squeeze %dma_wait3A_288 : memref<1x128xi32, #tpu.memory_space<vmem>> -> memref<128xi32, #tpu.memory_space<vmem>>
        %dma_wait3A_290 = arith.constant 0 : i32
        %dma_wait3A_291 = arith.constant 0 : i32
        %dma_wait3A_292 = tpu.memref_slice %arg14[%dma_wait3A_290, %dma_wait3A_291] : memref<10112x64xf32, #tpu.memory_space<vmem_shared>> -> memref<10112x64xf32, #tpu.memory_space<vmem_shared>>
        tpu.wait_indirect_dma semaphore(%arg16 : memref<!tpu.dma_semaphore, #tpu.memory_space<semaphore_mem>>) src(%arg13 : memref<128x64xf32, #tpu.memory_space<vmem>>) dst(%dma_wait3A_292 : memref<10112x64xf32, #tpu.memory_space<vmem_shared>>)
      }
      %scan3A_19 = arith.constant 11 : i32
    } else {
    }
    %eq3A_5 = arith.constant 1 : i32
    %eq3A_6 = arith.cmpi eq, %arg0, %eq3A_5 : i32
    %convert_element_type3A_7 = arith.extui %eq3A_6 : i1 to i32
    %cond3A_8 = arith.constant 0 : i32
    %cond3A_9 = arith.cmpi ne, %convert_element_type3A_7, %cond3A_8 : i32
    scf.if %cond3A_9 {
      %scan3A = arith.constant 0 : i32
      %scan3A_15 = arith.constant 0 : i32
      %scan3A_16 = arith.constant 9 : i32
      %scan3A_17 = arith.addi %scan3A_15, %scan3A_16 : i32
      %scan3A_18 = arith.constant 1 : i32
      scf.for %scan3A_20 = %scan3A_15 to %scan3A_17 step %scan3A_18  : i32 {
        %mul3A_21 = arith.constant 8 : i32
        %mul3A_22 = arith.muli %scan3A_20, %mul3A_21 : i32
        %multiple_of3A = tpu.assume_multiple %mul3A_22, 8 : i32
        "tpu.region"() ({
          %run_scoped3A = tpu.sem_alloc : memref<!tpu.dma_semaphore, #tpu.memory_space<semaphore_mem>>
          %dma_start3A_293 = arith.constant 0 : i32
          %dma_start3A_294 = arith.constant 0 : i32
          %dma_start3A_295 = tpu.memref_slice %arg5[%arg1, %dma_start3A_293, %dma_start3A_294] : memref<16x72x128xi32, #tpu.memory_space<hbm>> -> memref<1x72x128xi32, #tpu.memory_space<hbm>>
          %dma_start3A_296 = tpu.memref_squeeze %dma_start3A_295 : memref<1x72x128xi32, #tpu.memory_space<hbm>> -> memref<72x128xi32, #tpu.memory_space<hbm>>
          %dma_start3A_297 = arith.constant 0 : i32
          %dma_start3A_298 = tpu.memref_slice %dma_start3A_296[%multiple_of3A, %dma_start3A_297] : memref<72x128xi32, #tpu.memory_space<hbm>> -> memref<8x128xi32, #tpu.memory_space<hbm>>
          %dma_start3A_299 = arith.constant 0 : i32
          %dma_start3A_300 = arith.constant 0 : i32
          %dma_start3A_301 = tpu.memref_slice %arg5[%arg1, %dma_start3A_299, %dma_start3A_300] : memref<16x72x128xi32, #tpu.memory_space<hbm>> -> memref<1x72x128xi32, #tpu.memory_space<hbm>>
          %dma_start3A_302 = tpu.memref_squeeze %dma_start3A_301 : memref<1x72x128xi32, #tpu.memory_space<hbm>> -> memref<72x128xi32, #tpu.memory_space<hbm>>
          %dma_start3A_303 = arith.constant 0 : i32
          %dma_start3A_304 = tpu.memref_slice %dma_start3A_302[%multiple_of3A, %dma_start3A_303] : memref<72x128xi32, #tpu.memory_space<hbm>> -> memref<8x128xi32, #tpu.memory_space<hbm>>
          tpu.enqueue_dma source(%dma_start3A_304 : memref<8x128xi32, #tpu.memory_space<hbm>>) target(%arg9 : memref<8x128xi32, #tpu.memory_space<vmem>>) target_semaphore(%run_scoped3A : memref<!tpu.dma_semaphore, #tpu.memory_space<semaphore_mem>>)
          %dma_wait3A_305 = arith.constant 0 : i32
          %dma_wait3A_306 = arith.constant 0 : i32
          %dma_wait3A_307 = tpu.memref_slice %arg5[%arg1, %dma_wait3A_305, %dma_wait3A_306] : memref<16x72x128xi32, #tpu.memory_space<hbm>> -> memref<1x72x128xi32, #tpu.memory_space<hbm>>
          %dma_wait3A_308 = tpu.memref_squeeze %dma_wait3A_307 : memref<1x72x128xi32, #tpu.memory_space<hbm>> -> memref<72x128xi32, #tpu.memory_space<hbm>>
          %dma_wait3A_309 = arith.constant 0 : i32
          %dma_wait3A_310 = tpu.memref_slice %dma_wait3A_308[%multiple_of3A, %dma_wait3A_309] : memref<72x128xi32, #tpu.memory_space<hbm>> -> memref<8x128xi32, #tpu.memory_space<hbm>>
          %dma_wait3A_311 = arith.constant 0 : i32
          %dma_wait3A_312 = arith.constant 0 : i32
          %dma_wait3A_313 = tpu.memref_slice %arg5[%arg1, %dma_wait3A_311, %dma_wait3A_312] : memref<16x72x128xi32, #tpu.memory_space<hbm>> -> memref<1x72x128xi32, #tpu.memory_space<hbm>>
          %dma_wait3A_314 = tpu.memref_squeeze %dma_wait3A_313 : memref<1x72x128xi32, #tpu.memory_space<hbm>> -> memref<72x128xi32, #tpu.memory_space<hbm>>
          %dma_wait3A_315 = arith.constant 0 : i32
          %dma_wait3A_316 = tpu.memref_slice %dma_wait3A_314[%multiple_of3A, %dma_wait3A_315] : memref<72x128xi32, #tpu.memory_space<hbm>> -> memref<8x128xi32, #tpu.memory_space<hbm>>
          tpu.wait_dma2 semaphore(%run_scoped3A : memref<!tpu.dma_semaphore, #tpu.memory_space<semaphore_mem>>) src(%dma_wait3A_316 : memref<8x128xi32, #tpu.memory_space<hbm>>) dst(%arg9 : memref<8x128xi32, #tpu.memory_space<vmem>>)
          tpu.yield
        }) : () -> ()
        "tpu.region"() ({
          %run_scoped3A = tpu.sem_alloc : memref<!tpu.dma_semaphore, #tpu.memory_space<semaphore_mem>>
          %dma_start3A_293 = arith.constant 0 : i32
          %dma_start3A_294 = arith.constant 0 : i32
          %dma_start3A_295 = tpu.memref_slice %arg6[%arg1, %dma_start3A_293, %dma_start3A_294] : memref<16x72x128xi32, #tpu.memory_space<hbm>> -> memref<1x72x128xi32, #tpu.memory_space<hbm>>
          %dma_start3A_296 = tpu.memref_squeeze %dma_start3A_295 : memref<1x72x128xi32, #tpu.memory_space<hbm>> -> memref<72x128xi32, #tpu.memory_space<hbm>>
          %dma_start3A_297 = arith.constant 0 : i32
          %dma_start3A_298 = tpu.memref_slice %dma_start3A_296[%multiple_of3A, %dma_start3A_297] : memref<72x128xi32, #tpu.memory_space<hbm>> -> memref<8x128xi32, #tpu.memory_space<hbm>>
          %dma_start3A_299 = arith.constant 0 : i32
          %dma_start3A_300 = arith.constant 0 : i32
          %dma_start3A_301 = tpu.memref_slice %arg6[%arg1, %dma_start3A_299, %dma_start3A_300] : memref<16x72x128xi32, #tpu.memory_space<hbm>> -> memref<1x72x128xi32, #tpu.memory_space<hbm>>
          %dma_start3A_302 = tpu.memref_squeeze %dma_start3A_301 : memref<1x72x128xi32, #tpu.memory_space<hbm>> -> memref<72x128xi32, #tpu.memory_space<hbm>>
          %dma_start3A_303 = arith.constant 0 : i32
          %dma_start3A_304 = tpu.memref_slice %dma_start3A_302[%multiple_of3A, %dma_start3A_303] : memref<72x128xi32, #tpu.memory_space<hbm>> -> memref<8x128xi32, #tpu.memory_space<hbm>>
          tpu.enqueue_dma source(%dma_start3A_304 : memref<8x128xi32, #tpu.memory_space<hbm>>) target(%arg10 : memref<8x128xi32, #tpu.memory_space<vmem>>) target_semaphore(%run_scoped3A : memref<!tpu.dma_semaphore, #tpu.memory_space<semaphore_mem>>)
          %dma_wait3A_305 = arith.constant 0 : i32
          %dma_wait3A_306 = arith.constant 0 : i32
          %dma_wait3A_307 = tpu.memref_slice %arg6[%arg1, %dma_wait3A_305, %dma_wait3A_306] : memref<16x72x128xi32, #tpu.memory_space<hbm>> -> memref<1x72x128xi32, #tpu.memory_space<hbm>>
          %dma_wait3A_308 = tpu.memref_squeeze %dma_wait3A_307 : memref<1x72x128xi32, #tpu.memory_space<hbm>> -> memref<72x128xi32, #tpu.memory_space<hbm>>
          %dma_wait3A_309 = arith.constant 0 : i32
          %dma_wait3A_310 = tpu.memref_slice %dma_wait3A_308[%multiple_of3A, %dma_wait3A_309] : memref<72x128xi32, #tpu.memory_space<hbm>> -> memref<8x128xi32, #tpu.memory_space<hbm>>
          %dma_wait3A_311 = arith.constant 0 : i32
          %dma_wait3A_312 = arith.constant 0 : i32
          %dma_wait3A_313 = tpu.memref_slice %arg6[%arg1, %dma_wait3A_311, %dma_wait3A_312] : memref<16x72x128xi32, #tpu.memory_space<hbm>> -> memref<1x72x128xi32, #tpu.memory_space<hbm>>
          %dma_wait3A_314 = tpu.memref_squeeze %dma_wait3A_313 : memref<1x72x128xi32, #tpu.memory_space<hbm>> -> memref<72x128xi32, #tpu.memory_space<hbm>>
          %dma_wait3A_315 = arith.constant 0 : i32
          %dma_wait3A_316 = tpu.memref_slice %dma_wait3A_314[%multiple_of3A, %dma_wait3A_315] : memref<72x128xi32, #tpu.memory_space<hbm>> -> memref<8x128xi32, #tpu.memory_space<hbm>>
          tpu.wait_dma2 semaphore(%run_scoped3A : memref<!tpu.dma_semaphore, #tpu.memory_space<semaphore_mem>>) src(%dma_wait3A_316 : memref<8x128xi32, #tpu.memory_space<hbm>>) dst(%arg10 : memref<8x128xi32, #tpu.memory_space<vmem>>)
          tpu.yield
        }) : () -> ()
        %dma_start3A = arith.constant 0 : i32
        %dma_start3A_23 = arith.constant 0 : i32
        %dma_start3A_24 = tpu.memref_slice %arg9[%dma_start3A, %dma_start3A_23] : memref<8x128xi32, #tpu.memory_space<vmem>> -> memref<1x128xi32, #tpu.memory_space<vmem>>
        %dma_start3A_25 = tpu.memref_squeeze %dma_start3A_24 : memref<1x128xi32, #tpu.memory_space<vmem>> -> memref<128xi32, #tpu.memory_space<vmem>>
        %dma_start3A_26 = arith.constant 0 : i32
        %dma_start3A_27 = arith.constant 0 : i32
        %dma_start3A_28 = tpu.memref_slice %arg2[%dma_start3A_26, %dma_start3A_27] : memref<10000x32xi32, #tpu.memory_space<hbm>> -> memref<10000x32xi32, #tpu.memory_space<hbm>>
        tpu.enqueue_indirect_dma source(%dma_start3A_28 : memref<10000x32xi32, #tpu.memory_space<hbm>>) target(%arg11 : memref<128x32xi32, #tpu.memory_space<vmem>>) offsets(%dma_start3A_25 : memref<128xi32, #tpu.memory_space<vmem>>) semaphore(%arg15 : memref<!tpu.dma_semaphore, #tpu.memory_space<semaphore_mem>>)
        %dma_wait3A = arith.constant 0 : i32
        %dma_wait3A_29 = arith.constant 0 : i32
        %dma_wait3A_30 = tpu.memref_slice %arg9[%dma_wait3A, %dma_wait3A_29] : memref<8x128xi32, #tpu.memory_space<vmem>> -> memref<1x128xi32, #tpu.memory_space<vmem>>
        %dma_wait3A_31 = tpu.memref_squeeze %dma_wait3A_30 : memref<1x128xi32, #tpu.memory_space<vmem>> -> memref<128xi32, #tpu.memory_space<vmem>>
        %dma_wait3A_32 = arith.constant 0 : i32
        %dma_wait3A_33 = arith.constant 0 : i32
        %dma_wait3A_34 = tpu.memref_slice %arg2[%dma_wait3A_32, %dma_wait3A_33] : memref<10000x32xi32, #tpu.memory_space<hbm>> -> memref<10000x32xi32, #tpu.memory_space<hbm>>
        tpu.wait_indirect_dma semaphore(%arg15 : memref<!tpu.dma_semaphore, #tpu.memory_space<semaphore_mem>>) src(%dma_wait3A_34 : memref<10000x32xi32, #tpu.memory_space<hbm>>) dst(%arg11 : memref<128x32xi32, #tpu.memory_space<vmem>>)
        %dma_start3A_35 = arith.constant 1 : i32
        %dma_start3A_36 = arith.constant 0 : i32
        %dma_start3A_37 = tpu.memref_slice %arg9[%dma_start3A_35, %dma_start3A_36] : memref<8x128xi32, #tpu.memory_space<vmem>> -> memref<1x128xi32, #tpu.memory_space<vmem>>
        %dma_start3A_38 = tpu.memref_squeeze %dma_start3A_37 : memref<1x128xi32, #tpu.memory_space<vmem>> -> memref<128xi32, #tpu.memory_space<vmem>>
        %dma_start3A_39 = arith.constant 0 : i32
        %dma_start3A_40 = arith.constant 0 : i32
        %dma_start3A_41 = tpu.memref_slice %arg2[%dma_start3A_39, %dma_start3A_40] : memref<10000x32xi32, #tpu.memory_space<hbm>> -> memref<10000x32xi32, #tpu.memory_space<hbm>>
        tpu.enqueue_indirect_dma source(%dma_start3A_41 : memref<10000x32xi32, #tpu.memory_space<hbm>>) target(%arg12 : memref<128x32xi32, #tpu.memory_space<vmem>>) offsets(%dma_start3A_38 : memref<128xi32, #tpu.memory_space<vmem>>) semaphore(%arg15 : memref<!tpu.dma_semaphore, #tpu.memory_space<semaphore_mem>>)
        %scan3A_42 = arith.constant 0 : i32
        %scan3A_43 = arith.constant 0 : i32
        %scan3A_44 = arith.constant 128 : i32
        %scan3A_45 = arith.addi %scan3A_43, %scan3A_44 : i32
        %scan3A_46 = arith.constant 1 : i32
        scf.for %scan3A_293 = %scan3A_43 to %scan3A_45 step %scan3A_46  : i32 {
          %get3A = arith.index_cast %scan3A_293 : i32 to index
          %get3A_294 = arith.constant 0 : index
          %get3A_295 = tpu.vector_load %arg11[%get3A, %get3A_294] {strides = array<i32>} : memref<128x32xi32, #tpu.memory_space<vmem>>, vector<16xi32>,
          %bitcast3A = vector.bitcast %get3A_295 : vector<16xi32> to vector<32xbf16>
          %unpack3A = tpu.unpack_subelements %bitcast3A, 0 {pack_format = #tpu.pack_format<interleaved>} : vector<32xbf16> -> vector<16xf32>
          %unpack3A_296 = tpu.unpack_subelements %bitcast3A, 1 {pack_format = #tpu.pack_format<interleaved>} : vector<32xbf16> -> vector<16xf32>
          %swap3A = arith.index_cast %scan3A_293 : i32 to index
          %swap3A_297 = arith.constant 0 : index
          %swap3A_298 = tpu.vector_load %arg13[%swap3A, %swap3A_297] {strides = array<i32>} : memref<128x64xf32, #tpu.memory_space<vmem>>, vector<16xf32>,
          tpu.vector_store %arg13[%swap3A, %swap3A_297], %unpack3A {strides = array<i32>} : memref<128x64xf32, #tpu.memory_space<vmem>>, vector<16xf32>,
          %swap3A_299 = arith.index_cast %scan3A_293 : i32 to index
          %swap3A_300 = arith.constant 32 : index
          %swap3A_301 = tpu.vector_load %arg13[%swap3A_299, %swap3A_300] {strides = array<i32>} : memref<128x64xf32, #tpu.memory_space<vmem>>, vector<16xf32>,
          tpu.vector_store %arg13[%swap3A_299, %swap3A_300], %unpack3A_296 {strides = array<i32>} : memref<128x64xf32, #tpu.memory_space<vmem>>, vector<16xf32>,
          %get3A_302 = arith.index_cast %scan3A_293 : i32 to index
          %get3A_303 = arith.constant 16 : index
          %get3A_304 = tpu.vector_load %arg11[%get3A_302, %get3A_303] {strides = array<i32>} : memref<128x32xi32, #tpu.memory_space<vmem>>, vector<16xi32>,
          %bitcast3A_305 = vector.bitcast %get3A_304 : vector<16xi32> to vector<32xbf16>
          %unpack3A_306 = tpu.unpack_subelements %bitcast3A_305, 0 {pack_format = #tpu.pack_format<interleaved>} : vector<32xbf16> -> vector<16xf32>
          %unpack3A_307 = tpu.unpack_subelements %bitcast3A_305, 1 {pack_format = #tpu.pack_format<interleaved>} : vector<32xbf16> -> vector<16xf32>
          %swap3A_308 = arith.index_cast %scan3A_293 : i32 to index
          %swap3A_309 = arith.constant 16 : index
          %swap3A_310 = tpu.vector_load %arg13[%swap3A_308, %swap3A_309] {strides = array<i32>} : memref<128x64xf32, #tpu.memory_space<vmem>>, vector<16xf32>,
          tpu.vector_store %arg13[%swap3A_308, %swap3A_309], %unpack3A_306 {strides = array<i32>} : memref<128x64xf32, #tpu.memory_space<vmem>>, vector<16xf32>,
          %swap3A_311 = arith.index_cast %scan3A_293 : i32 to index
          %swap3A_312 = arith.constant 48 : index
          %swap3A_313 = tpu.vector_load %arg13[%swap3A_311, %swap3A_312] {strides = array<i32>} : memref<128x64xf32, #tpu.memory_space<vmem>>, vector<16xf32>,
          tpu.vector_store %arg13[%swap3A_311, %swap3A_312], %unpack3A_307 {strides = array<i32>} : memref<128x64xf32, #tpu.memory_space<vmem>>, vector<16xf32>,
        }
        %scan3A_47 = arith.constant 128 : i32
        %dma_start3A_48 = arith.constant 0 : i32
        %dma_start3A_49 = arith.constant 0 : i32
        %dma_start3A_50 = tpu.memref_slice %arg10[%dma_start3A_48, %dma_start3A_49] : memref<8x128xi32, #tpu.memory_space<vmem>> -> memref<1x128xi32, #tpu.memory_space<vmem>>
        %dma_start3A_51 = tpu.memref_squeeze %dma_start3A_50 : memref<1x128xi32, #tpu.memory_space<vmem>> -> memref<128xi32, #tpu.memory_space<vmem>>
        %dma_start3A_52 = arith.constant 0 : i32
        %dma_start3A_53 = arith.constant 0 : i32
        %dma_start3A_54 = tpu.memref_slice %arg14[%dma_start3A_52, %dma_start3A_53] : memref<10112x64xf32, #tpu.memory_space<vmem_shared>> -> memref<10112x64xf32, #tpu.memory_space<vmem_shared>>
        tpu.enqueue_indirect_dma source(%arg13 : memref<128x64xf32, #tpu.memory_space<vmem>>) target(%dma_start3A_54 : memref<10112x64xf32, #tpu.memory_space<vmem_shared>>) offsets(%dma_start3A_51 : memref<128xi32, #tpu.memory_space<vmem>>) semaphore(%arg16 : memref<!tpu.dma_semaphore, #tpu.memory_space<semaphore_mem>>) {add = true}
        %dma_wait3A_55 = arith.constant 1 : i32
        %dma_wait3A_56 = arith.constant 0 : i32
        %dma_wait3A_57 = tpu.memref_slice %arg9[%dma_wait3A_55, %dma_wait3A_56] : memref<8x128xi32, #tpu.memory_space<vmem>> -> memref<1x128xi32, #tpu.memory_space<vmem>>
        %dma_wait3A_58 = tpu.memref_squeeze %dma_wait3A_57 : memref<1x128xi32, #tpu.memory_space<vmem>> -> memref<128xi32, #tpu.memory_space<vmem>>
        %dma_wait3A_59 = arith.constant 0 : i32
        %dma_wait3A_60 = arith.constant 0 : i32
        %dma_wait3A_61 = tpu.memref_slice %arg2[%dma_wait3A_59, %dma_wait3A_60] : memref<10000x32xi32, #tpu.memory_space<hbm>> -> memref<10000x32xi32, #tpu.memory_space<hbm>>
        tpu.wait_indirect_dma semaphore(%arg15 : memref<!tpu.dma_semaphore, #tpu.memory_space<semaphore_mem>>) src(%dma_wait3A_61 : memref<10000x32xi32, #tpu.memory_space<hbm>>) dst(%arg12 : memref<128x32xi32, #tpu.memory_space<vmem>>)
        %dma_start3A_62 = arith.constant 2 : i32
        %dma_start3A_63 = arith.constant 0 : i32
        %dma_start3A_64 = tpu.memref_slice %arg9[%dma_start3A_62, %dma_start3A_63] : memref<8x128xi32, #tpu.memory_space<vmem>> -> memref<1x128xi32, #tpu.memory_space<vmem>>
        %dma_start3A_65 = tpu.memref_squeeze %dma_start3A_64 : memref<1x128xi32, #tpu.memory_space<vmem>> -> memref<128xi32, #tpu.memory_space<vmem>>
        %dma_start3A_66 = arith.constant 0 : i32
        %dma_start3A_67 = arith.constant 0 : i32
        %dma_start3A_68 = tpu.memref_slice %arg2[%dma_start3A_66, %dma_start3A_67] : memref<10000x32xi32, #tpu.memory_space<hbm>> -> memref<10000x32xi32, #tpu.memory_space<hbm>>
        tpu.enqueue_indirect_dma source(%dma_start3A_68 : memref<10000x32xi32, #tpu.memory_space<hbm>>) target(%arg11 : memref<128x32xi32, #tpu.memory_space<vmem>>) offsets(%dma_start3A_65 : memref<128xi32, #tpu.memory_space<vmem>>) semaphore(%arg15 : memref<!tpu.dma_semaphore, #tpu.memory_space<semaphore_mem>>)
        %dma_wait3A_69 = arith.constant 0 : i32
        %dma_wait3A_70 = arith.constant 0 : i32
        %dma_wait3A_71 = tpu.memref_slice %arg10[%dma_wait3A_69, %dma_wait3A_70] : memref<8x128xi32, #tpu.memory_space<vmem>> -> memref<1x128xi32, #tpu.memory_space<vmem>>
        %dma_wait3A_72 = tpu.memref_squeeze %dma_wait3A_71 : memref<1x128xi32, #tpu.memory_space<vmem>> -> memref<128xi32, #tpu.memory_space<vmem>>
        %dma_wait3A_73 = arith.constant 0 : i32
        %dma_wait3A_74 = arith.constant 0 : i32
        %dma_wait3A_75 = tpu.memref_slice %arg14[%dma_wait3A_73, %dma_wait3A_74] : memref<10112x64xf32, #tpu.memory_space<vmem_shared>> -> memref<10112x64xf32, #tpu.memory_space<vmem_shared>>
        tpu.wait_indirect_dma semaphore(%arg16 : memref<!tpu.dma_semaphore, #tpu.memory_space<semaphore_mem>>) src(%arg13 : memref<128x64xf32, #tpu.memory_space<vmem>>) dst(%dma_wait3A_75 : memref<10112x64xf32, #tpu.memory_space<vmem_shared>>)
        %scan3A_76 = arith.constant 0 : i32
        %scan3A_77 = arith.constant 0 : i32
        %scan3A_78 = arith.constant 128 : i32
        %scan3A_79 = arith.addi %scan3A_77, %scan3A_78 : i32
        %scan3A_80 = arith.constant 1 : i32
        scf.for %scan3A_293 = %scan3A_77 to %scan3A_79 step %scan3A_80  : i32 {
          %get3A = arith.index_cast %scan3A_293 : i32 to index
          %get3A_294 = arith.constant 0 : index
          %get3A_295 = tpu.vector_load %arg12[%get3A, %get3A_294] {strides = array<i32>} : memref<128x32xi32, #tpu.memory_space<vmem>>, vector<16xi32>,
          %bitcast3A = vector.bitcast %get3A_295 : vector<16xi32> to vector<32xbf16>
          %unpack3A = tpu.unpack_subelements %bitcast3A, 0 {pack_format = #tpu.pack_format<interleaved>} : vector<32xbf16> -> vector<16xf32>
          %unpack3A_296 = tpu.unpack_subelements %bitcast3A, 1 {pack_format = #tpu.pack_format<interleaved>} : vector<32xbf16> -> vector<16xf32>
          %swap3A = arith.index_cast %scan3A_293 : i32 to index
          %swap3A_297 = arith.constant 0 : index
          %swap3A_298 = tpu.vector_load %arg13[%swap3A, %swap3A_297] {strides = array<i32>} : memref<128x64xf32, #tpu.memory_space<vmem>>, vector<16xf32>,
          tpu.vector_store %arg13[%swap3A, %swap3A_297], %unpack3A {strides = array<i32>} : memref<128x64xf32, #tpu.memory_space<vmem>>, vector<16xf32>,
          %swap3A_299 = arith.index_cast %scan3A_293 : i32 to index
          %swap3A_300 = arith.constant 32 : index
          %swap3A_301 = tpu.vector_load %arg13[%swap3A_299, %swap3A_300] {strides = array<i32>} : memref<128x64xf32, #tpu.memory_space<vmem>>, vector<16xf32>,
          tpu.vector_store %arg13[%swap3A_299, %swap3A_300], %unpack3A_296 {strides = array<i32>} : memref<128x64xf32, #tpu.memory_space<vmem>>, vector<16xf32>,
          %get3A_302 = arith.index_cast %scan3A_293 : i32 to index
          %get3A_303 = arith.constant 16 : index
          %get3A_304 = tpu.vector_load %arg12[%get3A_302, %get3A_303] {strides = array<i32>} : memref<128x32xi32, #tpu.memory_space<vmem>>, vector<16xi32>,
          %bitcast3A_305 = vector.bitcast %get3A_304 : vector<16xi32> to vector<32xbf16>
          %unpack3A_306 = tpu.unpack_subelements %bitcast3A_305, 0 {pack_format = #tpu.pack_format<interleaved>} : vector<32xbf16> -> vector<16xf32>
          %unpack3A_307 = tpu.unpack_subelements %bitcast3A_305, 1 {pack_format = #tpu.pack_format<interleaved>} : vector<32xbf16> -> vector<16xf32>
          %swap3A_308 = arith.index_cast %scan3A_293 : i32 to index
          %swap3A_309 = arith.constant 16 : index
          %swap3A_310 = tpu.vector_load %arg13[%swap3A_308, %swap3A_309] {strides = array<i32>} : memref<128x64xf32, #tpu.memory_space<vmem>>, vector<16xf32>,
          tpu.vector_store %arg13[%swap3A_308, %swap3A_309], %unpack3A_306 {strides = array<i32>} : memref<128x64xf32, #tpu.memory_space<vmem>>, vector<16xf32>,
          %swap3A_311 = arith.index_cast %scan3A_293 : i32 to index
          %swap3A_312 = arith.constant 48 : index
          %swap3A_313 = tpu.vector_load %arg13[%swap3A_311, %swap3A_312] {strides = array<i32>} : memref<128x64xf32, #tpu.memory_space<vmem>>, vector<16xf32>,
          tpu.vector_store %arg13[%swap3A_311, %swap3A_312], %unpack3A_307 {strides = array<i32>} : memref<128x64xf32, #tpu.memory_space<vmem>>, vector<16xf32>,
        }
        %scan3A_81 = arith.constant 128 : i32
        %dma_start3A_82 = arith.constant 1 : i32
        %dma_start3A_83 = arith.constant 0 : i32
        %dma_start3A_84 = tpu.memref_slice %arg10[%dma_start3A_82, %dma_start3A_83] : memref<8x128xi32, #tpu.memory_space<vmem>> -> memref<1x128xi32, #tpu.memory_space<vmem>>
        %dma_start3A_85 = tpu.memref_squeeze %dma_start3A_84 : memref<1x128xi32, #tpu.memory_space<vmem>> -> memref<128xi32, #tpu.memory_space<vmem>>
        %dma_start3A_86 = arith.constant 0 : i32
        %dma_start3A_87 = arith.constant 0 : i32
        %dma_start3A_88 = tpu.memref_slice %arg14[%dma_start3A_86, %dma_start3A_87] : memref<10112x64xf32, #tpu.memory_space<vmem_shared>> -> memref<10112x64xf32, #tpu.memory_space<vmem_shared>>
        tpu.enqueue_indirect_dma source(%arg13 : memref<128x64xf32, #tpu.memory_space<vmem>>) target(%dma_start3A_88 : memref<10112x64xf32, #tpu.memory_space<vmem_shared>>) offsets(%dma_start3A_85 : memref<128xi32, #tpu.memory_space<vmem>>) semaphore(%arg16 : memref<!tpu.dma_semaphore, #tpu.memory_space<semaphore_mem>>) {add = true}
        %dma_wait3A_89 = arith.constant 2 : i32
        %dma_wait3A_90 = arith.constant 0 : i32
        %dma_wait3A_91 = tpu.memref_slice %arg9[%dma_wait3A_89, %dma_wait3A_90] : memref<8x128xi32, #tpu.memory_space<vmem>> -> memref<1x128xi32, #tpu.memory_space<vmem>>
        %dma_wait3A_92 = tpu.memref_squeeze %dma_wait3A_91 : memref<1x128xi32, #tpu.memory_space<vmem>> -> memref<128xi32, #tpu.memory_space<vmem>>
        %dma_wait3A_93 = arith.constant 0 : i32
        %dma_wait3A_94 = arith.constant 0 : i32
        %dma_wait3A_95 = tpu.memref_slice %arg2[%dma_wait3A_93, %dma_wait3A_94] : memref<10000x32xi32, #tpu.memory_space<hbm>> -> memref<10000x32xi32, #tpu.memory_space<hbm>>
        tpu.wait_indirect_dma semaphore(%arg15 : memref<!tpu.dma_semaphore, #tpu.memory_space<semaphore_mem>>) src(%dma_wait3A_95 : memref<10000x32xi32, #tpu.memory_space<hbm>>) dst(%arg11 : memref<128x32xi32, #tpu.memory_space<vmem>>)
        %dma_start3A_96 = arith.constant 3 : i32
        %dma_start3A_97 = arith.constant 0 : i32
        %dma_start3A_98 = tpu.memref_slice %arg9[%dma_start3A_96, %dma_start3A_97] : memref<8x128xi32, #tpu.memory_space<vmem>> -> memref<1x128xi32, #tpu.memory_space<vmem>>
        %dma_start3A_99 = tpu.memref_squeeze %dma_start3A_98 : memref<1x128xi32, #tpu.memory_space<vmem>> -> memref<128xi32, #tpu.memory_space<vmem>>
        %dma_start3A_100 = arith.constant 0 : i32
        %dma_start3A_101 = arith.constant 0 : i32
        %dma_start3A_102 = tpu.memref_slice %arg2[%dma_start3A_100, %dma_start3A_101] : memref<10000x32xi32, #tpu.memory_space<hbm>> -> memref<10000x32xi32, #tpu.memory_space<hbm>>
        tpu.enqueue_indirect_dma source(%dma_start3A_102 : memref<10000x32xi32, #tpu.memory_space<hbm>>) target(%arg12 : memref<128x32xi32, #tpu.memory_space<vmem>>) offsets(%dma_start3A_99 : memref<128xi32, #tpu.memory_space<vmem>>) semaphore(%arg15 : memref<!tpu.dma_semaphore, #tpu.memory_space<semaphore_mem>>)
        %dma_wait3A_103 = arith.constant 1 : i32
        %dma_wait3A_104 = arith.constant 0 : i32
        %dma_wait3A_105 = tpu.memref_slice %arg10[%dma_wait3A_103, %dma_wait3A_104] : memref<8x128xi32, #tpu.memory_space<vmem>> -> memref<1x128xi32, #tpu.memory_space<vmem>>
        %dma_wait3A_106 = tpu.memref_squeeze %dma_wait3A_105 : memref<1x128xi32, #tpu.memory_space<vmem>> -> memref<128xi32, #tpu.memory_space<vmem>>
        %dma_wait3A_107 = arith.constant 0 : i32
        %dma_wait3A_108 = arith.constant 0 : i32
        %dma_wait3A_109 = tpu.memref_slice %arg14[%dma_wait3A_107, %dma_wait3A_108] : memref<10112x64xf32, #tpu.memory_space<vmem_shared>> -> memref<10112x64xf32, #tpu.memory_space<vmem_shared>>
        tpu.wait_indirect_dma semaphore(%arg16 : memref<!tpu.dma_semaphore, #tpu.memory_space<semaphore_mem>>) src(%arg13 : memref<128x64xf32, #tpu.memory_space<vmem>>) dst(%dma_wait3A_109 : memref<10112x64xf32, #tpu.memory_space<vmem_shared>>)
        %scan3A_110 = arith.constant 0 : i32
        %scan3A_111 = arith.constant 0 : i32
        %scan3A_112 = arith.constant 128 : i32
        %scan3A_113 = arith.addi %scan3A_111, %scan3A_112 : i32
        %scan3A_114 = arith.constant 1 : i32
        scf.for %scan3A_293 = %scan3A_111 to %scan3A_113 step %scan3A_114  : i32 {
          %get3A = arith.index_cast %scan3A_293 : i32 to index
          %get3A_294 = arith.constant 0 : index
          %get3A_295 = tpu.vector_load %arg11[%get3A, %get3A_294] {strides = array<i32>} : memref<128x32xi32, #tpu.memory_space<vmem>>, vector<16xi32>,
          %bitcast3A = vector.bitcast %get3A_295 : vector<16xi32> to vector<32xbf16>
          %unpack3A = tpu.unpack_subelements %bitcast3A, 0 {pack_format = #tpu.pack_format<interleaved>} : vector<32xbf16> -> vector<16xf32>
          %unpack3A_296 = tpu.unpack_subelements %bitcast3A, 1 {pack_format = #tpu.pack_format<interleaved>} : vector<32xbf16> -> vector<16xf32>
          %swap3A = arith.index_cast %scan3A_293 : i32 to index
          %swap3A_297 = arith.constant 0 : index
          %swap3A_298 = tpu.vector_load %arg13[%swap3A, %swap3A_297] {strides = array<i32>} : memref<128x64xf32, #tpu.memory_space<vmem>>, vector<16xf32>,
          tpu.vector_store %arg13[%swap3A, %swap3A_297], %unpack3A {strides = array<i32>} : memref<128x64xf32, #tpu.memory_space<vmem>>, vector<16xf32>,
          %swap3A_299 = arith.index_cast %scan3A_293 : i32 to index
          %swap3A_300 = arith.constant 32 : index
          %swap3A_301 = tpu.vector_load %arg13[%swap3A_299, %swap3A_300] {strides = array<i32>} : memref<128x64xf32, #tpu.memory_space<vmem>>, vector<16xf32>,
          tpu.vector_store %arg13[%swap3A_299, %swap3A_300], %unpack3A_296 {strides = array<i32>} : memref<128x64xf32, #tpu.memory_space<vmem>>, vector<16xf32>,
          %get3A_302 = arith.index_cast %scan3A_293 : i32 to index
          %get3A_303 = arith.constant 16 : index
          %get3A_304 = tpu.vector_load %arg11[%get3A_302, %get3A_303] {strides = array<i32>} : memref<128x32xi32, #tpu.memory_space<vmem>>, vector<16xi32>,
          %bitcast3A_305 = vector.bitcast %get3A_304 : vector<16xi32> to vector<32xbf16>
          %unpack3A_306 = tpu.unpack_subelements %bitcast3A_305, 0 {pack_format = #tpu.pack_format<interleaved>} : vector<32xbf16> -> vector<16xf32>
          %unpack3A_307 = tpu.unpack_subelements %bitcast3A_305, 1 {pack_format = #tpu.pack_format<interleaved>} : vector<32xbf16> -> vector<16xf32>
          %swap3A_308 = arith.index_cast %scan3A_293 : i32 to index
          %swap3A_309 = arith.constant 16 : index
          %swap3A_310 = tpu.vector_load %arg13[%swap3A_308, %swap3A_309] {strides = array<i32>} : memref<128x64xf32, #tpu.memory_space<vmem>>, vector<16xf32>,
          tpu.vector_store %arg13[%swap3A_308, %swap3A_309], %unpack3A_306 {strides = array<i32>} : memref<128x64xf32, #tpu.memory_space<vmem>>, vector<16xf32>,
          %swap3A_311 = arith.index_cast %scan3A_293 : i32 to index
          %swap3A_312 = arith.constant 48 : index
          %swap3A_313 = tpu.vector_load %arg13[%swap3A_311, %swap3A_312] {strides = array<i32>} : memref<128x64xf32, #tpu.memory_space<vmem>>, vector<16xf32>,
          tpu.vector_store %arg13[%swap3A_311, %swap3A_312], %unpack3A_307 {strides = array<i32>} : memref<128x64xf32, #tpu.memory_space<vmem>>, vector<16xf32>,
        }
        %scan3A_115 = arith.constant 128 : i32
        %dma_start3A_116 = arith.constant 2 : i32
        %dma_start3A_117 = arith.constant 0 : i32
        %dma_start3A_118 = tpu.memref_slice %arg10[%dma_start3A_116, %dma_start3A_117] : memref<8x128xi32, #tpu.memory_space<vmem>> -> memref<1x128xi32, #tpu.memory_space<vmem>>
        %dma_start3A_119 = tpu.memref_squeeze %dma_start3A_118 : memref<1x128xi32, #tpu.memory_space<vmem>> -> memref<128xi32, #tpu.memory_space<vmem>>
        %dma_start3A_120 = arith.constant 0 : i32
        %dma_start3A_121 = arith.constant 0 : i32
        %dma_start3A_122 = tpu.memref_slice %arg14[%dma_start3A_120, %dma_start3A_121] : memref<10112x64xf32, #tpu.memory_space<vmem_shared>> -> memref<10112x64xf32, #tpu.memory_space<vmem_shared>>
        tpu.enqueue_indirect_dma source(%arg13 : memref<128x64xf32, #tpu.memory_space<vmem>>) target(%dma_start3A_122 : memref<10112x64xf32, #tpu.memory_space<vmem_shared>>) offsets(%dma_start3A_119 : memref<128xi32, #tpu.memory_space<vmem>>) semaphore(%arg16 : memref<!tpu.dma_semaphore, #tpu.memory_space<semaphore_mem>>) {add = true}
        %dma_wait3A_123 = arith.constant 3 : i32
        %dma_wait3A_124 = arith.constant 0 : i32
        %dma_wait3A_125 = tpu.memref_slice %arg9[%dma_wait3A_123, %dma_wait3A_124] : memref<8x128xi32, #tpu.memory_space<vmem>> -> memref<1x128xi32, #tpu.memory_space<vmem>>
        %dma_wait3A_126 = tpu.memref_squeeze %dma_wait3A_125 : memref<1x128xi32, #tpu.memory_space<vmem>> -> memref<128xi32, #tpu.memory_space<vmem>>
        %dma_wait3A_127 = arith.constant 0 : i32
        %dma_wait3A_128 = arith.constant 0 : i32
        %dma_wait3A_129 = tpu.memref_slice %arg2[%dma_wait3A_127, %dma_wait3A_128] : memref<10000x32xi32, #tpu.memory_space<hbm>> -> memref<10000x32xi32, #tpu.memory_space<hbm>>
        tpu.wait_indirect_dma semaphore(%arg15 : memref<!tpu.dma_semaphore, #tpu.memory_space<semaphore_mem>>) src(%dma_wait3A_129 : memref<10000x32xi32, #tpu.memory_space<hbm>>) dst(%arg12 : memref<128x32xi32, #tpu.memory_space<vmem>>)
        %dma_start3A_130 = arith.constant 4 : i32
        %dma_start3A_131 = arith.constant 0 : i32
        %dma_start3A_132 = tpu.memref_slice %arg9[%dma_start3A_130, %dma_start3A_131] : memref<8x128xi32, #tpu.memory_space<vmem>> -> memref<1x128xi32, #tpu.memory_space<vmem>>
        %dma_start3A_133 = tpu.memref_squeeze %dma_start3A_132 : memref<1x128xi32, #tpu.memory_space<vmem>> -> memref<128xi32, #tpu.memory_space<vmem>>
        %dma_start3A_134 = arith.constant 0 : i32
        %dma_start3A_135 = arith.constant 0 : i32
        %dma_start3A_136 = tpu.memref_slice %arg2[%dma_start3A_134, %dma_start3A_135] : memref<10000x32xi32, #tpu.memory_space<hbm>> -> memref<10000x32xi32, #tpu.memory_space<hbm>>
        tpu.enqueue_indirect_dma source(%dma_start3A_136 : memref<10000x32xi32, #tpu.memory_space<hbm>>) target(%arg11 : memref<128x32xi32, #tpu.memory_space<vmem>>) offsets(%dma_start3A_133 : memref<128xi32, #tpu.memory_space<vmem>>) semaphore(%arg15 : memref<!tpu.dma_semaphore, #tpu.memory_space<semaphore_mem>>)
        %dma_wait3A_137 = arith.constant 2 : i32
        %dma_wait3A_138 = arith.constant 0 : i32
        %dma_wait3A_139 = tpu.memref_slice %arg10[%dma_wait3A_137, %dma_wait3A_138] : memref<8x128xi32, #tpu.memory_space<vmem>> -> memref<1x128xi32, #tpu.memory_space<vmem>>
        %dma_wait3A_140 = tpu.memref_squeeze %dma_wait3A_139 : memref<1x128xi32, #tpu.memory_space<vmem>> -> memref<128xi32, #tpu.memory_space<vmem>>
        %dma_wait3A_141 = arith.constant 0 : i32
        %dma_wait3A_142 = arith.constant 0 : i32
        %dma_wait3A_143 = tpu.memref_slice %arg14[%dma_wait3A_141, %dma_wait3A_142] : memref<10112x64xf32, #tpu.memory_space<vmem_shared>> -> memref<10112x64xf32, #tpu.memory_space<vmem_shared>>
        tpu.wait_indirect_dma semaphore(%arg16 : memref<!tpu.dma_semaphore, #tpu.memory_space<semaphore_mem>>) src(%arg13 : memref<128x64xf32, #tpu.memory_space<vmem>>) dst(%dma_wait3A_143 : memref<10112x64xf32, #tpu.memory_space<vmem_shared>>)
        %scan3A_144 = arith.constant 0 : i32
        %scan3A_145 = arith.constant 0 : i32
        %scan3A_146 = arith.constant 128 : i32
        %scan3A_147 = arith.addi %scan3A_145, %scan3A_146 : i32
        %scan3A_148 = arith.constant 1 : i32
        scf.for %scan3A_293 = %scan3A_145 to %scan3A_147 step %scan3A_148  : i32 {
          %get3A = arith.index_cast %scan3A_293 : i32 to index
          %get3A_294 = arith.constant 0 : index
          %get3A_295 = tpu.vector_load %arg12[%get3A, %get3A_294] {strides = array<i32>} : memref<128x32xi32, #tpu.memory_space<vmem>>, vector<16xi32>,
          %bitcast3A = vector.bitcast %get3A_295 : vector<16xi32> to vector<32xbf16>
          %unpack3A = tpu.unpack_subelements %bitcast3A, 0 {pack_format = #tpu.pack_format<interleaved>} : vector<32xbf16> -> vector<16xf32>
          %unpack3A_296 = tpu.unpack_subelements %bitcast3A, 1 {pack_format = #tpu.pack_format<interleaved>} : vector<32xbf16> -> vector<16xf32>
          %swap3A = arith.index_cast %scan3A_293 : i32 to index
          %swap3A_297 = arith.constant 0 : index
          %swap3A_298 = tpu.vector_load %arg13[%swap3A, %swap3A_297] {strides = array<i32>} : memref<128x64xf32, #tpu.memory_space<vmem>>, vector<16xf32>,
          tpu.vector_store %arg13[%swap3A, %swap3A_297], %unpack3A {strides = array<i32>} : memref<128x64xf32, #tpu.memory_space<vmem>>, vector<16xf32>,
          %swap3A_299 = arith.index_cast %scan3A_293 : i32 to index
          %swap3A_300 = arith.constant 32 : index
          %swap3A_301 = tpu.vector_load %arg13[%swap3A_299, %swap3A_300] {strides = array<i32>} : memref<128x64xf32, #tpu.memory_space<vmem>>, vector<16xf32>,
          tpu.vector_store %arg13[%swap3A_299, %swap3A_300], %unpack3A_296 {strides = array<i32>} : memref<128x64xf32, #tpu.memory_space<vmem>>, vector<16xf32>,
          %get3A_302 = arith.index_cast %scan3A_293 : i32 to index
          %get3A_303 = arith.constant 16 : index
          %get3A_304 = tpu.vector_load %arg12[%get3A_302, %get3A_303] {strides = array<i32>} : memref<128x32xi32, #tpu.memory_space<vmem>>, vector<16xi32>,
          %bitcast3A_305 = vector.bitcast %get3A_304 : vector<16xi32> to vector<32xbf16>
          %unpack3A_306 = tpu.unpack_subelements %bitcast3A_305, 0 {pack_format = #tpu.pack_format<interleaved>} : vector<32xbf16> -> vector<16xf32>
          %unpack3A_307 = tpu.unpack_subelements %bitcast3A_305, 1 {pack_format = #tpu.pack_format<interleaved>} : vector<32xbf16> -> vector<16xf32>
          %swap3A_308 = arith.index_cast %scan3A_293 : i32 to index
          %swap3A_309 = arith.constant 16 : index
          %swap3A_310 = tpu.vector_load %arg13[%swap3A_308, %swap3A_309] {strides = array<i32>} : memref<128x64xf32, #tpu.memory_space<vmem>>, vector<16xf32>,
          tpu.vector_store %arg13[%swap3A_308, %swap3A_309], %unpack3A_306 {strides = array<i32>} : memref<128x64xf32, #tpu.memory_space<vmem>>, vector<16xf32>,
          %swap3A_311 = arith.index_cast %scan3A_293 : i32 to index
          %swap3A_312 = arith.constant 48 : index
          %swap3A_313 = tpu.vector_load %arg13[%swap3A_311, %swap3A_312] {strides = array<i32>} : memref<128x64xf32, #tpu.memory_space<vmem>>, vector<16xf32>,
          tpu.vector_store %arg13[%swap3A_311, %swap3A_312], %unpack3A_307 {strides = array<i32>} : memref<128x64xf32, #tpu.memory_space<vmem>>, vector<16xf32>,
        }
        %scan3A_149 = arith.constant 128 : i32
        %dma_start3A_150 = arith.constant 3 : i32
        %dma_start3A_151 = arith.constant 0 : i32
        %dma_start3A_152 = tpu.memref_slice %arg10[%dma_start3A_150, %dma_start3A_151] : memref<8x128xi32, #tpu.memory_space<vmem>> -> memref<1x128xi32, #tpu.memory_space<vmem>>
        %dma_start3A_153 = tpu.memref_squeeze %dma_start3A_152 : memref<1x128xi32, #tpu.memory_space<vmem>> -> memref<128xi32, #tpu.memory_space<vmem>>
        %dma_start3A_154 = arith.constant 0 : i32
        %dma_start3A_155 = arith.constant 0 : i32
        %dma_start3A_156 = tpu.memref_slice %arg14[%dma_start3A_154, %dma_start3A_155] : memref<10112x64xf32, #tpu.memory_space<vmem_shared>> -> memref<10112x64xf32, #tpu.memory_space<vmem_shared>>
        tpu.enqueue_indirect_dma source(%arg13 : memref<128x64xf32, #tpu.memory_space<vmem>>) target(%dma_start3A_156 : memref<10112x64xf32, #tpu.memory_space<vmem_shared>>) offsets(%dma_start3A_153 : memref<128xi32, #tpu.memory_space<vmem>>) semaphore(%arg16 : memref<!tpu.dma_semaphore, #tpu.memory_space<semaphore_mem>>) {add = true}
        %dma_wait3A_157 = arith.constant 4 : i32
        %dma_wait3A_158 = arith.constant 0 : i32
        %dma_wait3A_159 = tpu.memref_slice %arg9[%dma_wait3A_157, %dma_wait3A_158] : memref<8x128xi32, #tpu.memory_space<vmem>> -> memref<1x128xi32, #tpu.memory_space<vmem>>
        %dma_wait3A_160 = tpu.memref_squeeze %dma_wait3A_159 : memref<1x128xi32, #tpu.memory_space<vmem>> -> memref<128xi32, #tpu.memory_space<vmem>>
        %dma_wait3A_161 = arith.constant 0 : i32
        %dma_wait3A_162 = arith.constant 0 : i32
        %dma_wait3A_163 = tpu.memref_slice %arg2[%dma_wait3A_161, %dma_wait3A_162] : memref<10000x32xi32, #tpu.memory_space<hbm>> -> memref<10000x32xi32, #tpu.memory_space<hbm>>
        tpu.wait_indirect_dma semaphore(%arg15 : memref<!tpu.dma_semaphore, #tpu.memory_space<semaphore_mem>>) src(%dma_wait3A_163 : memref<10000x32xi32, #tpu.memory_space<hbm>>) dst(%arg11 : memref<128x32xi32, #tpu.memory_space<vmem>>)
        %dma_start3A_164 = arith.constant 5 : i32
        %dma_start3A_165 = arith.constant 0 : i32
        %dma_start3A_166 = tpu.memref_slice %arg9[%dma_start3A_164, %dma_start3A_165] : memref<8x128xi32, #tpu.memory_space<vmem>> -> memref<1x128xi32, #tpu.memory_space<vmem>>
        %dma_start3A_167 = tpu.memref_squeeze %dma_start3A_166 : memref<1x128xi32, #tpu.memory_space<vmem>> -> memref<128xi32, #tpu.memory_space<vmem>>
        %dma_start3A_168 = arith.constant 0 : i32
        %dma_start3A_169 = arith.constant 0 : i32
        %dma_start3A_170 = tpu.memref_slice %arg2[%dma_start3A_168, %dma_start3A_169] : memref<10000x32xi32, #tpu.memory_space<hbm>> -> memref<10000x32xi32, #tpu.memory_space<hbm>>
        tpu.enqueue_indirect_dma source(%dma_start3A_170 : memref<10000x32xi32, #tpu.memory_space<hbm>>) target(%arg12 : memref<128x32xi32, #tpu.memory_space<vmem>>) offsets(%dma_start3A_167 : memref<128xi32, #tpu.memory_space<vmem>>) semaphore(%arg15 : memref<!tpu.dma_semaphore, #tpu.memory_space<semaphore_mem>>)
        %dma_wait3A_171 = arith.constant 3 : i32
        %dma_wait3A_172 = arith.constant 0 : i32
        %dma_wait3A_173 = tpu.memref_slice %arg10[%dma_wait3A_171, %dma_wait3A_172] : memref<8x128xi32, #tpu.memory_space<vmem>> -> memref<1x128xi32, #tpu.memory_space<vmem>>
        %dma_wait3A_174 = tpu.memref_squeeze %dma_wait3A_173 : memref<1x128xi32, #tpu.memory_space<vmem>> -> memref<128xi32, #tpu.memory_space<vmem>>
        %dma_wait3A_175 = arith.constant 0 : i32
        %dma_wait3A_176 = arith.constant 0 : i32
        %dma_wait3A_177 = tpu.memref_slice %arg14[%dma_wait3A_175, %dma_wait3A_176] : memref<10112x64xf32, #tpu.memory_space<vmem_shared>> -> memref<10112x64xf32, #tpu.memory_space<vmem_shared>>
        tpu.wait_indirect_dma semaphore(%arg16 : memref<!tpu.dma_semaphore, #tpu.memory_space<semaphore_mem>>) src(%arg13 : memref<128x64xf32, #tpu.memory_space<vmem>>) dst(%dma_wait3A_177 : memref<10112x64xf32, #tpu.memory_space<vmem_shared>>)
        %scan3A_178 = arith.constant 0 : i32
        %scan3A_179 = arith.constant 0 : i32
        %scan3A_180 = arith.constant 128 : i32
        %scan3A_181 = arith.addi %scan3A_179, %scan3A_180 : i32
        %scan3A_182 = arith.constant 1 : i32
        scf.for %scan3A_293 = %scan3A_179 to %scan3A_181 step %scan3A_182  : i32 {
          %get3A = arith.index_cast %scan3A_293 : i32 to index
          %get3A_294 = arith.constant 0 : index
          %get3A_295 = tpu.vector_load %arg11[%get3A, %get3A_294] {strides = array<i32>} : memref<128x32xi32, #tpu.memory_space<vmem>>, vector<16xi32>,
          %bitcast3A = vector.bitcast %get3A_295 : vector<16xi32> to vector<32xbf16>
          %unpack3A = tpu.unpack_subelements %bitcast3A, 0 {pack_format = #tpu.pack_format<interleaved>} : vector<32xbf16> -> vector<16xf32>
          %unpack3A_296 = tpu.unpack_subelements %bitcast3A, 1 {pack_format = #tpu.pack_format<interleaved>} : vector<32xbf16> -> vector<16xf32>
          %swap3A = arith.index_cast %scan3A_293 : i32 to index
          %swap3A_297 = arith.constant 0 : index
          %swap3A_298 = tpu.vector_load %arg13[%swap3A, %swap3A_297] {strides = array<i32>} : memref<128x64xf32, #tpu.memory_space<vmem>>, vector<16xf32>,
          tpu.vector_store %arg13[%swap3A, %swap3A_297], %unpack3A {strides = array<i32>} : memref<128x64xf32, #tpu.memory_space<vmem>>, vector<16xf32>,
          %swap3A_299 = arith.index_cast %scan3A_293 : i32 to index
          %swap3A_300 = arith.constant 32 : index
          %swap3A_301 = tpu.vector_load %arg13[%swap3A_299, %swap3A_300] {strides = array<i32>} : memref<128x64xf32, #tpu.memory_space<vmem>>, vector<16xf32>,
          tpu.vector_store %arg13[%swap3A_299, %swap3A_300], %unpack3A_296 {strides = array<i32>} : memref<128x64xf32, #tpu.memory_space<vmem>>, vector<16xf32>,
          %get3A_302 = arith.index_cast %scan3A_293 : i32 to index
          %get3A_303 = arith.constant 16 : index
          %get3A_304 = tpu.vector_load %arg11[%get3A_302, %get3A_303] {strides = array<i32>} : memref<128x32xi32, #tpu.memory_space<vmem>>, vector<16xi32>,
          %bitcast3A_305 = vector.bitcast %get3A_304 : vector<16xi32> to vector<32xbf16>
          %unpack3A_306 = tpu.unpack_subelements %bitcast3A_305, 0 {pack_format = #tpu.pack_format<interleaved>} : vector<32xbf16> -> vector<16xf32>
          %unpack3A_307 = tpu.unpack_subelements %bitcast3A_305, 1 {pack_format = #tpu.pack_format<interleaved>} : vector<32xbf16> -> vector<16xf32>
          %swap3A_308 = arith.index_cast %scan3A_293 : i32 to index
          %swap3A_309 = arith.constant 16 : index
          %swap3A_310 = tpu.vector_load %arg13[%swap3A_308, %swap3A_309] {strides = array<i32>} : memref<128x64xf32, #tpu.memory_space<vmem>>, vector<16xf32>,
          tpu.vector_store %arg13[%swap3A_308, %swap3A_309], %unpack3A_306 {strides = array<i32>} : memref<128x64xf32, #tpu.memory_space<vmem>>, vector<16xf32>,
          %swap3A_311 = arith.index_cast %scan3A_293 : i32 to index
          %swap3A_312 = arith.constant 48 : index
          %swap3A_313 = tpu.vector_load %arg13[%swap3A_311, %swap3A_312] {strides = array<i32>} : memref<128x64xf32, #tpu.memory_space<vmem>>, vector<16xf32>,
          tpu.vector_store %arg13[%swap3A_311, %swap3A_312], %unpack3A_307 {strides = array<i32>} : memref<128x64xf32, #tpu.memory_space<vmem>>, vector<16xf32>,
        }
        %scan3A_183 = arith.constant 128 : i32
        %dma_start3A_184 = arith.constant 4 : i32
        %dma_start3A_185 = arith.constant 0 : i32
        %dma_start3A_186 = tpu.memref_slice %arg10[%dma_start3A_184, %dma_start3A_185] : memref<8x128xi32, #tpu.memory_space<vmem>> -> memref<1x128xi32, #tpu.memory_space<vmem>>
        %dma_start3A_187 = tpu.memref_squeeze %dma_start3A_186 : memref<1x128xi32, #tpu.memory_space<vmem>> -> memref<128xi32, #tpu.memory_space<vmem>>
        %dma_start3A_188 = arith.constant 0 : i32
        %dma_start3A_189 = arith.constant 0 : i32
        %dma_start3A_190 = tpu.memref_slice %arg14[%dma_start3A_188, %dma_start3A_189] : memref<10112x64xf32, #tpu.memory_space<vmem_shared>> -> memref<10112x64xf32, #tpu.memory_space<vmem_shared>>
        tpu.enqueue_indirect_dma source(%arg13 : memref<128x64xf32, #tpu.memory_space<vmem>>) target(%dma_start3A_190 : memref<10112x64xf32, #tpu.memory_space<vmem_shared>>) offsets(%dma_start3A_187 : memref<128xi32, #tpu.memory_space<vmem>>) semaphore(%arg16 : memref<!tpu.dma_semaphore, #tpu.memory_space<semaphore_mem>>) {add = true}
        %dma_wait3A_191 = arith.constant 5 : i32
        %dma_wait3A_192 = arith.constant 0 : i32
        %dma_wait3A_193 = tpu.memref_slice %arg9[%dma_wait3A_191, %dma_wait3A_192] : memref<8x128xi32, #tpu.memory_space<vmem>> -> memref<1x128xi32, #tpu.memory_space<vmem>>
        %dma_wait3A_194 = tpu.memref_squeeze %dma_wait3A_193 : memref<1x128xi32, #tpu.memory_space<vmem>> -> memref<128xi32, #tpu.memory_space<vmem>>
        %dma_wait3A_195 = arith.constant 0 : i32
        %dma_wait3A_196 = arith.constant 0 : i32
        %dma_wait3A_197 = tpu.memref_slice %arg2[%dma_wait3A_195, %dma_wait3A_196] : memref<10000x32xi32, #tpu.memory_space<hbm>> -> memref<10000x32xi32, #tpu.memory_space<hbm>>
        tpu.wait_indirect_dma semaphore(%arg15 : memref<!tpu.dma_semaphore, #tpu.memory_space<semaphore_mem>>) src(%dma_wait3A_197 : memref<10000x32xi32, #tpu.memory_space<hbm>>) dst(%arg12 : memref<128x32xi32, #tpu.memory_space<vmem>>)
        %dma_start3A_198 = arith.constant 6 : i32
        %dma_start3A_199 = arith.constant 0 : i32
        %dma_start3A_200 = tpu.memref_slice %arg9[%dma_start3A_198, %dma_start3A_199] : memref<8x128xi32, #tpu.memory_space<vmem>> -> memref<1x128xi32, #tpu.memory_space<vmem>>
        %dma_start3A_201 = tpu.memref_squeeze %dma_start3A_200 : memref<1x128xi32, #tpu.memory_space<vmem>> -> memref<128xi32, #tpu.memory_space<vmem>>
        %dma_start3A_202 = arith.constant 0 : i32
        %dma_start3A_203 = arith.constant 0 : i32
        %dma_start3A_204 = tpu.memref_slice %arg2[%dma_start3A_202, %dma_start3A_203] : memref<10000x32xi32, #tpu.memory_space<hbm>> -> memref<10000x32xi32, #tpu.memory_space<hbm>>
        tpu.enqueue_indirect_dma source(%dma_start3A_204 : memref<10000x32xi32, #tpu.memory_space<hbm>>) target(%arg11 : memref<128x32xi32, #tpu.memory_space<vmem>>) offsets(%dma_start3A_201 : memref<128xi32, #tpu.memory_space<vmem>>) semaphore(%arg15 : memref<!tpu.dma_semaphore, #tpu.memory_space<semaphore_mem>>)
        %dma_wait3A_205 = arith.constant 4 : i32
        %dma_wait3A_206 = arith.constant 0 : i32
        %dma_wait3A_207 = tpu.memref_slice %arg10[%dma_wait3A_205, %dma_wait3A_206] : memref<8x128xi32, #tpu.memory_space<vmem>> -> memref<1x128xi32, #tpu.memory_space<vmem>>
        %dma_wait3A_208 = tpu.memref_squeeze %dma_wait3A_207 : memref<1x128xi32, #tpu.memory_space<vmem>> -> memref<128xi32, #tpu.memory_space<vmem>>
        %dma_wait3A_209 = arith.constant 0 : i32
        %dma_wait3A_210 = arith.constant 0 : i32
        %dma_wait3A_211 = tpu.memref_slice %arg14[%dma_wait3A_209, %dma_wait3A_210] : memref<10112x64xf32, #tpu.memory_space<vmem_shared>> -> memref<10112x64xf32, #tpu.memory_space<vmem_shared>>
        tpu.wait_indirect_dma semaphore(%arg16 : memref<!tpu.dma_semaphore, #tpu.memory_space<semaphore_mem>>) src(%arg13 : memref<128x64xf32, #tpu.memory_space<vmem>>) dst(%dma_wait3A_211 : memref<10112x64xf32, #tpu.memory_space<vmem_shared>>)
        %scan3A_212 = arith.constant 0 : i32
        %scan3A_213 = arith.constant 0 : i32
        %scan3A_214 = arith.constant 128 : i32
        %scan3A_215 = arith.addi %scan3A_213, %scan3A_214 : i32
        %scan3A_216 = arith.constant 1 : i32
        scf.for %scan3A_293 = %scan3A_213 to %scan3A_215 step %scan3A_216  : i32 {
          %get3A = arith.index_cast %scan3A_293 : i32 to index
          %get3A_294 = arith.constant 0 : index
          %get3A_295 = tpu.vector_load %arg12[%get3A, %get3A_294] {strides = array<i32>} : memref<128x32xi32, #tpu.memory_space<vmem>>, vector<16xi32>,
          %bitcast3A = vector.bitcast %get3A_295 : vector<16xi32> to vector<32xbf16>
          %unpack3A = tpu.unpack_subelements %bitcast3A, 0 {pack_format = #tpu.pack_format<interleaved>} : vector<32xbf16> -> vector<16xf32>
          %unpack3A_296 = tpu.unpack_subelements %bitcast3A, 1 {pack_format = #tpu.pack_format<interleaved>} : vector<32xbf16> -> vector<16xf32>
          %swap3A = arith.index_cast %scan3A_293 : i32 to index
          %swap3A_297 = arith.constant 0 : index
          %swap3A_298 = tpu.vector_load %arg13[%swap3A, %swap3A_297] {strides = array<i32>} : memref<128x64xf32, #tpu.memory_space<vmem>>, vector<16xf32>,
          tpu.vector_store %arg13[%swap3A, %swap3A_297], %unpack3A {strides = array<i32>} : memref<128x64xf32, #tpu.memory_space<vmem>>, vector<16xf32>,
          %swap3A_299 = arith.index_cast %scan3A_293 : i32 to index
          %swap3A_300 = arith.constant 32 : index
          %swap3A_301 = tpu.vector_load %arg13[%swap3A_299, %swap3A_300] {strides = array<i32>} : memref<128x64xf32, #tpu.memory_space<vmem>>, vector<16xf32>,
          tpu.vector_store %arg13[%swap3A_299, %swap3A_300], %unpack3A_296 {strides = array<i32>} : memref<128x64xf32, #tpu.memory_space<vmem>>, vector<16xf32>,
          %get3A_302 = arith.index_cast %scan3A_293 : i32 to index
          %get3A_303 = arith.constant 16 : index
          %get3A_304 = tpu.vector_load %arg12[%get3A_302, %get3A_303] {strides = array<i32>} : memref<128x32xi32, #tpu.memory_space<vmem>>, vector<16xi32>,
          %bitcast3A_305 = vector.bitcast %get3A_304 : vector<16xi32> to vector<32xbf16>
          %unpack3A_306 = tpu.unpack_subelements %bitcast3A_305, 0 {pack_format = #tpu.pack_format<interleaved>} : vector<32xbf16> -> vector<16xf32>
          %unpack3A_307 = tpu.unpack_subelements %bitcast3A_305, 1 {pack_format = #tpu.pack_format<interleaved>} : vector<32xbf16> -> vector<16xf32>
          %swap3A_308 = arith.index_cast %scan3A_293 : i32 to index
          %swap3A_309 = arith.constant 16 : index
          %swap3A_310 = tpu.vector_load %arg13[%swap3A_308, %swap3A_309] {strides = array<i32>} : memref<128x64xf32, #tpu.memory_space<vmem>>, vector<16xf32>,
          tpu.vector_store %arg13[%swap3A_308, %swap3A_309], %unpack3A_306 {strides = array<i32>} : memref<128x64xf32, #tpu.memory_space<vmem>>, vector<16xf32>,
          %swap3A_311 = arith.index_cast %scan3A_293 : i32 to index
          %swap3A_312 = arith.constant 48 : index
          %swap3A_313 = tpu.vector_load %arg13[%swap3A_311, %swap3A_312] {strides = array<i32>} : memref<128x64xf32, #tpu.memory_space<vmem>>, vector<16xf32>,
          tpu.vector_store %arg13[%swap3A_311, %swap3A_312], %unpack3A_307 {strides = array<i32>} : memref<128x64xf32, #tpu.memory_space<vmem>>, vector<16xf32>,
        }
        %scan3A_217 = arith.constant 128 : i32
        %dma_start3A_218 = arith.constant 5 : i32
        %dma_start3A_219 = arith.constant 0 : i32
        %dma_start3A_220 = tpu.memref_slice %arg10[%dma_start3A_218, %dma_start3A_219] : memref<8x128xi32, #tpu.memory_space<vmem>> -> memref<1x128xi32, #tpu.memory_space<vmem>>
        %dma_start3A_221 = tpu.memref_squeeze %dma_start3A_220 : memref<1x128xi32, #tpu.memory_space<vmem>> -> memref<128xi32, #tpu.memory_space<vmem>>
        %dma_start3A_222 = arith.constant 0 : i32
        %dma_start3A_223 = arith.constant 0 : i32
        %dma_start3A_224 = tpu.memref_slice %arg14[%dma_start3A_222, %dma_start3A_223] : memref<10112x64xf32, #tpu.memory_space<vmem_shared>> -> memref<10112x64xf32, #tpu.memory_space<vmem_shared>>
        tpu.enqueue_indirect_dma source(%arg13 : memref<128x64xf32, #tpu.memory_space<vmem>>) target(%dma_start3A_224 : memref<10112x64xf32, #tpu.memory_space<vmem_shared>>) offsets(%dma_start3A_221 : memref<128xi32, #tpu.memory_space<vmem>>) semaphore(%arg16 : memref<!tpu.dma_semaphore, #tpu.memory_space<semaphore_mem>>) {add = true}
        %dma_wait3A_225 = arith.constant 6 : i32
        %dma_wait3A_226 = arith.constant 0 : i32
        %dma_wait3A_227 = tpu.memref_slice %arg9[%dma_wait3A_225, %dma_wait3A_226] : memref<8x128xi32, #tpu.memory_space<vmem>> -> memref<1x128xi32, #tpu.memory_space<vmem>>
        %dma_wait3A_228 = tpu.memref_squeeze %dma_wait3A_227 : memref<1x128xi32, #tpu.memory_space<vmem>> -> memref<128xi32, #tpu.memory_space<vmem>>
        %dma_wait3A_229 = arith.constant 0 : i32
        %dma_wait3A_230 = arith.constant 0 : i32
        %dma_wait3A_231 = tpu.memref_slice %arg2[%dma_wait3A_229, %dma_wait3A_230] : memref<10000x32xi32, #tpu.memory_space<hbm>> -> memref<10000x32xi32, #tpu.memory_space<hbm>>
        tpu.wait_indirect_dma semaphore(%arg15 : memref<!tpu.dma_semaphore, #tpu.memory_space<semaphore_mem>>) src(%dma_wait3A_231 : memref<10000x32xi32, #tpu.memory_space<hbm>>) dst(%arg11 : memref<128x32xi32, #tpu.memory_space<vmem>>)
        %dma_start3A_232 = arith.constant 7 : i32
        %dma_start3A_233 = arith.constant 0 : i32
        %dma_start3A_234 = tpu.memref_slice %arg9[%dma_start3A_232, %dma_start3A_233] : memref<8x128xi32, #tpu.memory_space<vmem>> -> memref<1x128xi32, #tpu.memory_space<vmem>>
        %dma_start3A_235 = tpu.memref_squeeze %dma_start3A_234 : memref<1x128xi32, #tpu.memory_space<vmem>> -> memref<128xi32, #tpu.memory_space<vmem>>
        %dma_start3A_236 = arith.constant 0 : i32
        %dma_start3A_237 = arith.constant 0 : i32
        %dma_start3A_238 = tpu.memref_slice %arg2[%dma_start3A_236, %dma_start3A_237] : memref<10000x32xi32, #tpu.memory_space<hbm>> -> memref<10000x32xi32, #tpu.memory_space<hbm>>
        tpu.enqueue_indirect_dma source(%dma_start3A_238 : memref<10000x32xi32, #tpu.memory_space<hbm>>) target(%arg12 : memref<128x32xi32, #tpu.memory_space<vmem>>) offsets(%dma_start3A_235 : memref<128xi32, #tpu.memory_space<vmem>>) semaphore(%arg15 : memref<!tpu.dma_semaphore, #tpu.memory_space<semaphore_mem>>)
        %dma_wait3A_239 = arith.constant 5 : i32
        %dma_wait3A_240 = arith.constant 0 : i32
        %dma_wait3A_241 = tpu.memref_slice %arg10[%dma_wait3A_239, %dma_wait3A_240] : memref<8x128xi32, #tpu.memory_space<vmem>> -> memref<1x128xi32, #tpu.memory_space<vmem>>
        %dma_wait3A_242 = tpu.memref_squeeze %dma_wait3A_241 : memref<1x128xi32, #tpu.memory_space<vmem>> -> memref<128xi32, #tpu.memory_space<vmem>>
        %dma_wait3A_243 = arith.constant 0 : i32
        %dma_wait3A_244 = arith.constant 0 : i32
        %dma_wait3A_245 = tpu.memref_slice %arg14[%dma_wait3A_243, %dma_wait3A_244] : memref<10112x64xf32, #tpu.memory_space<vmem_shared>> -> memref<10112x64xf32, #tpu.memory_space<vmem_shared>>
        tpu.wait_indirect_dma semaphore(%arg16 : memref<!tpu.dma_semaphore, #tpu.memory_space<semaphore_mem>>) src(%arg13 : memref<128x64xf32, #tpu.memory_space<vmem>>) dst(%dma_wait3A_245 : memref<10112x64xf32, #tpu.memory_space<vmem_shared>>)
        %scan3A_246 = arith.constant 0 : i32
        %scan3A_247 = arith.constant 0 : i32
        %scan3A_248 = arith.constant 128 : i32
        %scan3A_249 = arith.addi %scan3A_247, %scan3A_248 : i32
        %scan3A_250 = arith.constant 1 : i32
        scf.for %scan3A_293 = %scan3A_247 to %scan3A_249 step %scan3A_250  : i32 {
          %get3A = arith.index_cast %scan3A_293 : i32 to index
          %get3A_294 = arith.constant 0 : index
          %get3A_295 = tpu.vector_load %arg11[%get3A, %get3A_294] {strides = array<i32>} : memref<128x32xi32, #tpu.memory_space<vmem>>, vector<16xi32>,
          %bitcast3A = vector.bitcast %get3A_295 : vector<16xi32> to vector<32xbf16>
          %unpack3A = tpu.unpack_subelements %bitcast3A, 0 {pack_format = #tpu.pack_format<interleaved>} : vector<32xbf16> -> vector<16xf32>
          %unpack3A_296 = tpu.unpack_subelements %bitcast3A, 1 {pack_format = #tpu.pack_format<interleaved>} : vector<32xbf16> -> vector<16xf32>
          %swap3A = arith.index_cast %scan3A_293 : i32 to index
          %swap3A_297 = arith.constant 0 : index
          %swap3A_298 = tpu.vector_load %arg13[%swap3A, %swap3A_297] {strides = array<i32>} : memref<128x64xf32, #tpu.memory_space<vmem>>, vector<16xf32>,
          tpu.vector_store %arg13[%swap3A, %swap3A_297], %unpack3A {strides = array<i32>} : memref<128x64xf32, #tpu.memory_space<vmem>>, vector<16xf32>,
          %swap3A_299 = arith.index_cast %scan3A_293 : i32 to index
          %swap3A_300 = arith.constant 32 : index
          %swap3A_301 = tpu.vector_load %arg13[%swap3A_299, %swap3A_300] {strides = array<i32>} : memref<128x64xf32, #tpu.memory_space<vmem>>, vector<16xf32>,
          tpu.vector_store %arg13[%swap3A_299, %swap3A_300], %unpack3A_296 {strides = array<i32>} : memref<128x64xf32, #tpu.memory_space<vmem>>, vector<16xf32>,
          %get3A_302 = arith.index_cast %scan3A_293 : i32 to index
          %get3A_303 = arith.constant 16 : index
          %get3A_304 = tpu.vector_load %arg11[%get3A_302, %get3A_303] {strides = array<i32>} : memref<128x32xi32, #tpu.memory_space<vmem>>, vector<16xi32>,
          %bitcast3A_305 = vector.bitcast %get3A_304 : vector<16xi32> to vector<32xbf16>
          %unpack3A_306 = tpu.unpack_subelements %bitcast3A_305, 0 {pack_format = #tpu.pack_format<interleaved>} : vector<32xbf16> -> vector<16xf32>
          %unpack3A_307 = tpu.unpack_subelements %bitcast3A_305, 1 {pack_format = #tpu.pack_format<interleaved>} : vector<32xbf16> -> vector<16xf32>
          %swap3A_308 = arith.index_cast %scan3A_293 : i32 to index
          %swap3A_309 = arith.constant 16 : index
          %swap3A_310 = tpu.vector_load %arg13[%swap3A_308, %swap3A_309] {strides = array<i32>} : memref<128x64xf32, #tpu.memory_space<vmem>>, vector<16xf32>,
          tpu.vector_store %arg13[%swap3A_308, %swap3A_309], %unpack3A_306 {strides = array<i32>} : memref<128x64xf32, #tpu.memory_space<vmem>>, vector<16xf32>,
          %swap3A_311 = arith.index_cast %scan3A_293 : i32 to index
          %swap3A_312 = arith.constant 48 : index
          %swap3A_313 = tpu.vector_load %arg13[%swap3A_311, %swap3A_312] {strides = array<i32>} : memref<128x64xf32, #tpu.memory_space<vmem>>, vector<16xf32>,
          tpu.vector_store %arg13[%swap3A_311, %swap3A_312], %unpack3A_307 {strides = array<i32>} : memref<128x64xf32, #tpu.memory_space<vmem>>, vector<16xf32>,
        }
        %scan3A_251 = arith.constant 128 : i32
        %dma_start3A_252 = arith.constant 6 : i32
        %dma_start3A_253 = arith.constant 0 : i32
        %dma_start3A_254 = tpu.memref_slice %arg10[%dma_start3A_252, %dma_start3A_253] : memref<8x128xi32, #tpu.memory_space<vmem>> -> memref<1x128xi32, #tpu.memory_space<vmem>>
        %dma_start3A_255 = tpu.memref_squeeze %dma_start3A_254 : memref<1x128xi32, #tpu.memory_space<vmem>> -> memref<128xi32, #tpu.memory_space<vmem>>
        %dma_start3A_256 = arith.constant 0 : i32
        %dma_start3A_257 = arith.constant 0 : i32
        %dma_start3A_258 = tpu.memref_slice %arg14[%dma_start3A_256, %dma_start3A_257] : memref<10112x64xf32, #tpu.memory_space<vmem_shared>> -> memref<10112x64xf32, #tpu.memory_space<vmem_shared>>
        tpu.enqueue_indirect_dma source(%arg13 : memref<128x64xf32, #tpu.memory_space<vmem>>) target(%dma_start3A_258 : memref<10112x64xf32, #tpu.memory_space<vmem_shared>>) offsets(%dma_start3A_255 : memref<128xi32, #tpu.memory_space<vmem>>) semaphore(%arg16 : memref<!tpu.dma_semaphore, #tpu.memory_space<semaphore_mem>>) {add = true}
        %dma_wait3A_259 = arith.constant 7 : i32
        %dma_wait3A_260 = arith.constant 0 : i32
        %dma_wait3A_261 = tpu.memref_slice %arg9[%dma_wait3A_259, %dma_wait3A_260] : memref<8x128xi32, #tpu.memory_space<vmem>> -> memref<1x128xi32, #tpu.memory_space<vmem>>
        %dma_wait3A_262 = tpu.memref_squeeze %dma_wait3A_261 : memref<1x128xi32, #tpu.memory_space<vmem>> -> memref<128xi32, #tpu.memory_space<vmem>>
        %dma_wait3A_263 = arith.constant 0 : i32
        %dma_wait3A_264 = arith.constant 0 : i32
        %dma_wait3A_265 = tpu.memref_slice %arg2[%dma_wait3A_263, %dma_wait3A_264] : memref<10000x32xi32, #tpu.memory_space<hbm>> -> memref<10000x32xi32, #tpu.memory_space<hbm>>
        tpu.wait_indirect_dma semaphore(%arg15 : memref<!tpu.dma_semaphore, #tpu.memory_space<semaphore_mem>>) src(%dma_wait3A_265 : memref<10000x32xi32, #tpu.memory_space<hbm>>) dst(%arg12 : memref<128x32xi32, #tpu.memory_space<vmem>>)
        %dma_wait3A_266 = arith.constant 6 : i32
        %dma_wait3A_267 = arith.constant 0 : i32
        %dma_wait3A_268 = tpu.memref_slice %arg10[%dma_wait3A_266, %dma_wait3A_267] : memref<8x128xi32, #tpu.memory_space<vmem>> -> memref<1x128xi32, #tpu.memory_space<vmem>>
        %dma_wait3A_269 = tpu.memref_squeeze %dma_wait3A_268 : memref<1x128xi32, #tpu.memory_space<vmem>> -> memref<128xi32, #tpu.memory_space<vmem>>
        %dma_wait3A_270 = arith.constant 0 : i32
        %dma_wait3A_271 = arith.constant 0 : i32
        %dma_wait3A_272 = tpu.memref_slice %arg14[%dma_wait3A_270, %dma_wait3A_271] : memref<10112x64xf32, #tpu.memory_space<vmem_shared>> -> memref<10112x64xf32, #tpu.memory_space<vmem_shared>>
        tpu.wait_indirect_dma semaphore(%arg16 : memref<!tpu.dma_semaphore, #tpu.memory_space<semaphore_mem>>) src(%arg13 : memref<128x64xf32, #tpu.memory_space<vmem>>) dst(%dma_wait3A_272 : memref<10112x64xf32, #tpu.memory_space<vmem_shared>>)
        %scan3A_273 = arith.constant 0 : i32
        %scan3A_274 = arith.constant 0 : i32
        %scan3A_275 = arith.constant 128 : i32
        %scan3A_276 = arith.addi %scan3A_274, %scan3A_275 : i32
        %scan3A_277 = arith.constant 1 : i32
        scf.for %scan3A_293 = %scan3A_274 to %scan3A_276 step %scan3A_277  : i32 {
          %get3A = arith.index_cast %scan3A_293 : i32 to index
          %get3A_294 = arith.constant 0 : index
          %get3A_295 = tpu.vector_load %arg12[%get3A, %get3A_294] {strides = array<i32>} : memref<128x32xi32, #tpu.memory_space<vmem>>, vector<16xi32>,
          %bitcast3A = vector.bitcast %get3A_295 : vector<16xi32> to vector<32xbf16>
          %unpack3A = tpu.unpack_subelements %bitcast3A, 0 {pack_format = #tpu.pack_format<interleaved>} : vector<32xbf16> -> vector<16xf32>
          %unpack3A_296 = tpu.unpack_subelements %bitcast3A, 1 {pack_format = #tpu.pack_format<interleaved>} : vector<32xbf16> -> vector<16xf32>
          %swap3A = arith.index_cast %scan3A_293 : i32 to index
          %swap3A_297 = arith.constant 0 : index
          %swap3A_298 = tpu.vector_load %arg13[%swap3A, %swap3A_297] {strides = array<i32>} : memref<128x64xf32, #tpu.memory_space<vmem>>, vector<16xf32>,
          tpu.vector_store %arg13[%swap3A, %swap3A_297], %unpack3A {strides = array<i32>} : memref<128x64xf32, #tpu.memory_space<vmem>>, vector<16xf32>,
          %swap3A_299 = arith.index_cast %scan3A_293 : i32 to index
          %swap3A_300 = arith.constant 32 : index
          %swap3A_301 = tpu.vector_load %arg13[%swap3A_299, %swap3A_300] {strides = array<i32>} : memref<128x64xf32, #tpu.memory_space<vmem>>, vector<16xf32>,
          tpu.vector_store %arg13[%swap3A_299, %swap3A_300], %unpack3A_296 {strides = array<i32>} : memref<128x64xf32, #tpu.memory_space<vmem>>, vector<16xf32>,
          %get3A_302 = arith.index_cast %scan3A_293 : i32 to index
          %get3A_303 = arith.constant 16 : index
          %get3A_304 = tpu.vector_load %arg12[%get3A_302, %get3A_303] {strides = array<i32>} : memref<128x32xi32, #tpu.memory_space<vmem>>, vector<16xi32>,
          %bitcast3A_305 = vector.bitcast %get3A_304 : vector<16xi32> to vector<32xbf16>
          %unpack3A_306 = tpu.unpack_subelements %bitcast3A_305, 0 {pack_format = #tpu.pack_format<interleaved>} : vector<32xbf16> -> vector<16xf32>
          %unpack3A_307 = tpu.unpack_subelements %bitcast3A_305, 1 {pack_format = #tpu.pack_format<interleaved>} : vector<32xbf16> -> vector<16xf32>
          %swap3A_308 = arith.index_cast %scan3A_293 : i32 to index
          %swap3A_309 = arith.constant 16 : index
          %swap3A_310 = tpu.vector_load %arg13[%swap3A_308, %swap3A_309] {strides = array<i32>} : memref<128x64xf32, #tpu.memory_space<vmem>>, vector<16xf32>,
          tpu.vector_store %arg13[%swap3A_308, %swap3A_309], %unpack3A_306 {strides = array<i32>} : memref<128x64xf32, #tpu.memory_space<vmem>>, vector<16xf32>,
          %swap3A_311 = arith.index_cast %scan3A_293 : i32 to index
          %swap3A_312 = arith.constant 48 : index
          %swap3A_313 = tpu.vector_load %arg13[%swap3A_311, %swap3A_312] {strides = array<i32>} : memref<128x64xf32, #tpu.memory_space<vmem>>, vector<16xf32>,
          tpu.vector_store %arg13[%swap3A_311, %swap3A_312], %unpack3A_307 {strides = array<i32>} : memref<128x64xf32, #tpu.memory_space<vmem>>, vector<16xf32>,
        }
        %scan3A_278 = arith.constant 128 : i32
        %dma_start3A_279 = arith.constant 7 : i32
        %dma_start3A_280 = arith.constant 0 : i32
        %dma_start3A_281 = tpu.memref_slice %arg10[%dma_start3A_279, %dma_start3A_280] : memref<8x128xi32, #tpu.memory_space<vmem>> -> memref<1x128xi32, #tpu.memory_space<vmem>>
        %dma_start3A_282 = tpu.memref_squeeze %dma_start3A_281 : memref<1x128xi32, #tpu.memory_space<vmem>> -> memref<128xi32, #tpu.memory_space<vmem>>
        %dma_start3A_283 = arith.constant 0 : i32
        %dma_start3A_284 = arith.constant 0 : i32
        %dma_start3A_285 = tpu.memref_slice %arg14[%dma_start3A_283, %dma_start3A_284] : memref<10112x64xf32, #tpu.memory_space<vmem_shared>> -> memref<10112x64xf32, #tpu.memory_space<vmem_shared>>
        tpu.enqueue_indirect_dma source(%arg13 : memref<128x64xf32, #tpu.memory_space<vmem>>) target(%dma_start3A_285 : memref<10112x64xf32, #tpu.memory_space<vmem_shared>>) offsets(%dma_start3A_282 : memref<128xi32, #tpu.memory_space<vmem>>) semaphore(%arg16 : memref<!tpu.dma_semaphore, #tpu.memory_space<semaphore_mem>>) {add = true}
        %dma_wait3A_286 = arith.constant 7 : i32
        %dma_wait3A_287 = arith.constant 0 : i32
        %dma_wait3A_288 = tpu.memref_slice %arg10[%dma_wait3A_286, %dma_wait3A_287] : memref<8x128xi32, #tpu.memory_space<vmem>> -> memref<1x128xi32, #tpu.memory_space<vmem>>
        %dma_wait3A_289 = tpu.memref_squeeze %dma_wait3A_288 : memref<1x128xi32, #tpu.memory_space<vmem>> -> memref<128xi32, #tpu.memory_space<vmem>>
        %dma_wait3A_290 = arith.constant 0 : i32
        %dma_wait3A_291 = arith.constant 0 : i32
        %dma_wait3A_292 = tpu.memref_slice %arg14[%dma_wait3A_290, %dma_wait3A_291] : memref<10112x64xf32, #tpu.memory_space<vmem_shared>> -> memref<10112x64xf32, #tpu.memory_space<vmem_shared>>
        tpu.wait_indirect_dma semaphore(%arg16 : memref<!tpu.dma_semaphore, #tpu.memory_space<semaphore_mem>>) src(%arg13 : memref<128x64xf32, #tpu.memory_space<vmem>>) dst(%dma_wait3A_292 : memref<10112x64xf32, #tpu.memory_space<vmem_shared>>)
      }
      %scan3A_19 = arith.constant 9 : i32
    } else {
    }
    %barrier3A_10 = arith.constant 0 : index
    tpu.barrier barrier_id(%barrier3A_10)
    %mul3A_11 = arith.constant 632 : i32
    %mul3A_12 = arith.muli %arg1, %mul3A_11 : i32
    %mul3A_13 = arith.constant 632 : i32
    %mul3A_14 = arith.muli %arg1, %mul3A_13 : i32
    "tpu.region"() ({
      %run_scoped3A = tpu.sem_alloc : memref<!tpu.dma_semaphore, #tpu.memory_space<semaphore_mem>>
      %dma_start3A = arith.constant 0 : i32
      %dma_start3A_15 = arith.constant 0 : i32
      %dma_start3A_16 = tpu.memref_slice %arg8[%arg0, %dma_start3A, %dma_start3A_15] : memref<2x10112x64xf32, #tpu.memory_space<hbm>> -> memref<1x10112x64xf32, #tpu.memory_space<hbm>>
      %dma_start3A_17 = tpu.memref_squeeze %dma_start3A_16 : memref<1x10112x64xf32, #tpu.memory_space<hbm>> -> memref<10112x64xf32, #tpu.memory_space<hbm>>
      %dma_start3A_18 = arith.constant 0 : i32
      %dma_start3A_19 = tpu.memref_slice %dma_start3A_17[%mul3A_14, %dma_start3A_18] : memref<10112x64xf32, #tpu.memory_space<hbm>> -> memref<632x64xf32, #tpu.memory_space<hbm>>
      %dma_start3A_20 = arith.constant 0 : i32
      %dma_start3A_21 = tpu.memref_slice %arg14[%mul3A_12, %dma_start3A_20] : memref<10112x64xf32, #tpu.memory_space<vmem_shared>> -> memref<632x64xf32, #tpu.memory_space<vmem_shared>>
      tpu.enqueue_dma source(%dma_start3A_21 : memref<632x64xf32, #tpu.memory_space<vmem_shared>>) target(%dma_start3A_19 : memref<632x64xf32, #tpu.memory_space<hbm>>) target_semaphore(%run_scoped3A : memref<!tpu.dma_semaphore, #tpu.memory_space<semaphore_mem>>)
      %dma_wait3A = arith.constant 0 : i32
      %dma_wait3A_22 = arith.constant 0 : i32
      %dma_wait3A_23 = tpu.memref_slice %arg8[%arg0, %dma_wait3A, %dma_wait3A_22] : memref<2x10112x64xf32, #tpu.memory_space<hbm>> -> memref<1x10112x64xf32, #tpu.memory_space<hbm>>
      %dma_wait3A_24 = tpu.memref_squeeze %dma_wait3A_23 : memref<1x10112x64xf32, #tpu.memory_space<hbm>> -> memref<10112x64xf32, #tpu.memory_space<hbm>>
      %dma_wait3A_25 = arith.constant 0 : i32
      %dma_wait3A_26 = tpu.memref_slice %dma_wait3A_24[%mul3A_14, %dma_wait3A_25] : memref<10112x64xf32, #tpu.memory_space<hbm>> -> memref<632x64xf32, #tpu.memory_space<hbm>>
      %dma_wait3A_27 = arith.constant 0 : i32
      %dma_wait3A_28 = tpu.memref_slice %arg14[%mul3A_12, %dma_wait3A_27] : memref<10112x64xf32, #tpu.memory_space<vmem_shared>> -> memref<632x64xf32, #tpu.memory_space<vmem_shared>>
      tpu.wait_dma2 semaphore(%run_scoped3A : memref<!tpu.dma_semaphore, #tpu.memory_space<semaphore_mem>>) src(%dma_wait3A_28 : memref<632x64xf32, #tpu.memory_space<vmem_shared>>) dst(%dma_wait3A_26 : memref<632x64xf32, #tpu.memory_space<hbm>>)
      tpu.yield
    }) : () -> ()
    return
  }
}

module attributes {stable_mosaic.version = 14 : i64} {
  func.func @_prep_body(%arg0: i32, %arg1: memref<2000x128xf32, #tpu.memory_space<vmem>>, %arg2: memref<128x64xf32, #tpu.memory_space<vmem>>, %arg3: memref<128x64xf32, #tpu.memory_space<vmem>>, %arg4: memref<128x64xf32, #tpu.memory_space<vmem>>, %arg5: memref<2000x32xf32, #tpu.memory_space<vmem>>, %arg6: memref<2000x64xf32, #tpu.memory_space<vmem>>, %arg7: memref<2000x64xf32, #tpu.memory_space<vmem>>, %arg8: memref<2000x64xf32, #tpu.memory_space<vmem>>) attributes {dimension_semantics = [#tpu.dimension_semantics<arbitrary>], iteration_bounds = array<i64: 5>, scalar_prefetch = 0 : i64, scratch_operands = 0 : i64, tpu.core_type = #tpu.core_type<tc>, window_params = [{transform_indices = @transform_0, window_bounds = array<i64: 2000, 128>}, {pipeline_mode = #tpu.pipeline_mode<synchronous>, transform_indices = @transform_1, window_bounds = array<i64: 128, 64>}, {pipeline_mode = #tpu.pipeline_mode<synchronous>, transform_indices = @transform_2, window_bounds = array<i64: 128, 64>}, {pipeline_mode = #tpu.pipeline_mode<synchronous>, transform_indices = @transform_3, window_bounds = array<i64: 128, 64>}, {transform_indices = @transform_4, window_bounds = array<i64: 2000, 32>}, {transform_indices = @transform_5, window_bounds = array<i64: 2000, 64>}, {transform_indices = @transform_6, window_bounds = array<i64: 2000, 64>}, {transform_indices = @transform_7, window_bounds = array<i64: 2000, 64>}]} {
    %get3A = arith.constant 0 : index
    %get3A_0 = arith.constant 0 : index
    %get3A_1 = vector.load %arg5[%get3A, %get3A_0] : memref<2000x32xf32, #tpu.memory_space<vmem>>, vector<2000x32xf32>
    %reduce_sum3A = arith.constant dense<0.000000e+00> : vector<2000xf32>
    %reduce_sum3A_2 = vector.multi_reduction <add>, %get3A_1, %reduce_sum3A [1] : vector<2000x32xf32> to vector<2000xf32>
    %broadcast_in_dim3A = vector.shape_cast %reduce_sum3A_2 : vector<2000xf32> to vector<2000x1xf32>
    %add3A = arith.constant 1.000000e+00 : f32
    %add3A_3 = vector.broadcast %add3A : f32 to vector<2000x1xf32>
    %add3A_4 = arith.addf %broadcast_in_dim3A, %add3A_3 : vector<2000x1xf32>
    %rsqrt3A = math.rsqrt %add3A_4 : vector<2000x1xf32>
    %get3A_5 = arith.constant 0 : index
    %get3A_6 = arith.constant 0 : index
    %get3A_7 = vector.load %arg1[%get3A_5, %get3A_6] : memref<2000x128xf32, #tpu.memory_space<vmem>>, vector<2000x128xf32>
    %get3A_8 = arith.constant 0 : index
    %get3A_9 = arith.constant 0 : index
    %get3A_10 = vector.load %arg2[%get3A_8, %get3A_9] : memref<128x64xf32, #tpu.memory_space<vmem>>, vector<128x64xf32>
    %dot_general3A = arith.constant dense<0.000000e+00> : vector<2000x64xf32>
    %dot_general3A_11 = tpu.matmul %get3A_7, %get3A_10, %dot_general3A {dimension_numbers = #tpu.dot_dimension_numbers<[1], [0], [0], [1], [0, 0, 1, 1], [], []>, transpose_lhs_hint = false} : vector<2000x128xf32>, vector<128x64xf32>, vector<2000x64xf32> -> vector<2000x64xf32>
    %swap3A = arith.constant 0 : index
    %swap3A_12 = arith.constant 0 : index
    %swap3A_13 = vector.load %arg6[%swap3A, %swap3A_12] : memref<2000x64xf32, #tpu.memory_space<vmem>>, vector<2000x64xf32>
    tpu.vector_store %arg6[%swap3A, %swap3A_12], %dot_general3A_11 {strides = array<i32>} : memref<2000x64xf32, #tpu.memory_space<vmem>>, vector<2000x64xf32>,
    %get3A_14 = arith.constant 0 : index
    %get3A_15 = arith.constant 0 : index
    %get3A_16 = vector.load %arg3[%get3A_14, %get3A_15] : memref<128x64xf32, #tpu.memory_space<vmem>>, vector<128x64xf32>
    %dot_general3A_17 = arith.constant dense<0.000000e+00> : vector<2000x64xf32>
    %dot_general3A_18 = tpu.matmul %get3A_7, %get3A_16, %dot_general3A_17 {dimension_numbers = #tpu.dot_dimension_numbers<[1], [0], [0], [1], [0, 0, 1, 1], [], []>, transpose_lhs_hint = false} : vector<2000x128xf32>, vector<128x64xf32>, vector<2000x64xf32> -> vector<2000x64xf32>
    %mul3A = vector.broadcast %rsqrt3A : vector<2000x1xf32> to vector<2000x64xf32>
    %mul3A_19 = arith.mulf %dot_general3A_18, %mul3A : vector<2000x64xf32>
    %swap3A_20 = arith.constant 0 : index
    %swap3A_21 = arith.constant 0 : index
    %swap3A_22 = vector.load %arg7[%swap3A_20, %swap3A_21] : memref<2000x64xf32, #tpu.memory_space<vmem>>, vector<2000x64xf32>
    tpu.vector_store %arg7[%swap3A_20, %swap3A_21], %mul3A_19 {strides = array<i32>} : memref<2000x64xf32, #tpu.memory_space<vmem>>, vector<2000x64xf32>,
    %get3A_23 = arith.constant 0 : index
    %get3A_24 = arith.constant 0 : index
    %get3A_25 = vector.load %arg4[%get3A_23, %get3A_24] : memref<128x64xf32, #tpu.memory_space<vmem>>, vector<128x64xf32>
    %dot_general3A_26 = arith.constant dense<0.000000e+00> : vector<2000x64xf32>
    %dot_general3A_27 = tpu.matmul %get3A_7, %get3A_25, %dot_general3A_26 {dimension_numbers = #tpu.dot_dimension_numbers<[1], [0], [0], [1], [0, 0, 1, 1], [], []>, transpose_lhs_hint = false} : vector<2000x128xf32>, vector<128x64xf32>, vector<2000x64xf32> -> vector<2000x64xf32>
    %mul3A_28 = vector.broadcast %rsqrt3A : vector<2000x1xf32> to vector<2000x64xf32>
    %mul3A_29 = arith.mulf %dot_general3A_27, %mul3A_28 : vector<2000x64xf32>
    %swap3A_30 = arith.constant 0 : index
    %swap3A_31 = arith.constant 0 : index
    %swap3A_32 = vector.load %arg8[%swap3A_30, %swap3A_31] : memref<2000x64xf32, #tpu.memory_space<vmem>>, vector<2000x64xf32>
    tpu.vector_store %arg8[%swap3A_30, %swap3A_31], %mul3A_29 {strides = array<i32>} : memref<2000x64xf32, #tpu.memory_space<vmem>>, vector<2000x64xf32>,
    return
  }
  func.func @transform_0(%arg0: i32) -> (i32, i32) {
    %c0_i32 = arith.constant 0 : i32
    %c0_i32_0 = arith.constant 0 : i32
    return %arg0, %c0_i32 : i32, i32
  }
  func.func @transform_1(%arg0: i32) -> (i32, i32) {
    %c0_i32 = arith.constant 0 : i32
    %c0_i32_0 = arith.constant 0 : i32
    %c0_i32_1 = arith.constant 0 : i32
    return %c0_i32, %c0_i32_0 : i32, i32
  }
  func.func @transform_2(%arg0: i32) -> (i32, i32) {
    %c0_i32 = arith.constant 0 : i32
    %c0_i32_0 = arith.constant 0 : i32
    %c0_i32_1 = arith.constant 0 : i32
    return %c0_i32, %c0_i32_0 : i32, i32
  }
  func.func @transform_3(%arg0: i32) -> (i32, i32) {
    %c0_i32 = arith.constant 0 : i32
    %c0_i32_0 = arith.constant 0 : i32
    %c0_i32_1 = arith.constant 0 : i32
    return %c0_i32, %c0_i32_0 : i32, i32
  }
  func.func @transform_4(%arg0: i32) -> (i32, i32) {
    %c0_i32 = arith.constant 0 : i32
    %c0_i32_0 = arith.constant 0 : i32
    return %arg0, %c0_i32 : i32, i32
  }
  func.func @transform_5(%arg0: i32) -> (i32, i32) {
    %c0_i32 = arith.constant 0 : i32
    %c0_i32_0 = arith.constant 0 : i32
    return %arg0, %c0_i32 : i32, i32
  }
  func.func @transform_6(%arg0: i32) -> (i32, i32) {
    %c0_i32 = arith.constant 0 : i32
    %c0_i32_0 = arith.constant 0 : i32
    return %arg0, %c0_i32 : i32, i32
  }
  func.func @transform_7(%arg0: i32) -> (i32, i32) {
    %c0_i32 = arith.constant 0 : i32
    %c0_i32_0 = arith.constant 0 : i32
    return %arg0, %c0_i32 : i32, i32
  }
}

module attributes {stable_mosaic.version = 14 : i64} {
  func.func @_mid_body(%arg0: i32, %arg1: memref<2000x128xf32, #tpu.memory_space<vmem>>, %arg2: memref<2000x128xf32, #tpu.memory_space<vmem>>, %arg3: memref<2000x64xf32, #tpu.memory_space<vmem>>, %arg4: memref<2000x64xf32, #tpu.memory_space<vmem>>, %arg5: memref<2000x32xf32, #tpu.memory_space<vmem>>, %arg6: memref<2000x64xf32, #tpu.memory_space<vmem>>, %arg7: memref<2000x32xf32, #tpu.memory_space<vmem>>, %arg8: memref<2000x32xf32, #tpu.memory_space<vmem>>) attributes {dimension_semantics = [#tpu.dimension_semantics<arbitrary>], iteration_bounds = array<i64: 5>, scalar_prefetch = 0 : i64, scratch_operands = 0 : i64, tpu.core_type = #tpu.core_type<tc>, window_params = [{transform_indices = @transform_0, window_bounds = array<i64: 2000, 128>}, {transform_indices = @transform_1, window_bounds = array<i64: 2000, 128>}, {transform_indices = @transform_2, window_bounds = array<i64: 2000, 64>}, {transform_indices = @transform_3, window_bounds = array<i64: 2000, 64>}, {transform_indices = @transform_4, window_bounds = array<i64: 2000, 32>}, {transform_indices = @transform_5, window_bounds = array<i64: 2000, 64>}, {transform_indices = @transform_6, window_bounds = array<i64: 2000, 32>}, {transform_indices = @transform_7, window_bounds = array<i64: 2000, 32>}]} {
    %get3A = arith.constant 0 : index
    %get3A_0 = arith.constant 0 : index
    %get3A_1 = vector.load %arg5[%get3A, %get3A_0] : memref<2000x32xf32, #tpu.memory_space<vmem>>, vector<2000x32xf32>
    %reduce_sum3A = arith.constant dense<0.000000e+00> : vector<2000xf32>
    %reduce_sum3A_2 = vector.multi_reduction <add>, %get3A_1, %reduce_sum3A [1] : vector<2000x32xf32> to vector<2000xf32>
    %broadcast_in_dim3A = vector.shape_cast %reduce_sum3A_2 : vector<2000xf32> to vector<2000x1xf32>
    %add3A = arith.constant 1.000000e+00 : f32
    %add3A_3 = vector.broadcast %add3A : f32 to vector<2000x1xf32>
    %add3A_4 = arith.addf %broadcast_in_dim3A, %add3A_3 : vector<2000x1xf32>
    %rsqrt3A = math.rsqrt %add3A_4 : vector<2000x1xf32>
    %get3A_5 = arith.constant 0 : index
    %get3A_6 = arith.constant 0 : index
    %get3A_7 = vector.load %arg1[%get3A_5, %get3A_6] : memref<2000x128xf32, #tpu.memory_space<vmem>>, vector<2000x64xf32>
    %get3A_8 = arith.constant 0 : index
    %get3A_9 = arith.constant 0 : index
    %get3A_10 = vector.load %arg2[%get3A_8, %get3A_9] : memref<2000x128xf32, #tpu.memory_space<vmem>>, vector<2000x64xf32>
    %add3A_11 = arith.addf %get3A_7, %get3A_10 : vector<2000x64xf32>
    %get3A_12 = arith.constant 0 : index
    %get3A_13 = arith.constant 0 : index
    %get3A_14 = vector.load %arg3[%get3A_12, %get3A_13] : memref<2000x64xf32, #tpu.memory_space<vmem>>, vector<2000x64xf32>
    %add3A_15 = arith.addf %add3A_11, %get3A_14 : vector<2000x64xf32>
    %get3A_16 = arith.constant 0 : index
    %get3A_17 = arith.constant 64 : index
    %get3A_18 = vector.load %arg1[%get3A_16, %get3A_17] : memref<2000x128xf32, #tpu.memory_space<vmem>>, vector<2000x64xf32>
    %get3A_19 = arith.constant 0 : index
    %get3A_20 = arith.constant 64 : index
    %get3A_21 = vector.load %arg2[%get3A_19, %get3A_20] : memref<2000x128xf32, #tpu.memory_space<vmem>>, vector<2000x64xf32>
    %add3A_22 = arith.addf %get3A_18, %get3A_21 : vector<2000x64xf32>
    %get3A_23 = arith.constant 0 : index
    %get3A_24 = arith.constant 0 : index
    %get3A_25 = vector.load %arg4[%get3A_23, %get3A_24] : memref<2000x64xf32, #tpu.memory_space<vmem>>, vector<2000x64xf32>
    %add3A_26 = arith.addf %add3A_22, %get3A_25 : vector<2000x64xf32>
    %slice3A = vector.extract_strided_slice %add3A_15 {offsets = [0, 0], sizes = [2000, 16], strides = [1, 1]} : vector<2000x64xf32> to vector<2000x16xf32>
    %slice3A_27 = vector.extract_strided_slice %add3A_26 {offsets = [0, 0], sizes = [2000, 16], strides = [1, 1]} : vector<2000x64xf32> to vector<2000x16xf32>
    %slice3A_28 = vector.extract_strided_slice %add3A_15 {offsets = [0, 16], sizes = [2000, 16], strides = [1, 1]} : vector<2000x64xf32> to vector<2000x16xf32>
    %slice3A_29 = vector.extract_strided_slice %add3A_26 {offsets = [0, 16], sizes = [2000, 16], strides = [1, 1]} : vector<2000x64xf32> to vector<2000x16xf32>
    %concatenate3A = tpu.concatenate %slice3A, %slice3A_27, %slice3A_28, %slice3A_29 in 1 : vector<2000x16xf32>, vector<2000x16xf32>, vector<2000x16xf32>, vector<2000x16xf32> -> vector<2000x64xf32>
    %mul3A = vector.broadcast %rsqrt3A : vector<2000x1xf32> to vector<2000x64xf32>
    %mul3A_30 = arith.mulf %concatenate3A, %mul3A : vector<2000x64xf32>
    %swap3A = arith.constant 0 : index
    %swap3A_31 = arith.constant 0 : index
    %swap3A_32 = vector.load %arg6[%swap3A, %swap3A_31] : memref<2000x64xf32, #tpu.memory_space<vmem>>, vector<2000x64xf32>
    tpu.vector_store %arg6[%swap3A, %swap3A_31], %mul3A_30 {strides = array<i32>} : memref<2000x64xf32, #tpu.memory_space<vmem>>, vector<2000x64xf32>,
    %slice3A_33 = vector.extract_strided_slice %add3A_15 {offsets = [0, 32], sizes = [2000, 32], strides = [1, 1]} : vector<2000x64xf32> to vector<2000x32xf32>
    %div3A = vector.broadcast %add3A_4 : vector<2000x1xf32> to vector<2000x32xf32>
    %div3A_34 = arith.divf %slice3A_33, %div3A : vector<2000x32xf32>
    %swap3A_35 = arith.constant 0 : index
    %swap3A_36 = arith.constant 0 : index
    %swap3A_37 = vector.load %arg7[%swap3A_35, %swap3A_36] : memref<2000x32xf32, #tpu.memory_space<vmem>>, vector<2000x32xf32>
    tpu.vector_store %arg7[%swap3A_35, %swap3A_36], %div3A_34 {strides = array<i32>} : memref<2000x32xf32, #tpu.memory_space<vmem>>, vector<2000x32xf32>,
    %slice3A_38 = vector.extract_strided_slice %add3A_26 {offsets = [0, 32], sizes = [2000, 32], strides = [1, 1]} : vector<2000x64xf32> to vector<2000x32xf32>
    %div3A_39 = vector.broadcast %add3A_4 : vector<2000x1xf32> to vector<2000x32xf32>
    %div3A_40 = arith.divf %slice3A_38, %div3A_39 : vector<2000x32xf32>
    %swap3A_41 = arith.constant 0 : index
    %swap3A_42 = arith.constant 0 : index
    %swap3A_43 = vector.load %arg8[%swap3A_41, %swap3A_42] : memref<2000x32xf32, #tpu.memory_space<vmem>>, vector<2000x32xf32>
    tpu.vector_store %arg8[%swap3A_41, %swap3A_42], %div3A_40 {strides = array<i32>} : memref<2000x32xf32, #tpu.memory_space<vmem>>, vector<2000x32xf32>,
    return
  }
  func.func @transform_0(%arg0: i32) -> (i32, i32) {
    %c0_i32 = arith.constant 0 : i32
    %c0_i32_0 = arith.constant 0 : i32
    return %arg0, %c0_i32 : i32, i32
  }
  func.func @transform_1(%arg0: i32) -> (i32, i32) {
    %c0_i32 = arith.constant 0 : i32
    %c0_i32_0 = arith.constant 0 : i32
    return %arg0, %c0_i32 : i32, i32
  }
  func.func @transform_2(%arg0: i32) -> (i32, i32) {
    %c0_i32 = arith.constant 0 : i32
    %c0_i32_0 = arith.constant 0 : i32
    return %arg0, %c0_i32 : i32, i32
  }
  func.func @transform_3(%arg0: i32) -> (i32, i32) {
    %c0_i32 = arith.constant 0 : i32
    %c0_i32_0 = arith.constant 0 : i32
    return %arg0, %c0_i32 : i32, i32
  }
  func.func @transform_4(%arg0: i32) -> (i32, i32) {
    %c0_i32 = arith.constant 0 : i32
    %c0_i32_0 = arith.constant 0 : i32
    return %arg0, %c0_i32 : i32, i32
  }
  func.func @transform_5(%arg0: i32) -> (i32, i32) {
    %c0_i32 = arith.constant 0 : i32
    %c0_i32_0 = arith.constant 0 : i32
    return %arg0, %c0_i32 : i32, i32
  }
  func.func @transform_6(%arg0: i32) -> (i32, i32) {
    %c0_i32 = arith.constant 0 : i32
    %c0_i32_0 = arith.constant 0 : i32
    return %arg0, %c0_i32 : i32, i32
  }
  func.func @transform_7(%arg0: i32) -> (i32, i32) {
    %c0_i32 = arith.constant 0 : i32
    %c0_i32_0 = arith.constant 0 : i32
    return %arg0, %c0_i32 : i32, i32
  }
}

module attributes {stable_mosaic.version = 14 : i64} {
  func.func @_final_body(%arg0: i32, %arg1: memref<2000x64xf32, #tpu.memory_space<vmem>>, %arg2: memref<2000x64xf32, #tpu.memory_space<vmem>>, %arg3: memref<2000x32xf32, #tpu.memory_space<vmem>>, %arg4: memref<2000x32xf32, #tpu.memory_space<vmem>>, %arg5: memref<2000x64xf32, #tpu.memory_space<vmem>>, %arg6: memref<2000x64xf32, #tpu.memory_space<vmem>>, %arg7: memref<2000x32xf32, #tpu.memory_space<vmem>>, %arg8: memref<1x64xf32, #tpu.memory_space<vmem>>, %arg9: memref<1x64xf32, #tpu.memory_space<vmem>>, %arg10: memref<1x64xf32, #tpu.memory_space<vmem>>, %arg11: memref<192x128xf32, #tpu.memory_space<vmem>>, %arg12: memref<1x128xf32, #tpu.memory_space<vmem>>, %arg13: memref<2000x128xf32, #tpu.memory_space<vmem>>) attributes {dimension_semantics = [#tpu.dimension_semantics<arbitrary>], iteration_bounds = array<i64: 5>, scalar_prefetch = 0 : i64, scratch_operands = 0 : i64, tpu.core_type = #tpu.core_type<tc>, window_params = [{transform_indices = @transform_0, window_bounds = array<i64: 2000, 64>}, {transform_indices = @transform_1, window_bounds = array<i64: 2000, 64>}, {transform_indices = @transform_2, window_bounds = array<i64: 2000, 32>}, {transform_indices = @transform_3, window_bounds = array<i64: 2000, 32>}, {transform_indices = @transform_4, window_bounds = array<i64: 2000, 64>}, {transform_indices = @transform_5, window_bounds = array<i64: 2000, 64>}, {transform_indices = @transform_6, window_bounds = array<i64: 2000, 32>}, {pipeline_mode = #tpu.pipeline_mode<synchronous>, transform_indices = @transform_7, window_bounds = array<i64: 1, 64>}, {pipeline_mode = #tpu.pipeline_mode<synchronous>, transform_indices = @transform_8, window_bounds = array<i64: 1, 64>}, {pipeline_mode = #tpu.pipeline_mode<synchronous>, transform_indices = @transform_9, window_bounds = array<i64: 1, 64>}, {pipeline_mode = #tpu.pipeline_mode<synchronous>, transform_indices = @transform_10, window_bounds = array<i64: 192, 128>}, {pipeline_mode = #tpu.pipeline_mode<synchronous>, transform_indices = @transform_11, window_bounds = array<i64: 1, 128>}, {transform_indices = @transform_12, window_bounds = array<i64: 2000, 128>}]} {
    %get3A = arith.constant 0 : index
    %get3A_0 = arith.constant 0 : index
    %get3A_1 = vector.load %arg7[%get3A, %get3A_0] : memref<2000x32xf32, #tpu.memory_space<vmem>>, vector<2000x32xf32>
    %reduce_sum3A = arith.constant dense<0.000000e+00> : vector<2000xf32>
    %reduce_sum3A_2 = vector.multi_reduction <add>, %get3A_1, %reduce_sum3A [1] : vector<2000x32xf32> to vector<2000xf32>
    %broadcast_in_dim3A = vector.shape_cast %reduce_sum3A_2 : vector<2000xf32> to vector<2000x1xf32>
    %add3A = arith.constant 1.000000e+00 : f32
    %add3A_3 = vector.broadcast %add3A : f32 to vector<2000x1xf32>
    %add3A_4 = arith.addf %broadcast_in_dim3A, %add3A_3 : vector<2000x1xf32>
    %rsqrt3A = math.rsqrt %add3A_4 : vector<2000x1xf32>
    %get3A_5 = arith.constant 0 : index
    %get3A_6 = arith.constant 0 : index
    %get3A_7 = vector.load %arg1[%get3A_5, %get3A_6] : memref<2000x64xf32, #tpu.memory_space<vmem>>, vector<2000x32xf32>
    %get3A_8 = arith.constant 0 : index
    %get3A_9 = arith.constant 0 : index
    %get3A_10 = vector.load %arg2[%get3A_8, %get3A_9] : memref<2000x64xf32, #tpu.memory_space<vmem>>, vector<2000x32xf32>
    %add3A_11 = arith.addf %get3A_7, %get3A_10 : vector<2000x32xf32>
    %get3A_12 = arith.constant 0 : index
    %get3A_13 = arith.constant 0 : index
    %get3A_14 = vector.load %arg3[%get3A_12, %get3A_13] : memref<2000x32xf32, #tpu.memory_space<vmem>>, vector<2000x32xf32>
    %add3A_15 = arith.addf %add3A_11, %get3A_14 : vector<2000x32xf32>
    %get3A_16 = arith.constant 0 : index
    %get3A_17 = arith.constant 32 : index
    %get3A_18 = vector.load %arg1[%get3A_16, %get3A_17] : memref<2000x64xf32, #tpu.memory_space<vmem>>, vector<2000x32xf32>
    %get3A_19 = arith.constant 0 : index
    %get3A_20 = arith.constant 32 : index
    %get3A_21 = vector.load %arg2[%get3A_19, %get3A_20] : memref<2000x64xf32, #tpu.memory_space<vmem>>, vector<2000x32xf32>
    %add3A_22 = arith.addf %get3A_18, %get3A_21 : vector<2000x32xf32>
    %get3A_23 = arith.constant 0 : index
    %get3A_24 = arith.constant 0 : index
    %get3A_25 = vector.load %arg4[%get3A_23, %get3A_24] : memref<2000x32xf32, #tpu.memory_space<vmem>>, vector<2000x32xf32>
    %add3A_26 = arith.addf %add3A_22, %get3A_25 : vector<2000x32xf32>
    %slice3A = vector.extract_strided_slice %add3A_15 {offsets = [0, 0], sizes = [2000, 16], strides = [1, 1]} : vector<2000x32xf32> to vector<2000x16xf32>
    %slice3A_27 = vector.extract_strided_slice %add3A_26 {offsets = [0, 0], sizes = [2000, 16], strides = [1, 1]} : vector<2000x32xf32> to vector<2000x16xf32>
    %slice3A_28 = vector.extract_strided_slice %add3A_15 {offsets = [0, 16], sizes = [2000, 16], strides = [1, 1]} : vector<2000x32xf32> to vector<2000x16xf32>
    %slice3A_29 = vector.extract_strided_slice %add3A_26 {offsets = [0, 16], sizes = [2000, 16], strides = [1, 1]} : vector<2000x32xf32> to vector<2000x16xf32>
    %concatenate3A = tpu.concatenate %slice3A, %slice3A_27, %slice3A_28, %slice3A_29 in 1 : vector<2000x16xf32>, vector<2000x16xf32>, vector<2000x16xf32>, vector<2000x16xf32> -> vector<2000x64xf32>
    %mul3A = vector.broadcast %rsqrt3A : vector<2000x1xf32> to vector<2000x64xf32>
    %mul3A_30 = arith.mulf %concatenate3A, %mul3A : vector<2000x64xf32>
    %get3A_31 = arith.constant 0 : index
    %get3A_32 = arith.constant 0 : index
    %get3A_33 = vector.load %arg5[%get3A_31, %get3A_32] : memref<2000x64xf32, #tpu.memory_space<vmem>>, vector<2000x64xf32>
    %get3A_34 = arith.constant 0 : index
    %get3A_35 = arith.constant 0 : index
    %get3A_36 = vector.load %arg8[%get3A_34, %get3A_35] : memref<1x64xf32, #tpu.memory_space<vmem>>, vector<1x64xf32>
    %add3A_37 = vector.broadcast %get3A_36 : vector<1x64xf32> to vector<2000x64xf32>
    %add3A_38 = arith.addf %get3A_33, %add3A_37 : vector<2000x64xf32>
    %get3A_39 = arith.constant 0 : index
    %get3A_40 = arith.constant 0 : index
    %get3A_41 = vector.load %arg6[%get3A_39, %get3A_40] : memref<2000x64xf32, #tpu.memory_space<vmem>>, vector<2000x64xf32>
    %get3A_42 = arith.constant 0 : index
    %get3A_43 = arith.constant 0 : index
    %get3A_44 = vector.load %arg9[%get3A_42, %get3A_43] : memref<1x64xf32, #tpu.memory_space<vmem>>, vector<1x64xf32>
    %add3A_45 = vector.broadcast %get3A_44 : vector<1x64xf32> to vector<2000x64xf32>
    %add3A_46 = arith.addf %get3A_41, %add3A_45 : vector<2000x64xf32>
    %get3A_47 = arith.constant 0 : index
    %get3A_48 = arith.constant 0 : index
    %get3A_49 = vector.load %arg10[%get3A_47, %get3A_48] : memref<1x64xf32, #tpu.memory_space<vmem>>, vector<1x64xf32>
    %add3A_50 = vector.broadcast %get3A_49 : vector<1x64xf32> to vector<2000x64xf32>
    %add3A_51 = arith.addf %mul3A_30, %add3A_50 : vector<2000x64xf32>
    %concatenate3A_52 = tpu.concatenate %add3A_38, %add3A_46, %add3A_51 in 1 : vector<2000x64xf32>, vector<2000x64xf32>, vector<2000x64xf32> -> vector<2000x192xf32>
    %max3A = arith.constant 0.000000e+00 : f32
    %max3A_53 = vector.broadcast %max3A : f32 to vector<2000x192xf32>
    %max3A_54 = arith.maximumf %concatenate3A_52, %max3A_53 : vector<2000x192xf32>
    %get3A_55 = arith.constant 0 : index
    %get3A_56 = arith.constant 0 : index
    %get3A_57 = vector.load %arg11[%get3A_55, %get3A_56] : memref<192x128xf32, #tpu.memory_space<vmem>>, vector<192x128xf32>
    %dot_general3A = arith.constant dense<0.000000e+00> : vector<2000x128xf32>
    %dot_general3A_58 = tpu.matmul %max3A_54, %get3A_57, %dot_general3A {dimension_numbers = #tpu.dot_dimension_numbers<[1], [0], [0], [1], [0, 0, 1, 1], [], []>, transpose_lhs_hint = false} : vector<2000x192xf32>, vector<192x128xf32>, vector<2000x128xf32> -> vector<2000x128xf32>
    %get3A_59 = arith.constant 0 : index
    %get3A_60 = arith.constant 0 : index
    %get3A_61 = vector.load %arg12[%get3A_59, %get3A_60] : memref<1x128xf32, #tpu.memory_space<vmem>>, vector<1x128xf32>
    %add3A_62 = vector.broadcast %get3A_61 : vector<1x128xf32> to vector<2000x128xf32>
    %add3A_63 = arith.addf %dot_general3A_58, %add3A_62 : vector<2000x128xf32>
    %swap3A = arith.constant 0 : index
    %swap3A_64 = arith.constant 0 : index
    %swap3A_65 = vector.load %arg13[%swap3A, %swap3A_64] : memref<2000x128xf32, #tpu.memory_space<vmem>>, vector<2000x128xf32>
    tpu.vector_store %arg13[%swap3A, %swap3A_64], %add3A_63 {strides = array<i32>} : memref<2000x128xf32, #tpu.memory_space<vmem>>, vector<2000x128xf32>,
    return
  }
  func.func @transform_0(%arg0: i32) -> (i32, i32) {
    %c0_i32 = arith.constant 0 : i32
    %c0_i32_0 = arith.constant 0 : i32
    return %arg0, %c0_i32 : i32, i32
  }
  func.func @transform_1(%arg0: i32) -> (i32, i32) {
    %c0_i32 = arith.constant 0 : i32
    %c0_i32_0 = arith.constant 0 : i32
    return %arg0, %c0_i32 : i32, i32
  }
  func.func @transform_2(%arg0: i32) -> (i32, i32) {
    %c0_i32 = arith.constant 0 : i32
    %c0_i32_0 = arith.constant 0 : i32
    return %arg0, %c0_i32 : i32, i32
  }
  func.func @transform_3(%arg0: i32) -> (i32, i32) {
    %c0_i32 = arith.constant 0 : i32
    %c0_i32_0 = arith.constant 0 : i32
    return %arg0, %c0_i32 : i32, i32
  }
  func.func @transform_4(%arg0: i32) -> (i32, i32) {
    %c0_i32 = arith.constant 0 : i32
    %c0_i32_0 = arith.constant 0 : i32
    return %arg0, %c0_i32 : i32, i32
  }
  func.func @transform_5(%arg0: i32) -> (i32, i32) {
    %c0_i32 = arith.constant 0 : i32
    %c0_i32_0 = arith.constant 0 : i32
    return %arg0, %c0_i32 : i32, i32
  }
  func.func @transform_6(%arg0: i32) -> (i32, i32) {
    %c0_i32 = arith.constant 0 : i32
    %c0_i32_0 = arith.constant 0 : i32
    return %arg0, %c0_i32 : i32, i32
  }
  func.func @transform_7(%arg0: i32) -> (i32, i32) {
    %c0_i32 = arith.constant 0 : i32
    %c0_i32_0 = arith.constant 0 : i32
    %c0_i32_1 = arith.constant 0 : i32
    return %c0_i32, %c0_i32_0 : i32, i32
  }
  func.func @transform_8(%arg0: i32) -> (i32, i32) {
    %c0_i32 = arith.constant 0 : i32
    %c0_i32_0 = arith.constant 0 : i32
    %c0_i32_1 = arith.constant 0 : i32
    return %c0_i32, %c0_i32_0 : i32, i32
  }
  func.func @transform_9(%arg0: i32) -> (i32, i32) {
    %c0_i32 = arith.constant 0 : i32
    %c0_i32_0 = arith.constant 0 : i32
    %c0_i32_1 = arith.constant 0 : i32
    return %c0_i32, %c0_i32_0 : i32, i32
  }
  func.func @transform_10(%arg0: i32) -> (i32, i32) {
    %c0_i32 = arith.constant 0 : i32
    %c0_i32_0 = arith.constant 0 : i32
    %c0_i32_1 = arith.constant 0 : i32
    return %c0_i32, %c0_i32_0 : i32, i32
  }
  func.func @transform_11(%arg0: i32) -> (i32, i32) {
    %c0_i32 = arith.constant 0 : i32
    %c0_i32_0 = arith.constant 0 : i32
    %c0_i32_1 = arith.constant 0 : i32
    return %c0_i32, %c0_i32_0 : i32, i32
  }
  func.func @transform_12(%arg0: i32) -> (i32, i32) {
    %c0_i32 = arith.constant 0 : i32
    %c0_i32_0 = arith.constant 0 : i32
    return %arg0, %c0_i32 : i32, i32
  }
}

</mosaic_0001>

<sc_bundles>
// kernel: kernel.11.cloned.1.call-start
scs
__scs_entry_jumppad:
0x0: {  	(pc) =	sbr.rel $0x88, $3  }
0x1: {  	(tag) =	ssettag $0x0;
	lr =	simm.s32 $0x1  }
0x2: {  	[smem:$0x3F97] =	sst lr;
	_ =	strace $0xD0000000  }
0x3: {  	_ = 	snop  }
0x4: {  	_ = 	snop  }
0x5: {  	_ = 	snop  }
0x6: {  	_ = 	snop  }
0x7: {  	_ = 	snop  }
__scs_overlays_trampoline_lowered:
0x8: {  	[smem:$0x3FA6] =	sst s0  }
0x9: {  	[smem:$0x3FA7] =	sst s1  }
0xa: {  	[smem:$0x3FA8] =	sst s2  }
0xb: {  	[smem:$0x3FA9] =	sst s3  }
0xc: {  	[smem:$0x3FAA] =	sst s4  }
0xd: {  	[smem:$0x3FAB] =	sst s5  }
0xe: {  	[smem:$0x3FAC] =	sst s6  }
0xf: {  	[smem:$0x3FAD] =	sst s7  }
0x10: {  	[smem:$0x3FAE] =	sst s8  }
0x11: {  	[smem:$0x3FAF] =	sst s9;
	s0 =	simm.s32 @!p0 $0x0  }
0x12: {  	s1 =	sld [smem:$0x3F95];
	s0 =	simm.s32 @p0 $0x1  }
0x13: {  	[smem:$0x3FB0] =	sst s0;
	s0 =	simm.s32 @!p1 $0x0  }
0x14: {  	s2 =	sld [smem:$0x3F94];
	s0 =	simm.s32 @p1 $0x1  }
0x15: {  	[smem:$0x3FB1] =	sst s0;
	s0 =	simm.s32 @!p2 $0x0  }
0x16: {  	s3 =	sld [smem:$0x3FDB];
	s0 =	simm.s32 @p2 $0x1  }
0x17: {  	s4 =	simm.s32 $0x1BF5;
	[smem:$0x3FB3] =	sst s0  }
0x18: {  	s0 =	sld [smem:$0x3F96];
	_ =	swait.ge [sflag:s4], $0x0  }
0x19: {  	s7 =	sld [smem:$0x3F97]  }
0x1a: {  	s8 =	sadd.s32 $0xFFFFE003, lr  }
0x1b: {  	s9 =	sadd.s32 $0xFFFFFEF7, lr;
	s5 =	simm.s32 $0xFFFFFFFF;
	p2 =	slt.u32 s8, $0xFFFFF086  }
0x1c: {  	p1 =	slt.u32 s9, $0xF7A;
	s5 =	simm.s32 @!p2 $0x0  }
0x1d: {  	s5 =	simm.s32 @p1 $0x1;
	p0 =	seq.s32 s7, s2  }
0x1e: {  	s7 =	smul.u32 @!p0 $0xF7A, s2;
	p2 =	seq.s32 @!p0 s5, $0x0  }
0x1f: {  	s9 =	smul.u32 $0xF7A, s1;
	s8 =	simm.s32 @!p0 $0x1BF5;
	p2 =	por !p2, p0  }
0x20: {  	[sflag:s8] =	ssyncset.s32 @!p0 $0xFFFFF086;
	s6 =	sadd.s32 @!p0 s3, s7;
	s7 =	simm.s32 @!p0 $0x108  }
0x21: {  	s3 =	sadd.s32 s3, s9;
	s6 =	sadd.s32 @!p0 $0x88, s6;
	s7 =	simm.s32 @p2 $0x1082  }
0x22: {  	[simem:s7], [sflag:s8] =	dma.local @!p0 [hbm:s6], $0xF7A  }
0x23: {  	s9 =	sor.u32 $0xD0000000, s2;
	s6 =	simm.s32 $0x108;
	_ =	swait.ge @!p0 [sflag:s8], $0x0  }
0x24: {  	s3 =	sadd.s32 $0x88, s3;
	s6 =	simm.s32 @!p1 $0x1082;
	[sflag:s4] =	ssyncset.s32 $0xFFFFF086  }
0x25: {  	[simem:s6], [sflag:s4] =	dma.local [hbm:s3], $0xF7A  }
0x26: {  	[smem:$0x3F97] =	sst s1;
	(tag) =	ssettag s2;
	_ =	strace s9  }
0x27: {  	s1 =	sld [smem:$0x3FA7]  }
0x28: {  	s2 =	sld [smem:$0x3FA8]  }
0x29: {  	s4 =	sld [smem:$0x3FAA]  }
0x2a: {  	p0 =	seq.s32 s5, $0x0;
	s5 =	sld [smem:$0x3FAB]  }
0x2b: {  	s6 =	sld [smem:$0x3FAC]  }
0x2c: {  	s7 =	sld [smem:$0x3FAD]  }
0x2d: {  	s3 =	simm.s32 $0x108;
	s8 =	sld [smem:$0x3FAE]  }
0x2e: {  	s3 =	simm.s32 @!p0 $0x1082;
	s9 =	sld [smem:$0x3FAF]  }
0x2f: {  	lr =	sadd.s32 s0, s3;
	s0 =	sld [smem:$0x3FA6]  }
0x30: {  	s3 =	sld [smem:$0x3FA9]  }
0x31: {  	[smem:$0x3FB2] =	sst s10  }
0x32: {  	s10 =	sld [smem:$0x3FB0];
	_ =	sdelay $0x3  }
0x33: {  	p0 =	seq.s32 s10, $0x1;
	s10 =	sld [smem:$0x3FB2];
	_ =	sdelay $0x3  }
0x34: {  	[smem:$0x3FB2] =	sst s10  }
0x35: {  	s10 =	sld [smem:$0x3FB1];
	_ =	sdelay $0x3  }
0x36: {  	p1 =	seq.s32 s10, $0x1;
	s10 =	sld [smem:$0x3FB2];
	_ =	sdelay $0x3  }
0x37: {  	[smem:$0x3FB2] =	sst s10  }
0x38: {  	s10 =	sld [smem:$0x3FB3]  }
0x39: {  	_ = 	snop;
	(pc) =	sbr.ind lr, $3  }
0x3a: {  	_ = 	snop  }
0x3b: {  	_ = 	snop  }
0x3c: {  	p2 =	seq.s32 s10, $0x1;
	s10 =	sld [smem:$0x3FB2]  }
0x3d: {  	_ =	shalt  }
0x3e: {  	_ =	shalt  }
0x3f: {  	_ =	shalt  }
0x40: {  	_ =	shalt  }
0x41: {  	_ =	shalt  }
0x42: {  	_ =	shalt  }
0x43: {  	_ =	shalt  }
0x44: {  	_ =	shalt  }
0x45: {  	_ =	shalt  }
0x46: {  	_ =	shalt  }
0x47: {  	_ =	shalt  }
0x48: {  	_ =	shalt  }
0x49: {  	_ =	shalt  }
0x4a: {  	_ =	shalt  }
0x4b: {  	_ =	shalt  }
0x4c: {  	_ =	shalt  }
0x4d: {  	_ =	shalt  }
0x4e: {  	_ =	shalt  }
0x4f: {  	_ =	shalt  }
0x50: {  	_ =	shalt  }
0x51: {  	_ =	shalt  }
0x52: {  	_ =	shalt  }
0x53: {  	_ =	shalt  }
0x54: {  	_ =	shalt  }
0x55: {  	_ =	shalt  }
0x56: {  	_ =	shalt  }
0x57: {  	_ =	shalt  }
0x58: {  	_ =	shalt  }
0x59: {  	_ =	shalt  }
0x5a: {  	_ =	shalt  }
0x5b: {  	_ =	shalt  }
0x5c: {  	_ =	shalt  }
0x5d: {  	_ =	shalt  }
0x5e: {  	_ =	shalt  }
0x5f: {  	_ =	shalt  }
0x60: {  	_ =	shalt  }
0x61: {  	_ =	shalt  }
0x62: {  	_ =	shalt  }
0x63: {  	_ =	shalt  }
0x64: {  	_ =	shalt  }
0x65: {  	_ =	shalt  }
0x66: {  	_ =	shalt  }
0x67: {  	_ =	shalt  }
0x68: {  	_ =	shalt  }
0x69: {  	_ =	shalt  }
0x6a: {  	_ =	shalt  }
0x6b: {  	_ =	shalt  }
0x6c: {  	_ =	shalt  }
0x6d: {  	_ =	shalt  }
0x6e: {  	_ =	shalt  }
0x6f: {  	_ =	shalt  }
0x70: {  	_ =	shalt  }
0x71: {  	_ =	shalt  }
0x72: {  	_ =	shalt  }
0x73: {  	_ =	shalt  }
0x74: {  	_ =	shalt  }
0x75: {  	_ =	shalt  }
0x76: {  	_ =	shalt  }
0x77: {  	_ =	shalt  }
0x78: {  	_ =	shalt  }
0x79: {  	_ =	shalt  }
0x7a: {  	_ =	shalt  }
0x7b: {  	_ =	shalt  }
0x7c: {  	_ =	shalt  }
0x7d: {  	_ =	shalt  }
0x7e: {  	_ =	shalt  }
0x7f: {  	_ =	shalt  }
0x80: {  	_ =	shalt  }
0x81: {  	_ =	shalt  }
0x82: {  	_ =	shalt  }
0x83: {  	_ =	shalt  }
0x84: {  	_ =	shalt  }
0x85: {  	_ =	shalt  }
0x86: {  	_ =	shalt  }
0x87: {  	_ =	shalt  }
.Lfunc_end0:
.L_simem_size_0:
called_computation.1_lowered:
.L_overlay_start_0:
0x88: {  	s2 =	sld [smem:$0x3FD9]  }
0x89: {  	s3 =	sld [smem:$0x3FFE];
	_ =	sdelay $0x1  }
0x8a: {  	s1 =	srdreg.scid  }
0x8b: {  	s0 =	sand.u32 $0x1, s1  }
0x8c: {  	s17 =	sshll.u32 s0, $0xA;
	s2 =	sadd.s32 s3, s2  }
0x8d: {  	s2 =	sadd.s32 s2, s17  }
0x8e: {  	[smem:$0x3FBE] =	sst s2  }
0x8f: {  	_ = 	snop  }
0x90: {  	s2 =	sld [smem:$0x3FD0];
	(tm) =	ssettm $0x1  }
0x91: {  	s18 =	sld [smem:$0x3FFB];
	_ =	sdelay $0x3  }
0x92: {  	_ =	strace s18  }
0x93: {  	s3 =	sld [smem:$0x3FFC];
	_ =	sdelay $0x3  }
0x94: {  	_ =	strace s3  }
0x95: {  	s3 =	sld [smem:$0x3FFD];
	_ =	sdelay $0x3  }
0x96: {  	_ =	strace s3  }
0x97: {  	_ =	strace $0x8FFFFFFF  }
0x98: {  	s19 =	sld [smem:$0x3FDB];
	_ =	sdelay $0x1  }
0x99: {  	s4 =	simm.s32 $_scs_section_size  }
0x9a: {  	s5 =	simm.s32 $_size__tile_overlayer_lowered;
	s6 =	simm.s32 $_tile_overlayer_lowered  }
0x9b: {  	s22 =	simm.s32 $0x1BFF;
	s21 =	sshll.u32 s6, $0x1;
	s3 =	sadd.s32 s4, s19  }
0x9c: {  	s7 =	simm.s32 $0x0;
	s20 =	sshll.u32 s5, $0x1;
	s5 =	sadd.s32 s21, s3  }
0x9d: {  	[timem:s7], [sflag:s22] =	dma.local [hbm:s5], s20  }
0x9e: {  	_ =	swait.ge [sflag:s22], s20  }
0x9f: {  	s4 =	ssub.s32 $0x0, s20;
	[sflag:s22] =	ssyncset.done $0x0  }
0xa0: {  	[sflag:s22] =	ssyncadd.s32 s4;
	_ =	sdelay $0x1  }
0xa1: {  	s23 =	simm.s32 $0x1B8B  }
0xa2: {  	_ =	swait.ge [sflag:s23], $0x1  }
0xa3: {  	[sflag:s23] =	ssyncset.done $0x0  }
0xa4: {  	s25 =	simm.s32 $0x1B8E;
	s24 =	sld [smem:$0x3FFE];
	[sflag:s23] =	ssyncadd.s32 $0xFFFFFFFF  }
0xa5: {  	s26 =	simm.s32 $execute0_lowered;
	[smem:$0x3FD2] =	sst s25  }
0xa6: {  	s5 =	sshll.u32 s26, $0x1;
	_ =	strace $0x80000049;
	[dreg:$0x1] =	wrdreg $0xFFFFFFFF  }
0xa7: {  	s28 =	simm.s32 $_size_execute0_lowered;
	s3 =	sadd.s32 s3, s5;
	[dreg:$0x0] =	wrdreg $0x0  }
0xa8: {  	s5 =	sshll.u32 s28, $0x1;
	[dreg:$0x2] =	wrdreg s3  }
0xa9: {  	[dreg:$0x3] =	wrdreg s5  }
0xaa: {  	[dreg:$0x4] =	wrdreg $0xC0  }
0xab: {  	_ =	task [dreg:s7], $0x5FFFF  }
0xac: {  	[dreg:$0x1] =	wrdreg $0xFFFFFFFF  }
0xad: {  	[dreg:$0x0] =	wrdreg $0x60  }
0xae: {  	[dreg:$0x2] =	wrdreg s2  }
0xaf: {  	[dreg:$0x3] =	wrdreg s24  }
0xb0: {  	[dreg:$0x4] =	wrdreg $0x88000  }
0xb1: {  	[dreg:$0x5] =	wrdreg $0x9  }
0xb2: {  	_ =	task.clear_ibuf [dreg:s7], $0x6FFFF;
	_ =	strace $0x90000049  }
0xb3: {  	s29 =	simm.s32 $0x9;
	_ =	strace $0x8000004B  }
0xb4: {  	_ =	swait.ge [sflag:s29], $0x1  }
0xb5: {  	[sflag:s29] =	ssyncadd.s32 $0xFFFFFFFF  }
0xb6: {  	_ =	strace $0x9000004B  }
0xb7: {  	_ =	sfence  }
0xb8: {  	s30 =	sld [smem:$0x0];
	_ =	sdelay $0x2  }
0xb9: {  	s31 =	sshll.u32 s1, $0xD;
	s1 =	sshrl.u32 s1, $0x2  }
0xba: {  	s3 =	sand.u32 $0x4000, s31;
	s1 =	sadd.s32 s1, s30  }
0xbb: {  	s0 =	sor.u32 s3, s0;
	s1 =	sshll.u32 s1, $0x11  }
0xbc: {  	s0 =	sor.u32 s1, s0  }
0xbd: {  	s0 =	sadd.s32 $0x8F2B, s0  }
0xbe: {  	[sflag:s0] =	ssyncadd.remote.s32 $0x1  }
0xbf: {  	_ =	sfence.sel $0xFFFF  }
0xc0: {  	[dreg:$0x0] =	wrdreg $0xFFFFFFFF;
	(pc) =	sbr.abs _section_cstart, $3  }
0xc1: {  	[dreg:$0x1] =	wrdreg $0xFFFFFFFF  }
0xc2: {  	_ =	task.clear_ibuf [dreg:s7], $0x2FFFF;
	_ =	strace $0x9FFFFFFF  }
0xc3: {  	(tm) =	ssettm $0x7FFFFFFF  }
tec
execute0_lowered:
.L_overlay_start_1:
0x0: {  	(tag) =	ssettag $0x1  }
0x1: {  	s1 =	rddreg [dreg:$0x0]  }
0x2: {  	s0 =	rddreg [dreg:$0x1]  }
0x3: {  	s3 =	rddreg [dreg:$0x2];
	s24 =	simm.s32 $0x0;
	s12 =	stileid.u32  }
0x4: {  	s5 =	srdreg.scid;
	s13 =	simm.s32 $0x3;
	s14 =	simm.s32 $0x400  }
0x5: {  	s15 =	simm.s32 $0x80;
	s16 =	simm.s32 $0x800;
	s17 =	simm.s32 $0x1  }
0x6: {  	s18 =	simm.s32 $0x2800;
	s19 =	simm.s32 $0x4800;
	s20 =	simm.s32 $0x100  }
0x7: {  	s21 =	simm.s32 $0x2;
	s28 =	simm.s32 $0x580;
	s2 =	smul.u32 $0x580, s12  }
0x8: {  	s29 =	simm.s32 $0x280;
	s30 =	simm.s32 $0x600;
	s4 =	smul.u32 $0x13C00, s12  }
0x9: {  	s31 =	simm.s32 $0x300;
	[smem:$0x7FF] =	sst s24;
	s6 =	smul.u32 $0x480, s12  }
0xa: {  	s5 =	sand.u32 $0x1, s5;
	s22 =	sshll.u32 s12, $0x6;
	_ =	strace $0x8000004A  }
0xb: {  	s8 =	smul.u32 $0x27800, s5;
	s9 =	ssub.s32 $0x2, s5;
	s12 =	sor.u32 $0x1C03, s22  }
0xc: {  	p0 =	seq.s32 s5, $0x1;
	s22 =	simm.s32 $0x480;
	s5 =	simm.s32 $0x700  }
0xd: {  	s2 =	sadd.s32 s2, s0;
	s7 =	sshrl.u32 s4, $0x3;
	s6 =	sadd.s32 s6, s0  }
0xe: {  	s11 =	sshrl.u32 s9, $0x1;
	s4 =	sadd.s32 s4, s3;
	[dreg:$0x6] =	wrdreg s12  }
0xf: {  	s10 =	sadd.s32 s7, s0;
	s0 =	sadd.s32 s8, s0;
	s11 =	ssub.s32 s9, s11  }
0x10: {  	s25 =	sadd.s32 $0x1B200, s2;
	s8 =	sadd.s32 $0x15A00, s2;
	s9 =	sadd.s32 $0xCA00, s6  }
0x11: {  	s2 =	simm.s32 $0x380;
	s23 =	sadd.s32 $0xBD200, s10;
	[dreg:$0x7] =	wrdreg s25  }
.Ltmp0:
0x12: {  	s10 =	sadd.s32 $0x11200, s6;
	s0 =	sadd.s32 $0xE4A00, s0;
	(pc) =	sbr.rel .LBB2_1-.Ltmp0, $4  }
0x13: {  	s26 =	smax.u32 s11, $0x1;
	s6 =	sshrl.u32 s4, $0x3;
	[dreg:$0x5] =	wrdreg s23  }
0x14: {  	s25 =	simm.s32 $0x500;
	s11 =	simm.s32 $0x780;
	[dreg:$0x8] =	wrdreg s26  }
0x15: {  	s23 =	simm.s32 $0x180;
	s0 =	sadd.s32 s7, s0;
	[dreg:$0x9] =	wrdreg s6  }
0x16: {  	s26 =	simm.s32 $0x200;
	[dreg:$0xa] =	wrdreg s0;
	s0 =	simm.s32 $0x680  }
.LBB2_36:
0x17: {  	[bflag:$0x0] =	sbarrier.arrive $0xFFFF  }
0x18: {  	s12 =	rddreg [dreg:$0x6]  }
0x19: {  	s6 =	rddreg [dreg:$0x9]  }
0x1a: {  	s4 =	rddreg [dreg:$0xa]  }
0x1b: {  	[hbm:s4], [sflag:s12] =	dma.local [spmem:s6], $0x2780  }
0x1c: {  	_ =	swait.ge [sflag:s13], $0x2780  }
0x1d: {  	s24 =	rddreg [dreg:$0x4]  }
0x1e: {  	s7 =	rddreg [dreg:$0x8];
	s24 =	sadd.s32 $0x1, s24  }
0x1f: {  	p1 =	sne.s32 s24, s7  }
.Ltmp1:
0x20: {  	_ = 	snop;
	(pc) =	sbr.rel @!p1 .LBB2_37-.Ltmp1, $3  }
0x21: {  	_ =	sdelay $0x1  }
0x22: {  	[sflag:s13] =	ssyncset.done $0x0  }
0x23: {  	[sflag:s13] =	ssyncadd.s32 $0xFFFFD880  }
.LBB2_1:
0x24: {  	[dreg:$0x4] =	wrdreg s24  }
0x25: {  	s4 =	rddreg [dreg:$0x5]  }
0x26: {  	[spmem:s6], [sflag:s12] =	dma.local [hbm:s4], $0x2780  }
.Ltmp2:
0x27: {  	_ =	swait.ge [sflag:s13], $0x2780;
	(pc) =	sbr.rel @!p0 .LBB2_2-.Ltmp2, $4  }
0x28: {  	[sflag:s13] =	ssyncset.done $0x0  }
0x29: {  	[sflag:s13] =	ssyncadd.s32 $0xFFFFD880  }
0x2a: {  	[bflag:$0x0] =	sbarrier.arrive $0xFFFF  }
0x2b: {  	s24 =	simm.s32 $0x0;
	s6 =	simm.s32 $0x0  }
.LBB2_19:
0x2c: {  	s4 =	sshll.u32 s6, $0x7  }
0x2d: {  	s7 =	sadd.s32 s4, s9  }
0x2e: {  	[tilespmem:s24], [sflag:$0x3] =	stream.linear.gather [hbm4b:s7+s24], $0x400, $0x38;
	[tilespmem:$0x1C400] =	vst v63  }
0x2f: {  	_ =	swait.ge [sflag:s13], $0x400  }
0x30: {  	[sflag:s13] =	ssyncset.done $0x0  }
0x31: {  	s4 =	sadd.s32 s4, s10;
	[sflag:s13] =	ssyncadd.s32 $0xFFFFFC00  }
0x32: {  	[tilespmem:s14], [sflag:$0x3] =	stream.linear.gather [hbm4b:s4+s24], $0x400, $0x38;
	[tilespmem:$0x1C400] =	vst v63  }
0x33: {  	_ =	swait.ge [sflag:s13], $0x400  }
0x34: {  	[sflag:s13] =	ssyncset.done $0x0  }
0x35: {  	[sflag:s13] =	ssyncadd.s32 $0xFFFFFC00  }
0x36: {  	[tilespmem:s16], [sflag:$0x1] =	stream.indirect.gather [hbm4b:s1+s15], $0x40, s24, s15, $0xb8;
	[tilespmem:$0x1C400] =	vst v63  }
0x37: {  	_ =	swait.ge [sflag:s17], $0x2000  }
0x38: {  	[sflag:s17] =	ssyncset.done $0x0  }
0x39: {  	s7 =	simm.s32 $0x0;
	[sflag:s17] =	ssyncadd.s32 $0xFFFFE000  }
0x3a: {  	[tilespmem:s18], [sflag:$0x1] =	stream.indirect.gather [hbm4b:s1+s15], $0x40, s15, s15, $0xb8;
	[tilespmem:$0x1C400] =	vst v63  }
0x3b: {  	v0 =	vld [tilespmem:s7+$0x800];
	_ =	sdelay $0x4  }
0x3c: {  	s12 =	simm.s32 $0x4840;
	v1 =	vunpack.i.l.bf16.f32 v0  }
0x3d: {  	v0 =	vunpack.i.u.bf16.f32 v0;
	[tilespmem:s12+$0xFFFFFFC0] =	vst v1  }
0x3e: {  	[tilespmem:s12+$0x0] =	vst v0  }
0x3f: {  	v0 =	vld [tilespmem:s7+$0x810];
	_ =	sdelay $0x4  }
0x40: {  	v1 =	vunpack.i.l.bf16.f32 v0  }
0x41: {  	v0 =	vunpack.i.u.bf16.f32 v0;
	[tilespmem:s12+$0xFFFFFFD0] =	vst v1  }
0x42: {  	[tilespmem:s12+$0x10] =	vst v0  }
0x43: {  	v0 =	vld [tilespmem:s7+$0x820];
	_ =	sdelay $0x4  }
0x44: {  	v1 =	vunpack.i.u.bf16.f32 v0  }
0x45: {  	v0 =	vunpack.i.l.bf16.f32 v0;
	[tilespmem:s12+$0x20] =	vst v1  }
0x46: {  	[tilespmem:s12+$0xFFFFFFE0] =	vst v0  }
0x47: {  	v0 =	vld [tilespmem:s7+$0x830];
	_ =	sdelay $0x4  }
0x48: {  	v1 =	vunpack.i.l.bf16.f32 v0  }
0x49: {  	v0 =	vunpack.i.u.bf16.f32 v0;
	[tilespmem:s12+$0xFFFFFFF0] =	vst v1  }
0x4a: {  	s4 =	simm.s32 $0x40;
	[tilespmem:s12+$0x30] =	vst v0  }
0x4b: {  	v0 =	vld [tilespmem:s4+$0x800]  }
0x4c: {  	s7 =	simm.s32 $0x200  }
.LBB2_20:
0x4d: {  	p1 =	sne.s32 s7, $0x7F00;
	_ =	sdelay $0x2  }
0x4e: {  	s12 =	sadd.s32 $0x80, s12;
	v1 =	vunpack.i.l.bf16.f32 v0  }
0x4f: {  	v0 =	vunpack.i.u.bf16.f32 v0;
	[tilespmem:s12+$0xFFFFFFC0] =	vst v1  }
0x50: {  	[tilespmem:s12+$0x0] =	vst v0  }
0x51: {  	v0 =	vld [tilespmem:s4+$0x810];
	_ =	sdelay $0x4  }
0x52: {  	v1 =	vunpack.i.l.bf16.f32 v0  }
0x53: {  	v0 =	vunpack.i.u.bf16.f32 v0;
	[tilespmem:s12+$0xFFFFFFD0] =	vst v1  }
0x54: {  	[tilespmem:s12+$0x10] =	vst v0  }
0x55: {  	v0 =	vld [tilespmem:s4+$0x820];
	_ =	sdelay $0x4  }
0x56: {  	v1 =	vunpack.i.u.bf16.f32 v0;
	v0 =	vunpack.i.l.bf16.f32 v0  }
0x57: {  	[tilespmem:s12+$0x20] =	vst v1  }
0x58: {  	[tilespmem:s12+$0xFFFFFFE0] =	vst v0  }
0x59: {  	v0 =	vld [tilespmem:s4+$0x830];
	_ =	sdelay $0x4  }
.Ltmp3:
0x5a: {  	v1 =	vunpack.i.u.bf16.f32 v0;
	v0 =	vunpack.i.l.bf16.f32 v0;
	(pc) =	sbr.rel @p1 .LBB2_20-.Ltmp3, $4  }
0x5b: {  	[tilespmem:s12+$0xFFFFFFF0] =	vst v0  }
0x5c: {  	s4 =	sshra.s32 s7, $0x2;
	[tilespmem:s12+$0x30] =	vst v1  }
0x5d: {  	v0 =	vld [tilespmem:s4+$0x800]  }
0x5e: {  	s7 =	sadd.s32 $0x100, s7  }
0x5f: {  	_ =	sdelay $0x2  }
0x60: {  	s7 =	sadd.s32 $0x80, s12;
	v1 =	vunpack.i.l.bf16.f32 v0  }
0x61: {  	v0 =	vunpack.i.u.bf16.f32 v0;
	[tilespmem:s7+$0xFFFFFFC0] =	vst v1  }
0x62: {  	[tilespmem:s7+$0x0] =	vst v0  }
0x63: {  	v0 =	vld [tilespmem:s4+$0x810];
	_ =	sdelay $0x4  }
0x64: {  	v1 =	vunpack.i.l.bf16.f32 v0  }
0x65: {  	v0 =	vunpack.i.u.bf16.f32 v0;
	[tilespmem:s7+$0xFFFFFFD0] =	vst v1  }
0x66: {  	[tilespmem:s7+$0x10] =	vst v0  }
0x67: {  	v0 =	vld [tilespmem:s4+$0x820];
	_ =	sdelay $0x4  }
0x68: {  	v1 =	vunpack.i.u.bf16.f32 v0  }
0x69: {  	v0 =	vunpack.i.l.bf16.f32 v0;
	[tilespmem:s7+$0x20] =	vst v1  }
0x6a: {  	[tilespmem:s7+$0xFFFFFFE0] =	vst v0  }
0x6b: {  	v0 =	vld [tilespmem:s4+$0x830];
	_ =	sdelay $0x4  }
0x6c: {  	v1 =	vunpack.i.l.bf16.f32 v0  }
0x6d: {  	v0 =	vunpack.i.u.bf16.f32 v0;
	[tilespmem:s7+$0xFFFFFFF0] =	vst v1  }
0x6e: {  	[tilespmem:s7+$0x30] =	vst v0  }
0x6f: {  	[spmem:s3] =	stream.indirect.scatter.add.f32 [tilespmem:s19], [sflag:$0x2], $0x80, s14, s15, $0xb8;
	[tilespmem:$0x1C400] =	vst v63  }
0x70: {  	_ =	swait.ge [sflag:s17], $0x2000  }
0x71: {  	[sflag:s17] =	ssyncset.done $0x0  }
0x72: {  	[sflag:s17] =	ssyncadd.s32 $0xFFFFE000  }
0x73: {  	[tilespmem:s16], [sflag:$0x1] =	stream.indirect.gather [hbm4b:s1+s15], $0x40, s20, s15, $0xb8;
	[tilespmem:$0x1C400] =	vst v63  }
0x74: {  	_ =	swait.ge [sflag:s21], $0x4000  }
0x75: {  	[sflag:s21] =	ssyncset.done $0x0  }
0x76: {  	s7 =	simm.s32 $0x0;
	[sflag:s21] =	ssyncadd.s32 $0xFFFFC000  }
0x77: {  	v0 =	vld [tilespmem:s7+$0x2800];
	_ =	sdelay $0x4  }
0x78: {  	s12 =	simm.s32 $0x4840;
	v1 =	vunpack.i.l.bf16.f32 v0  }
0x79: {  	v0 =	vunpack.i.u.bf16.f32 v0;
	[tilespmem:s12+$0xFFFFFFC0] =	vst v1  }
0x7a: {  	[tilespmem:s12+$0x0] =	vst v0  }
0x7b: {  	v0 =	vld [tilespmem:s7+$0x2810];
	_ =	sdelay $0x4  }
0x7c: {  	v1 =	vunpack.i.l.bf16.f32 v0  }
0x7d: {  	v0 =	vunpack.i.u.bf16.f32 v0;
	[tilespmem:s12+$0xFFFFFFD0] =	vst v1  }
0x7e: {  	[tilespmem:s12+$0x10] =	vst v0  }
0x7f: {  	v0 =	vld [tilespmem:s7+$0x2820];
	_ =	sdelay $0x4  }
0x80: {  	v1 =	vunpack.i.u.bf16.f32 v0  }
0x81: {  	v0 =	vunpack.i.l.bf16.f32 v0;
	[tilespmem:s12+$0x20] =	vst v1  }
0x82: {  	[tilespmem:s12+$0xFFFFFFE0] =	vst v0  }
0x83: {  	v0 =	vld [tilespmem:s7+$0x2830];
	_ =	sdelay $0x4  }
0x84: {  	v1 =	vunpack.i.l.bf16.f32 v0  }
0x85: {  	v0 =	vunpack.i.u.bf16.f32 v0;
	[tilespmem:s12+$0xFFFFFFF0] =	vst v1  }
0x86: {  	s4 =	simm.s32 $0x40;
	[tilespmem:s12+$0x30] =	vst v0  }
0x87: {  	v0 =	vld [tilespmem:s4+$0x2800]  }
0x88: {  	s7 =	simm.s32 $0x200  }
.LBB2_22:
0x89: {  	p1 =	sne.s32 s7, $0x7F00;
	_ =	sdelay $0x2  }
0x8a: {  	s12 =	sadd.s32 $0x80, s12;
	v1 =	vunpack.i.l.bf16.f32 v0  }
0x8b: {  	v0 =	vunpack.i.u.bf16.f32 v0;
	[tilespmem:s12+$0xFFFFFFC0] =	vst v1  }
0x8c: {  	[tilespmem:s12+$0x0] =	vst v0  }
0x8d: {  	v0 =	vld [tilespmem:s4+$0x2810];
	_ =	sdelay $0x4  }
0x8e: {  	v1 =	vunpack.i.l.bf16.f32 v0  }
0x8f: {  	v0 =	vunpack.i.u.bf16.f32 v0;
	[tilespmem:s12+$0xFFFFFFD0] =	vst v1  }
0x90: {  	[tilespmem:s12+$0x10] =	vst v0  }
0x91: {  	v0 =	vld [tilespmem:s4+$0x2820];
	_ =	sdelay $0x4  }
0x92: {  	v1 =	vunpack.i.u.bf16.f32 v0;
	v0 =	vunpack.i.l.bf16.f32 v0  }
0x93: {  	[tilespmem:s12+$0x20] =	vst v1  }
0x94: {  	[tilespmem:s12+$0xFFFFFFE0] =	vst v0  }
0x95: {  	v0 =	vld [tilespmem:s4+$0x2830];
	_ =	sdelay $0x4  }
.Ltmp4:
0x96: {  	v1 =	vunpack.i.u.bf16.f32 v0;
	v0 =	vunpack.i.l.bf16.f32 v0;
	(pc) =	sbr.rel @p1 .LBB2_22-.Ltmp4, $4  }
0x97: {  	[tilespmem:s12+$0xFFFFFFF0] =	vst v0  }
0x98: {  	s4 =	sshra.s32 s7, $0x2;
	[tilespmem:s12+$0x30] =	vst v1  }
0x99: {  	v0 =	vld [tilespmem:s4+$0x2800]  }
0x9a: {  	s7 =	sadd.s32 $0x100, s7  }
0x9b: {  	_ =	sdelay $0x2  }
0x9c: {  	s7 =	sadd.s32 $0x80, s12;
	v1 =	vunpack.i.l.bf16.f32 v0  }
0x9d: {  	v0 =	vunpack.i.u.bf16.f32 v0;
	[tilespmem:s7+$0xFFFFFFC0] =	vst v1  }
0x9e: {  	[tilespmem:s7+$0x0] =	vst v0  }
0x9f: {  	v0 =	vld [tilespmem:s4+$0x2810];
	_ =	sdelay $0x4  }
0xa0: {  	v1 =	vunpack.i.l.bf16.f32 v0  }
0xa1: {  	v0 =	vunpack.i.u.bf16.f32 v0;
	[tilespmem:s7+$0xFFFFFFD0] =	vst v1  }
0xa2: {  	[tilespmem:s7+$0x10] =	vst v0  }
0xa3: {  	v0 =	vld [tilespmem:s4+$0x2820];
	_ =	sdelay $0x4  }
0xa4: {  	v1 =	vunpack.i.u.bf16.f32 v0  }
0xa5: {  	v0 =	vunpack.i.l.bf16.f32 v0;
	[tilespmem:s7+$0x20] =	vst v1  }
0xa6: {  	[tilespmem:s7+$0xFFFFFFE0] =	vst v0  }
0xa7: {  	v0 =	vld [tilespmem:s4+$0x2830];
	_ =	sdelay $0x4  }
0xa8: {  	v1 =	vunpack.i.l.bf16.f32 v0  }
0xa9: {  	v0 =	vunpack.i.u.bf16.f32 v0;
	[tilespmem:s7+$0xFFFFFFF0] =	vst v1  }
0xaa: {  	[tilespmem:s7+$0x30] =	vst v0  }
0xab: {  	[spmem:s3] =	stream.indirect.scatter.add.f32 [tilespmem:s19], [sflag:$0x2], $0x80, s22, s15, $0xb8;
	[tilespmem:$0x1C400] =	vst v63  }
0xac: {  	_ =	swait.ge [sflag:s17], $0x2000  }
0xad: {  	[sflag:s17] =	ssyncset.done $0x0  }
0xae: {  	[sflag:s17] =	ssyncadd.s32 $0xFFFFE000  }
0xaf: {  	[tilespmem:s18], [sflag:$0x1] =	stream.indirect.gather [hbm4b:s1+s15], $0x40, s23, s15, $0xb8;
	[tilespmem:$0x1C400] =	vst v63  }
0xb0: {  	_ =	swait.ge [sflag:s21], $0x4000  }
0xb1: {  	[sflag:s21] =	ssyncset.done $0x0  }
0xb2: {  	s7 =	simm.s32 $0x0;
	[sflag:s21] =	ssyncadd.s32 $0xFFFFC000  }
0xb3: {  	v0 =	vld [tilespmem:s7+$0x800];
	_ =	sdelay $0x4  }
0xb4: {  	s12 =	simm.s32 $0x4840;
	v1 =	vunpack.i.l.bf16.f32 v0  }
0xb5: {  	v0 =	vunpack.i.u.bf16.f32 v0;
	[tilespmem:s12+$0xFFFFFFC0] =	vst v1  }
0xb6: {  	[tilespmem:s12+$0x0] =	vst v0  }
0xb7: {  	v0 =	vld [tilespmem:s7+$0x810];
	_ =	sdelay $0x4  }
0xb8: {  	v1 =	vunpack.i.l.bf16.f32 v0  }
0xb9: {  	v0 =	vunpack.i.u.bf16.f32 v0;
	[tilespmem:s12+$0xFFFFFFD0] =	vst v1  }
0xba: {  	[tilespmem:s12+$0x10] =	vst v0  }
0xbb: {  	v0 =	vld [tilespmem:s7+$0x820];
	_ =	sdelay $0x4  }
0xbc: {  	v1 =	vunpack.i.u.bf16.f32 v0  }
0xbd: {  	v0 =	vunpack.i.l.bf16.f32 v0;
	[tilespmem:s12+$0x20] =	vst v1  }
0xbe: {  	[tilespmem:s12+$0xFFFFFFE0] =	vst v0  }
0xbf: {  	v0 =	vld [tilespmem:s7+$0x830];
	_ =	sdelay $0x4  }
0xc0: {  	v1 =	vunpack.i.l.bf16.f32 v0  }
0xc1: {  	v0 =	vunpack.i.u.bf16.f32 v0;
	[tilespmem:s12+$0xFFFFFFF0] =	vst v1  }
0xc2: {  	s4 =	simm.s32 $0x40;
	[tilespmem:s12+$0x30] =	vst v0  }
0xc3: {  	v0 =	vld [tilespmem:s4+$0x800]  }
0xc4: {  	s7 =	simm.s32 $0x200  }
.LBB2_24:
0xc5: {  	p1 =	sne.s32 s7, $0x7F00;
	_ =	sdelay $0x2  }
0xc6: {  	s12 =	sadd.s32 $0x80, s12;
	v1 =	vunpack.i.l.bf16.f32 v0  }
0xc7: {  	v0 =	vunpack.i.u.bf16.f32 v0;
	[tilespmem:s12+$0xFFFFFFC0] =	vst v1  }
0xc8: {  	[tilespmem:s12+$0x0] =	vst v0  }
0xc9: {  	v0 =	vld [tilespmem:s4+$0x810];
	_ =	sdelay $0x4  }
0xca: {  	v1 =	vunpack.i.l.bf16.f32 v0  }
0xcb: {  	v0 =	vunpack.i.u.bf16.f32 v0;
	[tilespmem:s12+$0xFFFFFFD0] =	vst v1  }
0xcc: {  	[tilespmem:s12+$0x10] =	vst v0  }
0xcd: {  	v0 =	vld [tilespmem:s4+$0x820];
	_ =	sdelay $0x4  }
0xce: {  	v1 =	vunpack.i.u.bf16.f32 v0;
	v0 =	vunpack.i.l.bf16.f32 v0  }
0xcf: {  	[tilespmem:s12+$0x20] =	vst v1  }
0xd0: {  	[tilespmem:s12+$0xFFFFFFE0] =	vst v0  }
0xd1: {  	v0 =	vld [tilespmem:s4+$0x830];
	_ =	sdelay $0x4  }
.Ltmp5:
0xd2: {  	v1 =	vunpack.i.u.bf16.f32 v0;
	v0 =	vunpack.i.l.bf16.f32 v0;
	(pc) =	sbr.rel @p1 .LBB2_24-.Ltmp5, $4  }
0xd3: {  	[tilespmem:s12+$0xFFFFFFF0] =	vst v0  }
0xd4: {  	s4 =	sshra.s32 s7, $0x2;
	[tilespmem:s12+$0x30] =	vst v1  }
0xd5: {  	v0 =	vld [tilespmem:s4+$0x800]  }
0xd6: {  	s7 =	sadd.s32 $0x100, s7  }
0xd7: {  	_ =	sdelay $0x2  }
0xd8: {  	s7 =	sadd.s32 $0x80, s12;
	v1 =	vunpack.i.l.bf16.f32 v0  }
0xd9: {  	v0 =	vunpack.i.u.bf16.f32 v0;
	[tilespmem:s7+$0xFFFFFFC0] =	vst v1  }
0xda: {  	[tilespmem:s7+$0x0] =	vst v0  }
0xdb: {  	v0 =	vld [tilespmem:s4+$0x810];
	_ =	sdelay $0x4  }
0xdc: {  	v1 =	vunpack.i.l.bf16.f32 v0  }
0xdd: {  	v0 =	vunpack.i.u.bf16.f32 v0;
	[tilespmem:s7+$0xFFFFFFD0] =	vst v1  }
0xde: {  	[tilespmem:s7+$0x10] =	vst v0  }
0xdf: {  	v0 =	vld [tilespmem:s4+$0x820];
	_ =	sdelay $0x4  }
0xe0: {  	v1 =	vunpack.i.u.bf16.f32 v0  }
0xe1: {  	v0 =	vunpack.i.l.bf16.f32 v0;
	[tilespmem:s7+$0x20] =	vst v1  }
0xe2: {  	[tilespmem:s7+$0xFFFFFFE0] =	vst v0  }
0xe3: {  	v0 =	vld [tilespmem:s4+$0x830];
	_ =	sdelay $0x4  }
0xe4: {  	v1 =	vunpack.i.l.bf16.f32 v0  }
0xe5: {  	v0 =	vunpack.i.u.bf16.f32 v0;
	[tilespmem:s7+$0xFFFFFFF0] =	vst v1  }
0xe6: {  	[tilespmem:s7+$0x30] =	vst v0  }
0xe7: {  	[spmem:s3] =	stream.indirect.scatter.add.f32 [tilespmem:s19], [sflag:$0x2], $0x80, s25, s15, $0xb8;
	[tilespmem:$0x1C400] =	vst v63  }
0xe8: {  	_ =	swait.ge [sflag:s17], $0x2000  }
0xe9: {  	[sflag:s17] =	ssyncset.done $0x0  }
0xea: {  	[sflag:s17] =	ssyncadd.s32 $0xFFFFE000  }
0xeb: {  	[tilespmem:s16], [sflag:$0x1] =	stream.indirect.gather [hbm4b:s1+s15], $0x40, s26, s15, $0xb8;
	[tilespmem:$0x1C400] =	vst v63  }
0xec: {  	_ =	swait.ge [sflag:s21], $0x4000  }
0xed: {  	[sflag:s21] =	ssyncset.done $0x0  }
0xee: {  	s7 =	simm.s32 $0x0;
	[sflag:s21] =	ssyncadd.s32 $0xFFFFC000  }
0xef: {  	v0 =	vld [tilespmem:s7+$0x2800];
	_ =	sdelay $0x4  }
0xf0: {  	s12 =	simm.s32 $0x4840;
	v1 =	vunpack.i.l.bf16.f32 v0  }
0xf1: {  	v0 =	vunpack.i.u.bf16.f32 v0;
	[tilespmem:s12+$0xFFFFFFC0] =	vst v1  }
0xf2: {  	[tilespmem:s12+$0x0] =	vst v0  }
0xf3: {  	v0 =	vld [tilespmem:s7+$0x2810];
	_ =	sdelay $0x4  }
0xf4: {  	v1 =	vunpack.i.l.bf16.f32 v0  }
0xf5: {  	v0 =	vunpack.i.u.bf16.f32 v0;
	[tilespmem:s12+$0xFFFFFFD0] =	vst v1  }
0xf6: {  	[tilespmem:s12+$0x10] =	vst v0  }
0xf7: {  	v0 =	vld [tilespmem:s7+$0x2820];
	_ =	sdelay $0x4  }
0xf8: {  	v1 =	vunpack.i.u.bf16.f32 v0  }
0xf9: {  	v0 =	vunpack.i.l.bf16.f32 v0;
	[tilespmem:s12+$0x20] =	vst v1  }
0xfa: {  	[tilespmem:s12+$0xFFFFFFE0] =	vst v0  }
0xfb: {  	v0 =	vld [tilespmem:s7+$0x2830];
	_ =	sdelay $0x4  }
0xfc: {  	v1 =	vunpack.i.l.bf16.f32 v0  }
0xfd: {  	v0 =	vunpack.i.u.bf16.f32 v0;
	[tilespmem:s12+$0xFFFFFFF0] =	vst v1  }
0xfe: {  	s4 =	simm.s32 $0x40;
	[tilespmem:s12+$0x30] =	vst v0  }
0xff: {  	v0 =	vld [tilespmem:s4+$0x2800]  }
0x100: {  	s7 =	simm.s32 $0x200  }
.LBB2_26:
0x101: {  	p1 =	sne.s32 s7, $0x7F00;
	_ =	sdelay $0x2  }
0x102: {  	s12 =	sadd.s32 $0x80, s12;
	v1 =	vunpack.i.l.bf16.f32 v0  }
0x103: {  	v0 =	vunpack.i.u.bf16.f32 v0;
	[tilespmem:s12+$0xFFFFFFC0] =	vst v1  }
0x104: {  	[tilespmem:s12+$0x0] =	vst v0  }
0x105: {  	v0 =	vld [tilespmem:s4+$0x2810];
	_ =	sdelay $0x4  }
0x106: {  	v1 =	vunpack.i.l.bf16.f32 v0  }
0x107: {  	v0 =	vunpack.i.u.bf16.f32 v0;
	[tilespmem:s12+$0xFFFFFFD0] =	vst v1  }
0x108: {  	[tilespmem:s12+$0x10] =	vst v0  }
0x109: {  	v0 =	vld [tilespmem:s4+$0x2820];
	_ =	sdelay $0x4  }
0x10a: {  	v1 =	vunpack.i.u.bf16.f32 v0;
	v0 =	vunpack.i.l.bf16.f32 v0  }
0x10b: {  	[tilespmem:s12+$0x20] =	vst v1  }
0x10c: {  	[tilespmem:s12+$0xFFFFFFE0] =	vst v0  }
0x10d: {  	v0 =	vld [tilespmem:s4+$0x2830];
	_ =	sdelay $0x4  }
.Ltmp6:
0x10e: {  	v1 =	vunpack.i.u.bf16.f32 v0;
	v0 =	vunpack.i.l.bf16.f32 v0;
	(pc) =	sbr.rel @p1 .LBB2_26-.Ltmp6, $4  }
0x10f: {  	[tilespmem:s12+$0xFFFFFFF0] =	vst v0  }
0x110: {  	s4 =	sshra.s32 s7, $0x2;
	[tilespmem:s12+$0x30] =	vst v1  }
0x111: {  	v0 =	vld [tilespmem:s4+$0x2800]  }
0x112: {  	s7 =	sadd.s32 $0x100, s7  }
0x113: {  	_ =	sdelay $0x2  }
0x114: {  	s7 =	sadd.s32 $0x80, s12;
	v1 =	vunpack.i.l.bf16.f32 v0  }
0x115: {  	v0 =	vunpack.i.u.bf16.f32 v0;
	[tilespmem:s7+$0xFFFFFFC0] =	vst v1  }
0x116: {  	[tilespmem:s7+$0x0] =	vst v0  }
0x117: {  	v0 =	vld [tilespmem:s4+$0x2810];
	_ =	sdelay $0x4  }
0x118: {  	v1 =	vunpack.i.l.bf16.f32 v0  }
0x119: {  	v0 =	vunpack.i.u.bf16.f32 v0;
	[tilespmem:s7+$0xFFFFFFD0] =	vst v1  }
0x11a: {  	[tilespmem:s7+$0x10] =	vst v0  }
0x11b: {  	v0 =	vld [tilespmem:s4+$0x2820];
	_ =	sdelay $0x4  }
0x11c: {  	v1 =	vunpack.i.u.bf16.f32 v0  }
0x11d: {  	v0 =	vunpack.i.l.bf16.f32 v0;
	[tilespmem:s7+$0x20] =	vst v1  }
0x11e: {  	[tilespmem:s7+$0xFFFFFFE0] =	vst v0  }
0x11f: {  	v0 =	vld [tilespmem:s4+$0x2830];
	_ =	sdelay $0x4  }
0x120: {  	v1 =	vunpack.i.l.bf16.f32 v0  }
0x121: {  	v0 =	vunpack.i.u.bf16.f32 v0;
	[tilespmem:s7+$0xFFFFFFF0] =	vst v1  }
0x122: {  	[tilespmem:s7+$0x30] =	vst v0  }
0x123: {  	[spmem:s3] =	stream.indirect.scatter.add.f32 [tilespmem:s19], [sflag:$0x2], $0x80, s28, s15, $0xb8;
	[tilespmem:$0x1C400] =	vst v63  }
0x124: {  	_ =	swait.ge [sflag:s17], $0x2000  }
0x125: {  	[sflag:s17] =	ssyncset.done $0x0  }
0x126: {  	[sflag:s17] =	ssyncadd.s32 $0xFFFFE000  }
0x127: {  	[tilespmem:s18], [sflag:$0x1] =	stream.indirect.gather [hbm4b:s1+s15], $0x40, s29, s15, $0xb8;
	[tilespmem:$0x1C400] =	vst v63  }
0x128: {  	_ =	swait.ge [sflag:s21], $0x4000  }
0x129: {  	[sflag:s21] =	ssyncset.done $0x0  }
0x12a: {  	s7 =	simm.s32 $0x0;
	[sflag:s21] =	ssyncadd.s32 $0xFFFFC000  }
0x12b: {  	v0 =	vld [tilespmem:s7+$0x800];
	_ =	sdelay $0x4  }
0x12c: {  	s12 =	simm.s32 $0x4840;
	v1 =	vunpack.i.l.bf16.f32 v0  }
0x12d: {  	v0 =	vunpack.i.u.bf16.f32 v0;
	[tilespmem:s12+$0xFFFFFFC0] =	vst v1  }
0x12e: {  	[tilespmem:s12+$0x0] =	vst v0  }
0x12f: {  	v0 =	vld [tilespmem:s7+$0x810];
	_ =	sdelay $0x4  }
0x130: {  	v1 =	vunpack.i.l.bf16.f32 v0  }
0x131: {  	v0 =	vunpack.i.u.bf16.f32 v0;
	[tilespmem:s12+$0xFFFFFFD0] =	vst v1  }
0x132: {  	[tilespmem:s12+$0x10] =	vst v0  }
0x133: {  	v0 =	vld [tilespmem:s7+$0x820];
	_ =	sdelay $0x4  }
0x134: {  	v1 =	vunpack.i.u.bf16.f32 v0  }
0x135: {  	v0 =	vunpack.i.l.bf16.f32 v0;
	[tilespmem:s12+$0x20] =	vst v1  }
0x136: {  	[tilespmem:s12+$0xFFFFFFE0] =	vst v0  }
0x137: {  	v0 =	vld [tilespmem:s7+$0x830];
	_ =	sdelay $0x4  }
0x138: {  	v1 =	vunpack.i.l.bf16.f32 v0  }
0x139: {  	v0 =	vunpack.i.u.bf16.f32 v0;
	[tilespmem:s12+$0xFFFFFFF0] =	vst v1  }
0x13a: {  	s4 =	simm.s32 $0x40;
	[tilespmem:s12+$0x30] =	vst v0  }
0x13b: {  	v0 =	vld [tilespmem:s4+$0x800]  }
0x13c: {  	s7 =	simm.s32 $0x200  }
.LBB2_28:
0x13d: {  	p1 =	sne.s32 s7, $0x7F00;
	_ =	sdelay $0x2  }
0x13e: {  	s12 =	sadd.s32 $0x80, s12;
	v1 =	vunpack.i.l.bf16.f32 v0  }
0x13f: {  	v0 =	vunpack.i.u.bf16.f32 v0;
	[tilespmem:s12+$0xFFFFFFC0] =	vst v1  }
0x140: {  	[tilespmem:s12+$0x0] =	vst v0  }
0x141: {  	v0 =	vld [tilespmem:s4+$0x810];
	_ =	sdelay $0x4  }
0x142: {  	v1 =	vunpack.i.l.bf16.f32 v0  }
0x143: {  	v0 =	vunpack.i.u.bf16.f32 v0;
	[tilespmem:s12+$0xFFFFFFD0] =	vst v1  }
0x144: {  	[tilespmem:s12+$0x10] =	vst v0  }
0x145: {  	v0 =	vld [tilespmem:s4+$0x820];
	_ =	sdelay $0x4  }
0x146: {  	v1 =	vunpack.i.u.bf16.f32 v0;
	v0 =	vunpack.i.l.bf16.f32 v0  }
0x147: {  	[tilespmem:s12+$0x20] =	vst v1  }
0x148: {  	[tilespmem:s12+$0xFFFFFFE0] =	vst v0  }
0x149: {  	v0 =	vld [tilespmem:s4+$0x830];
	_ =	sdelay $0x4  }
.Ltmp7:
0x14a: {  	v1 =	vunpack.i.u.bf16.f32 v0;
	v0 =	vunpack.i.l.bf16.f32 v0;
	(pc) =	sbr.rel @p1 .LBB2_28-.Ltmp7, $4  }
0x14b: {  	[tilespmem:s12+$0xFFFFFFF0] =	vst v0  }
0x14c: {  	s4 =	sshra.s32 s7, $0x2;
	[tilespmem:s12+$0x30] =	vst v1  }
0x14d: {  	v0 =	vld [tilespmem:s4+$0x800]  }
0x14e: {  	s7 =	sadd.s32 $0x100, s7  }
0x14f: {  	_ =	sdelay $0x2  }
0x150: {  	s7 =	sadd.s32 $0x80, s12;
	v1 =	vunpack.i.l.bf16.f32 v0  }
0x151: {  	v0 =	vunpack.i.u.bf16.f32 v0;
	[tilespmem:s7+$0xFFFFFFC0] =	vst v1  }
0x152: {  	[tilespmem:s7+$0x0] =	vst v0  }
0x153: {  	v0 =	vld [tilespmem:s4+$0x810];
	_ =	sdelay $0x4  }
0x154: {  	v1 =	vunpack.i.l.bf16.f32 v0  }
0x155: {  	v0 =	vunpack.i.u.bf16.f32 v0;
	[tilespmem:s7+$0xFFFFFFD0] =	vst v1  }
0x156: {  	[tilespmem:s7+$0x10] =	vst v0  }
0x157: {  	v0 =	vld [tilespmem:s4+$0x820];
	_ =	sdelay $0x4  }
0x158: {  	v1 =	vunpack.i.u.bf16.f32 v0  }
0x159: {  	v0 =	vunpack.i.l.bf16.f32 v0;
	[tilespmem:s7+$0x20] =	vst v1  }
0x15a: {  	[tilespmem:s7+$0xFFFFFFE0] =	vst v0  }
0x15b: {  	v0 =	vld [tilespmem:s4+$0x830];
	_ =	sdelay $0x4  }
0x15c: {  	v1 =	vunpack.i.l.bf16.f32 v0  }
0x15d: {  	v0 =	vunpack.i.u.bf16.f32 v0;
	[tilespmem:s7+$0xFFFFFFF0] =	vst v1  }
0x15e: {  	[tilespmem:s7+$0x30] =	vst v0  }
0x15f: {  	[spmem:s3] =	stream.indirect.scatter.add.f32 [tilespmem:s19], [sflag:$0x2], $0x80, s30, s15, $0xb8;
	[tilespmem:$0x1C400] =	vst v63  }
0x160: {  	_ =	swait.ge [sflag:s17], $0x2000  }
0x161: {  	[sflag:s17] =	ssyncset.done $0x0  }
0x162: {  	[sflag:s17] =	ssyncadd.s32 $0xFFFFE000  }
0x163: {  	[tilespmem:s16], [sflag:$0x1] =	stream.indirect.gather [hbm4b:s1+s15], $0x40, s31, s15, $0xb8;
	[tilespmem:$0x1C400] =	vst v63  }
0x164: {  	_ =	swait.ge [sflag:s21], $0x4000  }
0x165: {  	[sflag:s21] =	ssyncset.done $0x0  }
0x166: {  	s7 =	simm.s32 $0x0;
	[sflag:s21] =	ssyncadd.s32 $0xFFFFC000  }
0x167: {  	v0 =	vld [tilespmem:s7+$0x2800];
	_ =	sdelay $0x4  }
0x168: {  	s12 =	simm.s32 $0x4840;
	v1 =	vunpack.i.l.bf16.f32 v0  }
0x169: {  	v0 =	vunpack.i.u.bf16.f32 v0;
	[tilespmem:s12+$0xFFFFFFC0] =	vst v1  }
0x16a: {  	[tilespmem:s12+$0x0] =	vst v0  }
0x16b: {  	v0 =	vld [tilespmem:s7+$0x2810];
	_ =	sdelay $0x4  }
0x16c: {  	v1 =	vunpack.i.l.bf16.f32 v0  }
0x16d: {  	v0 =	vunpack.i.u.bf16.f32 v0;
	[tilespmem:s12+$0xFFFFFFD0] =	vst v1  }
0x16e: {  	[tilespmem:s12+$0x10] =	vst v0  }
0x16f: {  	v0 =	vld [tilespmem:s7+$0x2820];
	_ =	sdelay $0x4  }
0x170: {  	v1 =	vunpack.i.u.bf16.f32 v0  }
0x171: {  	v0 =	vunpack.i.l.bf16.f32 v0;
	[tilespmem:s12+$0x20] =	vst v1  }
0x172: {  	[tilespmem:s12+$0xFFFFFFE0] =	vst v0  }
0x173: {  	v0 =	vld [tilespmem:s7+$0x2830];
	_ =	sdelay $0x4  }
0x174: {  	v1 =	vunpack.i.l.bf16.f32 v0  }
0x175: {  	v0 =	vunpack.i.u.bf16.f32 v0;
	[tilespmem:s12+$0xFFFFFFF0] =	vst v1  }
0x176: {  	s4 =	simm.s32 $0x40;
	[tilespmem:s12+$0x30] =	vst v0  }
0x177: {  	v0 =	vld [tilespmem:s4+$0x2800]  }
0x178: {  	s7 =	simm.s32 $0x200  }
.LBB2_30:
0x179: {  	p1 =	sne.s32 s7, $0x7F00;
	_ =	sdelay $0x2  }
0x17a: {  	s12 =	sadd.s32 $0x80, s12;
	v1 =	vunpack.i.l.bf16.f32 v0  }
0x17b: {  	v0 =	vunpack.i.u.bf16.f32 v0;
	[tilespmem:s12+$0xFFFFFFC0] =	vst v1  }
0x17c: {  	[tilespmem:s12+$0x0] =	vst v0  }
0x17d: {  	v0 =	vld [tilespmem:s4+$0x2810];
	_ =	sdelay $0x4  }
0x17e: {  	v1 =	vunpack.i.l.bf16.f32 v0  }
0x17f: {  	v0 =	vunpack.i.u.bf16.f32 v0;
	[tilespmem:s12+$0xFFFFFFD0] =	vst v1  }
0x180: {  	[tilespmem:s12+$0x10] =	vst v0  }
0x181: {  	v0 =	vld [tilespmem:s4+$0x2820];
	_ =	sdelay $0x4  }
0x182: {  	v1 =	vunpack.i.u.bf16.f32 v0;
	v0 =	vunpack.i.l.bf16.f32 v0  }
0x183: {  	[tilespmem:s12+$0x20] =	vst v1  }
0x184: {  	[tilespmem:s12+$0xFFFFFFE0] =	vst v0  }
0x185: {  	v0 =	vld [tilespmem:s4+$0x2830];
	_ =	sdelay $0x4  }
.Ltmp8:
0x186: {  	v1 =	vunpack.i.u.bf16.f32 v0;
	v0 =	vunpack.i.l.bf16.f32 v0;
	(pc) =	sbr.rel @p1 .LBB2_30-.Ltmp8, $4  }
0x187: {  	[tilespmem:s12+$0xFFFFFFF0] =	vst v0  }
0x188: {  	s4 =	sshra.s32 s7, $0x2;
	[tilespmem:s12+$0x30] =	vst v1  }
0x189: {  	v0 =	vld [tilespmem:s4+$0x2800]  }
0x18a: {  	s7 =	sadd.s32 $0x100, s7  }
0x18b: {  	_ =	sdelay $0x2  }
0x18c: {  	s7 =	sadd.s32 $0x80, s12;
	v1 =	vunpack.i.l.bf16.f32 v0  }
0x18d: {  	v0 =	vunpack.i.u.bf16.f32 v0;
	[tilespmem:s7+$0xFFFFFFC0] =	vst v1  }
0x18e: {  	[tilespmem:s7+$0x0] =	vst v0  }
0x18f: {  	v0 =	vld [tilespmem:s4+$0x2810];
	_ =	sdelay $0x4  }
0x190: {  	v1 =	vunpack.i.l.bf16.f32 v0  }
0x191: {  	v0 =	vunpack.i.u.bf16.f32 v0;
	[tilespmem:s7+$0xFFFFFFD0] =	vst v1  }
0x192: {  	[tilespmem:s7+$0x10] =	vst v0  }
0x193: {  	v0 =	vld [tilespmem:s4+$0x2820];
	_ =	sdelay $0x4  }
0x194: {  	v1 =	vunpack.i.u.bf16.f32 v0  }
0x195: {  	v0 =	vunpack.i.l.bf16.f32 v0;
	[tilespmem:s7+$0x20] =	vst v1  }
0x196: {  	[tilespmem:s7+$0xFFFFFFE0] =	vst v0  }
0x197: {  	v0 =	vld [tilespmem:s4+$0x2830];
	_ =	sdelay $0x4  }
0x198: {  	v1 =	vunpack.i.l.bf16.f32 v0  }
0x199: {  	v0 =	vunpack.i.u.bf16.f32 v0;
	[tilespmem:s7+$0xFFFFFFF0] =	vst v1  }
0x19a: {  	[tilespmem:s7+$0x30] =	vst v0  }
0x19b: {  	[spmem:s3] =	stream.indirect.scatter.add.f32 [tilespmem:s19], [sflag:$0x2], $0x80, s0, s15, $0xb8;
	[tilespmem:$0x1C400] =	vst v63  }
0x19c: {  	_ =	swait.ge [sflag:s17], $0x2000  }
0x19d: {  	[sflag:s17] =	ssyncset.done $0x0  }
0x19e: {  	[sflag:s17] =	ssyncadd.s32 $0xFFFFE000  }
0x19f: {  	[tilespmem:s18], [sflag:$0x1] =	stream.indirect.gather [hbm4b:s1+s15], $0x40, s2, s15, $0xb8;
	[tilespmem:$0x1C400] =	vst v63  }
0x1a0: {  	_ =	swait.ge [sflag:s21], $0x4000  }
0x1a1: {  	[sflag:s21] =	ssyncset.done $0x0  }
0x1a2: {  	s7 =	simm.s32 $0x0;
	[sflag:s21] =	ssyncadd.s32 $0xFFFFC000  }
0x1a3: {  	v0 =	vld [tilespmem:s7+$0x800];
	_ =	sdelay $0x4  }
0x1a4: {  	s12 =	simm.s32 $0x4840;
	v1 =	vunpack.i.l.bf16.f32 v0  }
0x1a5: {  	v0 =	vunpack.i.u.bf16.f32 v0;
	[tilespmem:s12+$0xFFFFFFC0] =	vst v1  }
0x1a6: {  	[tilespmem:s12+$0x0] =	vst v0  }
0x1a7: {  	v0 =	vld [tilespmem:s7+$0x810];
	_ =	sdelay $0x4  }
0x1a8: {  	v1 =	vunpack.i.l.bf16.f32 v0  }
0x1a9: {  	v0 =	vunpack.i.u.bf16.f32 v0;
	[tilespmem:s12+$0xFFFFFFD0] =	vst v1  }
0x1aa: {  	[tilespmem:s12+$0x10] =	vst v0  }
0x1ab: {  	v0 =	vld [tilespmem:s7+$0x820];
	_ =	sdelay $0x4  }
0x1ac: {  	v1 =	vunpack.i.u.bf16.f32 v0  }
0x1ad: {  	v0 =	vunpack.i.l.bf16.f32 v0;
	[tilespmem:s12+$0x20] =	vst v1  }
0x1ae: {  	[tilespmem:s12+$0xFFFFFFE0] =	vst v0  }
0x1af: {  	v0 =	vld [tilespmem:s7+$0x830];
	_ =	sdelay $0x4  }
0x1b0: {  	v1 =	vunpack.i.l.bf16.f32 v0  }
0x1b1: {  	v0 =	vunpack.i.u.bf16.f32 v0;
	[tilespmem:s12+$0xFFFFFFF0] =	vst v1  }
0x1b2: {  	s4 =	simm.s32 $0x40;
	[tilespmem:s12+$0x30] =	vst v0  }
0x1b3: {  	v0 =	vld [tilespmem:s4+$0x800]  }
0x1b4: {  	s7 =	simm.s32 $0x200  }
.LBB2_32:
0x1b5: {  	p1 =	sne.s32 s7, $0x7F00;
	_ =	sdelay $0x2  }
0x1b6: {  	s12 =	sadd.s32 $0x80, s12;
	v1 =	vunpack.i.l.bf16.f32 v0  }
0x1b7: {  	v0 =	vunpack.i.u.bf16.f32 v0;
	[tilespmem:s12+$0xFFFFFFC0] =	vst v1  }
0x1b8: {  	[tilespmem:s12+$0x0] =	vst v0  }
0x1b9: {  	v0 =	vld [tilespmem:s4+$0x810];
	_ =	sdelay $0x4  }
0x1ba: {  	v1 =	vunpack.i.l.bf16.f32 v0  }
0x1bb: {  	v0 =	vunpack.i.u.bf16.f32 v0;
	[tilespmem:s12+$0xFFFFFFD0] =	vst v1  }
0x1bc: {  	[tilespmem:s12+$0x10] =	vst v0  }
0x1bd: {  	v0 =	vld [tilespmem:s4+$0x820];
	_ =	sdelay $0x4  }
0x1be: {  	v1 =	vunpack.i.u.bf16.f32 v0;
	v0 =	vunpack.i.l.bf16.f32 v0  }
0x1bf: {  	[tilespmem:s12+$0x20] =	vst v1  }
0x1c0: {  	[tilespmem:s12+$0xFFFFFFE0] =	vst v0  }
0x1c1: {  	v0 =	vld [tilespmem:s4+$0x830];
	_ =	sdelay $0x4  }
.Ltmp9:
0x1c2: {  	v1 =	vunpack.i.u.bf16.f32 v0;
	v0 =	vunpack.i.l.bf16.f32 v0;
	(pc) =	sbr.rel @p1 .LBB2_32-.Ltmp9, $4  }
0x1c3: {  	[tilespmem:s12+$0xFFFFFFF0] =	vst v0  }
0x1c4: {  	s4 =	sshra.s32 s7, $0x2;
	[tilespmem:s12+$0x30] =	vst v1  }
0x1c5: {  	v0 =	vld [tilespmem:s4+$0x800]  }
0x1c6: {  	s7 =	sadd.s32 $0x100, s7  }
0x1c7: {  	_ =	sdelay $0x2  }
0x1c8: {  	s7 =	sadd.s32 $0x80, s12;
	v1 =	vunpack.i.l.bf16.f32 v0  }
0x1c9: {  	v0 =	vunpack.i.u.bf16.f32 v0;
	[tilespmem:s7+$0xFFFFFFC0] =	vst v1  }
0x1ca: {  	[tilespmem:s7+$0x0] =	vst v0  }
0x1cb: {  	v0 =	vld [tilespmem:s4+$0x810];
	_ =	sdelay $0x4  }
0x1cc: {  	v1 =	vunpack.i.l.bf16.f32 v0  }
0x1cd: {  	v0 =	vunpack.i.u.bf16.f32 v0;
	[tilespmem:s7+$0xFFFFFFD0] =	vst v1  }
0x1ce: {  	[tilespmem:s7+$0x10] =	vst v0  }
0x1cf: {  	v0 =	vld [tilespmem:s4+$0x820];
	_ =	sdelay $0x4  }
0x1d0: {  	v1 =	vunpack.i.u.bf16.f32 v0  }
0x1d1: {  	v0 =	vunpack.i.l.bf16.f32 v0;
	[tilespmem:s7+$0x20] =	vst v1  }
0x1d2: {  	[tilespmem:s7+$0xFFFFFFE0] =	vst v0  }
0x1d3: {  	v0 =	vld [tilespmem:s4+$0x830];
	_ =	sdelay $0x4  }
0x1d4: {  	v1 =	vunpack.i.l.bf16.f32 v0  }
0x1d5: {  	v0 =	vunpack.i.u.bf16.f32 v0;
	[tilespmem:s7+$0xFFFFFFF0] =	vst v1  }
0x1d6: {  	[tilespmem:s7+$0x30] =	vst v0  }
0x1d7: {  	[spmem:s3] =	stream.indirect.scatter.add.f32 [tilespmem:s19], [sflag:$0x2], $0x80, s5, s15, $0xb8;
	[tilespmem:$0x1C400] =	vst v63  }
0x1d8: {  	_ =	swait.ge [sflag:s17], $0x2000  }
0x1d9: {  	[sflag:s17] =	ssyncset.done $0x0  }
0x1da: {  	[sflag:s17] =	ssyncadd.s32 $0xFFFFE000  }
0x1db: {  	_ =	swait.ge [sflag:s21], $0x4000  }
0x1dc: {  	[sflag:s21] =	ssyncset.done $0x0  }
0x1dd: {  	s7 =	simm.s32 $0x0;
	[sflag:s21] =	ssyncadd.s32 $0xFFFFC000  }
0x1de: {  	v0 =	vld [tilespmem:s7+$0x2800];
	_ =	sdelay $0x4  }
0x1df: {  	s12 =	simm.s32 $0x4840;
	v1 =	vunpack.i.l.bf16.f32 v0  }
0x1e0: {  	v0 =	vunpack.i.u.bf16.f32 v0;
	[tilespmem:s12+$0xFFFFFFC0] =	vst v1  }
0x1e1: {  	[tilespmem:s12+$0x0] =	vst v0  }
0x1e2: {  	v0 =	vld [tilespmem:s7+$0x2810];
	_ =	sdelay $0x4  }
0x1e3: {  	v1 =	vunpack.i.l.bf16.f32 v0  }
0x1e4: {  	v0 =	vunpack.i.u.bf16.f32 v0;
	[tilespmem:s12+$0xFFFFFFD0] =	vst v1  }
0x1e5: {  	[tilespmem:s12+$0x10] =	vst v0  }
0x1e6: {  	v0 =	vld [tilespmem:s7+$0x2820];
	_ =	sdelay $0x4  }
0x1e7: {  	v1 =	vunpack.i.u.bf16.f32 v0  }
0x1e8: {  	v0 =	vunpack.i.l.bf16.f32 v0;
	[tilespmem:s12+$0x20] =	vst v1  }
0x1e9: {  	[tilespmem:s12+$0xFFFFFFE0] =	vst v0  }
0x1ea: {  	v0 =	vld [tilespmem:s7+$0x2830];
	_ =	sdelay $0x4  }
0x1eb: {  	v1 =	vunpack.i.l.bf16.f32 v0  }
0x1ec: {  	v0 =	vunpack.i.u.bf16.f32 v0;
	[tilespmem:s12+$0xFFFFFFF0] =	vst v1  }
0x1ed: {  	s4 =	simm.s32 $0x40;
	[tilespmem:s12+$0x30] =	vst v0  }
0x1ee: {  	v0 =	vld [tilespmem:s4+$0x2800]  }
0x1ef: {  	s7 =	simm.s32 $0x200  }
.LBB2_34:
0x1f0: {  	p1 =	sne.s32 s7, $0x7F00;
	_ =	sdelay $0x2  }
0x1f1: {  	s12 =	sadd.s32 $0x80, s12;
	v1 =	vunpack.i.l.bf16.f32 v0  }
0x1f2: {  	v0 =	vunpack.i.u.bf16.f32 v0;
	[tilespmem:s12+$0xFFFFFFC0] =	vst v1  }
0x1f3: {  	[tilespmem:s12+$0x0] =	vst v0  }
0x1f4: {  	v0 =	vld [tilespmem:s4+$0x2810];
	_ =	sdelay $0x4  }
0x1f5: {  	v1 =	vunpack.i.l.bf16.f32 v0  }
0x1f6: {  	v0 =	vunpack.i.u.bf16.f32 v0;
	[tilespmem:s12+$0xFFFFFFD0] =	vst v1  }
0x1f7: {  	[tilespmem:s12+$0x10] =	vst v0  }
0x1f8: {  	v0 =	vld [tilespmem:s4+$0x2820];
	_ =	sdelay $0x4  }
0x1f9: {  	v1 =	vunpack.i.u.bf16.f32 v0;
	v0 =	vunpack.i.l.bf16.f32 v0  }
0x1fa: {  	[tilespmem:s12+$0x20] =	vst v1  }
0x1fb: {  	[tilespmem:s12+$0xFFFFFFE0] =	vst v0  }
0x1fc: {  	v0 =	vld [tilespmem:s4+$0x2830];
	_ =	sdelay $0x4  }
.Ltmp10:
0x1fd: {  	v1 =	vunpack.i.u.bf16.f32 v0;
	v0 =	vunpack.i.l.bf16.f32 v0;
	(pc) =	sbr.rel @p1 .LBB2_34-.Ltmp10, $4  }
0x1fe: {  	[tilespmem:s12+$0xFFFFFFF0] =	vst v0  }
0x1ff: {  	s4 =	sshra.s32 s7, $0x2;
	[tilespmem:s12+$0x30] =	vst v1  }
0x200: {  	v0 =	vld [tilespmem:s4+$0x2800]  }
0x201: {  	s7 =	sadd.s32 $0x100, s7  }
0x202: {  	_ =	sdelay $0x2  }
0x203: {  	s7 =	sadd.s32 $0x80, s12;
	v1 =	vunpack.i.l.bf16.f32 v0  }
0x204: {  	v60 =	vunpack.i.u.bf16.f32 v0;
	[tilespmem:s7+$0xFFFFFFC0] =	vst v1  }
0x205: {  	[tilespmem:s7+$0x0] =	vst v60  }
0x206: {  	v0 =	vld [tilespmem:s4+$0x2810];
	_ =	sdelay $0x4  }
0x207: {  	v61 =	vunpack.i.l.bf16.f32 v0  }
0x208: {  	v0 =	vunpack.i.u.bf16.f32 v0;
	[tilespmem:s7+$0xFFFFFFD0] =	vst v61  }
0x209: {  	[tilespmem:s7+$0x10] =	vst v0  }
0x20a: {  	v0 =	vld [tilespmem:s4+$0x2820];
	_ =	sdelay $0x4  }
0x20b: {  	v62 =	vunpack.i.u.bf16.f32 v0  }
0x20c: {  	v0 =	vunpack.i.l.bf16.f32 v0;
	[tilespmem:s7+$0x20] =	vst v62  }
0x20d: {  	[tilespmem:s7+$0xFFFFFFE0] =	vst v0  }
0x20e: {  	v0 =	vld [tilespmem:s4+$0x2830];
	_ =	sdelay $0x4  }
0x20f: {  	v63 =	vunpack.i.l.bf16.f32 v0  }
0x210: {  	s6 =	sadd.s32 $0x1, s6;
	v0 =	vunpack.i.u.bf16.f32 v0;
	[tilespmem:s7+$0xFFFFFFF0] =	vst v63  }
0x211: {  	p1 =	sne.s32 s6, $0x9;
	[tilespmem:s7+$0x30] =	vst v0  }
0x212: {  	[spmem:s3] =	stream.indirect.scatter.add.f32 [tilespmem:s19], [sflag:$0x2], $0x80, s11, s15, $0xb8;
	[tilespmem:$0x1C400] =	vst v63  }
.Ltmp11:
0x213: {  	_ = 	snop;
	(pc) =	sbr.rel @p1 .LBB2_19-.Ltmp11, $4  }
.Ltmp12:
0x214: {  	_ = 	snop;
	(pc) =	sbr.rel @!p1 .LBB2_36-.Ltmp12, $4  }
0x215: {  	_ =	swait.ge [sflag:s21], $0x4000  }
0x216: {  	[sflag:s21] =	ssyncset.done $0x0  }
0x217: {  	[sflag:s21] =	ssyncadd.s32 $0xFFFFC000  }
0x218: {  	_ = 	snop  }
.LBB2_2:
0x219: {  	s4 =	sshll.u32 s6, $0x7;
	s7 =	rddreg [dreg:$0x7]  }
0x21a: {  	s7 =	sadd.s32 s4, s7  }
0x21b: {  	[tilespmem:s24], [sflag:$0x3] =	stream.linear.gather [hbm4b:s7+s24], $0x400, $0x38;
	[tilespmem:$0x1C400] =	vst v63  }
0x21c: {  	_ =	swait.ge [sflag:s13], $0x400  }
0x21d: {  	[sflag:s13] =	ssyncset.done $0x0  }
0x21e: {  	s4 =	sadd.s32 s4, s8;
	[sflag:s13] =	ssyncadd.s32 $0xFFFFFC00  }
0x21f: {  	[tilespmem:s14], [sflag:$0x3] =	stream.linear.gather [hbm4b:s4+s24], $0x400, $0x38;
	[tilespmem:$0x1C400] =	vst v63  }
0x220: {  	_ =	swait.ge [sflag:s13], $0x400  }
0x221: {  	[sflag:s13] =	ssyncset.done $0x0  }
0x222: {  	[sflag:s13] =	ssyncadd.s32 $0xFFFFFC00  }
0x223: {  	[tilespmem:s16], [sflag:$0x1] =	stream.indirect.gather [hbm4b:s1+s15], $0x40, s24, s15, $0xb8;
	[tilespmem:$0x1C400] =	vst v63  }
0x224: {  	_ =	swait.ge [sflag:s17], $0x2000  }
0x225: {  	[sflag:s17] =	ssyncset.done $0x0  }
0x226: {  	s7 =	simm.s32 $0x0;
	[sflag:s17] =	ssyncadd.s32 $0xFFFFE000  }
0x227: {  	[tilespmem:s18], [sflag:$0x1] =	stream.indirect.gather [hbm4b:s1+s15], $0x40, s15, s15, $0xb8;
	[tilespmem:$0x1C400] =	vst v63  }
0x228: {  	v0 =	vld [tilespmem:s7+$0x800];
	_ =	sdelay $0x4  }
0x229: {  	s12 =	simm.s32 $0x4840;
	v1 =	vunpack.i.l.bf16.f32 v0  }
0x22a: {  	v0 =	vunpack.i.u.bf16.f32 v0;
	[tilespmem:s12+$0xFFFFFFC0] =	vst v1  }
0x22b: {  	[tilespmem:s12+$0x0] =	vst v0  }
0x22c: {  	v0 =	vld [tilespmem:s7+$0x810];
	_ =	sdelay $0x4  }
0x22d: {  	v1 =	vunpack.i.l.bf16.f32 v0  }
0x22e: {  	v0 =	vunpack.i.u.bf16.f32 v0;
	[tilespmem:s12+$0xFFFFFFD0] =	vst v1  }
0x22f: {  	[tilespmem:s12+$0x10] =	vst v0  }
0x230: {  	v0 =	vld [tilespmem:s7+$0x820];
	_ =	sdelay $0x4  }
0x231: {  	v1 =	vunpack.i.u.bf16.f32 v0  }
0x232: {  	v0 =	vunpack.i.l.bf16.f32 v0;
	[tilespmem:s12+$0x20] =	vst v1  }
0x233: {  	[tilespmem:s12+$0xFFFFFFE0] =	vst v0  }
0x234: {  	v0 =	vld [tilespmem:s7+$0x830];
	_ =	sdelay $0x4  }
0x235: {  	v1 =	vunpack.i.l.bf16.f32 v0  }
0x236: {  	v0 =	vunpack.i.u.bf16.f32 v0;
	[tilespmem:s12+$0xFFFFFFF0] =	vst v1  }
0x237: {  	s4 =	simm.s32 $0x40;
	[tilespmem:s12+$0x30] =	vst v0  }
0x238: {  	v0 =	vld [tilespmem:s4+$0x800]  }
0x239: {  	s7 =	simm.s32 $0x200  }
.LBB2_3:
0x23a: {  	p1 =	sne.s32 s7, $0x7F00;
	_ =	sdelay $0x2  }
0x23b: {  	s12 =	sadd.s32 $0x80, s12;
	v1 =	vunpack.i.l.bf16.f32 v0  }
0x23c: {  	v0 =	vunpack.i.u.bf16.f32 v0;
	[tilespmem:s12+$0xFFFFFFC0] =	vst v1  }
0x23d: {  	[tilespmem:s12+$0x0] =	vst v0  }
0x23e: {  	v0 =	vld [tilespmem:s4+$0x810];
	_ =	sdelay $0x4  }
0x23f: {  	v1 =	vunpack.i.l.bf16.f32 v0  }
0x240: {  	v0 =	vunpack.i.u.bf16.f32 v0;
	[tilespmem:s12+$0xFFFFFFD0] =	vst v1  }
0x241: {  	[tilespmem:s12+$0x10] =	vst v0  }
0x242: {  	v0 =	vld [tilespmem:s4+$0x820];
	_ =	sdelay $0x4  }
0x243: {  	v1 =	vunpack.i.u.bf16.f32 v0;
	v0 =	vunpack.i.l.bf16.f32 v0  }
0x244: {  	[tilespmem:s12+$0x20] =	vst v1  }
0x245: {  	[tilespmem:s12+$0xFFFFFFE0] =	vst v0  }
0x246: {  	v0 =	vld [tilespmem:s4+$0x830];
	_ =	sdelay $0x4  }
.Ltmp13:
0x247: {  	v1 =	vunpack.i.u.bf16.f32 v0;
	v0 =	vunpack.i.l.bf16.f32 v0;
	(pc) =	sbr.rel @p1 .LBB2_3-.Ltmp13, $4  }
0x248: {  	[tilespmem:s12+$0xFFFFFFF0] =	vst v0  }
0x249: {  	s4 =	sshra.s32 s7, $0x2;
	[tilespmem:s12+$0x30] =	vst v1  }
0x24a: {  	v0 =	vld [tilespmem:s4+$0x800]  }
0x24b: {  	s7 =	sadd.s32 $0x100, s7  }
0x24c: {  	_ =	sdelay $0x2  }
0x24d: {  	s7 =	sadd.s32 $0x80, s12;
	v1 =	vunpack.i.l.bf16.f32 v0  }
0x24e: {  	v0 =	vunpack.i.u.bf16.f32 v0;
	[tilespmem:s7+$0xFFFFFFC0] =	vst v1  }
0x24f: {  	[tilespmem:s7+$0x0] =	vst v0  }
0x250: {  	v0 =	vld [tilespmem:s4+$0x810];
	_ =	sdelay $0x4  }
0x251: {  	v1 =	vunpack.i.l.bf16.f32 v0  }
0x252: {  	v0 =	vunpack.i.u.bf16.f32 v0;
	[tilespmem:s7+$0xFFFFFFD0] =	vst v1  }
0x253: {  	[tilespmem:s7+$0x10] =	vst v0  }
0x254: {  	v0 =	vld [tilespmem:s4+$0x820];
	_ =	sdelay $0x4  }
0x255: {  	v1 =	vunpack.i.u.bf16.f32 v0  }
0x256: {  	v0 =	vunpack.i.l.bf16.f32 v0;
	[tilespmem:s7+$0x20] =	vst v1  }
0x257: {  	[tilespmem:s7+$0xFFFFFFE0] =	vst v0  }
0x258: {  	v0 =	vld [tilespmem:s4+$0x830];
	_ =	sdelay $0x4  }
0x259: {  	v1 =	vunpack.i.l.bf16.f32 v0  }
0x25a: {  	v0 =	vunpack.i.u.bf16.f32 v0;
	[tilespmem:s7+$0xFFFFFFF0] =	vst v1  }
0x25b: {  	[tilespmem:s7+$0x30] =	vst v0  }
0x25c: {  	[spmem:s3] =	stream.indirect.scatter.add.f32 [tilespmem:s19], [sflag:$0x2], $0x80, s14, s15, $0xb8;
	[tilespmem:$0x1C400] =	vst v63  }
0x25d: {  	_ =	swait.ge [sflag:s17], $0x2000  }
0x25e: {  	[sflag:s17] =	ssyncset.done $0x0  }
0x25f: {  	[sflag:s17] =	ssyncadd.s32 $0xFFFFE000  }
0x260: {  	[tilespmem:s16], [sflag:$0x1] =	stream.indirect.gather [hbm4b:s1+s15], $0x40, s20, s15, $0xb8;
	[tilespmem:$0x1C400] =	vst v63  }
0x261: {  	_ =	swait.ge [sflag:s21], $0x4000  }
0x262: {  	[sflag:s21] =	ssyncset.done $0x0  }
0x263: {  	s7 =	simm.s32 $0x0;
	[sflag:s21] =	ssyncadd.s32 $0xFFFFC000  }
0x264: {  	v0 =	vld [tilespmem:s7+$0x2800];
	_ =	sdelay $0x4  }
0x265: {  	s12 =	simm.s32 $0x4840;
	v1 =	vunpack.i.l.bf16.f32 v0  }
0x266: {  	v0 =	vunpack.i.u.bf16.f32 v0;
	[tilespmem:s12+$0xFFFFFFC0] =	vst v1  }
0x267: {  	[tilespmem:s12+$0x0] =	vst v0  }
0x268: {  	v0 =	vld [tilespmem:s7+$0x2810];
	_ =	sdelay $0x4  }
0x269: {  	v1 =	vunpack.i.l.bf16.f32 v0  }
0x26a: {  	v0 =	vunpack.i.u.bf16.f32 v0;
	[tilespmem:s12+$0xFFFFFFD0] =	vst v1  }
0x26b: {  	[tilespmem:s12+$0x10] =	vst v0  }
0x26c: {  	v0 =	vld [tilespmem:s7+$0x2820];
	_ =	sdelay $0x4  }
0x26d: {  	v1 =	vunpack.i.u.bf16.f32 v0  }
0x26e: {  	v0 =	vunpack.i.l.bf16.f32 v0;
	[tilespmem:s12+$0x20] =	vst v1  }
0x26f: {  	[tilespmem:s12+$0xFFFFFFE0] =	vst v0  }
0x270: {  	v0 =	vld [tilespmem:s7+$0x2830];
	_ =	sdelay $0x4  }
0x271: {  	v1 =	vunpack.i.l.bf16.f32 v0  }
0x272: {  	v0 =	vunpack.i.u.bf16.f32 v0;
	[tilespmem:s12+$0xFFFFFFF0] =	vst v1  }
0x273: {  	s4 =	simm.s32 $0x40;
	[tilespmem:s12+$0x30] =	vst v0  }
0x274: {  	v0 =	vld [tilespmem:s4+$0x2800]  }
0x275: {  	s7 =	simm.s32 $0x200  }
.LBB2_5:
0x276: {  	p1 =	sne.s32 s7, $0x7F00;
	_ =	sdelay $0x2  }
0x277: {  	s12 =	sadd.s32 $0x80, s12;
	v1 =	vunpack.i.l.bf16.f32 v0  }
0x278: {  	v0 =	vunpack.i.u.bf16.f32 v0;
	[tilespmem:s12+$0xFFFFFFC0] =	vst v1  }
0x279: {  	[tilespmem:s12+$0x0] =	vst v0  }
0x27a: {  	v0 =	vld [tilespmem:s4+$0x2810];
	_ =	sdelay $0x4  }
0x27b: {  	v1 =	vunpack.i.l.bf16.f32 v0  }
0x27c: {  	v0 =	vunpack.i.u.bf16.f32 v0;
	[tilespmem:s12+$0xFFFFFFD0] =	vst v1  }
0x27d: {  	[tilespmem:s12+$0x10] =	vst v0  }
0x27e: {  	v0 =	vld [tilespmem:s4+$0x2820];
	_ =	sdelay $0x4  }
0x27f: {  	v1 =	vunpack.i.u.bf16.f32 v0;
	v0 =	vunpack.i.l.bf16.f32 v0  }
0x280: {  	[tilespmem:s12+$0x20] =	vst v1  }
0x281: {  	[tilespmem:s12+$0xFFFFFFE0] =	vst v0  }
0x282: {  	v0 =	vld [tilespmem:s4+$0x2830];
	_ =	sdelay $0x4  }
.Ltmp14:
0x283: {  	v1 =	vunpack.i.u.bf16.f32 v0;
	v0 =	vunpack.i.l.bf16.f32 v0;
	(pc) =	sbr.rel @p1 .LBB2_5-.Ltmp14, $4  }
0x284: {  	[tilespmem:s12+$0xFFFFFFF0] =	vst v0  }
0x285: {  	s4 =	sshra.s32 s7, $0x2;
	[tilespmem:s12+$0x30] =	vst v1  }
0x286: {  	v0 =	vld [tilespmem:s4+$0x2800]  }
0x287: {  	s7 =	sadd.s32 $0x100, s7  }
0x288: {  	_ =	sdelay $0x2  }
0x289: {  	s7 =	sadd.s32 $0x80, s12;
	v1 =	vunpack.i.l.bf16.f32 v0  }
0x28a: {  	v0 =	vunpack.i.u.bf16.f32 v0;
	[tilespmem:s7+$0xFFFFFFC0] =	vst v1  }
0x28b: {  	[tilespmem:s7+$0x0] =	vst v0  }
0x28c: {  	v0 =	vld [tilespmem:s4+$0x2810];
	_ =	sdelay $0x4  }
0x28d: {  	v1 =	vunpack.i.l.bf16.f32 v0  }
0x28e: {  	v0 =	vunpack.i.u.bf16.f32 v0;
	[tilespmem:s7+$0xFFFFFFD0] =	vst v1  }
0x28f: {  	[tilespmem:s7+$0x10] =	vst v0  }
0x290: {  	v0 =	vld [tilespmem:s4+$0x2820];
	_ =	sdelay $0x4  }
0x291: {  	v1 =	vunpack.i.u.bf16.f32 v0  }
0x292: {  	v0 =	vunpack.i.l.bf16.f32 v0;
	[tilespmem:s7+$0x20] =	vst v1  }
0x293: {  	[tilespmem:s7+$0xFFFFFFE0] =	vst v0  }
0x294: {  	v0 =	vld [tilespmem:s4+$0x2830];
	_ =	sdelay $0x4  }
0x295: {  	v1 =	vunpack.i.l.bf16.f32 v0  }
0x296: {  	v0 =	vunpack.i.u.bf16.f32 v0;
	[tilespmem:s7+$0xFFFFFFF0] =	vst v1  }
0x297: {  	[tilespmem:s7+$0x30] =	vst v0  }
0x298: {  	[spmem:s3] =	stream.indirect.scatter.add.f32 [tilespmem:s19], [sflag:$0x2], $0x80, s22, s15, $0xb8;
	[tilespmem:$0x1C400] =	vst v63  }
0x299: {  	_ =	swait.ge [sflag:s17], $0x2000  }
0x29a: {  	[sflag:s17] =	ssyncset.done $0x0  }
0x29b: {  	[sflag:s17] =	ssyncadd.s32 $0xFFFFE000  }
0x29c: {  	[tilespmem:s18], [sflag:$0x1] =	stream.indirect.gather [hbm4b:s1+s15], $0x40, s23, s15, $0xb8;
	[tilespmem:$0x1C400] =	vst v63  }
0x29d: {  	_ =	swait.ge [sflag:s21], $0x4000  }
0x29e: {  	[sflag:s21] =	ssyncset.done $0x0  }
0x29f: {  	s7 =	simm.s32 $0x0;
	[sflag:s21] =	ssyncadd.s32 $0xFFFFC000  }
0x2a0: {  	v0 =	vld [tilespmem:s7+$0x800];
	_ =	sdelay $0x4  }
0x2a1: {  	s12 =	simm.s32 $0x4840;
	v1 =	vunpack.i.l.bf16.f32 v0  }
0x2a2: {  	v0 =	vunpack.i.u.bf16.f32 v0;
	[tilespmem:s12+$0xFFFFFFC0] =	vst v1  }
0x2a3: {  	[tilespmem:s12+$0x0] =	vst v0  }
0x2a4: {  	v0 =	vld [tilespmem:s7+$0x810];
	_ =	sdelay $0x4  }
0x2a5: {  	v1 =	vunpack.i.l.bf16.f32 v0  }
0x2a6: {  	v0 =	vunpack.i.u.bf16.f32 v0;
	[tilespmem:s12+$0xFFFFFFD0] =	vst v1  }
0x2a7: {  	[tilespmem:s12+$0x10] =	vst v0  }
0x2a8: {  	v0 =	vld [tilespmem:s7+$0x820];
	_ =	sdelay $0x4  }
0x2a9: {  	v1 =	vunpack.i.u.bf16.f32 v0  }
0x2aa: {  	v0 =	vunpack.i.l.bf16.f32 v0;
	[tilespmem:s12+$0x20] =	vst v1  }
0x2ab: {  	[tilespmem:s12+$0xFFFFFFE0] =	vst v0  }
0x2ac: {  	v0 =	vld [tilespmem:s7+$0x830];
	_ =	sdelay $0x4  }
0x2ad: {  	v1 =	vunpack.i.l.bf16.f32 v0  }
0x2ae: {  	v0 =	vunpack.i.u.bf16.f32 v0;
	[tilespmem:s12+$0xFFFFFFF0] =	vst v1  }
0x2af: {  	s4 =	simm.s32 $0x40;
	[tilespmem:s12+$0x30] =	vst v0  }
0x2b0: {  	v0 =	vld [tilespmem:s4+$0x800]  }
0x2b1: {  	s7 =	simm.s32 $0x200  }
.LBB2_7:
0x2b2: {  	p1 =	sne.s32 s7, $0x7F00;
	_ =	sdelay $0x2  }
0x2b3: {  	s12 =	sadd.s32 $0x80, s12;
	v1 =	vunpack.i.l.bf16.f32 v0  }
0x2b4: {  	v0 =	vunpack.i.u.bf16.f32 v0;
	[tilespmem:s12+$0xFFFFFFC0] =	vst v1  }
0x2b5: {  	[tilespmem:s12+$0x0] =	vst v0  }
0x2b6: {  	v0 =	vld [tilespmem:s4+$0x810];
	_ =	sdelay $0x4  }
0x2b7: {  	v1 =	vunpack.i.l.bf16.f32 v0  }
0x2b8: {  	v0 =	vunpack.i.u.bf16.f32 v0;
	[tilespmem:s12+$0xFFFFFFD0] =	vst v1  }
0x2b9: {  	[tilespmem:s12+$0x10] =	vst v0  }
0x2ba: {  	v0 =	vld [tilespmem:s4+$0x820];
	_ =	sdelay $0x4  }
0x2bb: {  	v1 =	vunpack.i.u.bf16.f32 v0;
	v0 =	vunpack.i.l.bf16.f32 v0  }
0x2bc: {  	[tilespmem:s12+$0x20] =	vst v1  }
0x2bd: {  	[tilespmem:s12+$0xFFFFFFE0] =	vst v0  }
0x2be: {  	v0 =	vld [tilespmem:s4+$0x830];
	_ =	sdelay $0x4  }
.Ltmp15:
0x2bf: {  	v1 =	vunpack.i.u.bf16.f32 v0;
	v0 =	vunpack.i.l.bf16.f32 v0;
	(pc) =	sbr.rel @p1 .LBB2_7-.Ltmp15, $4  }
0x2c0: {  	[tilespmem:s12+$0xFFFFFFF0] =	vst v0  }
0x2c1: {  	s4 =	sshra.s32 s7, $0x2;
	[tilespmem:s12+$0x30] =	vst v1  }
0x2c2: {  	v0 =	vld [tilespmem:s4+$0x800]  }
0x2c3: {  	s7 =	sadd.s32 $0x100, s7  }
0x2c4: {  	_ =	sdelay $0x2  }
0x2c5: {  	s7 =	sadd.s32 $0x80, s12;
	v1 =	vunpack.i.l.bf16.f32 v0  }
0x2c6: {  	v0 =	vunpack.i.u.bf16.f32 v0;
	[tilespmem:s7+$0xFFFFFFC0] =	vst v1  }
0x2c7: {  	[tilespmem:s7+$0x0] =	vst v0  }
0x2c8: {  	v0 =	vld [tilespmem:s4+$0x810];
	_ =	sdelay $0x4  }
0x2c9: {  	v1 =	vunpack.i.l.bf16.f32 v0  }
0x2ca: {  	v0 =	vunpack.i.u.bf16.f32 v0;
	[tilespmem:s7+$0xFFFFFFD0] =	vst v1  }
0x2cb: {  	[tilespmem:s7+$0x10] =	vst v0  }
0x2cc: {  	v0 =	vld [tilespmem:s4+$0x820];
	_ =	sdelay $0x4  }
0x2cd: {  	v1 =	vunpack.i.u.bf16.f32 v0  }
0x2ce: {  	v0 =	vunpack.i.l.bf16.f32 v0;
	[tilespmem:s7+$0x20] =	vst v1  }
0x2cf: {  	[tilespmem:s7+$0xFFFFFFE0] =	vst v0  }
0x2d0: {  	v0 =	vld [tilespmem:s4+$0x830];
	_ =	sdelay $0x4  }
0x2d1: {  	v1 =	vunpack.i.l.bf16.f32 v0  }
0x2d2: {  	v0 =	vunpack.i.u.bf16.f32 v0;
	[tilespmem:s7+$0xFFFFFFF0] =	vst v1  }
0x2d3: {  	[tilespmem:s7+$0x30] =	vst v0  }
0x2d4: {  	[spmem:s3] =	stream.indirect.scatter.add.f32 [tilespmem:s19], [sflag:$0x2], $0x80, s25, s15, $0xb8;
	[tilespmem:$0x1C400] =	vst v63  }
0x2d5: {  	_ =	swait.ge [sflag:s17], $0x2000  }
0x2d6: {  	[sflag:s17] =	ssyncset.done $0x0  }
0x2d7: {  	[sflag:s17] =	ssyncadd.s32 $0xFFFFE000  }
0x2d8: {  	[tilespmem:s16], [sflag:$0x1] =	stream.indirect.gather [hbm4b:s1+s15], $0x40, s26, s15, $0xb8;
	[tilespmem:$0x1C400] =	vst v63  }
0x2d9: {  	_ =	swait.ge [sflag:s21], $0x4000  }
0x2da: {  	[sflag:s21] =	ssyncset.done $0x0  }
0x2db: {  	s7 =	simm.s32 $0x0;
	[sflag:s21] =	ssyncadd.s32 $0xFFFFC000  }
0x2dc: {  	v0 =	vld [tilespmem:s7+$0x2800];
	_ =	sdelay $0x4  }
0x2dd: {  	s12 =	simm.s32 $0x4840;
	v1 =	vunpack.i.l.bf16.f32 v0  }
0x2de: {  	v0 =	vunpack.i.u.bf16.f32 v0;
	[tilespmem:s12+$0xFFFFFFC0] =	vst v1  }
0x2df: {  	[tilespmem:s12+$0x0] =	vst v0  }
0x2e0: {  	v0 =	vld [tilespmem:s7+$0x2810];
	_ =	sdelay $0x4  }
0x2e1: {  	v1 =	vunpack.i.l.bf16.f32 v0  }
0x2e2: {  	v0 =	vunpack.i.u.bf16.f32 v0;
	[tilespmem:s12+$0xFFFFFFD0] =	vst v1  }
0x2e3: {  	[tilespmem:s12+$0x10] =	vst v0  }
0x2e4: {  	v0 =	vld [tilespmem:s7+$0x2820];
	_ =	sdelay $0x4  }
0x2e5: {  	v1 =	vunpack.i.u.bf16.f32 v0  }
0x2e6: {  	v0 =	vunpack.i.l.bf16.f32 v0;
	[tilespmem:s12+$0x20] =	vst v1  }
0x2e7: {  	[tilespmem:s12+$0xFFFFFFE0] =	vst v0  }
0x2e8: {  	v0 =	vld [tilespmem:s7+$0x2830];
	_ =	sdelay $0x4  }
0x2e9: {  	v1 =	vunpack.i.l.bf16.f32 v0  }
0x2ea: {  	v0 =	vunpack.i.u.bf16.f32 v0;
	[tilespmem:s12+$0xFFFFFFF0] =	vst v1  }
0x2eb: {  	s4 =	simm.s32 $0x40;
	[tilespmem:s12+$0x30] =	vst v0  }
0x2ec: {  	v0 =	vld [tilespmem:s4+$0x2800]  }
0x2ed: {  	s7 =	simm.s32 $0x200  }
.LBB2_9:
0x2ee: {  	p1 =	sne.s32 s7, $0x7F00;
	_ =	sdelay $0x2  }
0x2ef: {  	s12 =	sadd.s32 $0x80, s12;
	v1 =	vunpack.i.l.bf16.f32 v0  }
0x2f0: {  	v0 =	vunpack.i.u.bf16.f32 v0;
	[tilespmem:s12+$0xFFFFFFC0] =	vst v1  }
0x2f1: {  	[tilespmem:s12+$0x0] =	vst v0  }
0x2f2: {  	v0 =	vld [tilespmem:s4+$0x2810];
	_ =	sdelay $0x4  }
0x2f3: {  	v1 =	vunpack.i.l.bf16.f32 v0  }
0x2f4: {  	v0 =	vunpack.i.u.bf16.f32 v0;
	[tilespmem:s12+$0xFFFFFFD0] =	vst v1  }
0x2f5: {  	[tilespmem:s12+$0x10] =	vst v0  }
0x2f6: {  	v0 =	vld [tilespmem:s4+$0x2820];
	_ =	sdelay $0x4  }
0x2f7: {  	v1 =	vunpack.i.u.bf16.f32 v0;
	v0 =	vunpack.i.l.bf16.f32 v0  }
0x2f8: {  	[tilespmem:s12+$0x20] =	vst v1  }
0x2f9: {  	[tilespmem:s12+$0xFFFFFFE0] =	vst v0  }
0x2fa: {  	v0 =	vld [tilespmem:s4+$0x2830];
	_ =	sdelay $0x4  }
.Ltmp16:
0x2fb: {  	v1 =	vunpack.i.u.bf16.f32 v0;
	v0 =	vunpack.i.l.bf16.f32 v0;
	(pc) =	sbr.rel @p1 .LBB2_9-.Ltmp16, $4  }
0x2fc: {  	[tilespmem:s12+$0xFFFFFFF0] =	vst v0  }
0x2fd: {  	s4 =	sshra.s32 s7, $0x2;
	[tilespmem:s12+$0x30] =	vst v1  }
0x2fe: {  	v0 =	vld [tilespmem:s4+$0x2800]  }
0x2ff: {  	s7 =	sadd.s32 $0x100, s7  }
0x300: {  	_ =	sdelay $0x2  }
0x301: {  	s7 =	sadd.s32 $0x80, s12;
	v1 =	vunpack.i.l.bf16.f32 v0  }
0x302: {  	v0 =	vunpack.i.u.bf16.f32 v0;
	[tilespmem:s7+$0xFFFFFFC0] =	vst v1  }
0x303: {  	[tilespmem:s7+$0x0] =	vst v0  }
0x304: {  	v0 =	vld [tilespmem:s4+$0x2810];
	_ =	sdelay $0x4  }
0x305: {  	v1 =	vunpack.i.l.bf16.f32 v0  }
0x306: {  	v0 =	vunpack.i.u.bf16.f32 v0;
	[tilespmem:s7+$0xFFFFFFD0] =	vst v1  }
0x307: {  	[tilespmem:s7+$0x10] =	vst v0  }
0x308: {  	v0 =	vld [tilespmem:s4+$0x2820];
	_ =	sdelay $0x4  }
0x309: {  	v1 =	vunpack.i.u.bf16.f32 v0  }
0x30a: {  	v0 =	vunpack.i.l.bf16.f32 v0;
	[tilespmem:s7+$0x20] =	vst v1  }
0x30b: {  	[tilespmem:s7+$0xFFFFFFE0] =	vst v0  }
0x30c: {  	v0 =	vld [tilespmem:s4+$0x2830];
	_ =	sdelay $0x4  }
0x30d: {  	v1 =	vunpack.i.l.bf16.f32 v0  }
0x30e: {  	v0 =	vunpack.i.u.bf16.f32 v0;
	[tilespmem:s7+$0xFFFFFFF0] =	vst v1  }
0x30f: {  	[tilespmem:s7+$0x30] =	vst v0  }
0x310: {  	[spmem:s3] =	stream.indirect.scatter.add.f32 [tilespmem:s19], [sflag:$0x2], $0x80, s28, s15, $0xb8;
	[tilespmem:$0x1C400] =	vst v63  }
0x311: {  	_ =	swait.ge [sflag:s17], $0x2000  }
0x312: {  	[sflag:s17] =	ssyncset.done $0x0  }
0x313: {  	[sflag:s17] =	ssyncadd.s32 $0xFFFFE000  }
0x314: {  	[tilespmem:s18], [sflag:$0x1] =	stream.indirect.gather [hbm4b:s1+s15], $0x40, s29, s15, $0xb8;
	[tilespmem:$0x1C400] =	vst v63  }
0x315: {  	_ =	swait.ge [sflag:s21], $0x4000  }
0x316: {  	[sflag:s21] =	ssyncset.done $0x0  }
0x317: {  	s7 =	simm.s32 $0x0;
	[sflag:s21] =	ssyncadd.s32 $0xFFFFC000  }
0x318: {  	v0 =	vld [tilespmem:s7+$0x800];
	_ =	sdelay $0x4  }
0x319: {  	s12 =	simm.s32 $0x4840;
	v1 =	vunpack.i.l.bf16.f32 v0  }
0x31a: {  	v0 =	vunpack.i.u.bf16.f32 v0;
	[tilespmem:s12+$0xFFFFFFC0] =	vst v1  }
0x31b: {  	[tilespmem:s12+$0x0] =	vst v0  }
0x31c: {  	v0 =	vld [tilespmem:s7+$0x810];
	_ =	sdelay $0x4  }
0x31d: {  	v1 =	vunpack.i.l.bf16.f32 v0  }
0x31e: {  	v0 =	vunpack.i.u.bf16.f32 v0;
	[tilespmem:s12+$0xFFFFFFD0] =	vst v1  }
0x31f: {  	[tilespmem:s12+$0x10] =	vst v0  }
0x320: {  	v0 =	vld [tilespmem:s7+$0x820];
	_ =	sdelay $0x4  }
0x321: {  	v1 =	vunpack.i.u.bf16.f32 v0  }
0x322: {  	v0 =	vunpack.i.l.bf16.f32 v0;
	[tilespmem:s12+$0x20] =	vst v1  }
0x323: {  	[tilespmem:s12+$0xFFFFFFE0] =	vst v0  }
0x324: {  	v0 =	vld [tilespmem:s7+$0x830];
	_ =	sdelay $0x4  }
0x325: {  	v1 =	vunpack.i.l.bf16.f32 v0  }
0x326: {  	v0 =	vunpack.i.u.bf16.f32 v0;
	[tilespmem:s12+$0xFFFFFFF0] =	vst v1  }
0x327: {  	s4 =	simm.s32 $0x40;
	[tilespmem:s12+$0x30] =	vst v0  }
0x328: {  	v0 =	vld [tilespmem:s4+$0x800]  }
0x329: {  	s7 =	simm.s32 $0x200  }
.LBB2_11:
0x32a: {  	p1 =	sne.s32 s7, $0x7F00;
	_ =	sdelay $0x2  }
0x32b: {  	s12 =	sadd.s32 $0x80, s12;
	v1 =	vunpack.i.l.bf16.f32 v0  }
0x32c: {  	v0 =	vunpack.i.u.bf16.f32 v0;
	[tilespmem:s12+$0xFFFFFFC0] =	vst v1  }
0x32d: {  	[tilespmem:s12+$0x0] =	vst v0  }
0x32e: {  	v0 =	vld [tilespmem:s4+$0x810];
	_ =	sdelay $0x4  }
0x32f: {  	v1 =	vunpack.i.l.bf16.f32 v0  }
0x330: {  	v0 =	vunpack.i.u.bf16.f32 v0;
	[tilespmem:s12+$0xFFFFFFD0] =	vst v1  }
0x331: {  	[tilespmem:s12+$0x10] =	vst v0  }
0x332: {  	v0 =	vld [tilespmem:s4+$0x820];
	_ =	sdelay $0x4  }
0x333: {  	v1 =	vunpack.i.u.bf16.f32 v0;
	v0 =	vunpack.i.l.bf16.f32 v0  }
0x334: {  	[tilespmem:s12+$0x20] =	vst v1  }
0x335: {  	[tilespmem:s12+$0xFFFFFFE0] =	vst v0  }
0x336: {  	v0 =	vld [tilespmem:s4+$0x830];
	_ =	sdelay $0x4  }
.Ltmp17:
0x337: {  	v1 =	vunpack.i.u.bf16.f32 v0;
	v0 =	vunpack.i.l.bf16.f32 v0;
	(pc) =	sbr.rel @p1 .LBB2_11-.Ltmp17, $4  }
0x338: {  	[tilespmem:s12+$0xFFFFFFF0] =	vst v0  }
0x339: {  	s4 =	sshra.s32 s7, $0x2;
	[tilespmem:s12+$0x30] =	vst v1  }
0x33a: {  	v0 =	vld [tilespmem:s4+$0x800]  }
0x33b: {  	s7 =	sadd.s32 $0x100, s7  }
0x33c: {  	_ =	sdelay $0x2  }
0x33d: {  	s7 =	sadd.s32 $0x80, s12;
	v1 =	vunpack.i.l.bf16.f32 v0  }
0x33e: {  	v0 =	vunpack.i.u.bf16.f32 v0;
	[tilespmem:s7+$0xFFFFFFC0] =	vst v1  }
0x33f: {  	[tilespmem:s7+$0x0] =	vst v0  }
0x340: {  	v0 =	vld [tilespmem:s4+$0x810];
	_ =	sdelay $0x4  }
0x341: {  	v1 =	vunpack.i.l.bf16.f32 v0  }
0x342: {  	v0 =	vunpack.i.u.bf16.f32 v0;
	[tilespmem:s7+$0xFFFFFFD0] =	vst v1  }
0x343: {  	[tilespmem:s7+$0x10] =	vst v0  }
0x344: {  	v0 =	vld [tilespmem:s4+$0x820];
	_ =	sdelay $0x4  }
0x345: {  	v1 =	vunpack.i.u.bf16.f32 v0  }
0x346: {  	v0 =	vunpack.i.l.bf16.f32 v0;
	[tilespmem:s7+$0x20] =	vst v1  }
0x347: {  	[tilespmem:s7+$0xFFFFFFE0] =	vst v0  }
0x348: {  	v0 =	vld [tilespmem:s4+$0x830];
	_ =	sdelay $0x4  }
0x349: {  	v1 =	vunpack.i.l.bf16.f32 v0  }
0x34a: {  	v0 =	vunpack.i.u.bf16.f32 v0;
	[tilespmem:s7+$0xFFFFFFF0] =	vst v1  }
0x34b: {  	[tilespmem:s7+$0x30] =	vst v0  }
0x34c: {  	[spmem:s3] =	stream.indirect.scatter.add.f32 [tilespmem:s19], [sflag:$0x2], $0x80, s30, s15, $0xb8;
	[tilespmem:$0x1C400] =	vst v63  }
0x34d: {  	_ =	swait.ge [sflag:s17], $0x2000  }
0x34e: {  	[sflag:s17] =	ssyncset.done $0x0  }
0x34f: {  	[sflag:s17] =	ssyncadd.s32 $0xFFFFE000  }
0x350: {  	[tilespmem:s16], [sflag:$0x1] =	stream.indirect.gather [hbm4b:s1+s15], $0x40, s31, s15, $0xb8;
	[tilespmem:$0x1C400] =	vst v63  }
0x351: {  	_ =	swait.ge [sflag:s21], $0x4000  }
0x352: {  	[sflag:s21] =	ssyncset.done $0x0  }
0x353: {  	s7 =	simm.s32 $0x0;
	[sflag:s21] =	ssyncadd.s32 $0xFFFFC000  }
0x354: {  	v0 =	vld [tilespmem:s7+$0x2800];
	_ =	sdelay $0x4  }
0x355: {  	s12 =	simm.s32 $0x4840;
	v1 =	vunpack.i.l.bf16.f32 v0  }
0x356: {  	v0 =	vunpack.i.u.bf16.f32 v0;
	[tilespmem:s12+$0xFFFFFFC0] =	vst v1  }
0x357: {  	[tilespmem:s12+$0x0] =	vst v0  }
0x358: {  	v0 =	vld [tilespmem:s7+$0x2810];
	_ =	sdelay $0x4  }
0x359: {  	v1 =	vunpack.i.l.bf16.f32 v0  }
0x35a: {  	v0 =	vunpack.i.u.bf16.f32 v0;
	[tilespmem:s12+$0xFFFFFFD0] =	vst v1  }
0x35b: {  	[tilespmem:s12+$0x10] =	vst v0  }
0x35c: {  	v0 =	vld [tilespmem:s7+$0x2820];
	_ =	sdelay $0x4  }
0x35d: {  	v1 =	vunpack.i.u.bf16.f32 v0  }
0x35e: {  	v0 =	vunpack.i.l.bf16.f32 v0;
	[tilespmem:s12+$0x20] =	vst v1  }
0x35f: {  	[tilespmem:s12+$0xFFFFFFE0] =	vst v0  }
0x360: {  	v0 =	vld [tilespmem:s7+$0x2830];
	_ =	sdelay $0x4  }
0x361: {  	v1 =	vunpack.i.l.bf16.f32 v0  }
0x362: {  	v0 =	vunpack.i.u.bf16.f32 v0;
	[tilespmem:s12+$0xFFFFFFF0] =	vst v1  }
0x363: {  	s4 =	simm.s32 $0x40;
	[tilespmem:s12+$0x30] =	vst v0  }
0x364: {  	v0 =	vld [tilespmem:s4+$0x2800]  }
0x365: {  	s7 =	simm.s32 $0x200  }
.LBB2_13:
0x366: {  	p1 =	sne.s32 s7, $0x7F00;
	_ =	sdelay $0x2  }
0x367: {  	s12 =	sadd.s32 $0x80, s12;
	v1 =	vunpack.i.l.bf16.f32 v0  }
0x368: {  	v0 =	vunpack.i.u.bf16.f32 v0;
	[tilespmem:s12+$0xFFFFFFC0] =	vst v1  }
0x369: {  	[tilespmem:s12+$0x0] =	vst v0  }
0x36a: {  	v0 =	vld [tilespmem:s4+$0x2810];
	_ =	sdelay $0x4  }
0x36b: {  	v1 =	vunpack.i.l.bf16.f32 v0  }
0x36c: {  	v0 =	vunpack.i.u.bf16.f32 v0;
	[tilespmem:s12+$0xFFFFFFD0] =	vst v1  }
0x36d: {  	[tilespmem:s12+$0x10] =	vst v0  }
0x36e: {  	v0 =	vld [tilespmem:s4+$0x2820];
	_ =	sdelay $0x4  }
0x36f: {  	v1 =	vunpack.i.u.bf16.f32 v0;
	v0 =	vunpack.i.l.bf16.f32 v0  }
0x370: {  	[tilespmem:s12+$0x20] =	vst v1  }
0x371: {  	[tilespmem:s12+$0xFFFFFFE0] =	vst v0  }
0x372: {  	v0 =	vld [tilespmem:s4+$0x2830];
	_ =	sdelay $0x4  }
.Ltmp18:
0x373: {  	v1 =	vunpack.i.u.bf16.f32 v0;
	v0 =	vunpack.i.l.bf16.f32 v0;
	(pc) =	sbr.rel @p1 .LBB2_13-.Ltmp18, $4  }
0x374: {  	[tilespmem:s12+$0xFFFFFFF0] =	vst v0  }
0x375: {  	s4 =	sshra.s32 s7, $0x2;
	[tilespmem:s12+$0x30] =	vst v1  }
0x376: {  	v0 =	vld [tilespmem:s4+$0x2800]  }
0x377: {  	s7 =	sadd.s32 $0x100, s7  }
0x378: {  	_ =	sdelay $0x2  }
0x379: {  	s7 =	sadd.s32 $0x80, s12;
	v1 =	vunpack.i.l.bf16.f32 v0  }
0x37a: {  	v0 =	vunpack.i.u.bf16.f32 v0;
	[tilespmem:s7+$0xFFFFFFC0] =	vst v1  }
0x37b: {  	[tilespmem:s7+$0x0] =	vst v0  }
0x37c: {  	v0 =	vld [tilespmem:s4+$0x2810];
	_ =	sdelay $0x4  }
0x37d: {  	v1 =	vunpack.i.l.bf16.f32 v0  }
0x37e: {  	v0 =	vunpack.i.u.bf16.f32 v0;
	[tilespmem:s7+$0xFFFFFFD0] =	vst v1  }
0x37f: {  	[tilespmem:s7+$0x10] =	vst v0  }
0x380: {  	v0 =	vld [tilespmem:s4+$0x2820];
	_ =	sdelay $0x4  }
0x381: {  	v1 =	vunpack.i.u.bf16.f32 v0  }
0x382: {  	v0 =	vunpack.i.l.bf16.f32 v0;
	[tilespmem:s7+$0x20] =	vst v1  }
0x383: {  	[tilespmem:s7+$0xFFFFFFE0] =	vst v0  }
0x384: {  	v0 =	vld [tilespmem:s4+$0x2830];
	_ =	sdelay $0x4  }
0x385: {  	v1 =	vunpack.i.l.bf16.f32 v0  }
0x386: {  	v0 =	vunpack.i.u.bf16.f32 v0;
	[tilespmem:s7+$0xFFFFFFF0] =	vst v1  }
0x387: {  	[tilespmem:s7+$0x30] =	vst v0  }
0x388: {  	[spmem:s3] =	stream.indirect.scatter.add.f32 [tilespmem:s19], [sflag:$0x2], $0x80, s0, s15, $0xb8;
	[tilespmem:$0x1C400] =	vst v63  }
0x389: {  	_ =	swait.ge [sflag:s17], $0x2000  }
0x38a: {  	[sflag:s17] =	ssyncset.done $0x0  }
0x38b: {  	[sflag:s17] =	ssyncadd.s32 $0xFFFFE000  }
0x38c: {  	[tilespmem:s18], [sflag:$0x1] =	stream.indirect.gather [hbm4b:s1+s15], $0x40, s2, s15, $0xb8;
	[tilespmem:$0x1C400] =	vst v63  }
0x38d: {  	_ =	swait.ge [sflag:s21], $0x4000  }
0x38e: {  	[sflag:s21] =	ssyncset.done $0x0  }
0x38f: {  	s7 =	simm.s32 $0x0;
	[sflag:s21] =	ssyncadd.s32 $0xFFFFC000  }
0x390: {  	v0 =	vld [tilespmem:s7+$0x800];
	_ =	sdelay $0x4  }
0x391: {  	s12 =	simm.s32 $0x4840;
	v1 =	vunpack.i.l.bf16.f32 v0  }
0x392: {  	v0 =	vunpack.i.u.bf16.f32 v0;
	[tilespmem:s12+$0xFFFFFFC0] =	vst v1  }
0x393: {  	[tilespmem:s12+$0x0] =	vst v0  }
0x394: {  	v0 =	vld [tilespmem:s7+$0x810];
	_ =	sdelay $0x4  }
0x395: {  	v1 =	vunpack.i.l.bf16.f32 v0  }
0x396: {  	v0 =	vunpack.i.u.bf16.f32 v0;
	[tilespmem:s12+$0xFFFFFFD0] =	vst v1  }
0x397: {  	[tilespmem:s12+$0x10] =	vst v0  }
0x398: {  	v0 =	vld [tilespmem:s7+$0x820];
	_ =	sdelay $0x4  }
0x399: {  	v1 =	vunpack.i.u.bf16.f32 v0  }
0x39a: {  	v0 =	vunpack.i.l.bf16.f32 v0;
	[tilespmem:s12+$0x20] =	vst v1  }
0x39b: {  	[tilespmem:s12+$0xFFFFFFE0] =	vst v0  }
0x39c: {  	v0 =	vld [tilespmem:s7+$0x830];
	_ =	sdelay $0x4  }
0x39d: {  	v1 =	vunpack.i.l.bf16.f32 v0  }
0x39e: {  	v0 =	vunpack.i.u.bf16.f32 v0;
	[tilespmem:s12+$0xFFFFFFF0] =	vst v1  }
0x39f: {  	s4 =	simm.s32 $0x40;
	[tilespmem:s12+$0x30] =	vst v0  }
0x3a0: {  	v0 =	vld [tilespmem:s4+$0x800]  }
0x3a1: {  	s7 =	simm.s32 $0x200  }
.LBB2_15:
0x3a2: {  	p1 =	sne.s32 s7, $0x7F00;
	_ =	sdelay $0x2  }
0x3a3: {  	s12 =	sadd.s32 $0x80, s12;
	v1 =	vunpack.i.l.bf16.f32 v0  }
0x3a4: {  	v0 =	vunpack.i.u.bf16.f32 v0;
	[tilespmem:s12+$0xFFFFFFC0] =	vst v1  }
0x3a5: {  	[tilespmem:s12+$0x0] =	vst v0  }
0x3a6: {  	v0 =	vld [tilespmem:s4+$0x810];
	_ =	sdelay $0x4  }
0x3a7: {  	v1 =	vunpack.i.l.bf16.f32 v0  }
0x3a8: {  	v0 =	vunpack.i.u.bf16.f32 v0;
	[tilespmem:s12+$0xFFFFFFD0] =	vst v1  }
0x3a9: {  	[tilespmem:s12+$0x10] =	vst v0  }
0x3aa: {  	v0 =	vld [tilespmem:s4+$0x820];
	_ =	sdelay $0x4  }
0x3ab: {  	v1 =	vunpack.i.u.bf16.f32 v0;
	v0 =	vunpack.i.l.bf16.f32 v0  }
0x3ac: {  	[tilespmem:s12+$0x20] =	vst v1  }
0x3ad: {  	[tilespmem:s12+$0xFFFFFFE0] =	vst v0  }
0x3ae: {  	v0 =	vld [tilespmem:s4+$0x830];
	_ =	sdelay $0x4  }
.Ltmp19:
0x3af: {  	v1 =	vunpack.i.u.bf16.f32 v0;
	v0 =	vunpack.i.l.bf16.f32 v0;
	(pc) =	sbr.rel @p1 .LBB2_15-.Ltmp19, $4  }
0x3b0: {  	[tilespmem:s12+$0xFFFFFFF0] =	vst v0  }
0x3b1: {  	s4 =	sshra.s32 s7, $0x2;
	[tilespmem:s12+$0x30] =	vst v1  }
0x3b2: {  	v0 =	vld [tilespmem:s4+$0x800]  }
0x3b3: {  	s7 =	sadd.s32 $0x100, s7  }
0x3b4: {  	_ =	sdelay $0x2  }
0x3b5: {  	s7 =	sadd.s32 $0x80, s12;
	v1 =	vunpack.i.l.bf16.f32 v0  }
0x3b6: {  	v0 =	vunpack.i.u.bf16.f32 v0;
	[tilespmem:s7+$0xFFFFFFC0] =	vst v1  }
0x3b7: {  	[tilespmem:s7+$0x0] =	vst v0  }
0x3b8: {  	v0 =	vld [tilespmem:s4+$0x810];
	_ =	sdelay $0x4  }
0x3b9: {  	v1 =	vunpack.i.l.bf16.f32 v0  }
0x3ba: {  	v0 =	vunpack.i.u.bf16.f32 v0;
	[tilespmem:s7+$0xFFFFFFD0] =	vst v1  }
0x3bb: {  	[tilespmem:s7+$0x10] =	vst v0  }
0x3bc: {  	v0 =	vld [tilespmem:s4+$0x820];
	_ =	sdelay $0x4  }
0x3bd: {  	v1 =	vunpack.i.u.bf16.f32 v0  }
0x3be: {  	v0 =	vunpack.i.l.bf16.f32 v0;
	[tilespmem:s7+$0x20] =	vst v1  }
0x3bf: {  	[tilespmem:s7+$0xFFFFFFE0] =	vst v0  }
0x3c0: {  	v0 =	vld [tilespmem:s4+$0x830];
	_ =	sdelay $0x4  }
0x3c1: {  	v1 =	vunpack.i.l.bf16.f32 v0  }
0x3c2: {  	v0 =	vunpack.i.u.bf16.f32 v0;
	[tilespmem:s7+$0xFFFFFFF0] =	vst v1  }
0x3c3: {  	[tilespmem:s7+$0x30] =	vst v0  }
0x3c4: {  	[spmem:s3] =	stream.indirect.scatter.add.f32 [tilespmem:s19], [sflag:$0x2], $0x80, s5, s15, $0xb8;
	[tilespmem:$0x1C400] =	vst v63  }
0x3c5: {  	_ =	swait.ge [sflag:s17], $0x2000  }
0x3c6: {  	[sflag:s17] =	ssyncset.done $0x0  }
0x3c7: {  	[sflag:s17] =	ssyncadd.s32 $0xFFFFE000  }
0x3c8: {  	_ =	swait.ge [sflag:s21], $0x4000  }
0x3c9: {  	[sflag:s21] =	ssyncset.done $0x0  }
0x3ca: {  	s7 =	simm.s32 $0x0;
	[sflag:s21] =	ssyncadd.s32 $0xFFFFC000  }
0x3cb: {  	v0 =	vld [tilespmem:s7+$0x2800];
	_ =	sdelay $0x4  }
0x3cc: {  	s12 =	simm.s32 $0x4840;
	v1 =	vunpack.i.l.bf16.f32 v0  }
0x3cd: {  	v0 =	vunpack.i.u.bf16.f32 v0;
	[tilespmem:s12+$0xFFFFFFC0] =	vst v1  }
0x3ce: {  	[tilespmem:s12+$0x0] =	vst v0  }
0x3cf: {  	v0 =	vld [tilespmem:s7+$0x2810];
	_ =	sdelay $0x4  }
0x3d0: {  	v1 =	vunpack.i.l.bf16.f32 v0  }
0x3d1: {  	v0 =	vunpack.i.u.bf16.f32 v0;
	[tilespmem:s12+$0xFFFFFFD0] =	vst v1  }
0x3d2: {  	[tilespmem:s12+$0x10] =	vst v0  }
0x3d3: {  	v0 =	vld [tilespmem:s7+$0x2820];
	_ =	sdelay $0x4  }
0x3d4: {  	v1 =	vunpack.i.u.bf16.f32 v0  }
0x3d5: {  	v0 =	vunpack.i.l.bf16.f32 v0;
	[tilespmem:s12+$0x20] =	vst v1  }
0x3d6: {  	[tilespmem:s12+$0xFFFFFFE0] =	vst v0  }
0x3d7: {  	v0 =	vld [tilespmem:s7+$0x2830];
	_ =	sdelay $0x4  }
0x3d8: {  	v1 =	vunpack.i.l.bf16.f32 v0  }
0x3d9: {  	v0 =	vunpack.i.u.bf16.f32 v0;
	[tilespmem:s12+$0xFFFFFFF0] =	vst v1  }
0x3da: {  	s4 =	simm.s32 $0x40;
	[tilespmem:s12+$0x30] =	vst v0  }
0x3db: {  	v0 =	vld [tilespmem:s4+$0x2800]  }
0x3dc: {  	s7 =	simm.s32 $0x200  }
.LBB2_17:
0x3dd: {  	p1 =	sne.s32 s7, $0x7F00;
	_ =	sdelay $0x2  }
0x3de: {  	s12 =	sadd.s32 $0x80, s12;
	v1 =	vunpack.i.l.bf16.f32 v0  }
0x3df: {  	v0 =	vunpack.i.u.bf16.f32 v0;
	[tilespmem:s12+$0xFFFFFFC0] =	vst v1  }
0x3e0: {  	[tilespmem:s12+$0x0] =	vst v0  }
0x3e1: {  	v0 =	vld [tilespmem:s4+$0x2810];
	_ =	sdelay $0x4  }
0x3e2: {  	v1 =	vunpack.i.l.bf16.f32 v0  }
0x3e3: {  	v0 =	vunpack.i.u.bf16.f32 v0;
	[tilespmem:s12+$0xFFFFFFD0] =	vst v1  }
0x3e4: {  	[tilespmem:s12+$0x10] =	vst v0  }
0x3e5: {  	v0 =	vld [tilespmem:s4+$0x2820];
	_ =	sdelay $0x4  }
0x3e6: {  	v1 =	vunpack.i.u.bf16.f32 v0;
	v0 =	vunpack.i.l.bf16.f32 v0  }
0x3e7: {  	[tilespmem:s12+$0x20] =	vst v1  }
0x3e8: {  	[tilespmem:s12+$0xFFFFFFE0] =	vst v0  }
0x3e9: {  	v0 =	vld [tilespmem:s4+$0x2830];
	_ =	sdelay $0x4  }
.Ltmp20:
0x3ea: {  	v1 =	vunpack.i.u.bf16.f32 v0;
	v0 =	vunpack.i.l.bf16.f32 v0;
	(pc) =	sbr.rel @p1 .LBB2_17-.Ltmp20, $4  }
0x3eb: {  	[tilespmem:s12+$0xFFFFFFF0] =	vst v0  }
0x3ec: {  	s4 =	sshra.s32 s7, $0x2;
	[tilespmem:s12+$0x30] =	vst v1  }
0x3ed: {  	v0 =	vld [tilespmem:s4+$0x2800]  }
0x3ee: {  	s7 =	sadd.s32 $0x100, s7  }
0x3ef: {  	_ =	sdelay $0x2  }
0x3f0: {  	s7 =	sadd.s32 $0x80, s12;
	v1 =	vunpack.i.l.bf16.f32 v0  }
0x3f1: {  	v60 =	vunpack.i.u.bf16.f32 v0;
	[tilespmem:s7+$0xFFFFFFC0] =	vst v1  }
0x3f2: {  	[tilespmem:s7+$0x0] =	vst v60  }
0x3f3: {  	v0 =	vld [tilespmem:s4+$0x2810];
	_ =	sdelay $0x4  }
0x3f4: {  	v61 =	vunpack.i.l.bf16.f32 v0  }
0x3f5: {  	v0 =	vunpack.i.u.bf16.f32 v0;
	[tilespmem:s7+$0xFFFFFFD0] =	vst v61  }
0x3f6: {  	[tilespmem:s7+$0x10] =	vst v0  }
0x3f7: {  	v0 =	vld [tilespmem:s4+$0x2820];
	_ =	sdelay $0x4  }
0x3f8: {  	v62 =	vunpack.i.u.bf16.f32 v0  }
0x3f9: {  	v0 =	vunpack.i.l.bf16.f32 v0;
	[tilespmem:s7+$0x20] =	vst v62  }
0x3fa: {  	[tilespmem:s7+$0xFFFFFFE0] =	vst v0  }
0x3fb: {  	v0 =	vld [tilespmem:s4+$0x2830];
	_ =	sdelay $0x4  }
0x3fc: {  	v63 =	vunpack.i.l.bf16.f32 v0  }
0x3fd: {  	s6 =	sadd.s32 $0x1, s6;
	v0 =	vunpack.i.u.bf16.f32 v0;
	[tilespmem:s7+$0xFFFFFFF0] =	vst v63  }
0x3fe: {  	p1 =	seq.s32 s6, $0xB;
	[tilespmem:s7+$0x30] =	vst v0  }
0x3ff: {  	[spmem:s3] =	stream.indirect.scatter.add.f32 [tilespmem:s19], [sflag:$0x2], $0x80, s11, s15, $0xb8;
	[tilespmem:$0x1C400] =	vst v63  }
.Ltmp21:
0x400: {  	_ = 	snop;
	(pc) =	sbr.rel @!p1 .LBB2_2-.Ltmp21, $4  }
.Ltmp22:
0x401: {  	_ = 	snop;
	(pc) =	sbr.rel @p1 .LBB2_36-.Ltmp22, $4  }
0x402: {  	_ =	swait.ge [sflag:s21], $0x4000  }
0x403: {  	[sflag:s21] =	ssyncset.done $0x0  }
0x404: {  	[sflag:s21] =	ssyncadd.s32 $0xFFFFC000  }
0x405: {  	_ = 	snop  }
.LBB2_37:
0x406: {  	_ =	sfence.sel $0x180000  }
0x407: {  	[bflag:$0x0] =	sbarrier.arrive $0xFFFF  }
0x408: {  	_ =	strace $0x9000004A  }
0x409: {  	s0 =	stileid.u32;
	[bflag:$0x2] =	sbarrier.arrive $0xFFFF  }
0x40a: {  	p0 =	sne.s32 s0, $0x0;
	s0 =	rddreg [dreg:$0x3]  }
0x40b: {  	s0 =	sadd.s32 @!p0 $0x100000, s0  }
0x40c: {  	[sflag:s0] =	ssyncadd.tile.s32 @!p0 $0x1;
	_ =	shalt  }
.Lfunc_end2:
_tile_overlayer_lowered:
.L_overlay_start_2:
0x40d: {  	(tag) =	ssettag $0x2  }
0x40e: {  	s0 =	rddreg [dreg:$0x0];
	s2 =	stileid.u32  }
0x40f: {  	s1 =	rddreg [dreg:$0x1];
	p0 =	sne.s32 s2, $0x0  }
0x410: {  	s3 =	rddreg [dreg:$0x2];
	[bflag:$0x3] =	sbarrier.arrive $0xFFFF;
	s2 =	simm.s32 @!p0 $0x1C03  }
0x411: {  	[timem:s3], [sflag:s2] =	dma.local @!p0 [hbm:s0], s1  }
0x412: {  	s0 =	simm.s32 @!p0 $0x3  }
0x413: {  	_ =	swait.ge @!p0 [sflag:s0], s1  }
0x414: {  	s1 =	ssub.s32 @!p0 $0x0, s1;
	[sflag:s0] =	ssyncset.done @!p0 $0x0  }
0x415: {  	[sflag:s0] =	ssyncadd.s32 @!p0 s1  }
0x416: {  	[bflag:$0x3] =	sbarrier.arrive $0xFFFF  }
0x417: {  	_ =	shalt  }

// kernel: kernel.14.cloned.1.call-start
scs
__scs_entry_jumppad:
0x0: {  	(pc) =	sbr.rel $0x88, $3  }
0x1: {  	(tag) =	ssettag $0x0;
	lr =	simm.s32 $0x1  }
0x2: {  	[smem:$0x3F97] =	sst lr;
	_ =	strace $0xD0000000  }
0x3: {  	_ = 	snop  }
0x4: {  	_ = 	snop  }
0x5: {  	_ = 	snop  }
0x6: {  	_ = 	snop  }
0x7: {  	_ = 	snop  }
__scs_overlays_trampoline_lowered:
0x8: {  	[smem:$0x3FA6] =	sst s0  }
0x9: {  	[smem:$0x3FA7] =	sst s1  }
0xa: {  	[smem:$0x3FA8] =	sst s2  }
0xb: {  	[smem:$0x3FA9] =	sst s3  }
0xc: {  	[smem:$0x3FAA] =	sst s4  }
0xd: {  	[smem:$0x3FAB] =	sst s5  }
0xe: {  	[smem:$0x3FAC] =	sst s6  }
0xf: {  	[smem:$0x3FAD] =	sst s7  }
0x10: {  	[smem:$0x3FAE] =	sst s8  }
0x11: {  	[smem:$0x3FAF] =	sst s9;
	s0 =	simm.s32 @!p0 $0x0  }
0x12: {  	s1 =	sld [smem:$0x3F95];
	s0 =	simm.s32 @p0 $0x1  }
0x13: {  	[smem:$0x3FB0] =	sst s0;
	s0 =	simm.s32 @!p1 $0x0  }
0x14: {  	s2 =	sld [smem:$0x3F94];
	s0 =	simm.s32 @p1 $0x1  }
0x15: {  	[smem:$0x3FB1] =	sst s0;
	s0 =	simm.s32 @!p2 $0x0  }
0x16: {  	s3 =	sld [smem:$0x3FDB];
	s0 =	simm.s32 @p2 $0x1  }
0x17: {  	s4 =	simm.s32 $0x1BF5;
	[smem:$0x3FB3] =	sst s0  }
0x18: {  	s0 =	sld [smem:$0x3F96];
	_ =	swait.ge [sflag:s4], $0x0  }
0x19: {  	s7 =	sld [smem:$0x3F97]  }
0x1a: {  	s8 =	sadd.s32 $0xFFFFE003, lr  }
0x1b: {  	s9 =	sadd.s32 $0xFFFFFEF7, lr;
	s5 =	simm.s32 $0xFFFFFFFF;
	p2 =	slt.u32 s8, $0xFFFFF086  }
0x1c: {  	p1 =	slt.u32 s9, $0xF7A;
	s5 =	simm.s32 @!p2 $0x0  }
0x1d: {  	s5 =	simm.s32 @p1 $0x1;
	p0 =	seq.s32 s7, s2  }
0x1e: {  	s7 =	smul.u32 @!p0 $0xF7A, s2;
	p2 =	seq.s32 @!p0 s5, $0x0  }
0x1f: {  	s9 =	smul.u32 $0xF7A, s1;
	s8 =	simm.s32 @!p0 $0x1BF5;
	p2 =	por !p2, p0  }
0x20: {  	[sflag:s8] =	ssyncset.s32 @!p0 $0xFFFFF086;
	s6 =	sadd.s32 @!p0 s3, s7;
	s7 =	simm.s32 @!p0 $0x108  }
0x21: {  	s3 =	sadd.s32 s3, s9;
	s6 =	sadd.s32 @!p0 $0x88, s6;
	s7 =	simm.s32 @p2 $0x1082  }
0x22: {  	[simem:s7], [sflag:s8] =	dma.local @!p0 [hbm:s6], $0xF7A  }
0x23: {  	s9 =	sor.u32 $0xD0000000, s2;
	s6 =	simm.s32 $0x108;
	_ =	swait.ge @!p0 [sflag:s8], $0x0  }
0x24: {  	s3 =	sadd.s32 $0x88, s3;
	s6 =	simm.s32 @!p1 $0x1082;
	[sflag:s4] =	ssyncset.s32 $0xFFFFF086  }
0x25: {  	[simem:s6], [sflag:s4] =	dma.local [hbm:s3], $0xF7A  }
0x26: {  	[smem:$0x3F97] =	sst s1;
	(tag) =	ssettag s2;
	_ =	strace s9  }
0x27: {  	s1 =	sld [smem:$0x3FA7]  }
0x28: {  	s2 =	sld [smem:$0x3FA8]  }
0x29: {  	s4 =	sld [smem:$0x3FAA]  }
0x2a: {  	p0 =	seq.s32 s5, $0x0;
	s5 =	sld [smem:$0x3FAB]  }
0x2b: {  	s6 =	sld [smem:$0x3FAC]  }
0x2c: {  	s7 =	sld [smem:$0x3FAD]  }
0x2d: {  	s3 =	simm.s32 $0x108;
	s8 =	sld [smem:$0x3FAE]  }
0x2e: {  	s3 =	simm.s32 @!p0 $0x1082;
	s9 =	sld [smem:$0x3FAF]  }
0x2f: {  	lr =	sadd.s32 s0, s3;
	s0 =	sld [smem:$0x3FA6]  }
0x30: {  	s3 =	sld [smem:$0x3FA9]  }
0x31: {  	[smem:$0x3FB2] =	sst s10  }
0x32: {  	s10 =	sld [smem:$0x3FB0];
	_ =	sdelay $0x3  }
0x33: {  	p0 =	seq.s32 s10, $0x1;
	s10 =	sld [smem:$0x3FB2];
	_ =	sdelay $0x3  }
0x34: {  	[smem:$0x3FB2] =	sst s10  }
0x35: {  	s10 =	sld [smem:$0x3FB1];
	_ =	sdelay $0x3  }
0x36: {  	p1 =	seq.s32 s10, $0x1;
	s10 =	sld [smem:$0x3FB2];
	_ =	sdelay $0x3  }
0x37: {  	[smem:$0x3FB2] =	sst s10  }
0x38: {  	s10 =	sld [smem:$0x3FB3]  }
0x39: {  	_ = 	snop;
	(pc) =	sbr.ind lr, $3  }
0x3a: {  	_ = 	snop  }
0x3b: {  	_ = 	snop  }
0x3c: {  	p2 =	seq.s32 s10, $0x1;
	s10 =	sld [smem:$0x3FB2]  }
0x3d: {  	_ =	shalt  }
0x3e: {  	_ =	shalt  }
0x3f: {  	_ =	shalt  }
0x40: {  	_ =	shalt  }
0x41: {  	_ =	shalt  }
0x42: {  	_ =	shalt  }
0x43: {  	_ =	shalt  }
0x44: {  	_ =	shalt  }
0x45: {  	_ =	shalt  }
0x46: {  	_ =	shalt  }
0x47: {  	_ =	shalt  }
0x48: {  	_ =	shalt  }
0x49: {  	_ =	shalt  }
0x4a: {  	_ =	shalt  }
0x4b: {  	_ =	shalt  }
0x4c: {  	_ =	shalt  }
0x4d: {  	_ =	shalt  }
0x4e: {  	_ =	shalt  }
0x4f: {  	_ =	shalt  }
0x50: {  	_ =	shalt  }
0x51: {  	_ =	shalt  }
0x52: {  	_ =	shalt  }
0x53: {  	_ =	shalt  }
0x54: {  	_ =	shalt  }
0x55: {  	_ =	shalt  }
0x56: {  	_ =	shalt  }
0x57: {  	_ =	shalt  }
0x58: {  	_ =	shalt  }
0x59: {  	_ =	shalt  }
0x5a: {  	_ =	shalt  }
0x5b: {  	_ =	shalt  }
0x5c: {  	_ =	shalt  }
0x5d: {  	_ =	shalt  }
0x5e: {  	_ =	shalt  }
0x5f: {  	_ =	shalt  }
0x60: {  	_ =	shalt  }
0x61: {  	_ =	shalt  }
0x62: {  	_ =	shalt  }
0x63: {  	_ =	shalt  }
0x64: {  	_ =	shalt  }
0x65: {  	_ =	shalt  }
0x66: {  	_ =	shalt  }
0x67: {  	_ =	shalt  }
0x68: {  	_ =	shalt  }
0x69: {  	_ =	shalt  }
0x6a: {  	_ =	shalt  }
0x6b: {  	_ =	shalt  }
0x6c: {  	_ =	shalt  }
0x6d: {  	_ =	shalt  }
0x6e: {  	_ =	shalt  }
0x6f: {  	_ =	shalt  }
0x70: {  	_ =	shalt  }
0x71: {  	_ =	shalt  }
0x72: {  	_ =	shalt  }
0x73: {  	_ =	shalt  }
0x74: {  	_ =	shalt  }
0x75: {  	_ =	shalt  }
0x76: {  	_ =	shalt  }
0x77: {  	_ =	shalt  }
0x78: {  	_ =	shalt  }
0x79: {  	_ =	shalt  }
0x7a: {  	_ =	shalt  }
0x7b: {  	_ =	shalt  }
0x7c: {  	_ =	shalt  }
0x7d: {  	_ =	shalt  }
0x7e: {  	_ =	shalt  }
0x7f: {  	_ =	shalt  }
0x80: {  	_ =	shalt  }
0x81: {  	_ =	shalt  }
0x82: {  	_ =	shalt  }
0x83: {  	_ =	shalt  }
0x84: {  	_ =	shalt  }
0x85: {  	_ =	shalt  }
0x86: {  	_ =	shalt  }
0x87: {  	_ =	shalt  }
.Lfunc_end0:
.L_simem_size_0:
called_computation.2_lowered:
.L_overlay_start_0:
0x88: {  	s2 =	sld [smem:$0x3FD9]  }
0x89: {  	s3 =	sld [smem:$0x3FFE];
	_ =	sdelay $0x1  }
0x8a: {  	s1 =	srdreg.scid  }
0x8b: {  	s0 =	sand.u32 $0x1, s1  }
0x8c: {  	s17 =	sshll.u32 s0, $0xA;
	s2 =	sadd.s32 s3, s2  }
0x8d: {  	s2 =	sadd.s32 s2, s17  }
0x8e: {  	[smem:$0x3FBE] =	sst s2  }
0x8f: {  	_ = 	snop  }
0x90: {  	s2 =	sld [smem:$0x3FD0];
	(tm) =	ssettm $0x1  }
0x91: {  	s18 =	sld [smem:$0x3FFB];
	_ =	sdelay $0x3  }
0x92: {  	_ =	strace s18  }
0x93: {  	s3 =	sld [smem:$0x3FFC];
	_ =	sdelay $0x3  }
0x94: {  	_ =	strace s3  }
0x95: {  	s3 =	sld [smem:$0x3FFD];
	_ =	sdelay $0x3  }
0x96: {  	_ =	strace s3  }
0x97: {  	_ =	strace $0x8FFFFFFF  }
0x98: {  	s19 =	sld [smem:$0x3FDB];
	_ =	sdelay $0x1  }
0x99: {  	s4 =	simm.s32 $_scs_section_size  }
0x9a: {  	s5 =	simm.s32 $_size__tile_overlayer_lowered;
	s6 =	simm.s32 $_tile_overlayer_lowered  }
0x9b: {  	s22 =	simm.s32 $0x1BFF;
	s21 =	sshll.u32 s6, $0x1;
	s3 =	sadd.s32 s4, s19  }
0x9c: {  	s7 =	simm.s32 $0x0;
	s20 =	sshll.u32 s5, $0x1;
	s5 =	sadd.s32 s21, s3  }
0x9d: {  	[timem:s7], [sflag:s22] =	dma.local [hbm:s5], s20  }
0x9e: {  	_ =	swait.ge [sflag:s22], s20  }
0x9f: {  	s4 =	ssub.s32 $0x0, s20;
	[sflag:s22] =	ssyncset.done $0x0  }
0xa0: {  	[sflag:s22] =	ssyncadd.s32 s4;
	_ =	sdelay $0x1  }
0xa1: {  	s23 =	simm.s32 $0x1B8B  }
0xa2: {  	_ =	swait.ge [sflag:s23], $0x1  }
0xa3: {  	[sflag:s23] =	ssyncset.done $0x0  }
0xa4: {  	s25 =	simm.s32 $0x1B8E;
	s24 =	sld [smem:$0x3FFE];
	[sflag:s23] =	ssyncadd.s32 $0xFFFFFFFF  }
0xa5: {  	s26 =	simm.s32 $execute0_lowered;
	[smem:$0x3FD2] =	sst s25  }
0xa6: {  	s5 =	sshll.u32 s26, $0x1;
	_ =	strace $0x8000004C;
	[dreg:$0x1] =	wrdreg $0xFFFFFFFF  }
0xa7: {  	s28 =	simm.s32 $_size_execute0_lowered;
	s3 =	sadd.s32 s3, s5;
	[dreg:$0x0] =	wrdreg $0x0  }
0xa8: {  	s5 =	sshll.u32 s28, $0x1;
	[dreg:$0x2] =	wrdreg s3  }
0xa9: {  	[dreg:$0x3] =	wrdreg s5  }
0xaa: {  	[dreg:$0x4] =	wrdreg $0xC0  }
0xab: {  	_ =	task [dreg:s7], $0x5FFFF  }
0xac: {  	[dreg:$0x1] =	wrdreg $0xFFFFFFFF  }
0xad: {  	[dreg:$0x0] =	wrdreg $0x60  }
0xae: {  	[dreg:$0x2] =	wrdreg s24  }
0xaf: {  	[dreg:$0x3] =	wrdreg s2  }
0xb0: {  	[dreg:$0x4] =	wrdreg $0x48000  }
0xb1: {  	[dreg:$0x5] =	wrdreg $0x9  }
0xb2: {  	_ =	task.clear_ibuf [dreg:s7], $0x6FFFF;
	_ =	strace $0x9000004C  }
0xb3: {  	s29 =	simm.s32 $0x9;
	_ =	strace $0x8000004E  }
0xb4: {  	_ =	swait.ge [sflag:s29], $0x1  }
0xb5: {  	[sflag:s29] =	ssyncadd.s32 $0xFFFFFFFF  }
0xb6: {  	_ =	strace $0x9000004E  }
0xb7: {  	_ =	sfence  }
0xb8: {  	s30 =	sld [smem:$0x0];
	_ =	sdelay $0x2  }
0xb9: {  	s31 =	sshll.u32 s1, $0xD;
	s1 =	sshrl.u32 s1, $0x2  }
0xba: {  	s3 =	sand.u32 $0x4000, s31;
	s1 =	sadd.s32 s1, s30  }
0xbb: {  	s0 =	sor.u32 s3, s0;
	s1 =	sshll.u32 s1, $0x11  }
0xbc: {  	s0 =	sor.u32 s1, s0  }
0xbd: {  	s0 =	sadd.s32 $0x8F2B, s0  }
0xbe: {  	[sflag:s0] =	ssyncadd.remote.s32 $0x1  }
0xbf: {  	_ =	sfence.sel $0xFFFF  }
0xc0: {  	[dreg:$0x0] =	wrdreg $0xFFFFFFFF;
	(pc) =	sbr.abs _section_cstart, $3  }
0xc1: {  	[dreg:$0x1] =	wrdreg $0xFFFFFFFF  }
0xc2: {  	_ =	task.clear_ibuf [dreg:s7], $0x2FFFF;
	_ =	strace $0x9FFFFFFF  }
0xc3: {  	(tm) =	ssettm $0x7FFFFFFF  }
tec
execute0_lowered:
.L_overlay_start_1:
0x0: {  	(tag) =	ssettag $0x1  }
0x1: {  	s0 =	rddreg [dreg:$0x0]  }
0x2: {  	s1 =	rddreg [dreg:$0x1]  }
0x3: {  	s2 =	rddreg [dreg:$0x2]  }
0x4: {  	s10 =	stileid.u32;
	s24 =	simm.s32 $0x0;
	s4 =	srdreg.scid  }
0x5: {  	s13 =	simm.s32 $0x3;
	s14 =	simm.s32 $0x400;
	s15 =	simm.s32 $0x80  }
0x6: {  	s16 =	simm.s32 $0x800;
	s17 =	simm.s32 $0x1;
	s18 =	simm.s32 $0x1800  }
0x7: {  	s19 =	simm.s32 $0x2800;
	s20 =	simm.s32 $0x100;
	s28 =	simm.s32 $0x580  }
0x8: {  	s29 =	simm.s32 $0x280;
	s30 =	simm.s32 $0x600;
	s3 =	smul.u32 $0x580, s10  }
0x9: {  	s31 =	simm.s32 $0x300;
	[smem:$0x7FF] =	sst s24;
	s5 =	smul.u32 $0x480, s10  }
0xa: {  	s6 =	sand.u32 $0x1, s4;
	s4 =	sadd.s32 $0x2C00, s0;
	s9 =	smul.u32 $0x9E00, s10  }
0xb: {  	s22 =	sshll.u32 s10, $0x6;
	_ =	strace $0x8000004D;
	s7 =	smul.u32 $0x13C00, s6  }
0xc: {  	s8 =	ssub.s32 $0x2, s6;
	p0 =	seq.s32 s6, $0x1;
	s3 =	sadd.s32 s3, s0  }
0xd: {  	s5 =	sadd.s32 s5, s0;
	s21 =	sshrl.u32 s8, $0x1;
	s11 =	sshrl.u32 s9, $0x3  }
0xe: {  	s12 =	sadd.s32 s9, s2;
	s0 =	sadd.s32 s7, s0;
	s7 =	ssub.s32 s8, s21  }
0xf: {  	s1 =	sadd.s32 s1, s11;
	s8 =	sor.u32 $0x1C03, s22;
	s23 =	sadd.s32 $0x1B200, s3  }
0x10: {  	s25 =	sadd.s32 $0x15A00, s3;
	s9 =	sadd.s32 $0xCA00, s5;
	s10 =	sadd.s32 $0x11200, s5  }
0x11: {  	s6 =	sshrl.u32 s12, $0x3;
	s21 =	simm.s32 $0x2;
	[dreg:$0x5] =	wrdreg s1  }
0x12: {  	s22 =	simm.s32 $0x480;
	s5 =	simm.s32 $0x700;
	[dreg:$0x7] =	wrdreg s23  }
.Ltmp0:
0x13: {  	[dreg:$0x8] =	wrdreg s25;
	s0 =	sadd.s32 $0x96000, s0;
	(pc) =	sbr.rel .LBB2_1-.Ltmp0, $4  }
0x14: {  	s26 =	smax.u32 s7, $0x1;
	s23 =	simm.s32 $0x180;
	[dreg:$0x6] =	wrdreg s8  }
0x15: {  	s25 =	simm.s32 $0x500;
	s1 =	simm.s32 $0x380;
	[dreg:$0xa] =	wrdreg s6  }
0x16: {  	[dreg:$0x9] =	wrdreg s26;
	s0 =	sadd.s32 s11, s0;
	s26 =	simm.s32 $0x200  }
0x17: {  	s11 =	simm.s32 $0x780;
	[dreg:$0xb] =	wrdreg s0;
	s0 =	simm.s32 $0x680  }
.LBB2_36:
0x18: {  	[bflag:$0x0] =	sbarrier.arrive $0xFFFF  }
0x19: {  	s8 =	rddreg [dreg:$0x6]  }
0x1a: {  	s6 =	rddreg [dreg:$0xa]  }
0x1b: {  	s3 =	rddreg [dreg:$0xb]  }
0x1c: {  	[hbm:s3], [sflag:s8] =	dma.local [spmem:s6], $0x13C0  }
0x1d: {  	_ =	swait.ge [sflag:s13], $0x13C0  }
0x1e: {  	s24 =	rddreg [dreg:$0x4]  }
0x1f: {  	s12 =	rddreg [dreg:$0x9];
	s24 =	sadd.s32 $0x1, s24  }
0x20: {  	p1 =	sne.s32 s24, s12  }
.Ltmp1:
0x21: {  	_ = 	snop;
	(pc) =	sbr.rel @!p1 .LBB2_37-.Ltmp1, $3  }
0x22: {  	_ =	sdelay $0x1  }
0x23: {  	[sflag:s13] =	ssyncset.done $0x0  }
0x24: {  	[sflag:s13] =	ssyncadd.s32 $0xFFFFEC40  }
.LBB2_1:
0x25: {  	[dreg:$0x4] =	wrdreg s24  }
0x26: {  	s3 =	rddreg [dreg:$0x5]  }
0x27: {  	[spmem:s6], [sflag:s8] =	dma.local [hbm:s3], $0x13C0  }
.Ltmp2:
0x28: {  	_ =	swait.ge [sflag:s13], $0x13C0;
	(pc) =	sbr.rel @!p0 .LBB2_2-.Ltmp2, $4  }
0x29: {  	[sflag:s13] =	ssyncset.done $0x0  }
0x2a: {  	[sflag:s13] =	ssyncadd.s32 $0xFFFFEC40  }
0x2b: {  	[bflag:$0x0] =	sbarrier.arrive $0xFFFF  }
0x2c: {  	s24 =	simm.s32 $0x0;
	s6 =	simm.s32 $0x0  }
.LBB2_19:
0x2d: {  	s3 =	sshll.u32 s6, $0x7  }
0x2e: {  	s7 =	sadd.s32 s3, s9  }
0x2f: {  	[tilespmem:s24], [sflag:$0x3] =	stream.linear.gather [hbm4b:s7+s24], $0x400, $0x38;
	[tilespmem:$0xE600] =	vst v63  }
0x30: {  	_ =	swait.ge [sflag:s13], $0x400  }
0x31: {  	[sflag:s13] =	ssyncset.done $0x0  }
0x32: {  	s3 =	sadd.s32 s3, s10;
	[sflag:s13] =	ssyncadd.s32 $0xFFFFFC00  }
0x33: {  	[tilespmem:s14], [sflag:$0x3] =	stream.linear.gather [hbm4b:s3+s24], $0x400, $0x38;
	[tilespmem:$0xE600] =	vst v63  }
0x34: {  	_ =	swait.ge [sflag:s13], $0x400  }
0x35: {  	[sflag:s13] =	ssyncset.done $0x0  }
0x36: {  	[sflag:s13] =	ssyncadd.s32 $0xFFFFFC00  }
0x37: {  	[tilespmem:s16], [sflag:$0x1] =	stream.indirect.gather [hbm4b:s4+s15], $0x20, s24, s15, $0xb8;
	[tilespmem:$0xE600] =	vst v63  }
0x38: {  	_ =	swait.ge [sflag:s17], $0x1000  }
0x39: {  	[sflag:s17] =	ssyncset.done $0x0  }
0x3a: {  	s8 =	simm.s32 $0x0;
	[sflag:s17] =	ssyncadd.s32 $0xFFFFF000  }
0x3b: {  	[tilespmem:s18], [sflag:$0x1] =	stream.indirect.gather [hbm4b:s4+s15], $0x20, s15, s15, $0xb8;
	[tilespmem:$0xE600] =	vst v63  }
0x3c: {  	v0 =	vld [tilespmem:s8+$0x800];
	_ =	sdelay $0x4  }
0x3d: {  	s12 =	simm.s32 $0x2820;
	v1 =	vunpack.i.l.bf16.f32 v0  }
0x3e: {  	v0 =	vunpack.i.u.bf16.f32 v0;
	[tilespmem:s12+$0xFFFFFFE0] =	vst v1  }
0x3f: {  	[tilespmem:s12+$0x0] =	vst v0  }
0x40: {  	s7 =	simm.s32 $0x80;
	s3 =	simm.s32 $0x2820;
	v0 =	vld [tilespmem:s8+$0x810]  }
.LBB2_20:
0x41: {  	_ =	sdelay $0x2  }
0x42: {  	p1 =	sne.s32 s7, $0x3F80  }
0x43: {  	s12 =	sadd.s32 $0x40, s12;
	s8 =	smov.u32 s7;
	s7 =	sadd.s32 $0x80, s7;
	v1 =	vunpack.i.u.bf16.f32 v0;
	v0 =	vunpack.i.l.bf16.f32 v0  }
0x44: {  	[tilespmem:s3+$0xFFFFFFF0] =	vst v0  }
0x45: {  	s8 =	sshra.s32 s8, $0x2;
	[tilespmem:s3+$0x10] =	vst v1;
	s3 =	smov.u32 s12  }
0x46: {  	v0 =	vld [tilespmem:s8+$0x800];
	_ =	sdelay $0x3  }
.Ltmp3:
0x47: {  	(pc) =	sbr.rel @p1 .LBB2_20-.Ltmp3, $4  }
0x48: {  	v1 =	vunpack.i.u.bf16.f32 v0;
	v0 =	vunpack.i.l.bf16.f32 v0  }
0x49: {  	[tilespmem:s12+$0xFFFFFFE0] =	vst v0  }
0x4a: {  	[tilespmem:s12+$0x0] =	vst v1  }
0x4b: {  	v0 =	vld [tilespmem:s8+$0x810]  }
0x4c: {  	_ =	sdelay $0x3  }
0x4d: {  	v1 =	vunpack.i.l.bf16.f32 v0  }
0x4e: {  	v0 =	vunpack.i.u.bf16.f32 v0;
	[tilespmem:s3+$0xFFFFFFF0] =	vst v1  }
0x4f: {  	[tilespmem:s3+$0x10] =	vst v0  }
0x50: {  	[spmem:s2] =	stream.indirect.scatter.add.f32 [tilespmem:s19], [sflag:$0x2], $0x40, s14, s15, $0xb8;
	[tilespmem:$0xE600] =	vst v63  }
0x51: {  	_ =	swait.ge [sflag:s17], $0x1000  }
0x52: {  	[sflag:s17] =	ssyncset.done $0x0  }
0x53: {  	[sflag:s17] =	ssyncadd.s32 $0xFFFFF000  }
0x54: {  	[tilespmem:s16], [sflag:$0x1] =	stream.indirect.gather [hbm4b:s4+s15], $0x20, s20, s15, $0xb8;
	[tilespmem:$0xE600] =	vst v63  }
0x55: {  	_ =	swait.ge [sflag:s21], $0x2000  }
0x56: {  	[sflag:s21] =	ssyncset.done $0x0  }
0x57: {  	s8 =	simm.s32 $0x0;
	[sflag:s21] =	ssyncadd.s32 $0xFFFFE000  }
0x58: {  	v0 =	vld [tilespmem:s8+$0x1800];
	_ =	sdelay $0x4  }
0x59: {  	s12 =	simm.s32 $0x2820;
	v1 =	vunpack.i.l.bf16.f32 v0  }
0x5a: {  	v0 =	vunpack.i.u.bf16.f32 v0;
	[tilespmem:s12+$0xFFFFFFE0] =	vst v1  }
0x5b: {  	[tilespmem:s12+$0x0] =	vst v0  }
0x5c: {  	s7 =	simm.s32 $0x80;
	s3 =	simm.s32 $0x2820;
	v0 =	vld [tilespmem:s8+$0x1810]  }
.LBB2_22:
0x5d: {  	_ =	sdelay $0x2  }
0x5e: {  	p1 =	sne.s32 s7, $0x3F80  }
0x5f: {  	s12 =	sadd.s32 $0x40, s12;
	s8 =	smov.u32 s7;
	s7 =	sadd.s32 $0x80, s7;
	v1 =	vunpack.i.u.bf16.f32 v0;
	v0 =	vunpack.i.l.bf16.f32 v0  }
0x60: {  	[tilespmem:s3+$0xFFFFFFF0] =	vst v0  }
0x61: {  	s8 =	sshra.s32 s8, $0x2;
	[tilespmem:s3+$0x10] =	vst v1;
	s3 =	smov.u32 s12  }
0x62: {  	v0 =	vld [tilespmem:s8+$0x1800];
	_ =	sdelay $0x3  }
.Ltmp4:
0x63: {  	(pc) =	sbr.rel @p1 .LBB2_22-.Ltmp4, $4  }
0x64: {  	v1 =	vunpack.i.u.bf16.f32 v0;
	v0 =	vunpack.i.l.bf16.f32 v0  }
0x65: {  	[tilespmem:s12+$0xFFFFFFE0] =	vst v0  }
0x66: {  	[tilespmem:s12+$0x0] =	vst v1  }
0x67: {  	v0 =	vld [tilespmem:s8+$0x1810]  }
0x68: {  	_ =	sdelay $0x3  }
0x69: {  	v1 =	vunpack.i.l.bf16.f32 v0  }
0x6a: {  	v0 =	vunpack.i.u.bf16.f32 v0;
	[tilespmem:s3+$0xFFFFFFF0] =	vst v1  }
0x6b: {  	[tilespmem:s3+$0x10] =	vst v0  }
0x6c: {  	[spmem:s2] =	stream.indirect.scatter.add.f32 [tilespmem:s19], [sflag:$0x2], $0x40, s22, s15, $0xb8;
	[tilespmem:$0xE600] =	vst v63  }
0x6d: {  	_ =	swait.ge [sflag:s17], $0x1000  }
0x6e: {  	[sflag:s17] =	ssyncset.done $0x0  }
0x6f: {  	[sflag:s17] =	ssyncadd.s32 $0xFFFFF000  }
0x70: {  	[tilespmem:s18], [sflag:$0x1] =	stream.indirect.gather [hbm4b:s4+s15], $0x20, s23, s15, $0xb8;
	[tilespmem:$0xE600] =	vst v63  }
0x71: {  	_ =	swait.ge [sflag:s21], $0x2000  }
0x72: {  	[sflag:s21] =	ssyncset.done $0x0  }
0x73: {  	s8 =	simm.s32 $0x0;
	[sflag:s21] =	ssyncadd.s32 $0xFFFFE000  }
0x74: {  	v0 =	vld [tilespmem:s8+$0x800];
	_ =	sdelay $0x4  }
0x75: {  	s12 =	simm.s32 $0x2820;
	v1 =	vunpack.i.l.bf16.f32 v0  }
0x76: {  	v0 =	vunpack.i.u.bf16.f32 v0;
	[tilespmem:s12+$0xFFFFFFE0] =	vst v1  }
0x77: {  	[tilespmem:s12+$0x0] =	vst v0  }
0x78: {  	s7 =	simm.s32 $0x80;
	s3 =	simm.s32 $0x2820;
	v0 =	vld [tilespmem:s8+$0x810]  }
.LBB2_24:
0x79: {  	_ =	sdelay $0x2  }
0x7a: {  	p1 =	sne.s32 s7, $0x3F80  }
0x7b: {  	s12 =	sadd.s32 $0x40, s12;
	s8 =	smov.u32 s7;
	s7 =	sadd.s32 $0x80, s7;
	v1 =	vunpack.i.u.bf16.f32 v0;
	v0 =	vunpack.i.l.bf16.f32 v0  }
0x7c: {  	[tilespmem:s3+$0xFFFFFFF0] =	vst v0  }
0x7d: {  	s8 =	sshra.s32 s8, $0x2;
	[tilespmem:s3+$0x10] =	vst v1;
	s3 =	smov.u32 s12  }
0x7e: {  	v0 =	vld [tilespmem:s8+$0x800];
	_ =	sdelay $0x3  }
.Ltmp5:
0x7f: {  	(pc) =	sbr.rel @p1 .LBB2_24-.Ltmp5, $4  }
0x80: {  	v1 =	vunpack.i.u.bf16.f32 v0;
	v0 =	vunpack.i.l.bf16.f32 v0  }
0x81: {  	[tilespmem:s12+$0xFFFFFFE0] =	vst v0  }
0x82: {  	[tilespmem:s12+$0x0] =	vst v1  }
0x83: {  	v0 =	vld [tilespmem:s8+$0x810]  }
0x84: {  	_ =	sdelay $0x3  }
0x85: {  	v1 =	vunpack.i.l.bf16.f32 v0  }
0x86: {  	v0 =	vunpack.i.u.bf16.f32 v0;
	[tilespmem:s3+$0xFFFFFFF0] =	vst v1  }
0x87: {  	[tilespmem:s3+$0x10] =	vst v0  }
0x88: {  	[spmem:s2] =	stream.indirect.scatter.add.f32 [tilespmem:s19], [sflag:$0x2], $0x40, s25, s15, $0xb8;
	[tilespmem:$0xE600] =	vst v63  }
0x89: {  	_ =	swait.ge [sflag:s17], $0x1000  }
0x8a: {  	[sflag:s17] =	ssyncset.done $0x0  }
0x8b: {  	[sflag:s17] =	ssyncadd.s32 $0xFFFFF000  }
0x8c: {  	[tilespmem:s16], [sflag:$0x1] =	stream.indirect.gather [hbm4b:s4+s15], $0x20, s26, s15, $0xb8;
	[tilespmem:$0xE600] =	vst v63  }
0x8d: {  	_ =	swait.ge [sflag:s21], $0x2000  }
0x8e: {  	[sflag:s21] =	ssyncset.done $0x0  }
0x8f: {  	s8 =	simm.s32 $0x0;
	[sflag:s21] =	ssyncadd.s32 $0xFFFFE000  }
0x90: {  	v0 =	vld [tilespmem:s8+$0x1800];
	_ =	sdelay $0x4  }
0x91: {  	s12 =	simm.s32 $0x2820;
	v1 =	vunpack.i.l.bf16.f32 v0  }
0x92: {  	v0 =	vunpack.i.u.bf16.f32 v0;
	[tilespmem:s12+$0xFFFFFFE0] =	vst v1  }
0x93: {  	[tilespmem:s12+$0x0] =	vst v0  }
0x94: {  	s7 =	simm.s32 $0x80;
	s3 =	simm.s32 $0x2820;
	v0 =	vld [tilespmem:s8+$0x1810]  }
.LBB2_26:
0x95: {  	_ =	sdelay $0x2  }
0x96: {  	p1 =	sne.s32 s7, $0x3F80  }
0x97: {  	s12 =	sadd.s32 $0x40, s12;
	s8 =	smov.u32 s7;
	s7 =	sadd.s32 $0x80, s7;
	v1 =	vunpack.i.u.bf16.f32 v0;
	v0 =	vunpack.i.l.bf16.f32 v0  }
0x98: {  	[tilespmem:s3+$0xFFFFFFF0] =	vst v0  }
0x99: {  	s8 =	sshra.s32 s8, $0x2;
	[tilespmem:s3+$0x10] =	vst v1;
	s3 =	smov.u32 s12  }
0x9a: {  	v0 =	vld [tilespmem:s8+$0x1800];
	_ =	sdelay $0x3  }
.Ltmp6:
0x9b: {  	(pc) =	sbr.rel @p1 .LBB2_26-.Ltmp6, $4  }
0x9c: {  	v1 =	vunpack.i.u.bf16.f32 v0;
	v0 =	vunpack.i.l.bf16.f32 v0  }
0x9d: {  	[tilespmem:s12+$0xFFFFFFE0] =	vst v0  }
0x9e: {  	[tilespmem:s12+$0x0] =	vst v1  }
0x9f: {  	v0 =	vld [tilespmem:s8+$0x1810]  }
0xa0: {  	_ =	sdelay $0x3  }
0xa1: {  	v1 =	vunpack.i.l.bf16.f32 v0  }
0xa2: {  	v0 =	vunpack.i.u.bf16.f32 v0;
	[tilespmem:s3+$0xFFFFFFF0] =	vst v1  }
0xa3: {  	[tilespmem:s3+$0x10] =	vst v0  }
0xa4: {  	[spmem:s2] =	stream.indirect.scatter.add.f32 [tilespmem:s19], [sflag:$0x2], $0x40, s28, s15, $0xb8;
	[tilespmem:$0xE600] =	vst v63  }
0xa5: {  	_ =	swait.ge [sflag:s17], $0x1000  }
0xa6: {  	[sflag:s17] =	ssyncset.done $0x0  }
0xa7: {  	[sflag:s17] =	ssyncadd.s32 $0xFFFFF000  }
0xa8: {  	[tilespmem:s18], [sflag:$0x1] =	stream.indirect.gather [hbm4b:s4+s15], $0x20, s29, s15, $0xb8;
	[tilespmem:$0xE600] =	vst v63  }
0xa9: {  	_ =	swait.ge [sflag:s21], $0x2000  }
0xaa: {  	[sflag:s21] =	ssyncset.done $0x0  }
0xab: {  	s8 =	simm.s32 $0x0;
	[sflag:s21] =	ssyncadd.s32 $0xFFFFE000  }
0xac: {  	v0 =	vld [tilespmem:s8+$0x800];
	_ =	sdelay $0x4  }
0xad: {  	s12 =	simm.s32 $0x2820;
	v1 =	vunpack.i.l.bf16.f32 v0  }
0xae: {  	v0 =	vunpack.i.u.bf16.f32 v0;
	[tilespmem:s12+$0xFFFFFFE0] =	vst v1  }
0xaf: {  	[tilespmem:s12+$0x0] =	vst v0  }
0xb0: {  	s7 =	simm.s32 $0x80;
	s3 =	simm.s32 $0x2820;
	v0 =	vld [tilespmem:s8+$0x810]  }
.LBB2_28:
0xb1: {  	_ =	sdelay $0x2  }
0xb2: {  	p1 =	sne.s32 s7, $0x3F80  }
0xb3: {  	s12 =	sadd.s32 $0x40, s12;
	s8 =	smov.u32 s7;
	s7 =	sadd.s32 $0x80, s7;
	v1 =	vunpack.i.u.bf16.f32 v0;
	v0 =	vunpack.i.l.bf16.f32 v0  }
0xb4: {  	[tilespmem:s3+$0xFFFFFFF0] =	vst v0  }
0xb5: {  	s8 =	sshra.s32 s8, $0x2;
	[tilespmem:s3+$0x10] =	vst v1;
	s3 =	smov.u32 s12  }
0xb6: {  	v0 =	vld [tilespmem:s8+$0x800];
	_ =	sdelay $0x3  }
.Ltmp7:
0xb7: {  	(pc) =	sbr.rel @p1 .LBB2_28-.Ltmp7, $4  }
0xb8: {  	v1 =	vunpack.i.u.bf16.f32 v0;
	v0 =	vunpack.i.l.bf16.f32 v0  }
0xb9: {  	[tilespmem:s12+$0xFFFFFFE0] =	vst v0  }
0xba: {  	[tilespmem:s12+$0x0] =	vst v1  }
0xbb: {  	v0 =	vld [tilespmem:s8+$0x810]  }
0xbc: {  	_ =	sdelay $0x3  }
0xbd: {  	v1 =	vunpack.i.l.bf16.f32 v0  }
0xbe: {  	v0 =	vunpack.i.u.bf16.f32 v0;
	[tilespmem:s3+$0xFFFFFFF0] =	vst v1  }
0xbf: {  	[tilespmem:s3+$0x10] =	vst v0  }
0xc0: {  	[spmem:s2] =	stream.indirect.scatter.add.f32 [tilespmem:s19], [sflag:$0x2], $0x40, s30, s15, $0xb8;
	[tilespmem:$0xE600] =	vst v63  }
0xc1: {  	_ =	swait.ge [sflag:s17], $0x1000  }
0xc2: {  	[sflag:s17] =	ssyncset.done $0x0  }
0xc3: {  	[sflag:s17] =	ssyncadd.s32 $0xFFFFF000  }
0xc4: {  	[tilespmem:s16], [sflag:$0x1] =	stream.indirect.gather [hbm4b:s4+s15], $0x20, s31, s15, $0xb8;
	[tilespmem:$0xE600] =	vst v63  }
0xc5: {  	_ =	swait.ge [sflag:s21], $0x2000  }
0xc6: {  	[sflag:s21] =	ssyncset.done $0x0  }
0xc7: {  	s8 =	simm.s32 $0x0;
	[sflag:s21] =	ssyncadd.s32 $0xFFFFE000  }
0xc8: {  	v0 =	vld [tilespmem:s8+$0x1800];
	_ =	sdelay $0x4  }
0xc9: {  	s12 =	simm.s32 $0x2820;
	v1 =	vunpack.i.l.bf16.f32 v0  }
0xca: {  	v0 =	vunpack.i.u.bf16.f32 v0;
	[tilespmem:s12+$0xFFFFFFE0] =	vst v1  }
0xcb: {  	[tilespmem:s12+$0x0] =	vst v0  }
0xcc: {  	s7 =	simm.s32 $0x80;
	s3 =	simm.s32 $0x2820;
	v0 =	vld [tilespmem:s8+$0x1810]  }
.LBB2_30:
0xcd: {  	_ =	sdelay $0x2  }
0xce: {  	p1 =	sne.s32 s7, $0x3F80  }
0xcf: {  	s12 =	sadd.s32 $0x40, s12;
	s8 =	smov.u32 s7;
	s7 =	sadd.s32 $0x80, s7;
	v1 =	vunpack.i.u.bf16.f32 v0;
	v0 =	vunpack.i.l.bf16.f32 v0  }
0xd0: {  	[tilespmem:s3+$0xFFFFFFF0] =	vst v0  }
0xd1: {  	s8 =	sshra.s32 s8, $0x2;
	[tilespmem:s3+$0x10] =	vst v1;
	s3 =	smov.u32 s12  }
0xd2: {  	v0 =	vld [tilespmem:s8+$0x1800];
	_ =	sdelay $0x3  }
.Ltmp8:
0xd3: {  	(pc) =	sbr.rel @p1 .LBB2_30-.Ltmp8, $4  }
0xd4: {  	v1 =	vunpack.i.u.bf16.f32 v0;
	v0 =	vunpack.i.l.bf16.f32 v0  }
0xd5: {  	[tilespmem:s12+$0xFFFFFFE0] =	vst v0  }
0xd6: {  	[tilespmem:s12+$0x0] =	vst v1  }
0xd7: {  	v0 =	vld [tilespmem:s8+$0x1810]  }
0xd8: {  	_ =	sdelay $0x3  }
0xd9: {  	v1 =	vunpack.i.l.bf16.f32 v0  }
0xda: {  	v0 =	vunpack.i.u.bf16.f32 v0;
	[tilespmem:s3+$0xFFFFFFF0] =	vst v1  }
0xdb: {  	[tilespmem:s3+$0x10] =	vst v0  }
0xdc: {  	[spmem:s2] =	stream.indirect.scatter.add.f32 [tilespmem:s19], [sflag:$0x2], $0x40, s0, s15, $0xb8;
	[tilespmem:$0xE600] =	vst v63  }
0xdd: {  	_ =	swait.ge [sflag:s17], $0x1000  }
0xde: {  	[sflag:s17] =	ssyncset.done $0x0  }
0xdf: {  	[sflag:s17] =	ssyncadd.s32 $0xFFFFF000  }
0xe0: {  	[tilespmem:s18], [sflag:$0x1] =	stream.indirect.gather [hbm4b:s4+s15], $0x20, s1, s15, $0xb8;
	[tilespmem:$0xE600] =	vst v63  }
0xe1: {  	_ =	swait.ge [sflag:s21], $0x2000  }
0xe2: {  	[sflag:s21] =	ssyncset.done $0x0  }
0xe3: {  	s8 =	simm.s32 $0x0;
	[sflag:s21] =	ssyncadd.s32 $0xFFFFE000  }
0xe4: {  	v0 =	vld [tilespmem:s8+$0x800];
	_ =	sdelay $0x4  }
0xe5: {  	s12 =	simm.s32 $0x2820;
	v1 =	vunpack.i.l.bf16.f32 v0  }
0xe6: {  	v0 =	vunpack.i.u.bf16.f32 v0;
	[tilespmem:s12+$0xFFFFFFE0] =	vst v1  }
0xe7: {  	[tilespmem:s12+$0x0] =	vst v0  }
0xe8: {  	s7 =	simm.s32 $0x80;
	s3 =	simm.s32 $0x2820;
	v0 =	vld [tilespmem:s8+$0x810]  }
.LBB2_32:
0xe9: {  	_ =	sdelay $0x2  }
0xea: {  	p1 =	sne.s32 s7, $0x3F80  }
0xeb: {  	s12 =	sadd.s32 $0x40, s12;
	s8 =	smov.u32 s7;
	s7 =	sadd.s32 $0x80, s7;
	v1 =	vunpack.i.u.bf16.f32 v0;
	v0 =	vunpack.i.l.bf16.f32 v0  }
0xec: {  	[tilespmem:s3+$0xFFFFFFF0] =	vst v0  }
0xed: {  	s8 =	sshra.s32 s8, $0x2;
	[tilespmem:s3+$0x10] =	vst v1;
	s3 =	smov.u32 s12  }
0xee: {  	v0 =	vld [tilespmem:s8+$0x800];
	_ =	sdelay $0x3  }
.Ltmp9:
0xef: {  	(pc) =	sbr.rel @p1 .LBB2_32-.Ltmp9, $4  }
0xf0: {  	v1 =	vunpack.i.u.bf16.f32 v0;
	v0 =	vunpack.i.l.bf16.f32 v0  }
0xf1: {  	[tilespmem:s12+$0xFFFFFFE0] =	vst v0  }
0xf2: {  	[tilespmem:s12+$0x0] =	vst v1  }
0xf3: {  	v0 =	vld [tilespmem:s8+$0x810]  }
0xf4: {  	_ =	sdelay $0x3  }
0xf5: {  	v1 =	vunpack.i.l.bf16.f32 v0  }
0xf6: {  	v0 =	vunpack.i.u.bf16.f32 v0;
	[tilespmem:s3+$0xFFFFFFF0] =	vst v1  }
0xf7: {  	[tilespmem:s3+$0x10] =	vst v0  }
0xf8: {  	[spmem:s2] =	stream.indirect.scatter.add.f32 [tilespmem:s19], [sflag:$0x2], $0x40, s5, s15, $0xb8;
	[tilespmem:$0xE600] =	vst v63  }
0xf9: {  	_ =	swait.ge [sflag:s17], $0x1000  }
0xfa: {  	[sflag:s17] =	ssyncset.done $0x0  }
0xfb: {  	[sflag:s17] =	ssyncadd.s32 $0xFFFFF000  }
0xfc: {  	_ =	swait.ge [sflag:s21], $0x2000  }
0xfd: {  	[sflag:s21] =	ssyncset.done $0x0  }
0xfe: {  	s8 =	simm.s32 $0x0;
	[sflag:s21] =	ssyncadd.s32 $0xFFFFE000  }
0xff: {  	v0 =	vld [tilespmem:s8+$0x1800];
	_ =	sdelay $0x4  }
0x100: {  	s12 =	simm.s32 $0x2820;
	v1 =	vunpack.i.l.bf16.f32 v0  }
0x101: {  	v0 =	vunpack.i.u.bf16.f32 v0;
	[tilespmem:s12+$0xFFFFFFE0] =	vst v1  }
0x102: {  	[tilespmem:s12+$0x0] =	vst v0  }
0x103: {  	s7 =	simm.s32 $0x80;
	s3 =	simm.s32 $0x2820;
	v0 =	vld [tilespmem:s8+$0x1810]  }
.LBB2_34:
0x104: {  	_ =	sdelay $0x2  }
0x105: {  	p1 =	sne.s32 s7, $0x3F80  }
0x106: {  	s12 =	sadd.s32 $0x40, s12;
	s8 =	smov.u32 s7;
	s7 =	sadd.s32 $0x80, s7;
	v1 =	vunpack.i.u.bf16.f32 v0;
	v0 =	vunpack.i.l.bf16.f32 v0  }
0x107: {  	[tilespmem:s3+$0xFFFFFFF0] =	vst v0  }
0x108: {  	s8 =	sshra.s32 s8, $0x2;
	[tilespmem:s3+$0x10] =	vst v1;
	s3 =	smov.u32 s12  }
0x109: {  	v0 =	vld [tilespmem:s8+$0x1800];
	_ =	sdelay $0x3  }
.Ltmp10:
0x10a: {  	(pc) =	sbr.rel @p1 .LBB2_34-.Ltmp10, $4  }
0x10b: {  	v1 =	vunpack.i.u.bf16.f32 v0;
	v0 =	vunpack.i.l.bf16.f32 v0  }
0x10c: {  	[tilespmem:s12+$0xFFFFFFE0] =	vst v0  }
0x10d: {  	[tilespmem:s12+$0x0] =	vst v1  }
0x10e: {  	v0 =	vld [tilespmem:s8+$0x1810]  }
0x10f: {  	_ =	sdelay $0x3  }
0x110: {  	v1 =	vunpack.i.l.bf16.f32 v0  }
0x111: {  	s6 =	sadd.s32 $0x1, s6;
	v63 =	vunpack.i.u.bf16.f32 v0;
	[tilespmem:s3+$0xFFFFFFF0] =	vst v1  }
0x112: {  	p1 =	sne.s32 s6, $0x9;
	[tilespmem:s3+$0x10] =	vst v63  }
0x113: {  	[spmem:s2] =	stream.indirect.scatter.add.f32 [tilespmem:s19], [sflag:$0x2], $0x40, s11, s15, $0xb8;
	[tilespmem:$0xE600] =	vst v63  }
.Ltmp11:
0x114: {  	_ = 	snop;
	(pc) =	sbr.rel @p1 .LBB2_19-.Ltmp11, $4  }
.Ltmp12:
0x115: {  	_ = 	snop;
	(pc) =	sbr.rel @!p1 .LBB2_36-.Ltmp12, $4  }
0x116: {  	_ =	swait.ge [sflag:s21], $0x2000  }
0x117: {  	[sflag:s21] =	ssyncset.done $0x0  }
0x118: {  	[sflag:s21] =	ssyncadd.s32 $0xFFFFE000  }
0x119: {  	_ = 	snop  }
.LBB2_2:
0x11a: {  	s3 =	sshll.u32 s6, $0x7;
	s7 =	rddreg [dreg:$0x7]  }
0x11b: {  	s7 =	sadd.s32 s3, s7  }
0x11c: {  	[tilespmem:s24], [sflag:$0x3] =	stream.linear.gather [hbm4b:s7+s24], $0x400, $0x38;
	[tilespmem:$0xE600] =	vst v63  }
0x11d: {  	_ =	swait.ge [sflag:s13], $0x400  }
0x11e: {  	[sflag:s13] =	ssyncset.done $0x0;
	s12 =	rddreg [dreg:$0x8]  }
0x11f: {  	[sflag:s13] =	ssyncadd.s32 $0xFFFFFC00;
	s3 =	sadd.s32 s3, s12  }
0x120: {  	[tilespmem:s14], [sflag:$0x3] =	stream.linear.gather [hbm4b:s3+s24], $0x400, $0x38;
	[tilespmem:$0xE600] =	vst v63  }
0x121: {  	_ =	swait.ge [sflag:s13], $0x400  }
0x122: {  	[sflag:s13] =	ssyncset.done $0x0  }
0x123: {  	[sflag:s13] =	ssyncadd.s32 $0xFFFFFC00  }
0x124: {  	[tilespmem:s16], [sflag:$0x1] =	stream.indirect.gather [hbm4b:s4+s15], $0x20, s24, s15, $0xb8;
	[tilespmem:$0xE600] =	vst v63  }
0x125: {  	_ =	swait.ge [sflag:s17], $0x1000  }
0x126: {  	[sflag:s17] =	ssyncset.done $0x0  }
0x127: {  	s8 =	simm.s32 $0x0;
	[sflag:s17] =	ssyncadd.s32 $0xFFFFF000  }
0x128: {  	[tilespmem:s18], [sflag:$0x1] =	stream.indirect.gather [hbm4b:s4+s15], $0x20, s15, s15, $0xb8;
	[tilespmem:$0xE600] =	vst v63  }
0x129: {  	v0 =	vld [tilespmem:s8+$0x800];
	_ =	sdelay $0x4  }
0x12a: {  	s12 =	simm.s32 $0x2820;
	v1 =	vunpack.i.l.bf16.f32 v0  }
0x12b: {  	v0 =	vunpack.i.u.bf16.f32 v0;
	[tilespmem:s12+$0xFFFFFFE0] =	vst v1  }
0x12c: {  	[tilespmem:s12+$0x0] =	vst v0  }
0x12d: {  	s7 =	simm.s32 $0x80;
	s3 =	simm.s32 $0x2820;
	v0 =	vld [tilespmem:s8+$0x810]  }
.LBB2_3:
0x12e: {  	_ =	sdelay $0x2  }
0x12f: {  	p1 =	sne.s32 s7, $0x3F80  }
0x130: {  	s12 =	sadd.s32 $0x40, s12;
	s8 =	smov.u32 s7;
	s7 =	sadd.s32 $0x80, s7;
	v1 =	vunpack.i.u.bf16.f32 v0;
	v0 =	vunpack.i.l.bf16.f32 v0  }
0x131: {  	[tilespmem:s3+$0xFFFFFFF0] =	vst v0  }
0x132: {  	s8 =	sshra.s32 s8, $0x2;
	[tilespmem:s3+$0x10] =	vst v1;
	s3 =	smov.u32 s12  }
0x133: {  	v0 =	vld [tilespmem:s8+$0x800];
	_ =	sdelay $0x3  }
.Ltmp13:
0x134: {  	(pc) =	sbr.rel @p1 .LBB2_3-.Ltmp13, $4  }
0x135: {  	v1 =	vunpack.i.u.bf16.f32 v0;
	v0 =	vunpack.i.l.bf16.f32 v0  }
0x136: {  	[tilespmem:s12+$0xFFFFFFE0] =	vst v0  }
0x137: {  	[tilespmem:s12+$0x0] =	vst v1  }
0x138: {  	v0 =	vld [tilespmem:s8+$0x810]  }
0x139: {  	_ =	sdelay $0x3  }
0x13a: {  	v1 =	vunpack.i.l.bf16.f32 v0  }
0x13b: {  	v0 =	vunpack.i.u.bf16.f32 v0;
	[tilespmem:s3+$0xFFFFFFF0] =	vst v1  }
0x13c: {  	[tilespmem:s3+$0x10] =	vst v0  }
0x13d: {  	[spmem:s2] =	stream.indirect.scatter.add.f32 [tilespmem:s19], [sflag:$0x2], $0x40, s14, s15, $0xb8;
	[tilespmem:$0xE600] =	vst v63  }
0x13e: {  	_ =	swait.ge [sflag:s17], $0x1000  }
0x13f: {  	[sflag:s17] =	ssyncset.done $0x0  }
0x140: {  	[sflag:s17] =	ssyncadd.s32 $0xFFFFF000  }
0x141: {  	[tilespmem:s16], [sflag:$0x1] =	stream.indirect.gather [hbm4b:s4+s15], $0x20, s20, s15, $0xb8;
	[tilespmem:$0xE600] =	vst v63  }
0x142: {  	_ =	swait.ge [sflag:s21], $0x2000  }
0x143: {  	[sflag:s21] =	ssyncset.done $0x0  }
0x144: {  	s8 =	simm.s32 $0x0;
	[sflag:s21] =	ssyncadd.s32 $0xFFFFE000  }
0x145: {  	v0 =	vld [tilespmem:s8+$0x1800];
	_ =	sdelay $0x4  }
0x146: {  	s12 =	simm.s32 $0x2820;
	v1 =	vunpack.i.l.bf16.f32 v0  }
0x147: {  	v0 =	vunpack.i.u.bf16.f32 v0;
	[tilespmem:s12+$0xFFFFFFE0] =	vst v1  }
0x148: {  	[tilespmem:s12+$0x0] =	vst v0  }
0x149: {  	s7 =	simm.s32 $0x80;
	s3 =	simm.s32 $0x2820;
	v0 =	vld [tilespmem:s8+$0x1810]  }
.LBB2_5:
0x14a: {  	_ =	sdelay $0x2  }
0x14b: {  	p1 =	sne.s32 s7, $0x3F80  }
0x14c: {  	s12 =	sadd.s32 $0x40, s12;
	s8 =	smov.u32 s7;
	s7 =	sadd.s32 $0x80, s7;
	v1 =	vunpack.i.u.bf16.f32 v0;
	v0 =	vunpack.i.l.bf16.f32 v0  }
0x14d: {  	[tilespmem:s3+$0xFFFFFFF0] =	vst v0  }
0x14e: {  	s8 =	sshra.s32 s8, $0x2;
	[tilespmem:s3+$0x10] =	vst v1;
	s3 =	smov.u32 s12  }
0x14f: {  	v0 =	vld [tilespmem:s8+$0x1800];
	_ =	sdelay $0x3  }
.Ltmp14:
0x150: {  	(pc) =	sbr.rel @p1 .LBB2_5-.Ltmp14, $4  }
0x151: {  	v1 =	vunpack.i.u.bf16.f32 v0;
	v0 =	vunpack.i.l.bf16.f32 v0  }
0x152: {  	[tilespmem:s12+$0xFFFFFFE0] =	vst v0  }
0x153: {  	[tilespmem:s12+$0x0] =	vst v1  }
0x154: {  	v0 =	vld [tilespmem:s8+$0x1810]  }
0x155: {  	_ =	sdelay $0x3  }
0x156: {  	v1 =	vunpack.i.l.bf16.f32 v0  }
0x157: {  	v0 =	vunpack.i.u.bf16.f32 v0;
	[tilespmem:s3+$0xFFFFFFF0] =	vst v1  }
0x158: {  	[tilespmem:s3+$0x10] =	vst v0  }
0x159: {  	[spmem:s2] =	stream.indirect.scatter.add.f32 [tilespmem:s19], [sflag:$0x2], $0x40, s22, s15, $0xb8;
	[tilespmem:$0xE600] =	vst v63  }
0x15a: {  	_ =	swait.ge [sflag:s17], $0x1000  }
0x15b: {  	[sflag:s17] =	ssyncset.done $0x0  }
0x15c: {  	[sflag:s17] =	ssyncadd.s32 $0xFFFFF000  }
0x15d: {  	[tilespmem:s18], [sflag:$0x1] =	stream.indirect.gather [hbm4b:s4+s15], $0x20, s23, s15, $0xb8;
	[tilespmem:$0xE600] =	vst v63  }
0x15e: {  	_ =	swait.ge [sflag:s21], $0x2000  }
0x15f: {  	[sflag:s21] =	ssyncset.done $0x0  }
0x160: {  	s8 =	simm.s32 $0x0;
	[sflag:s21] =	ssyncadd.s32 $0xFFFFE000  }
0x161: {  	v0 =	vld [tilespmem:s8+$0x800];
	_ =	sdelay $0x4  }
0x162: {  	s12 =	simm.s32 $0x2820;
	v1 =	vunpack.i.l.bf16.f32 v0  }
0x163: {  	v0 =	vunpack.i.u.bf16.f32 v0;
	[tilespmem:s12+$0xFFFFFFE0] =	vst v1  }
0x164: {  	[tilespmem:s12+$0x0] =	vst v0  }
0x165: {  	s7 =	simm.s32 $0x80;
	s3 =	simm.s32 $0x2820;
	v0 =	vld [tilespmem:s8+$0x810]  }
.LBB2_7:
0x166: {  	_ =	sdelay $0x2  }
0x167: {  	p1 =	sne.s32 s7, $0x3F80  }
0x168: {  	s12 =	sadd.s32 $0x40, s12;
	s8 =	smov.u32 s7;
	s7 =	sadd.s32 $0x80, s7;
	v1 =	vunpack.i.u.bf16.f32 v0;
	v0 =	vunpack.i.l.bf16.f32 v0  }
0x169: {  	[tilespmem:s3+$0xFFFFFFF0] =	vst v0  }
0x16a: {  	s8 =	sshra.s32 s8, $0x2;
	[tilespmem:s3+$0x10] =	vst v1;
	s3 =	smov.u32 s12  }
0x16b: {  	v0 =	vld [tilespmem:s8+$0x800];
	_ =	sdelay $0x3  }
.Ltmp15:
0x16c: {  	(pc) =	sbr.rel @p1 .LBB2_7-.Ltmp15, $4  }
0x16d: {  	v1 =	vunpack.i.u.bf16.f32 v0;
	v0 =	vunpack.i.l.bf16.f32 v0  }
0x16e: {  	[tilespmem:s12+$0xFFFFFFE0] =	vst v0  }
0x16f: {  	[tilespmem:s12+$0x0] =	vst v1  }
0x170: {  	v0 =	vld [tilespmem:s8+$0x810]  }
0x171: {  	_ =	sdelay $0x3  }
0x172: {  	v1 =	vunpack.i.l.bf16.f32 v0  }
0x173: {  	v0 =	vunpack.i.u.bf16.f32 v0;
	[tilespmem:s3+$0xFFFFFFF0] =	vst v1  }
0x174: {  	[tilespmem:s3+$0x10] =	vst v0  }
0x175: {  	[spmem:s2] =	stream.indirect.scatter.add.f32 [tilespmem:s19], [sflag:$0x2], $0x40, s25, s15, $0xb8;
	[tilespmem:$0xE600] =	vst v63  }
0x176: {  	_ =	swait.ge [sflag:s17], $0x1000  }
0x177: {  	[sflag:s17] =	ssyncset.done $0x0  }
0x178: {  	[sflag:s17] =	ssyncadd.s32 $0xFFFFF000  }
0x179: {  	[tilespmem:s16], [sflag:$0x1] =	stream.indirect.gather [hbm4b:s4+s15], $0x20, s26, s15, $0xb8;
	[tilespmem:$0xE600] =	vst v63  }
0x17a: {  	_ =	swait.ge [sflag:s21], $0x2000  }
0x17b: {  	[sflag:s21] =	ssyncset.done $0x0  }
0x17c: {  	s8 =	simm.s32 $0x0;
	[sflag:s21] =	ssyncadd.s32 $0xFFFFE000  }
0x17d: {  	v0 =	vld [tilespmem:s8+$0x1800];
	_ =	sdelay $0x4  }
0x17e: {  	s12 =	simm.s32 $0x2820;
	v1 =	vunpack.i.l.bf16.f32 v0  }
0x17f: {  	v0 =	vunpack.i.u.bf16.f32 v0;
	[tilespmem:s12+$0xFFFFFFE0] =	vst v1  }
0x180: {  	[tilespmem:s12+$0x0] =	vst v0  }
0x181: {  	s7 =	simm.s32 $0x80;
	s3 =	simm.s32 $0x2820;
	v0 =	vld [tilespmem:s8+$0x1810]  }
.LBB2_9:
0x182: {  	_ =	sdelay $0x2  }
0x183: {  	p1 =	sne.s32 s7, $0x3F80  }
0x184: {  	s12 =	sadd.s32 $0x40, s12;
	s8 =	smov.u32 s7;
	s7 =	sadd.s32 $0x80, s7;
	v1 =	vunpack.i.u.bf16.f32 v0;
	v0 =	vunpack.i.l.bf16.f32 v0  }
0x185: {  	[tilespmem:s3+$0xFFFFFFF0] =	vst v0  }
0x186: {  	s8 =	sshra.s32 s8, $0x2;
	[tilespmem:s3+$0x10] =	vst v1;
	s3 =	smov.u32 s12  }
0x187: {  	v0 =	vld [tilespmem:s8+$0x1800];
	_ =	sdelay $0x3  }
.Ltmp16:
0x188: {  	(pc) =	sbr.rel @p1 .LBB2_9-.Ltmp16, $4  }
0x189: {  	v1 =	vunpack.i.u.bf16.f32 v0;
	v0 =	vunpack.i.l.bf16.f32 v0  }
0x18a: {  	[tilespmem:s12+$0xFFFFFFE0] =	vst v0  }
0x18b: {  	[tilespmem:s12+$0x0] =	vst v1  }
0x18c: {  	v0 =	vld [tilespmem:s8+$0x1810]  }
0x18d: {  	_ =	sdelay $0x3  }
0x18e: {  	v1 =	vunpack.i.l.bf16.f32 v0  }
0x18f: {  	v0 =	vunpack.i.u.bf16.f32 v0;
	[tilespmem:s3+$0xFFFFFFF0] =	vst v1  }
0x190: {  	[tilespmem:s3+$0x10] =	vst v0  }
0x191: {  	[spmem:s2] =	stream.indirect.scatter.add.f32 [tilespmem:s19], [sflag:$0x2], $0x40, s28, s15, $0xb8;
	[tilespmem:$0xE600] =	vst v63  }
0x192: {  	_ =	swait.ge [sflag:s17], $0x1000  }
0x193: {  	[sflag:s17] =	ssyncset.done $0x0  }
0x194: {  	[sflag:s17] =	ssyncadd.s32 $0xFFFFF000  }
0x195: {  	[tilespmem:s18], [sflag:$0x1] =	stream.indirect.gather [hbm4b:s4+s15], $0x20, s29, s15, $0xb8;
	[tilespmem:$0xE600] =	vst v63  }
0x196: {  	_ =	swait.ge [sflag:s21], $0x2000  }
0x197: {  	[sflag:s21] =	ssyncset.done $0x0  }
0x198: {  	s8 =	simm.s32 $0x0;
	[sflag:s21] =	ssyncadd.s32 $0xFFFFE000  }
0x199: {  	v0 =	vld [tilespmem:s8+$0x800];
	_ =	sdelay $0x4  }
0x19a: {  	s12 =	simm.s32 $0x2820;
	v1 =	vunpack.i.l.bf16.f32 v0  }
0x19b: {  	v0 =	vunpack.i.u.bf16.f32 v0;
	[tilespmem:s12+$0xFFFFFFE0] =	vst v1  }
0x19c: {  	[tilespmem:s12+$0x0] =	vst v0  }
0x19d: {  	s7 =	simm.s32 $0x80;
	s3 =	simm.s32 $0x2820;
	v0 =	vld [tilespmem:s8+$0x810]  }
.LBB2_11:
0x19e: {  	_ =	sdelay $0x2  }
0x19f: {  	p1 =	sne.s32 s7, $0x3F80  }
0x1a0: {  	s12 =	sadd.s32 $0x40, s12;
	s8 =	smov.u32 s7;
	s7 =	sadd.s32 $0x80, s7;
	v1 =	vunpack.i.u.bf16.f32 v0;
	v0 =	vunpack.i.l.bf16.f32 v0  }
0x1a1: {  	[tilespmem:s3+$0xFFFFFFF0] =	vst v0  }
0x1a2: {  	s8 =	sshra.s32 s8, $0x2;
	[tilespmem:s3+$0x10] =	vst v1;
	s3 =	smov.u32 s12  }
0x1a3: {  	v0 =	vld [tilespmem:s8+$0x800];
	_ =	sdelay $0x3  }
.Ltmp17:
0x1a4: {  	(pc) =	sbr.rel @p1 .LBB2_11-.Ltmp17, $4  }
0x1a5: {  	v1 =	vunpack.i.u.bf16.f32 v0;
	v0 =	vunpack.i.l.bf16.f32 v0  }
0x1a6: {  	[tilespmem:s12+$0xFFFFFFE0] =	vst v0  }
0x1a7: {  	[tilespmem:s12+$0x0] =	vst v1  }
0x1a8: {  	v0 =	vld [tilespmem:s8+$0x810]  }
0x1a9: {  	_ =	sdelay $0x3  }
0x1aa: {  	v1 =	vunpack.i.l.bf16.f32 v0  }
0x1ab: {  	v0 =	vunpack.i.u.bf16.f32 v0;
	[tilespmem:s3+$0xFFFFFFF0] =	vst v1  }
0x1ac: {  	[tilespmem:s3+$0x10] =	vst v0  }
0x1ad: {  	[spmem:s2] =	stream.indirect.scatter.add.f32 [tilespmem:s19], [sflag:$0x2], $0x40, s30, s15, $0xb8;
	[tilespmem:$0xE600] =	vst v63  }
0x1ae: {  	_ =	swait.ge [sflag:s17], $0x1000  }
0x1af: {  	[sflag:s17] =	ssyncset.done $0x0  }
0x1b0: {  	[sflag:s17] =	ssyncadd.s32 $0xFFFFF000  }
0x1b1: {  	[tilespmem:s16], [sflag:$0x1] =	stream.indirect.gather [hbm4b:s4+s15], $0x20, s31, s15, $0xb8;
	[tilespmem:$0xE600] =	vst v63  }
0x1b2: {  	_ =	swait.ge [sflag:s21], $0x2000  }
0x1b3: {  	[sflag:s21] =	ssyncset.done $0x0  }
0x1b4: {  	s8 =	simm.s32 $0x0;
	[sflag:s21] =	ssyncadd.s32 $0xFFFFE000  }
0x1b5: {  	v0 =	vld [tilespmem:s8+$0x1800];
	_ =	sdelay $0x4  }
0x1b6: {  	s12 =	simm.s32 $0x2820;
	v1 =	vunpack.i.l.bf16.f32 v0  }
0x1b7: {  	v0 =	vunpack.i.u.bf16.f32 v0;
	[tilespmem:s12+$0xFFFFFFE0] =	vst v1  }
0x1b8: {  	[tilespmem:s12+$0x0] =	vst v0  }
0x1b9: {  	s7 =	simm.s32 $0x80;
	s3 =	simm.s32 $0x2820;
	v0 =	vld [tilespmem:s8+$0x1810]  }
.LBB2_13:
0x1ba: {  	_ =	sdelay $0x2  }
0x1bb: {  	p1 =	sne.s32 s7, $0x3F80  }
0x1bc: {  	s12 =	sadd.s32 $0x40, s12;
	s8 =	smov.u32 s7;
	s7 =	sadd.s32 $0x80, s7;
	v1 =	vunpack.i.u.bf16.f32 v0;
	v0 =	vunpack.i.l.bf16.f32 v0  }
0x1bd: {  	[tilespmem:s3+$0xFFFFFFF0] =	vst v0  }
0x1be: {  	s8 =	sshra.s32 s8, $0x2;
	[tilespmem:s3+$0x10] =	vst v1;
	s3 =	smov.u32 s12  }
0x1bf: {  	v0 =	vld [tilespmem:s8+$0x1800];
	_ =	sdelay $0x3  }
.Ltmp18:
0x1c0: {  	(pc) =	sbr.rel @p1 .LBB2_13-.Ltmp18, $4  }
0x1c1: {  	v1 =	vunpack.i.u.bf16.f32 v0;
	v0 =	vunpack.i.l.bf16.f32 v0  }
0x1c2: {  	[tilespmem:s12+$0xFFFFFFE0] =	vst v0  }
0x1c3: {  	[tilespmem:s12+$0x0] =	vst v1  }
0x1c4: {  	v0 =	vld [tilespmem:s8+$0x1810]  }
0x1c5: {  	_ =	sdelay $0x3  }
0x1c6: {  	v1 =	vunpack.i.l.bf16.f32 v0  }
0x1c7: {  	v0 =	vunpack.i.u.bf16.f32 v0;
	[tilespmem:s3+$0xFFFFFFF0] =	vst v1  }
0x1c8: {  	[tilespmem:s3+$0x10] =	vst v0  }
0x1c9: {  	[spmem:s2] =	stream.indirect.scatter.add.f32 [tilespmem:s19], [sflag:$0x2], $0x40, s0, s15, $0xb8;
	[tilespmem:$0xE600] =	vst v63  }
0x1ca: {  	_ =	swait.ge [sflag:s17], $0x1000  }
0x1cb: {  	[sflag:s17] =	ssyncset.done $0x0  }
0x1cc: {  	[sflag:s17] =	ssyncadd.s32 $0xFFFFF000  }
0x1cd: {  	[tilespmem:s18], [sflag:$0x1] =	stream.indirect.gather [hbm4b:s4+s15], $0x20, s1, s15, $0xb8;
	[tilespmem:$0xE600] =	vst v63  }
0x1ce: {  	_ =	swait.ge [sflag:s21], $0x2000  }
0x1cf: {  	[sflag:s21] =	ssyncset.done $0x0  }
0x1d0: {  	s8 =	simm.s32 $0x0;
	[sflag:s21] =	ssyncadd.s32 $0xFFFFE000  }
0x1d1: {  	v0 =	vld [tilespmem:s8+$0x800];
	_ =	sdelay $0x4  }
0x1d2: {  	s12 =	simm.s32 $0x2820;
	v1 =	vunpack.i.l.bf16.f32 v0  }
0x1d3: {  	v0 =	vunpack.i.u.bf16.f32 v0;
	[tilespmem:s12+$0xFFFFFFE0] =	vst v1  }
0x1d4: {  	[tilespmem:s12+$0x0] =	vst v0  }
0x1d5: {  	s7 =	simm.s32 $0x80;
	s3 =	simm.s32 $0x2820;
	v0 =	vld [tilespmem:s8+$0x810]  }
.LBB2_15:
0x1d6: {  	_ =	sdelay $0x2  }
0x1d7: {  	p1 =	sne.s32 s7, $0x3F80  }
0x1d8: {  	s12 =	sadd.s32 $0x40, s12;
	s8 =	smov.u32 s7;
	s7 =	sadd.s32 $0x80, s7;
	v1 =	vunpack.i.u.bf16.f32 v0;
	v0 =	vunpack.i.l.bf16.f32 v0  }
0x1d9: {  	[tilespmem:s3+$0xFFFFFFF0] =	vst v0  }
0x1da: {  	s8 =	sshra.s32 s8, $0x2;
	[tilespmem:s3+$0x10] =	vst v1;
	s3 =	smov.u32 s12  }
0x1db: {  	v0 =	vld [tilespmem:s8+$0x800];
	_ =	sdelay $0x3  }
.Ltmp19:
0x1dc: {  	(pc) =	sbr.rel @p1 .LBB2_15-.Ltmp19, $4  }
0x1dd: {  	v1 =	vunpack.i.u.bf16.f32 v0;
	v0 =	vunpack.i.l.bf16.f32 v0  }
0x1de: {  	[tilespmem:s12+$0xFFFFFFE0] =	vst v0  }
0x1df: {  	[tilespmem:s12+$0x0] =	vst v1  }
0x1e0: {  	v0 =	vld [tilespmem:s8+$0x810]  }
0x1e1: {  	_ =	sdelay $0x3  }
0x1e2: {  	v1 =	vunpack.i.l.bf16.f32 v0  }
0x1e3: {  	v0 =	vunpack.i.u.bf16.f32 v0;
	[tilespmem:s3+$0xFFFFFFF0] =	vst v1  }
0x1e4: {  	[tilespmem:s3+$0x10] =	vst v0  }
0x1e5: {  	[spmem:s2] =	stream.indirect.scatter.add.f32 [tilespmem:s19], [sflag:$0x2], $0x40, s5, s15, $0xb8;
	[tilespmem:$0xE600] =	vst v63  }
0x1e6: {  	_ =	swait.ge [sflag:s17], $0x1000  }
0x1e7: {  	[sflag:s17] =	ssyncset.done $0x0  }
0x1e8: {  	[sflag:s17] =	ssyncadd.s32 $0xFFFFF000  }
0x1e9: {  	_ =	swait.ge [sflag:s21], $0x2000  }
0x1ea: {  	[sflag:s21] =	ssyncset.done $0x0  }
0x1eb: {  	s8 =	simm.s32 $0x0;
	[sflag:s21] =	ssyncadd.s32 $0xFFFFE000  }
0x1ec: {  	v0 =	vld [tilespmem:s8+$0x1800];
	_ =	sdelay $0x4  }
0x1ed: {  	s12 =	simm.s32 $0x2820;
	v1 =	vunpack.i.l.bf16.f32 v0  }
0x1ee: {  	v0 =	vunpack.i.u.bf16.f32 v0;
	[tilespmem:s12+$0xFFFFFFE0] =	vst v1  }
0x1ef: {  	[tilespmem:s12+$0x0] =	vst v0  }
0x1f0: {  	s7 =	simm.s32 $0x80;
	s3 =	simm.s32 $0x2820;
	v0 =	vld [tilespmem:s8+$0x1810]  }
.LBB2_17:
0x1f1: {  	_ =	sdelay $0x2  }
0x1f2: {  	p1 =	sne.s32 s7, $0x3F80  }
0x1f3: {  	s12 =	sadd.s32 $0x40, s12;
	s8 =	smov.u32 s7;
	s7 =	sadd.s32 $0x80, s7;
	v1 =	vunpack.i.u.bf16.f32 v0;
	v0 =	vunpack.i.l.bf16.f32 v0  }
0x1f4: {  	[tilespmem:s3+$0xFFFFFFF0] =	vst v0  }
0x1f5: {  	s8 =	sshra.s32 s8, $0x2;
	[tilespmem:s3+$0x10] =	vst v1;
	s3 =	smov.u32 s12  }
0x1f6: {  	v0 =	vld [tilespmem:s8+$0x1800];
	_ =	sdelay $0x3  }
.Ltmp20:
0x1f7: {  	(pc) =	sbr.rel @p1 .LBB2_17-.Ltmp20, $4  }
0x1f8: {  	v1 =	vunpack.i.u.bf16.f32 v0;
	v0 =	vunpack.i.l.bf16.f32 v0  }
0x1f9: {  	[tilespmem:s12+$0xFFFFFFE0] =	vst v0  }
0x1fa: {  	[tilespmem:s12+$0x0] =	vst v1  }
0x1fb: {  	v0 =	vld [tilespmem:s8+$0x1810]  }
0x1fc: {  	_ =	sdelay $0x3  }
0x1fd: {  	v1 =	vunpack.i.l.bf16.f32 v0  }
0x1fe: {  	s6 =	sadd.s32 $0x1, s6;
	v63 =	vunpack.i.u.bf16.f32 v0;
	[tilespmem:s3+$0xFFFFFFF0] =	vst v1  }
0x1ff: {  	p1 =	seq.s32 s6, $0xB;
	[tilespmem:s3+$0x10] =	vst v63  }
0x200: {  	[spmem:s2] =	stream.indirect.scatter.add.f32 [tilespmem:s19], [sflag:$0x2], $0x40, s11, s15, $0xb8;
	[tilespmem:$0xE600] =	vst v63  }
.Ltmp21:
0x201: {  	_ = 	snop;
	(pc) =	sbr.rel @!p1 .LBB2_2-.Ltmp21, $4  }
.Ltmp22:
0x202: {  	_ = 	snop;
	(pc) =	sbr.rel @p1 .LBB2_36-.Ltmp22, $4  }
0x203: {  	_ =	swait.ge [sflag:s21], $0x2000  }
0x204: {  	[sflag:s21] =	ssyncset.done $0x0  }
0x205: {  	[sflag:s21] =	ssyncadd.s32 $0xFFFFE000  }
0x206: {  	_ = 	snop  }
.LBB2_37:
0x207: {  	_ =	sfence.sel $0x180000  }
0x208: {  	[bflag:$0x0] =	sbarrier.arrive $0xFFFF  }
0x209: {  	_ =	strace $0x9000004D  }
0x20a: {  	s0 =	stileid.u32;
	[bflag:$0x2] =	sbarrier.arrive $0xFFFF  }
0x20b: {  	p0 =	sne.s32 s0, $0x0;
	s0 =	rddreg [dreg:$0x3]  }
0x20c: {  	s0 =	sadd.s32 @!p0 $0x100000, s0  }
0x20d: {  	[sflag:s0] =	ssyncadd.tile.s32 @!p0 $0x1;
	_ =	shalt  }
.Lfunc_end2:
_tile_overlayer_lowered:
.L_overlay_start_2:
0x20e: {  	(tag) =	ssettag $0x2  }
0x20f: {  	s0 =	rddreg [dreg:$0x0];
	s2 =	stileid.u32  }
0x210: {  	s1 =	rddreg [dreg:$0x1];
	p0 =	sne.s32 s2, $0x0  }
0x211: {  	s3 =	rddreg [dreg:$0x2];
	[bflag:$0x3] =	sbarrier.arrive $0xFFFF;
	s2 =	simm.s32 @!p0 $0x1C03  }
0x212: {  	[timem:s3], [sflag:s2] =	dma.local @!p0 [hbm:s0], s1  }
0x213: {  	s0 =	simm.s32 @!p0 $0x3  }
0x214: {  	_ =	swait.ge @!p0 [sflag:s0], s1  }
0x215: {  	s1 =	ssub.s32 @!p0 $0x0, s1;
	[sflag:s0] =	ssyncset.done @!p0 $0x0  }
0x216: {  	[sflag:s0] =	ssyncadd.s32 @!p0 s1  }
0x217: {  	[bflag:$0x3] =	sbarrier.arrive $0xFFFF  }
0x218: {  	_ =	shalt  }

// kernel: kernel.8.cloned.1.call-start
scs
__scs_entry_jumppad:
0x0: {  	(pc) =	sbr.rel $0x88, $3  }
0x1: {  	(tag) =	ssettag $0x0;
	lr =	simm.s32 $0x1  }
0x2: {  	[smem:$0x3F97] =	sst lr;
	_ =	strace $0xD0000000  }
0x3: {  	_ = 	snop  }
0x4: {  	_ = 	snop  }
0x5: {  	_ = 	snop  }
0x6: {  	_ = 	snop  }
0x7: {  	_ = 	snop  }
__scs_overlays_trampoline_lowered:
0x8: {  	[smem:$0x3FA6] =	sst s0  }
0x9: {  	[smem:$0x3FA7] =	sst s1  }
0xa: {  	[smem:$0x3FA8] =	sst s2  }
0xb: {  	[smem:$0x3FA9] =	sst s3  }
0xc: {  	[smem:$0x3FAA] =	sst s4  }
0xd: {  	[smem:$0x3FAB] =	sst s5  }
0xe: {  	[smem:$0x3FAC] =	sst s6  }
0xf: {  	[smem:$0x3FAD] =	sst s7  }
0x10: {  	[smem:$0x3FAE] =	sst s8  }
0x11: {  	[smem:$0x3FAF] =	sst s9;
	s0 =	simm.s32 @!p0 $0x0  }
0x12: {  	s1 =	sld [smem:$0x3F95];
	s0 =	simm.s32 @p0 $0x1  }
0x13: {  	[smem:$0x3FB0] =	sst s0;
	s0 =	simm.s32 @!p1 $0x0  }
0x14: {  	s2 =	sld [smem:$0x3F94];
	s0 =	simm.s32 @p1 $0x1  }
0x15: {  	[smem:$0x3FB1] =	sst s0;
	s0 =	simm.s32 @!p2 $0x0  }
0x16: {  	s3 =	sld [smem:$0x3FDB];
	s0 =	simm.s32 @p2 $0x1  }
0x17: {  	s4 =	simm.s32 $0x1BF5;
	[smem:$0x3FB3] =	sst s0  }
0x18: {  	s0 =	sld [smem:$0x3F96];
	_ =	swait.ge [sflag:s4], $0x0  }
0x19: {  	s7 =	sld [smem:$0x3F97]  }
0x1a: {  	s8 =	sadd.s32 $0xFFFFE003, lr  }
0x1b: {  	s9 =	sadd.s32 $0xFFFFFEF7, lr;
	s5 =	simm.s32 $0xFFFFFFFF;
	p2 =	slt.u32 s8, $0xFFFFF086  }
0x1c: {  	p1 =	slt.u32 s9, $0xF7A;
	s5 =	simm.s32 @!p2 $0x0  }
0x1d: {  	s5 =	simm.s32 @p1 $0x1;
	p0 =	seq.s32 s7, s2  }
0x1e: {  	s7 =	smul.u32 @!p0 $0xF7A, s2;
	p2 =	seq.s32 @!p0 s5, $0x0  }
0x1f: {  	s9 =	smul.u32 $0xF7A, s1;
	s8 =	simm.s32 @!p0 $0x1BF5;
	p2 =	por !p2, p0  }
0x20: {  	[sflag:s8] =	ssyncset.s32 @!p0 $0xFFFFF086;
	s6 =	sadd.s32 @!p0 s3, s7;
	s7 =	simm.s32 @!p0 $0x108  }
0x21: {  	s3 =	sadd.s32 s3, s9;
	s6 =	sadd.s32 @!p0 $0x88, s6;
	s7 =	simm.s32 @p2 $0x1082  }
0x22: {  	[simem:s7], [sflag:s8] =	dma.local @!p0 [hbm:s6], $0xF7A  }
0x23: {  	s9 =	sor.u32 $0xD0000000, s2;
	s6 =	simm.s32 $0x108;
	_ =	swait.ge @!p0 [sflag:s8], $0x0  }
0x24: {  	s3 =	sadd.s32 $0x88, s3;
	s6 =	simm.s32 @!p1 $0x1082;
	[sflag:s4] =	ssyncset.s32 $0xFFFFF086  }
0x25: {  	[simem:s6], [sflag:s4] =	dma.local [hbm:s3], $0xF7A  }
0x26: {  	[smem:$0x3F97] =	sst s1;
	(tag) =	ssettag s2;
	_ =	strace s9  }
0x27: {  	s1 =	sld [smem:$0x3FA7]  }
0x28: {  	s2 =	sld [smem:$0x3FA8]  }
0x29: {  	s4 =	sld [smem:$0x3FAA]  }
0x2a: {  	p0 =	seq.s32 s5, $0x0;
	s5 =	sld [smem:$0x3FAB]  }
0x2b: {  	s6 =	sld [smem:$0x3FAC]  }
0x2c: {  	s7 =	sld [smem:$0x3FAD]  }
0x2d: {  	s3 =	simm.s32 $0x108;
	s8 =	sld [smem:$0x3FAE]  }
0x2e: {  	s3 =	simm.s32 @!p0 $0x1082;
	s9 =	sld [smem:$0x3FAF]  }
0x2f: {  	lr =	sadd.s32 s0, s3;
	s0 =	sld [smem:$0x3FA6]  }
0x30: {  	s3 =	sld [smem:$0x3FA9]  }
0x31: {  	[smem:$0x3FB2] =	sst s10  }
0x32: {  	s10 =	sld [smem:$0x3FB0];
	_ =	sdelay $0x3  }
0x33: {  	p0 =	seq.s32 s10, $0x1;
	s10 =	sld [smem:$0x3FB2];
	_ =	sdelay $0x3  }
0x34: {  	[smem:$0x3FB2] =	sst s10  }
0x35: {  	s10 =	sld [smem:$0x3FB1];
	_ =	sdelay $0x3  }
0x36: {  	p1 =	seq.s32 s10, $0x1;
	s10 =	sld [smem:$0x3FB2];
	_ =	sdelay $0x3  }
0x37: {  	[smem:$0x3FB2] =	sst s10  }
0x38: {  	s10 =	sld [smem:$0x3FB3]  }
0x39: {  	_ = 	snop;
	(pc) =	sbr.ind lr, $3  }
0x3a: {  	_ = 	snop  }
0x3b: {  	_ = 	snop  }
0x3c: {  	p2 =	seq.s32 s10, $0x1;
	s10 =	sld [smem:$0x3FB2]  }
0x3d: {  	_ =	shalt  }
0x3e: {  	_ =	shalt  }
0x3f: {  	_ =	shalt  }
0x40: {  	_ =	shalt  }
0x41: {  	_ =	shalt  }
0x42: {  	_ =	shalt  }
0x43: {  	_ =	shalt  }
0x44: {  	_ =	shalt  }
0x45: {  	_ =	shalt  }
0x46: {  	_ =	shalt  }
0x47: {  	_ =	shalt  }
0x48: {  	_ =	shalt  }
0x49: {  	_ =	shalt  }
0x4a: {  	_ =	shalt  }
0x4b: {  	_ =	shalt  }
0x4c: {  	_ =	shalt  }
0x4d: {  	_ =	shalt  }
0x4e: {  	_ =	shalt  }
0x4f: {  	_ =	shalt  }
0x50: {  	_ =	shalt  }
0x51: {  	_ =	shalt  }
0x52: {  	_ =	shalt  }
0x53: {  	_ =	shalt  }
0x54: {  	_ =	shalt  }
0x55: {  	_ =	shalt  }
0x56: {  	_ =	shalt  }
0x57: {  	_ =	shalt  }
0x58: {  	_ =	shalt  }
0x59: {  	_ =	shalt  }
0x5a: {  	_ =	shalt  }
0x5b: {  	_ =	shalt  }
0x5c: {  	_ =	shalt  }
0x5d: {  	_ =	shalt  }
0x5e: {  	_ =	shalt  }
0x5f: {  	_ =	shalt  }
0x60: {  	_ =	shalt  }
0x61: {  	_ =	shalt  }
0x62: {  	_ =	shalt  }
0x63: {  	_ =	shalt  }
0x64: {  	_ =	shalt  }
0x65: {  	_ =	shalt  }
0x66: {  	_ =	shalt  }
0x67: {  	_ =	shalt  }
0x68: {  	_ =	shalt  }
0x69: {  	_ =	shalt  }
0x6a: {  	_ =	shalt  }
0x6b: {  	_ =	shalt  }
0x6c: {  	_ =	shalt  }
0x6d: {  	_ =	shalt  }
0x6e: {  	_ =	shalt  }
0x6f: {  	_ =	shalt  }
0x70: {  	_ =	shalt  }
0x71: {  	_ =	shalt  }
0x72: {  	_ =	shalt  }
0x73: {  	_ =	shalt  }
0x74: {  	_ =	shalt  }
0x75: {  	_ =	shalt  }
0x76: {  	_ =	shalt  }
0x77: {  	_ =	shalt  }
0x78: {  	_ =	shalt  }
0x79: {  	_ =	shalt  }
0x7a: {  	_ =	shalt  }
0x7b: {  	_ =	shalt  }
0x7c: {  	_ =	shalt  }
0x7d: {  	_ =	shalt  }
0x7e: {  	_ =	shalt  }
0x7f: {  	_ =	shalt  }
0x80: {  	_ =	shalt  }
0x81: {  	_ =	shalt  }
0x82: {  	_ =	shalt  }
0x83: {  	_ =	shalt  }
0x84: {  	_ =	shalt  }
0x85: {  	_ =	shalt  }
0x86: {  	_ =	shalt  }
0x87: {  	_ =	shalt  }
.Lfunc_end0:
.L_simem_size_0:
called_computation_lowered:
.L_overlay_start_0:
0x88: {  	s2 =	sld [smem:$0x3FD9]  }
0x89: {  	s3 =	sld [smem:$0x3FFE];
	_ =	sdelay $0x1  }
0x8a: {  	s1 =	srdreg.scid  }
0x8b: {  	s0 =	sand.u32 $0x1, s1  }
0x8c: {  	s17 =	sshll.u32 s0, $0xA;
	s2 =	sadd.s32 s3, s2  }
0x8d: {  	s2 =	sadd.s32 s2, s17  }
0x8e: {  	[smem:$0x3FBE] =	sst s2  }
0x8f: {  	_ = 	snop  }
0x90: {  	s2 =	sld [smem:$0x3FD0];
	(tm) =	ssettm $0x1  }
0x91: {  	s18 =	sld [smem:$0x3FFB];
	_ =	sdelay $0x3  }
0x92: {  	_ =	strace s18  }
0x93: {  	s3 =	sld [smem:$0x3FFC];
	_ =	sdelay $0x3  }
0x94: {  	_ =	strace s3  }
0x95: {  	s3 =	sld [smem:$0x3FFD];
	_ =	sdelay $0x3  }
0x96: {  	_ =	strace s3  }
0x97: {  	_ =	strace $0x8FFFFFFF  }
0x98: {  	s19 =	sld [smem:$0x3FDB];
	_ =	sdelay $0x1  }
0x99: {  	s4 =	simm.s32 $_scs_section_size  }
0x9a: {  	s5 =	simm.s32 $_size__tile_overlayer_lowered;
	s6 =	simm.s32 $_tile_overlayer_lowered  }
0x9b: {  	s22 =	simm.s32 $0x1BFF;
	s21 =	sshll.u32 s6, $0x1;
	s3 =	sadd.s32 s4, s19  }
0x9c: {  	s7 =	simm.s32 $0x0;
	s20 =	sshll.u32 s5, $0x1;
	s5 =	sadd.s32 s21, s3  }
0x9d: {  	[timem:s7], [sflag:s22] =	dma.local [hbm:s5], s20  }
0x9e: {  	_ =	swait.ge [sflag:s22], s20  }
0x9f: {  	s4 =	ssub.s32 $0x0, s20;
	[sflag:s22] =	ssyncset.done $0x0  }
0xa0: {  	[sflag:s22] =	ssyncadd.s32 s4;
	_ =	sdelay $0x1  }
0xa1: {  	s23 =	simm.s32 $0x1B8B  }
0xa2: {  	_ =	swait.ge [sflag:s23], $0x1  }
0xa3: {  	[sflag:s23] =	ssyncset.done $0x0  }
0xa4: {  	s25 =	simm.s32 $0x1B8E;
	s24 =	sld [smem:$0x3FFE];
	[sflag:s23] =	ssyncadd.s32 $0xFFFFFFFF  }
0xa5: {  	s26 =	simm.s32 $execute0_lowered;
	[smem:$0x3FD2] =	sst s25  }
0xa6: {  	s5 =	sshll.u32 s26, $0x1;
	_ =	strace $0x80000046;
	[dreg:$0x1] =	wrdreg $0xFFFFFFFF  }
0xa7: {  	s28 =	simm.s32 $_size_execute0_lowered;
	s3 =	sadd.s32 s3, s5;
	[dreg:$0x0] =	wrdreg $0x0  }
0xa8: {  	s5 =	sshll.u32 s28, $0x1;
	[dreg:$0x2] =	wrdreg s3  }
0xa9: {  	[dreg:$0x3] =	wrdreg s5  }
0xaa: {  	[dreg:$0x4] =	wrdreg $0xC0  }
0xab: {  	_ =	task [dreg:s7], $0x5FFFF  }
0xac: {  	[dreg:$0x1] =	wrdreg $0xFFFFFFFF  }
0xad: {  	[dreg:$0x0] =	wrdreg $0x60  }
0xae: {  	[dreg:$0x2] =	wrdreg s2  }
0xaf: {  	[dreg:$0x3] =	wrdreg s24  }
0xb0: {  	[dreg:$0x4] =	wrdreg $0x9  }
0xb1: {  	_ =	task.clear_ibuf [dreg:s7], $0x5FFFF;
	_ =	strace $0x90000046  }
0xb2: {  	s29 =	simm.s32 $0x9;
	_ =	strace $0x80000048  }
0xb3: {  	_ =	swait.ge [sflag:s29], $0x1  }
0xb4: {  	[sflag:s29] =	ssyncadd.s32 $0xFFFFFFFF  }
0xb5: {  	_ =	strace $0x90000048  }
0xb6: {  	_ =	sfence  }
0xb7: {  	s30 =	sld [smem:$0x0];
	_ =	sdelay $0x2  }
0xb8: {  	s31 =	sshll.u32 s1, $0xD;
	s1 =	sshrl.u32 s1, $0x2  }
0xb9: {  	s3 =	sand.u32 $0x4000, s31;
	s1 =	sadd.s32 s1, s30  }
0xba: {  	s0 =	sor.u32 s3, s0;
	s1 =	sshll.u32 s1, $0x11  }
0xbb: {  	s0 =	sor.u32 s1, s0  }
0xbc: {  	s0 =	sadd.s32 $0x8F2B, s0  }
0xbd: {  	[sflag:s0] =	ssyncadd.remote.s32 $0x1  }
0xbe: {  	_ =	sfence.sel $0xFFFF  }
0xbf: {  	[dreg:$0x0] =	wrdreg $0xFFFFFFFF;
	(pc) =	sbr.abs _section_cstart, $3  }
0xc0: {  	[dreg:$0x1] =	wrdreg $0xFFFFFFFF  }
0xc1: {  	_ =	task.clear_ibuf [dreg:s7], $0x2FFFF;
	_ =	strace $0x9FFFFFFF  }
0xc2: {  	(tm) =	ssettm $0x7FFFFFFF  }
0xc3: {  	_ =	shalt  }
tec
execute0_lowered:
.L_overlay_start_1:
0x0: {  	(tag) =	ssettag $0x1  }
0x1: {  	s1 =	srdreg.scid  }
0x2: {  	s0 =	stileid.u32;
	s4 =	rddreg [dreg:$0x0]  }
0x3: {  	s6 =	rddreg [dreg:$0x1];
	s3 =	sand.u32 $0x1, s1;
	s29 =	sshll.u32 s0, $0x1  }
0x4: {  	s2 =	simm.s32 $0x0;
	s30 =	sshrl.u32 s0, $0x2;
	s5 =	sor.u32 s3, s29  }
0x5: {  	s9 =	simm.s32 $0x400;
	s7 =	smul.u32 $0x13C00, s30;
	s8 =	sshll.u32 s5, $0x7  }
0x6: {  	s10 =	simm.s32 $0x0;
	s1 =	rddreg [dreg:$0x2];
	s8 =	sand.u32 $0x380, s8  }
0x7: {  	[smem:$0x7FF] =	sst s2;
	s3 =	ssub.s32 $0x2, s3;
	s7 =	sor.u32 s7, s8  }
0x8: {  	_ =	strace $0x80000047;
	s5 =	smul.u32 $0x500, s5;
	s7 =	sshrl.u32 s7, $0x3  }
0x9: {  	s31 =	sshrl.u32 s3, $0x1;
	s8 =	simm.s32 $0x80;
	s6 =	sadd.s32 s7, s6  }
0xa: {  	s7 =	ssub.s32 s3, s31;
	s3 =	sadd.s32 s4, s5;
	s4 =	sadd.s32 $0x2C00, s6  }
0xb: {  	v0 =	vimm.f32 $0.0e+00;
	v1 =	vimm.f32 $1.000000000e+00;
	s5 =	smax.u32 s7, $0x1;
	s6 =	simm.s32 $0x1;
	s7 =	simm.s32 $0x2800  }
.LBB2_1:
0xc: {  	[tilespmem:s2], [sflag:$0x1] =	stream.linear.gather [hbm4b:s3+s2], $0x2800, $0x38;
	[tilespmem:$0x4F80] =	vst v63  }
0xd: {  	_ =	swait.ge [sflag:s6], $0x2800  }
0xe: {  	[sflag:s6] =	ssyncset.done $0x0  }
0xf: {  	s11 =	simm.s32 $0x0;
	[sflag:s6] =	ssyncadd.s32 $0xFFFFD800  }
.LBB2_2:
0x10: {  	p0 =	sne.s32 s11, $0x9DC0  }
.Ltmp0:
0x11: {  	_ = 	snop;
	(pc) =	sbr.rel @p0 .LBB2_2-.Ltmp0, $3  }
0x12: {  	_ =	sdelay $0x1  }
0x13: {  	s12 =	sshra.s32 s11, $0x2  }
0x14: {  	s11 =	sadd.s32 $0x40, s11;
	[tilespmem:s12+$0x2800] =	vst v0  }
0x15: {  	s11 =	simm.s32 $0x0  }
.LBB2_4:
0x16: {  	s12 =	sshra.s32 s11, $0x2  }
0x17: {  	v2 =	vld [tilespmem:s12+$0x0];
	_ =	sdelay $0x7  }
0x18: {  	[tilespmem:v2+s7+$0x0] =	vst.idx.add.f32.msk $0xffff, v1  }
0x19: {  	v2 =	vld [tilespmem:s12+$0x10];
	_ =	sdelay $0x7  }
0x1a: {  	[tilespmem:v2+s7+$0x0] =	vst.idx.add.f32.msk $0xffff, v1  }
0x1b: {  	v2 =	vld [tilespmem:s12+$0x20];
	_ =	sdelay $0x7  }
0x1c: {  	[tilespmem:v2+s7+$0x0] =	vst.idx.add.f32.msk $0xffff, v1  }
0x1d: {  	v2 =	vld [tilespmem:s12+$0x30];
	_ =	sdelay $0x7  }
0x1e: {  	[tilespmem:v2+s7+$0x0] =	vst.idx.add.f32.msk $0xffff, v1  }
0x1f: {  	v2 =	vld [tilespmem:s12+$0x40];
	_ =	sdelay $0x7  }
0x20: {  	[tilespmem:v2+s7+$0x0] =	vst.idx.add.f32.msk $0xffff, v1  }
0x21: {  	v2 =	vld [tilespmem:s12+$0x50];
	_ =	sdelay $0x7  }
0x22: {  	[tilespmem:v2+s7+$0x0] =	vst.idx.add.f32.msk $0xffff, v1  }
0x23: {  	v2 =	vld [tilespmem:s12+$0x60];
	_ =	sdelay $0x7  }
0x24: {  	[tilespmem:v2+s7+$0x0] =	vst.idx.add.f32.msk $0xffff, v1  }
0x25: {  	v2 =	vld [tilespmem:s12+$0x70];
	_ =	sdelay $0x2  }
0x26: {  	p0 =	sne.s32 s11, $0x9E00  }
.Ltmp1:
0x27: {  	_ = 	snop;
	(pc) =	sbr.rel @p0 .LBB2_4-.Ltmp1, $2  }
0x28: {  	_ =	sdelay $0x2  }
0x29: {  	s11 =	sadd.s32 $0x200, s11;
	[tilespmem:v2+s7+$0x0] =	vst.idx.add.f32.msk $0xffff, v1  }
0x2a: {  	s10 =	sadd.s32 $0x1, s10  }
0x2b: {  	p0 =	sne.s32 s10, s5  }
.Ltmp2:
0x2c: {  	_ = 	snop;
	(pc) =	sbr.rel @p0 .LBB2_1-.Ltmp2, $4  }
0x2d: {  	[hbm4b:s4+s8] =	stream.strided.scatter [tilespmem:s7], [sflag:$0x1], $0x2780, s9, s8, $0x38;
	[tilespmem:$0x4F80] =	vst v63  }
0x2e: {  	_ =	swait.ge [sflag:s6], $0x2780  }
0x2f: {  	[sflag:s6] =	ssyncset.done $0x0  }
0x30: {  	[sflag:s6] =	ssyncadd.s32 $0xFFFFD880  }
0x31: {  	_ =	sfence.sel $0x180000  }
0x32: {  	[bflag:$0x0] =	sbarrier.arrive $0xFFFF  }
0x33: {  	p0 =	sne.s32 s0, $0x0;
	_ =	strace $0x90000047  }
0x34: {  	s0 =	sadd.s32 @!p0 $0x100000, s1;
	[bflag:$0x2] =	sbarrier.arrive $0xFFFF  }
0x35: {  	[sflag:s0] =	ssyncadd.tile.s32 @!p0 $0x1;
	_ =	shalt  }
.Lfunc_end2:
_tile_overlayer_lowered:
.L_overlay_start_2:
0x36: {  	(tag) =	ssettag $0x2  }
0x37: {  	s0 =	rddreg [dreg:$0x0];
	s2 =	stileid.u32  }
0x38: {  	s1 =	rddreg [dreg:$0x1];
	p0 =	sne.s32 s2, $0x0  }
0x39: {  	s3 =	rddreg [dreg:$0x2];
	[bflag:$0x3] =	sbarrier.arrive $0xFFFF;
	s2 =	simm.s32 @!p0 $0x1C01  }
0x3a: {  	[timem:s3], [sflag:s2] =	dma.local @!p0 [hbm:s0], s1  }
0x3b: {  	s0 =	simm.s32 @!p0 $0x1  }
0x3c: {  	_ =	swait.ge @!p0 [sflag:s0], s1  }
0x3d: {  	s1 =	ssub.s32 @!p0 $0x0, s1;
	[sflag:s0] =	ssyncset.done @!p0 $0x0  }
0x3e: {  	[sflag:s0] =	ssyncadd.s32 @!p0 s1  }
0x3f: {  	[bflag:$0x3] =	sbarrier.arrive $0xFFFF  }
0x40: {  	_ =	shalt  }

</sc_bundles>
